<compile_context>
chip_gen: v7x
topology: tpu7x:2x2x1
jax: 0.10.2.dev20260603
libtpu: 0.0.44.dev20260713+nightly
codegen_flags: <defaults>
</compile_context>

<pallas_src>
import functools

import jax
import jax.numpy as jnp
from jax import lax
from jax.experimental import pallas as pl
from jax.experimental.pallas import tpu as pltpu
from jax.experimental.pallas import tpu_sc as plsc

_NUM_CORES = 2
_NUM_SUBCORES = 16
_NUM_WORKERS = _NUM_CORES * _NUM_SUBCORES
_LANES = 16
_CHUNK = 16


def _sc_body(batch, maxlen, embed, x_hbm, pos_hbm, out_hbm,
             in0, in1, ou0, ou1, po0, po1,
             si0, si1, so0, so1, sp0, sp1):
    t_per_w = maxlen // _NUM_WORKERS
    n_k = t_per_w // _CHUNK
    n_kk = n_k // 2

    ins, outs, poss = (in0, in1), (ou0, ou1), (po0, po1)
    isems, osems, psems = (si0, si1), (so0, so1), (sp0, sp1)

    wid = lax.axis_index("s") * _NUM_CORES + lax.axis_index("c")
    t0 = wid * t_per_w

    def pos_cp(k, q):
        src = pos_hbm.at[pl.ds(t0 + k * _CHUNK, _CHUNK), :]
        return pltpu.make_async_copy(src, poss[q], psems[q])

    def in_cp(k, b, q):
        src = x_hbm.at[b, pl.ds(t0 + k * _CHUNK, _CHUNK), :]
        return pltpu.make_async_copy(src, ins[q], isems[q])

    def out_cp(k, b, q):
        dst = out_hbm.at[b, pl.ds(t0 + k * _CHUNK, _CHUNK), :]
        return pltpu.make_async_copy(outs[q], dst, osems[q])

    pos_cp(0, 0).start()
    in_cp(0, 0, 0).start()
    in_cp(0, 1 % batch, 1).start()

    def kk_body(kk, _):
        for kpar in range(2):
            k = kk * 2 + kpar
            for b in range(batch):
                q = b % 2
                if b == 0:
                    pos_cp(k, kpar).wait()
                    if kpar == 0:
                        pos_cp(k + 1, 1).start()
                    else:
                        @pl.when(kk < n_kk - 1)
                        def _():
                            pos_cp(k + 1, 0).start()
                in_cp(k, b, q).wait()
                b_prev = (b - 2) % batch
                if b >= 2:
                    out_cp(k, b_prev, q).wait()
                else:
                    @pl.when(k > 0)
                    def _():
                        out_cp(k - 1, b_prev, q).wait()

                @plsc.parallel_loop(0, _CHUNK * 8, 1, unroll=4)
                def add_body(g):
                    r = g // 8
                    cb = (g % 8) * 128
                    for j in range(8):
                        c = cb + j * _LANES
                        outs[q][r, pl.ds(c, _LANES)] = (
                            ins[q][r, pl.ds(c, _LANES)]
                            + poss[kpar][r, pl.ds(c, _LANES)]
                        )

                out_cp(k, b, q).start()
                b_next = (b + 2) % batch
                if b + 2 < batch:
                    in_cp(k, b_next, q).start()
                elif kpar == 0:
                    in_cp(k + 1, b_next, q).start()
                else:
                    @pl.when(kk < n_kk - 1)
                    def _():
                        in_cp(k + 1, b_next, q).start()
        return 0

    lax.fori_loop(0, n_kk, kk_body, 0)
    out_cp(n_k - 1, (batch - 2) % batch, 0).wait()
    out_cp(n_k - 1, batch - 1, 1).wait()


def kernel(x, pos_table):
    batch, maxlen, embed = x.shape
    mesh = plsc.VectorSubcoreMesh(core_axis_name="c", subcore_axis_name="s")
    fn = functools.partial(_sc_body, batch, maxlen, embed)
    buf = pltpu.VMEM((_CHUNK, embed), jnp.float32)
    return pl.kernel(
        fn,
        mesh=mesh,
        out_type=jax.ShapeDtypeStruct((batch, maxlen, embed), x.dtype),
        scratch_types=[buf] * 6 + [pltpu.SemaphoreType.DMA] * 6,
        compiler_params=pltpu.CompilerParams(use_tc_tiling_on_sc=True),
    )(x, pos_table)

# --- scband reference (transcript-rebuilt; emitter-appended) ---
"""Pipeline reference for scband-token-and-position-embedding-14705968021795 (READ-ONLY COPY).

The authoritative reference and input builder live on the scoring server;
editing this copy changes nothing except your own understanding.
"""

import jax, jax.numpy as jnp
import numpy as np

MAXLEN = 8192
EMBED_DIM = 1024
BATCH = 4

def setup_inputs(seed: int = 0) -> dict:
    key = jax.random.key(seed)
    k1, k2 = jax.random.split(key)
    x = jax.random.normal(k1, (BATCH, MAXLEN, EMBED_DIM), dtype=jnp.float32)
    # learned positional embedding table: [maxlen, embed_dim]
    pos_table = jax.random.normal(k2, (MAXLEN, EMBED_DIM), dtype=jnp.float32) * 0.02
    return {"x": x, "pos_table": pos_table}

def reference(x, pos_table):
    # positions = range(0, maxlen)
    positions = jnp.arange(0, MAXLEN, 1)
    # embedding lookup on positions -> [maxlen, embed_dim]
    pos = jnp.take(pos_table, positions, axis=0)
    # reshape x to [-1, maxlen, embed_dim] (no-op here, kept for faithfulness)
    x = jnp.reshape(x, (-1, MAXLEN, EMBED_DIM))
    out = x + pos
    return out

if __name__ == "__main__":
    import jax
    _d = setup_inputs()
    print(jax.jit(kernel)(*tuple(_d.values())))

</pallas_src>

<mosaic_0001>
#map = affine_map<(d0, d1) -> (0, 0, 0)>
#map1 = affine_map<(d0, d1) -> (0, 0)>
module attributes {stable_mosaic.version = 14 : i64} {
  func.func @_sc_body(%arg0: i32, %arg1: i32, %arg2: memref<4x8192x1024xf32, #tpu.memory_space<hbm>>, %arg3: memref<8192x1024xf32, #tpu.memory_space<hbm>>, %arg4: memref<4x8192x1024xf32, #tpu.memory_space<hbm>>, %arg5: memref<16x1024xf32, #tpu.memory_space<vmem>>, %arg6: memref<16x1024xf32, #tpu.memory_space<vmem>>, %arg7: memref<16x1024xf32, #tpu.memory_space<vmem>>, %arg8: memref<16x1024xf32, #tpu.memory_space<vmem>>, %arg9: memref<16x1024xf32, #tpu.memory_space<vmem>>, %arg10: memref<16x1024xf32, #tpu.memory_space<vmem>>, %arg11: memref<!tpu.dma_semaphore, #tpu.memory_space<semaphore_mem>>, %arg12: memref<!tpu.dma_semaphore, #tpu.memory_space<semaphore_mem>>, %arg13: memref<!tpu.dma_semaphore, #tpu.memory_space<semaphore_mem>>, %arg14: memref<!tpu.dma_semaphore, #tpu.memory_space<semaphore_mem>>, %arg15: memref<!tpu.dma_semaphore, #tpu.memory_space<semaphore_mem>>, %arg16: memref<!tpu.dma_semaphore, #tpu.memory_space<semaphore_mem>>) attributes {dimension_semantics = [#tpu.dimension_semantics<core_parallel>, #tpu.dimension_semantics<subcore_parallel>], iteration_bounds = array<i64: 2, 16>, scalar_prefetch = 0 : i64, scratch_operands = 12 : i64, tpu.core_type = #tpu.core_type<sc_vector_subcore>, window_params = [{transform_indices = #map}, {transform_indices = #map1}, {transform_indices = #map}]} {
    %mul3A = arith.constant 2 : i32
    %mul3A_0 = arith.muli %arg1, %mul3A : i32
    %add3A = arith.addi %mul3A_0, %arg0 : i32
    %mul3A_1 = arith.constant 256 : i32
    %mul3A_2 = arith.muli %add3A, %mul3A_1 : i32
    %add3A_3 = arith.constant 0 : i32
    %add3A_4 = arith.addi %mul3A_2, %add3A_3 : i32
    %dma_start3A = arith.constant 0 : i32
    %dma_start3A_5 = tpu.memref_slice %arg3[%add3A_4, %dma_start3A] : memref<8192x1024xf32, #tpu.memory_space<hbm>> -> memref<16x1024xf32, #tpu.memory_space<hbm>>
    %dma_start3A_6 = arith.constant 0 : i32
    %dma_start3A_7 = tpu.memref_slice %arg3[%add3A_4, %dma_start3A_6] : memref<8192x1024xf32, #tpu.memory_space<hbm>> -> memref<16x1024xf32, #tpu.memory_space<hbm>>
    tpu.enqueue_dma source(%dma_start3A_7 : memref<16x1024xf32, #tpu.memory_space<hbm>>) target(%arg9 : memref<16x1024xf32, #tpu.memory_space<vmem>>) target_semaphore(%arg15 : memref<!tpu.dma_semaphore, #tpu.memory_space<semaphore_mem>>)
    %add3A_8 = arith.constant 0 : i32
    %add3A_9 = arith.addi %mul3A_2, %add3A_8 : i32
    %dma_start3A_10 = arith.constant 0 : i32
    %dma_start3A_11 = arith.constant 0 : i32
    %dma_start3A_12 = tpu.memref_slice %arg2[%dma_start3A_10, %add3A_9, %dma_start3A_11] : memref<4x8192x1024xf32, #tpu.memory_space<hbm>> -> memref<1x16x1024xf32, #tpu.memory_space<hbm>>
    %dma_start3A_13 = tpu.memref_squeeze %dma_start3A_12 : memref<1x16x1024xf32, #tpu.memory_space<hbm>> -> memref<16x1024xf32, #tpu.memory_space<hbm>>
    %dma_start3A_14 = arith.constant 0 : i32
    %dma_start3A_15 = tpu.memref_slice %arg2[%dma_start3A_10, %add3A_9, %dma_start3A_14] : memref<4x8192x1024xf32, #tpu.memory_space<hbm>> -> memref<1x16x1024xf32, #tpu.memory_space<hbm>>
    %dma_start3A_16 = tpu.memref_squeeze %dma_start3A_15 : memref<1x16x1024xf32, #tpu.memory_space<hbm>> -> memref<16x1024xf32, #tpu.memory_space<hbm>>
    tpu.enqueue_dma source(%dma_start3A_16 : memref<16x1024xf32, #tpu.memory_space<hbm>>) target(%arg5 : memref<16x1024xf32, #tpu.memory_space<vmem>>) target_semaphore(%arg11 : memref<!tpu.dma_semaphore, #tpu.memory_space<semaphore_mem>>)
    %add3A_17 = arith.constant 0 : i32
    %add3A_18 = arith.addi %mul3A_2, %add3A_17 : i32
    %dma_start3A_19 = arith.constant 1 : i32
    %dma_start3A_20 = arith.constant 0 : i32
    %dma_start3A_21 = tpu.memref_slice %arg2[%dma_start3A_19, %add3A_18, %dma_start3A_20] : memref<4x8192x1024xf32, #tpu.memory_space<hbm>> -> memref<1x16x1024xf32, #tpu.memory_space<hbm>>
    %dma_start3A_22 = tpu.memref_squeeze %dma_start3A_21 : memref<1x16x1024xf32, #tpu.memory_space<hbm>> -> memref<16x1024xf32, #tpu.memory_space<hbm>>
    %dma_start3A_23 = arith.constant 0 : i32
    %dma_start3A_24 = tpu.memref_slice %arg2[%dma_start3A_19, %add3A_18, %dma_start3A_23] : memref<4x8192x1024xf32, #tpu.memory_space<hbm>> -> memref<1x16x1024xf32, #tpu.memory_space<hbm>>
    %dma_start3A_25 = tpu.memref_squeeze %dma_start3A_24 : memref<1x16x1024xf32, #tpu.memory_space<hbm>> -> memref<16x1024xf32, #tpu.memory_space<hbm>>
    tpu.enqueue_dma source(%dma_start3A_25 : memref<16x1024xf32, #tpu.memory_space<hbm>>) target(%arg6 : memref<16x1024xf32, #tpu.memory_space<vmem>>) target_semaphore(%arg12 : memref<!tpu.dma_semaphore, #tpu.memory_space<semaphore_mem>>)
    %scan3A = arith.constant 0 : i32
    %scan3A_26 = arith.constant 0 : i32
    %scan3A_27 = arith.constant 8 : i32
    %scan3A_28 = arith.addi %scan3A_26, %scan3A_27 : i32
    %scan3A_29 = arith.constant 1 : i32
    %scan3A_30 = scf.for %scan3A_49 = %scan3A_26 to %scan3A_28 step %scan3A_29 iter_args(%scan3A_50 = %scan3A) -> (i32)  : i32 {
      %mul3A_51 = arith.constant 2 : i32
      %mul3A_52 = arith.muli %scan3A_49, %mul3A_51 : i32
      %add3A_53 = arith.constant 0 : i32
      %add3A_54 = arith.addi %mul3A_52, %add3A_53 : i32
      %mul3A_55 = arith.constant 16 : i32
      %mul3A_56 = arith.muli %add3A_54, %mul3A_55 : i32
      %add3A_57 = arith.addi %mul3A_2, %mul3A_56 : i32
      %dma_wait3A_58 = arith.constant 0 : i32
      %dma_wait3A_59 = tpu.memref_slice %arg3[%add3A_57, %dma_wait3A_58] : memref<8192x1024xf32, #tpu.memory_space<hbm>> -> memref<16x1024xf32, #tpu.memory_space<hbm>>
      %dma_wait3A_60 = arith.constant 0 : i32
      %dma_wait3A_61 = tpu.memref_slice %arg3[%add3A_57, %dma_wait3A_60] : memref<8192x1024xf32, #tpu.memory_space<hbm>> -> memref<16x1024xf32, #tpu.memory_space<hbm>>
      tpu.wait_dma2 semaphore(%arg15 : memref<!tpu.dma_semaphore, #tpu.memory_space<semaphore_mem>>) src(%dma_wait3A_61 : memref<16x1024xf32, #tpu.memory_space<hbm>>) dst(%arg9 : memref<16x1024xf32, #tpu.memory_space<vmem>>)
      %add3A_62 = arith.constant 1 : i32
      %add3A_63 = arith.addi %add3A_54, %add3A_62 : i32
      %mul3A_64 = arith.constant 16 : i32
      %mul3A_65 = arith.muli %add3A_63, %mul3A_64 : i32
      %add3A_66 = arith.addi %mul3A_2, %mul3A_65 : i32
      %dma_start3A_67 = arith.constant 0 : i32
      %dma_start3A_68 = tpu.memref_slice %arg3[%add3A_66, %dma_start3A_67] : memref<8192x1024xf32, #tpu.memory_space<hbm>> -> memref<16x1024xf32, #tpu.memory_space<hbm>>
      %dma_start3A_69 = arith.constant 0 : i32
      %dma_start3A_70 = tpu.memref_slice %arg3[%add3A_66, %dma_start3A_69] : memref<8192x1024xf32, #tpu.memory_space<hbm>> -> memref<16x1024xf32, #tpu.memory_space<hbm>>
      tpu.enqueue_dma source(%dma_start3A_70 : memref<16x1024xf32, #tpu.memory_space<hbm>>) target(%arg10 : memref<16x1024xf32, #tpu.memory_space<vmem>>) target_semaphore(%arg16 : memref<!tpu.dma_semaphore, #tpu.memory_space<semaphore_mem>>)
      %mul3A_71 = arith.constant 16 : i32
      %mul3A_72 = arith.muli %add3A_54, %mul3A_71 : i32
      %add3A_73 = arith.addi %mul3A_2, %mul3A_72 : i32
      %dma_wait3A_74 = arith.constant 0 : i32
      %dma_wait3A_75 = arith.constant 0 : i32
      %dma_wait3A_76 = tpu.memref_slice %arg2[%dma_wait3A_74, %add3A_73, %dma_wait3A_75] : memref<4x8192x1024xf32, #tpu.memory_space<hbm>> -> memref<1x16x1024xf32, #tpu.memory_space<hbm>>
      %dma_wait3A_77 = tpu.memref_squeeze %dma_wait3A_76 : memref<1x16x1024xf32, #tpu.memory_space<hbm>> -> memref<16x1024xf32, #tpu.memory_space<hbm>>
      %dma_wait3A_78 = arith.constant 0 : i32
      %dma_wait3A_79 = tpu.memref_slice %arg2[%dma_wait3A_74, %add3A_73, %dma_wait3A_78] : memref<4x8192x1024xf32, #tpu.memory_space<hbm>> -> memref<1x16x1024xf32, #tpu.memory_space<hbm>>
      %dma_wait3A_80 = tpu.memref_squeeze %dma_wait3A_79 : memref<1x16x1024xf32, #tpu.memory_space<hbm>> -> memref<16x1024xf32, #tpu.memory_space<hbm>>
      tpu.wait_dma2 semaphore(%arg11 : memref<!tpu.dma_semaphore, #tpu.memory_space<semaphore_mem>>) src(%dma_wait3A_80 : memref<16x1024xf32, #tpu.memory_space<hbm>>) dst(%arg5 : memref<16x1024xf32, #tpu.memory_space<vmem>>)
      %gt3A = arith.constant 0 : i32
      %gt3A_81 = arith.cmpi sgt, %add3A_54, %gt3A : i32
      %convert_element_type3A = arith.extui %gt3A_81 : i1 to i32
      %cond3A = arith.constant 0 : i32
      %cond3A_82 = arith.cmpi ne, %convert_element_type3A, %cond3A : i32
      scf.if %cond3A_82 {
        %sub3A = arith.constant 1 : i32
        %sub3A_401 = arith.subi %add3A_54, %sub3A : i32
        %mul3A_402 = arith.constant 16 : i32
        %mul3A_403 = arith.muli %sub3A_401, %mul3A_402 : i32
        %add3A_404 = arith.addi %mul3A_2, %mul3A_403 : i32
        %dma_wait3A_405 = arith.constant 2 : i32
        %dma_wait3A_406 = arith.constant 0 : i32
        %dma_wait3A_407 = tpu.memref_slice %arg4[%dma_wait3A_405, %add3A_404, %dma_wait3A_406] : memref<4x8192x1024xf32, #tpu.memory_space<hbm>> -> memref<1x16x1024xf32, #tpu.memory_space<hbm>>
        %dma_wait3A_408 = tpu.memref_squeeze %dma_wait3A_407 : memref<1x16x1024xf32, #tpu.memory_space<hbm>> -> memref<16x1024xf32, #tpu.memory_space<hbm>>
        %dma_wait3A_409 = arith.constant 0 : i32
        %dma_wait3A_410 = tpu.memref_slice %arg4[%dma_wait3A_405, %add3A_404, %dma_wait3A_409] : memref<4x8192x1024xf32, #tpu.memory_space<hbm>> -> memref<1x16x1024xf32, #tpu.memory_space<hbm>>
        %dma_wait3A_411 = tpu.memref_squeeze %dma_wait3A_410 : memref<1x16x1024xf32, #tpu.memory_space<hbm>> -> memref<16x1024xf32, #tpu.memory_space<hbm>>
        tpu.wait_dma2 semaphore(%arg13 : memref<!tpu.dma_semaphore, #tpu.memory_space<semaphore_mem>>) src(%arg7 : memref<16x1024xf32, #tpu.memory_space<vmem>>) dst(%dma_wait3A_411 : memref<16x1024xf32, #tpu.memory_space<hbm>>)
      } else {
      }
      %parallel_loop3A = arith.constant 0 : i32
      %parallel_loop3A_83 = arith.constant 128 : i32
      %parallel_loop3A_84 = arith.constant 1 : i32
      scf.for %parallel_loop3A_401 = %parallel_loop3A to %parallel_loop3A_83 step %parallel_loop3A_84  : i32 {
        %parallel_loop3A_402 = arith.constant 8 : i32
        %parallel_loop3A_403 = arith.divsi %parallel_loop3A_401, %parallel_loop3A_402 : i32
        %parallel_loop3A_404 = arith.constant 0 : i32
        %parallel_loop3A_405 = arith.cmpi sgt, %parallel_loop3A_401, %parallel_loop3A_404 : i32
        %parallel_loop3A_406 = arith.extui %parallel_loop3A_405 : i1 to i32
        %parallel_loop3A_407 = arith.constant 0 : i32
        %parallel_loop3A_408 = arith.cmpi slt, %parallel_loop3A_401, %parallel_loop3A_407 : i32
        %parallel_loop3A_409 = arith.extui %parallel_loop3A_408 : i1 to i32
        %parallel_loop3A_410 = arith.subi %parallel_loop3A_406, %parallel_loop3A_409 : i32
        %parallel_loop3A_411 = arith.constant 0 : i32
        %parallel_loop3A_412 = arith.cmpi sgt, %parallel_loop3A_402, %parallel_loop3A_411 : i32
        %parallel_loop3A_413 = arith.extui %parallel_loop3A_412 : i1 to i32
        %parallel_loop3A_414 = arith.constant 0 : i32
        %parallel_loop3A_415 = arith.cmpi slt, %parallel_loop3A_402, %parallel_loop3A_414 : i32
        %parallel_loop3A_416 = arith.extui %parallel_loop3A_415 : i1 to i32
        %parallel_loop3A_417 = arith.subi %parallel_loop3A_413, %parallel_loop3A_416 : i32
        %parallel_loop3A_418 = arith.cmpi ne, %parallel_loop3A_410, %parallel_loop3A_417 : i32
        %parallel_loop3A_419 = arith.remsi %parallel_loop3A_401, %parallel_loop3A_402 : i32
        %parallel_loop3A_420 = arith.constant 0 : i32
        %parallel_loop3A_421 = arith.cmpi ne, %parallel_loop3A_419, %parallel_loop3A_420 : i32
        %parallel_loop3A_422 = arith.andi %parallel_loop3A_418, %parallel_loop3A_421 : i1
        %parallel_loop3A_423 = arith.constant 1 : i32
        %parallel_loop3A_424 = arith.subi %parallel_loop3A_403, %parallel_loop3A_423 : i32
        %parallel_loop3A_425 = arith.select %parallel_loop3A_422, %parallel_loop3A_424, %parallel_loop3A_403 : i32
        %parallel_loop3A_426 = arith.constant 8 : i32
        %parallel_loop3A_427 = arith.constant 0 : i32
        %parallel_loop3A_428 = arith.cmpi eq, %parallel_loop3A_426, %parallel_loop3A_427 : i32
        %parallel_loop3A_429 = arith.constant 1 : i32
        %parallel_loop3A_430 = arith.select %parallel_loop3A_428, %parallel_loop3A_429, %parallel_loop3A_426 : i32
        %parallel_loop3A_431 = arith.remsi %parallel_loop3A_401, %parallel_loop3A_430 : i32
        %parallel_loop3A_432 = arith.constant 0 : i32
        %parallel_loop3A_433 = arith.cmpi ne, %parallel_loop3A_431, %parallel_loop3A_432 : i32
        %parallel_loop3A_434 = arith.constant 0 : i32
        %parallel_loop3A_435 = arith.cmpi slt, %parallel_loop3A_431, %parallel_loop3A_434 : i32
        %parallel_loop3A_436 = arith.constant 0 : i32
        %parallel_loop3A_437 = arith.cmpi slt, %parallel_loop3A_430, %parallel_loop3A_436 : i32
        %parallel_loop3A_438 = arith.xori %parallel_loop3A_435, %parallel_loop3A_437 : i1
        %parallel_loop3A_439 = arith.andi %parallel_loop3A_438, %parallel_loop3A_433 : i1
        %parallel_loop3A_440 = arith.addi %parallel_loop3A_431, %parallel_loop3A_430 : i32
        %parallel_loop3A_441 = arith.select %parallel_loop3A_439, %parallel_loop3A_440, %parallel_loop3A_431 : i32
        %parallel_loop3A_442 = arith.constant 128 : i32
        %parallel_loop3A_443 = arith.muli %parallel_loop3A_441, %parallel_loop3A_442 : i32
        %parallel_loop3A_444 = arith.constant 0 : i32
        %parallel_loop3A_445 = arith.addi %parallel_loop3A_443, %parallel_loop3A_444 : i32
        %parallel_loop3A_446 = arith.index_cast %parallel_loop3A_425 : i32 to index
        %parallel_loop3A_447 = arith.index_cast %parallel_loop3A_445 : i32 to index
        %parallel_loop3A_448 = tpu.vector_load %arg5[%parallel_loop3A_446, %parallel_loop3A_447] {strides = array<i32>} : memref<16x1024xf32, #tpu.memory_space<vmem>>, vector<1x16xf32>,
        %parallel_loop3A_449 = vector.shape_cast %parallel_loop3A_448 : vector<1x16xf32> to vector<16xf32>
        %parallel_loop3A_450 = arith.index_cast %parallel_loop3A_425 : i32 to index
        %parallel_loop3A_451 = arith.index_cast %parallel_loop3A_445 : i32 to index
        %parallel_loop3A_452 = tpu.vector_load %arg9[%parallel_loop3A_450, %parallel_loop3A_451] {strides = array<i32>} : memref<16x1024xf32, #tpu.memory_space<vmem>>, vector<1x16xf32>,
        %parallel_loop3A_453 = vector.shape_cast %parallel_loop3A_452 : vector<1x16xf32> to vector<16xf32>
        %parallel_loop3A_454 = arith.addf %parallel_loop3A_449, %parallel_loop3A_453 : vector<16xf32>
        %parallel_loop3A_455 = arith.index_cast %parallel_loop3A_425 : i32 to index
        %parallel_loop3A_456 = arith.index_cast %parallel_loop3A_445 : i32 to index
        %parallel_loop3A_457 = tpu.vector_load %arg7[%parallel_loop3A_455, %parallel_loop3A_456] {strides = array<i32>} : memref<16x1024xf32, #tpu.memory_space<vmem>>, vector<1x16xf32>,
        %parallel_loop3A_458 = vector.shape_cast %parallel_loop3A_457 : vector<1x16xf32> to vector<16xf32>
        %parallel_loop3A_459 = vector.shape_cast %parallel_loop3A_454 : vector<16xf32> to vector<1x16xf32>
        tpu.vector_store %arg7[%parallel_loop3A_455, %parallel_loop3A_456], %parallel_loop3A_459 {strides = array<i32>} : memref<16x1024xf32, #tpu.memory_space<vmem>>, vector<1x16xf32>,
        %parallel_loop3A_460 = arith.constant 16 : i32
        %parallel_loop3A_461 = arith.addi %parallel_loop3A_443, %parallel_loop3A_460 : i32
        %parallel_loop3A_462 = arith.index_cast %parallel_loop3A_425 : i32 to index
        %parallel_loop3A_463 = arith.index_cast %parallel_loop3A_461 : i32 to index
        %parallel_loop3A_464 = tpu.vector_load %arg5[%parallel_loop3A_462, %parallel_loop3A_463] {strides = array<i32>} : memref<16x1024xf32, #tpu.memory_space<vmem>>, vector<1x16xf32>,
        %parallel_loop3A_465 = vector.shape_cast %parallel_loop3A_464 : vector<1x16xf32> to vector<16xf32>
        %parallel_loop3A_466 = arith.index_cast %parallel_loop3A_425 : i32 to index
        %parallel_loop3A_467 = arith.index_cast %parallel_loop3A_461 : i32 to index
        %parallel_loop3A_468 = tpu.vector_load %arg9[%parallel_loop3A_466, %parallel_loop3A_467] {strides = array<i32>} : memref<16x1024xf32, #tpu.memory_space<vmem>>, vector<1x16xf32>,
        %parallel_loop3A_469 = vector.shape_cast %parallel_loop3A_468 : vector<1x16xf32> to vector<16xf32>
        %parallel_loop3A_470 = arith.addf %parallel_loop3A_465, %parallel_loop3A_469 : vector<16xf32>
        %parallel_loop3A_471 = arith.index_cast %parallel_loop3A_425 : i32 to index
        %parallel_loop3A_472 = arith.index_cast %parallel_loop3A_461 : i32 to index
        %parallel_loop3A_473 = tpu.vector_load %arg7[%parallel_loop3A_471, %parallel_loop3A_472] {strides = array<i32>} : memref<16x1024xf32, #tpu.memory_space<vmem>>, vector<1x16xf32>,
        %parallel_loop3A_474 = vector.shape_cast %parallel_loop3A_473 : vector<1x16xf32> to vector<16xf32>
        %parallel_loop3A_475 = vector.shape_cast %parallel_loop3A_470 : vector<16xf32> to vector<1x16xf32>
        tpu.vector_store %arg7[%parallel_loop3A_471, %parallel_loop3A_472], %parallel_loop3A_475 {strides = array<i32>} : memref<16x1024xf32, #tpu.memory_space<vmem>>, vector<1x16xf32>,
        %parallel_loop3A_476 = arith.constant 32 : i32
        %parallel_loop3A_477 = arith.addi %parallel_loop3A_443, %parallel_loop3A_476 : i32
        %parallel_loop3A_478 = arith.index_cast %parallel_loop3A_425 : i32 to index
        %parallel_loop3A_479 = arith.index_cast %parallel_loop3A_477 : i32 to index
        %parallel_loop3A_480 = tpu.vector_load %arg5[%parallel_loop3A_478, %parallel_loop3A_479] {strides = array<i32>} : memref<16x1024xf32, #tpu.memory_space<vmem>>, vector<1x16xf32>,
        %parallel_loop3A_481 = vector.shape_cast %parallel_loop3A_480 : vector<1x16xf32> to vector<16xf32>
        %parallel_loop3A_482 = arith.index_cast %parallel_loop3A_425 : i32 to index
        %parallel_loop3A_483 = arith.index_cast %parallel_loop3A_477 : i32 to index
        %parallel_loop3A_484 = tpu.vector_load %arg9[%parallel_loop3A_482, %parallel_loop3A_483] {strides = array<i32>} : memref<16x1024xf32, #tpu.memory_space<vmem>>, vector<1x16xf32>,
        %parallel_loop3A_485 = vector.shape_cast %parallel_loop3A_484 : vector<1x16xf32> to vector<16xf32>
        %parallel_loop3A_486 = arith.addf %parallel_loop3A_481, %parallel_loop3A_485 : vector<16xf32>
        %parallel_loop3A_487 = arith.index_cast %parallel_loop3A_425 : i32 to index
        %parallel_loop3A_488 = arith.index_cast %parallel_loop3A_477 : i32 to index
        %parallel_loop3A_489 = tpu.vector_load %arg7[%parallel_loop3A_487, %parallel_loop3A_488] {strides = array<i32>} : memref<16x1024xf32, #tpu.memory_space<vmem>>, vector<1x16xf32>,
        %parallel_loop3A_490 = vector.shape_cast %parallel_loop3A_489 : vector<1x16xf32> to vector<16xf32>
        %parallel_loop3A_491 = vector.shape_cast %parallel_loop3A_486 : vector<16xf32> to vector<1x16xf32>
        tpu.vector_store %arg7[%parallel_loop3A_487, %parallel_loop3A_488], %parallel_loop3A_491 {strides = array<i32>} : memref<16x1024xf32, #tpu.memory_space<vmem>>, vector<1x16xf32>,
        %parallel_loop3A_492 = arith.constant 48 : i32
        %parallel_loop3A_493 = arith.addi %parallel_loop3A_443, %parallel_loop3A_492 : i32
        %parallel_loop3A_494 = arith.index_cast %parallel_loop3A_425 : i32 to index
        %parallel_loop3A_495 = arith.index_cast %parallel_loop3A_493 : i32 to index
        %parallel_loop3A_496 = tpu.vector_load %arg5[%parallel_loop3A_494, %parallel_loop3A_495] {strides = array<i32>} : memref<16x1024xf32, #tpu.memory_space<vmem>>, vector<1x16xf32>,
        %parallel_loop3A_497 = vector.shape_cast %parallel_loop3A_496 : vector<1x16xf32> to vector<16xf32>
        %parallel_loop3A_498 = arith.index_cast %parallel_loop3A_425 : i32 to index
        %parallel_loop3A_499 = arith.index_cast %parallel_loop3A_493 : i32 to index
        %parallel_loop3A_500 = tpu.vector_load %arg9[%parallel_loop3A_498, %parallel_loop3A_499] {strides = array<i32>} : memref<16x1024xf32, #tpu.memory_space<vmem>>, vector<1x16xf32>,
        %parallel_loop3A_501 = vector.shape_cast %parallel_loop3A_500 : vector<1x16xf32> to vector<16xf32>
        %parallel_loop3A_502 = arith.addf %parallel_loop3A_497, %parallel_loop3A_501 : vector<16xf32>
        %parallel_loop3A_503 = arith.index_cast %parallel_loop3A_425 : i32 to index
        %parallel_loop3A_504 = arith.index_cast %parallel_loop3A_493 : i32 to index
        %parallel_loop3A_505 = tpu.vector_load %arg7[%parallel_loop3A_503, %parallel_loop3A_504] {strides = array<i32>} : memref<16x1024xf32, #tpu.memory_space<vmem>>, vector<1x16xf32>,
        %parallel_loop3A_506 = vector.shape_cast %parallel_loop3A_505 : vector<1x16xf32> to vector<16xf32>
        %parallel_loop3A_507 = vector.shape_cast %parallel_loop3A_502 : vector<16xf32> to vector<1x16xf32>
        tpu.vector_store %arg7[%parallel_loop3A_503, %parallel_loop3A_504], %parallel_loop3A_507 {strides = array<i32>} : memref<16x1024xf32, #tpu.memory_space<vmem>>, vector<1x16xf32>,
        %parallel_loop3A_508 = arith.constant 64 : i32
        %parallel_loop3A_509 = arith.addi %parallel_loop3A_443, %parallel_loop3A_508 : i32
        %parallel_loop3A_510 = arith.index_cast %parallel_loop3A_425 : i32 to index
        %parallel_loop3A_511 = arith.index_cast %parallel_loop3A_509 : i32 to index
        %parallel_loop3A_512 = tpu.vector_load %arg5[%parallel_loop3A_510, %parallel_loop3A_511] {strides = array<i32>} : memref<16x1024xf32, #tpu.memory_space<vmem>>, vector<1x16xf32>,
        %parallel_loop3A_513 = vector.shape_cast %parallel_loop3A_512 : vector<1x16xf32> to vector<16xf32>
        %parallel_loop3A_514 = arith.index_cast %parallel_loop3A_425 : i32 to index
        %parallel_loop3A_515 = arith.index_cast %parallel_loop3A_509 : i32 to index
        %parallel_loop3A_516 = tpu.vector_load %arg9[%parallel_loop3A_514, %parallel_loop3A_515] {strides = array<i32>} : memref<16x1024xf32, #tpu.memory_space<vmem>>, vector<1x16xf32>,
        %parallel_loop3A_517 = vector.shape_cast %parallel_loop3A_516 : vector<1x16xf32> to vector<16xf32>
        %parallel_loop3A_518 = arith.addf %parallel_loop3A_513, %parallel_loop3A_517 : vector<16xf32>
        %parallel_loop3A_519 = arith.index_cast %parallel_loop3A_425 : i32 to index
        %parallel_loop3A_520 = arith.index_cast %parallel_loop3A_509 : i32 to index
        %parallel_loop3A_521 = tpu.vector_load %arg7[%parallel_loop3A_519, %parallel_loop3A_520] {strides = array<i32>} : memref<16x1024xf32, #tpu.memory_space<vmem>>, vector<1x16xf32>,
        %parallel_loop3A_522 = vector.shape_cast %parallel_loop3A_521 : vector<1x16xf32> to vector<16xf32>
        %parallel_loop3A_523 = vector.shape_cast %parallel_loop3A_518 : vector<16xf32> to vector<1x16xf32>
        tpu.vector_store %arg7[%parallel_loop3A_519, %parallel_loop3A_520], %parallel_loop3A_523 {strides = array<i32>} : memref<16x1024xf32, #tpu.memory_space<vmem>>, vector<1x16xf32>,
        %parallel_loop3A_524 = arith.constant 80 : i32
        %parallel_loop3A_525 = arith.addi %parallel_loop3A_443, %parallel_loop3A_524 : i32
        %parallel_loop3A_526 = arith.index_cast %parallel_loop3A_425 : i32 to index
        %parallel_loop3A_527 = arith.index_cast %parallel_loop3A_525 : i32 to index
        %parallel_loop3A_528 = tpu.vector_load %arg5[%parallel_loop3A_526, %parallel_loop3A_527] {strides = array<i32>} : memref<16x1024xf32, #tpu.memory_space<vmem>>, vector<1x16xf32>,
        %parallel_loop3A_529 = vector.shape_cast %parallel_loop3A_528 : vector<1x16xf32> to vector<16xf32>
        %parallel_loop3A_530 = arith.index_cast %parallel_loop3A_425 : i32 to index
        %parallel_loop3A_531 = arith.index_cast %parallel_loop3A_525 : i32 to index
        %parallel_loop3A_532 = tpu.vector_load %arg9[%parallel_loop3A_530, %parallel_loop3A_531] {strides = array<i32>} : memref<16x1024xf32, #tpu.memory_space<vmem>>, vector<1x16xf32>,
        %parallel_loop3A_533 = vector.shape_cast %parallel_loop3A_532 : vector<1x16xf32> to vector<16xf32>
        %parallel_loop3A_534 = arith.addf %parallel_loop3A_529, %parallel_loop3A_533 : vector<16xf32>
        %parallel_loop3A_535 = arith.index_cast %parallel_loop3A_425 : i32 to index
        %parallel_loop3A_536 = arith.index_cast %parallel_loop3A_525 : i32 to index
        %parallel_loop3A_537 = tpu.vector_load %arg7[%parallel_loop3A_535, %parallel_loop3A_536] {strides = array<i32>} : memref<16x1024xf32, #tpu.memory_space<vmem>>, vector<1x16xf32>,
        %parallel_loop3A_538 = vector.shape_cast %parallel_loop3A_537 : vector<1x16xf32> to vector<16xf32>
        %parallel_loop3A_539 = vector.shape_cast %parallel_loop3A_534 : vector<16xf32> to vector<1x16xf32>
        tpu.vector_store %arg7[%parallel_loop3A_535, %parallel_loop3A_536], %parallel_loop3A_539 {strides = array<i32>} : memref<16x1024xf32, #tpu.memory_space<vmem>>, vector<1x16xf32>,
        %parallel_loop3A_540 = arith.constant 96 : i32
        %parallel_loop3A_541 = arith.addi %parallel_loop3A_443, %parallel_loop3A_540 : i32
        %parallel_loop3A_542 = arith.index_cast %parallel_loop3A_425 : i32 to index
        %parallel_loop3A_543 = arith.index_cast %parallel_loop3A_541 : i32 to index
        %parallel_loop3A_544 = tpu.vector_load %arg5[%parallel_loop3A_542, %parallel_loop3A_543] {strides = array<i32>} : memref<16x1024xf32, #tpu.memory_space<vmem>>, vector<1x16xf32>,
        %parallel_loop3A_545 = vector.shape_cast %parallel_loop3A_544 : vector<1x16xf32> to vector<16xf32>
        %parallel_loop3A_546 = arith.index_cast %parallel_loop3A_425 : i32 to index
        %parallel_loop3A_547 = arith.index_cast %parallel_loop3A_541 : i32 to index
        %parallel_loop3A_548 = tpu.vector_load %arg9[%parallel_loop3A_546, %parallel_loop3A_547] {strides = array<i32>} : memref<16x1024xf32, #tpu.memory_space<vmem>>, vector<1x16xf32>,
        %parallel_loop3A_549 = vector.shape_cast %parallel_loop3A_548 : vector<1x16xf32> to vector<16xf32>
        %parallel_loop3A_550 = arith.addf %parallel_loop3A_545, %parallel_loop3A_549 : vector<16xf32>
        %parallel_loop3A_551 = arith.index_cast %parallel_loop3A_425 : i32 to index
        %parallel_loop3A_552 = arith.index_cast %parallel_loop3A_541 : i32 to index
        %parallel_loop3A_553 = tpu.vector_load %arg7[%parallel_loop3A_551, %parallel_loop3A_552] {strides = array<i32>} : memref<16x1024xf32, #tpu.memory_space<vmem>>, vector<1x16xf32>,
        %parallel_loop3A_554 = vector.shape_cast %parallel_loop3A_553 : vector<1x16xf32> to vector<16xf32>
        %parallel_loop3A_555 = vector.shape_cast %parallel_loop3A_550 : vector<16xf32> to vector<1x16xf32>
        tpu.vector_store %arg7[%parallel_loop3A_551, %parallel_loop3A_552], %parallel_loop3A_555 {strides = array<i32>} : memref<16x1024xf32, #tpu.memory_space<vmem>>, vector<1x16xf32>,
        %parallel_loop3A_556 = arith.constant 112 : i32
        %parallel_loop3A_557 = arith.addi %parallel_loop3A_443, %parallel_loop3A_556 : i32
        %parallel_loop3A_558 = arith.index_cast %parallel_loop3A_425 : i32 to index
        %parallel_loop3A_559 = arith.index_cast %parallel_loop3A_557 : i32 to index
        %parallel_loop3A_560 = tpu.vector_load %arg5[%parallel_loop3A_558, %parallel_loop3A_559] {strides = array<i32>} : memref<16x1024xf32, #tpu.memory_space<vmem>>, vector<1x16xf32>,
        %parallel_loop3A_561 = vector.shape_cast %parallel_loop3A_560 : vector<1x16xf32> to vector<16xf32>
        %parallel_loop3A_562 = arith.index_cast %parallel_loop3A_425 : i32 to index
        %parallel_loop3A_563 = arith.index_cast %parallel_loop3A_557 : i32 to index
        %parallel_loop3A_564 = tpu.vector_load %arg9[%parallel_loop3A_562, %parallel_loop3A_563] {strides = array<i32>} : memref<16x1024xf32, #tpu.memory_space<vmem>>, vector<1x16xf32>,
        %parallel_loop3A_565 = vector.shape_cast %parallel_loop3A_564 : vector<1x16xf32> to vector<16xf32>
        %parallel_loop3A_566 = arith.addf %parallel_loop3A_561, %parallel_loop3A_565 : vector<16xf32>
        %parallel_loop3A_567 = arith.index_cast %parallel_loop3A_425 : i32 to index
        %parallel_loop3A_568 = arith.index_cast %parallel_loop3A_557 : i32 to index
        %parallel_loop3A_569 = tpu.vector_load %arg7[%parallel_loop3A_567, %parallel_loop3A_568] {strides = array<i32>} : memref<16x1024xf32, #tpu.memory_space<vmem>>, vector<1x16xf32>,
        %parallel_loop3A_570 = vector.shape_cast %parallel_loop3A_569 : vector<1x16xf32> to vector<16xf32>
        %parallel_loop3A_571 = vector.shape_cast %parallel_loop3A_566 : vector<16xf32> to vector<1x16xf32>
        tpu.vector_store %arg7[%parallel_loop3A_567, %parallel_loop3A_568], %parallel_loop3A_571 {strides = array<i32>} : memref<16x1024xf32, #tpu.memory_space<vmem>>, vector<1x16xf32>,
      } {sc.loop_unroll_factor = 4 : i64, sc.parallel_access}
      %mul3A_85 = arith.constant 16 : i32
      %mul3A_86 = arith.muli %add3A_54, %mul3A_85 : i32
      %add3A_87 = arith.addi %mul3A_2, %mul3A_86 : i32
      %dma_start3A_88 = arith.constant 0 : i32
      %dma_start3A_89 = arith.constant 0 : i32
      %dma_start3A_90 = tpu.memref_slice %arg4[%dma_start3A_88, %add3A_87, %dma_start3A_89] : memref<4x8192x1024xf32, #tpu.memory_space<hbm>> -> memref<1x16x1024xf32, #tpu.memory_space<hbm>>
      %dma_start3A_91 = tpu.memref_squeeze %dma_start3A_90 : memref<1x16x1024xf32, #tpu.memory_space<hbm>> -> memref<16x1024xf32, #tpu.memory_space<hbm>>
      %dma_start3A_92 = arith.constant 0 : i32
      %dma_start3A_93 = tpu.memref_slice %arg4[%dma_start3A_88, %add3A_87, %dma_start3A_92] : memref<4x8192x1024xf32, #tpu.memory_space<hbm>> -> memref<1x16x1024xf32, #tpu.memory_space<hbm>>
      %dma_start3A_94 = tpu.memref_squeeze %dma_start3A_93 : memref<1x16x1024xf32, #tpu.memory_space<hbm>> -> memref<16x1024xf32, #tpu.memory_space<hbm>>
      tpu.enqueue_dma source(%arg7 : memref<16x1024xf32, #tpu.memory_space<vmem>>) target(%dma_start3A_94 : memref<16x1024xf32, #tpu.memory_space<hbm>>) target_semaphore(%arg13 : memref<!tpu.dma_semaphore, #tpu.memory_space<semaphore_mem>>)
      %mul3A_95 = arith.constant 16 : i32
      %mul3A_96 = arith.muli %add3A_54, %mul3A_95 : i32
      %add3A_97 = arith.addi %mul3A_2, %mul3A_96 : i32
      %dma_start3A_98 = arith.constant 2 : i32
      %dma_start3A_99 = arith.constant 0 : i32
      %dma_start3A_100 = tpu.memref_slice %arg2[%dma_start3A_98, %add3A_97, %dma_start3A_99] : memref<4x8192x1024xf32, #tpu.memory_space<hbm>> -> memref<1x16x1024xf32, #tpu.memory_space<hbm>>
      %dma_start3A_101 = tpu.memref_squeeze %dma_start3A_100 : memref<1x16x1024xf32, #tpu.memory_space<hbm>> -> memref<16x1024xf32, #tpu.memory_space<hbm>>
      %dma_start3A_102 = arith.constant 0 : i32
      %dma_start3A_103 = tpu.memref_slice %arg2[%dma_start3A_98, %add3A_97, %dma_start3A_102] : memref<4x8192x1024xf32, #tpu.memory_space<hbm>> -> memref<1x16x1024xf32, #tpu.memory_space<hbm>>
      %dma_start3A_104 = tpu.memref_squeeze %dma_start3A_103 : memref<1x16x1024xf32, #tpu.memory_space<hbm>> -> memref<16x1024xf32, #tpu.memory_space<hbm>>
      tpu.enqueue_dma source(%dma_start3A_104 : memref<16x1024xf32, #tpu.memory_space<hbm>>) target(%arg5 : memref<16x1024xf32, #tpu.memory_space<vmem>>) target_semaphore(%arg11 : memref<!tpu.dma_semaphore, #tpu.memory_space<semaphore_mem>>)
      %mul3A_105 = arith.constant 16 : i32
      %mul3A_106 = arith.muli %add3A_54, %mul3A_105 : i32
      %add3A_107 = arith.addi %mul3A_2, %mul3A_106 : i32
      %dma_wait3A_108 = arith.constant 1 : i32
      %dma_wait3A_109 = arith.constant 0 : i32
      %dma_wait3A_110 = tpu.memref_slice %arg2[%dma_wait3A_108, %add3A_107, %dma_wait3A_109] : memref<4x8192x1024xf32, #tpu.memory_space<hbm>> -> memref<1x16x1024xf32, #tpu.memory_space<hbm>>
      %dma_wait3A_111 = tpu.memref_squeeze %dma_wait3A_110 : memref<1x16x1024xf32, #tpu.memory_space<hbm>> -> memref<16x1024xf32, #tpu.memory_space<hbm>>
      %dma_wait3A_112 = arith.constant 0 : i32
      %dma_wait3A_113 = tpu.memref_slice %arg2[%dma_wait3A_108, %add3A_107, %dma_wait3A_112] : memref<4x8192x1024xf32, #tpu.memory_space<hbm>> -> memref<1x16x1024xf32, #tpu.memory_space<hbm>>
      %dma_wait3A_114 = tpu.memref_squeeze %dma_wait3A_113 : memref<1x16x1024xf32, #tpu.memory_space<hbm>> -> memref<16x1024xf32, #tpu.memory_space<hbm>>
      tpu.wait_dma2 semaphore(%arg12 : memref<!tpu.dma_semaphore, #tpu.memory_space<semaphore_mem>>) src(%dma_wait3A_114 : memref<16x1024xf32, #tpu.memory_space<hbm>>) dst(%arg6 : memref<16x1024xf32, #tpu.memory_space<vmem>>)
      %gt3A_115 = arith.constant 0 : i32
      %gt3A_116 = arith.cmpi sgt, %add3A_54, %gt3A_115 : i32
      %convert_element_type3A_117 = arith.extui %gt3A_116 : i1 to i32
      %cond3A_118 = arith.constant 0 : i32
      %cond3A_119 = arith.cmpi ne, %convert_element_type3A_117, %cond3A_118 : i32
      scf.if %cond3A_119 {
        %sub3A = arith.constant 1 : i32
        %sub3A_401 = arith.subi %add3A_54, %sub3A : i32
        %mul3A_402 = arith.constant 16 : i32
        %mul3A_403 = arith.muli %sub3A_401, %mul3A_402 : i32
        %add3A_404 = arith.addi %mul3A_2, %mul3A_403 : i32
        %dma_wait3A_405 = arith.constant 3 : i32
        %dma_wait3A_406 = arith.constant 0 : i32
        %dma_wait3A_407 = tpu.memref_slice %arg4[%dma_wait3A_405, %add3A_404, %dma_wait3A_406] : memref<4x8192x1024xf32, #tpu.memory_space<hbm>> -> memref<1x16x1024xf32, #tpu.memory_space<hbm>>
        %dma_wait3A_408 = tpu.memref_squeeze %dma_wait3A_407 : memref<1x16x1024xf32, #tpu.memory_space<hbm>> -> memref<16x1024xf32, #tpu.memory_space<hbm>>
        %dma_wait3A_409 = arith.constant 0 : i32
        %dma_wait3A_410 = tpu.memref_slice %arg4[%dma_wait3A_405, %add3A_404, %dma_wait3A_409] : memref<4x8192x1024xf32, #tpu.memory_space<hbm>> -> memref<1x16x1024xf32, #tpu.memory_space<hbm>>
        %dma_wait3A_411 = tpu.memref_squeeze %dma_wait3A_410 : memref<1x16x1024xf32, #tpu.memory_space<hbm>> -> memref<16x1024xf32, #tpu.memory_space<hbm>>
        tpu.wait_dma2 semaphore(%arg14 : memref<!tpu.dma_semaphore, #tpu.memory_space<semaphore_mem>>) src(%arg8 : memref<16x1024xf32, #tpu.memory_space<vmem>>) dst(%dma_wait3A_411 : memref<16x1024xf32, #tpu.memory_space<hbm>>)
      } else {
      }
      %parallel_loop3A_120 = arith.constant 0 : i32
      %parallel_loop3A_121 = arith.constant 128 : i32
      %parallel_loop3A_122 = arith.constant 1 : i32
      scf.for %parallel_loop3A_401 = %parallel_loop3A_120 to %parallel_loop3A_121 step %parallel_loop3A_122  : i32 {
        %parallel_loop3A_402 = arith.constant 8 : i32
        %parallel_loop3A_403 = arith.divsi %parallel_loop3A_401, %parallel_loop3A_402 : i32
        %parallel_loop3A_404 = arith.constant 0 : i32
        %parallel_loop3A_405 = arith.cmpi sgt, %parallel_loop3A_401, %parallel_loop3A_404 : i32
        %parallel_loop3A_406 = arith.extui %parallel_loop3A_405 : i1 to i32
        %parallel_loop3A_407 = arith.constant 0 : i32
        %parallel_loop3A_408 = arith.cmpi slt, %parallel_loop3A_401, %parallel_loop3A_407 : i32
        %parallel_loop3A_409 = arith.extui %parallel_loop3A_408 : i1 to i32
        %parallel_loop3A_410 = arith.subi %parallel_loop3A_406, %parallel_loop3A_409 : i32
        %parallel_loop3A_411 = arith.constant 0 : i32
        %parallel_loop3A_412 = arith.cmpi sgt, %parallel_loop3A_402, %parallel_loop3A_411 : i32
        %parallel_loop3A_413 = arith.extui %parallel_loop3A_412 : i1 to i32
        %parallel_loop3A_414 = arith.constant 0 : i32
        %parallel_loop3A_415 = arith.cmpi slt, %parallel_loop3A_402, %parallel_loop3A_414 : i32
        %parallel_loop3A_416 = arith.extui %parallel_loop3A_415 : i1 to i32
        %parallel_loop3A_417 = arith.subi %parallel_loop3A_413, %parallel_loop3A_416 : i32
        %parallel_loop3A_418 = arith.cmpi ne, %parallel_loop3A_410, %parallel_loop3A_417 : i32
        %parallel_loop3A_419 = arith.remsi %parallel_loop3A_401, %parallel_loop3A_402 : i32
        %parallel_loop3A_420 = arith.constant 0 : i32
        %parallel_loop3A_421 = arith.cmpi ne, %parallel_loop3A_419, %parallel_loop3A_420 : i32
        %parallel_loop3A_422 = arith.andi %parallel_loop3A_418, %parallel_loop3A_421 : i1
        %parallel_loop3A_423 = arith.constant 1 : i32
        %parallel_loop3A_424 = arith.subi %parallel_loop3A_403, %parallel_loop3A_423 : i32
        %parallel_loop3A_425 = arith.select %parallel_loop3A_422, %parallel_loop3A_424, %parallel_loop3A_403 : i32
        %parallel_loop3A_426 = arith.constant 8 : i32
        %parallel_loop3A_427 = arith.constant 0 : i32
        %parallel_loop3A_428 = arith.cmpi eq, %parallel_loop3A_426, %parallel_loop3A_427 : i32
        %parallel_loop3A_429 = arith.constant 1 : i32
        %parallel_loop3A_430 = arith.select %parallel_loop3A_428, %parallel_loop3A_429, %parallel_loop3A_426 : i32
        %parallel_loop3A_431 = arith.remsi %parallel_loop3A_401, %parallel_loop3A_430 : i32
        %parallel_loop3A_432 = arith.constant 0 : i32
        %parallel_loop3A_433 = arith.cmpi ne, %parallel_loop3A_431, %parallel_loop3A_432 : i32
        %parallel_loop3A_434 = arith.constant 0 : i32
        %parallel_loop3A_435 = arith.cmpi slt, %parallel_loop3A_431, %parallel_loop3A_434 : i32
        %parallel_loop3A_436 = arith.constant 0 : i32
        %parallel_loop3A_437 = arith.cmpi slt, %parallel_loop3A_430, %parallel_loop3A_436 : i32
        %parallel_loop3A_438 = arith.xori %parallel_loop3A_435, %parallel_loop3A_437 : i1
        %parallel_loop3A_439 = arith.andi %parallel_loop3A_438, %parallel_loop3A_433 : i1
        %parallel_loop3A_440 = arith.addi %parallel_loop3A_431, %parallel_loop3A_430 : i32
        %parallel_loop3A_441 = arith.select %parallel_loop3A_439, %parallel_loop3A_440, %parallel_loop3A_431 : i32
        %parallel_loop3A_442 = arith.constant 128 : i32
        %parallel_loop3A_443 = arith.muli %parallel_loop3A_441, %parallel_loop3A_442 : i32
        %parallel_loop3A_444 = arith.constant 0 : i32
        %parallel_loop3A_445 = arith.addi %parallel_loop3A_443, %parallel_loop3A_444 : i32
        %parallel_loop3A_446 = arith.index_cast %parallel_loop3A_425 : i32 to index
        %parallel_loop3A_447 = arith.index_cast %parallel_loop3A_445 : i32 to index
        %parallel_loop3A_448 = tpu.vector_load %arg6[%parallel_loop3A_446, %parallel_loop3A_447] {strides = array<i32>} : memref<16x1024xf32, #tpu.memory_space<vmem>>, vector<1x16xf32>,
        %parallel_loop3A_449 = vector.shape_cast %parallel_loop3A_448 : vector<1x16xf32> to vector<16xf32>
        %parallel_loop3A_450 = arith.index_cast %parallel_loop3A_425 : i32 to index
        %parallel_loop3A_451 = arith.index_cast %parallel_loop3A_445 : i32 to index
        %parallel_loop3A_452 = tpu.vector_load %arg9[%parallel_loop3A_450, %parallel_loop3A_451] {strides = array<i32>} : memref<16x1024xf32, #tpu.memory_space<vmem>>, vector<1x16xf32>,
        %parallel_loop3A_453 = vector.shape_cast %parallel_loop3A_452 : vector<1x16xf32> to vector<16xf32>
        %parallel_loop3A_454 = arith.addf %parallel_loop3A_449, %parallel_loop3A_453 : vector<16xf32>
        %parallel_loop3A_455 = arith.index_cast %parallel_loop3A_425 : i32 to index
        %parallel_loop3A_456 = arith.index_cast %parallel_loop3A_445 : i32 to index
        %parallel_loop3A_457 = tpu.vector_load %arg8[%parallel_loop3A_455, %parallel_loop3A_456] {strides = array<i32>} : memref<16x1024xf32, #tpu.memory_space<vmem>>, vector<1x16xf32>,
        %parallel_loop3A_458 = vector.shape_cast %parallel_loop3A_457 : vector<1x16xf32> to vector<16xf32>
        %parallel_loop3A_459 = vector.shape_cast %parallel_loop3A_454 : vector<16xf32> to vector<1x16xf32>
        tpu.vector_store %arg8[%parallel_loop3A_455, %parallel_loop3A_456], %parallel_loop3A_459 {strides = array<i32>} : memref<16x1024xf32, #tpu.memory_space<vmem>>, vector<1x16xf32>,
        %parallel_loop3A_460 = arith.constant 16 : i32
        %parallel_loop3A_461 = arith.addi %parallel_loop3A_443, %parallel_loop3A_460 : i32
        %parallel_loop3A_462 = arith.index_cast %parallel_loop3A_425 : i32 to index
        %parallel_loop3A_463 = arith.index_cast %parallel_loop3A_461 : i32 to index
        %parallel_loop3A_464 = tpu.vector_load %arg6[%parallel_loop3A_462, %parallel_loop3A_463] {strides = array<i32>} : memref<16x1024xf32, #tpu.memory_space<vmem>>, vector<1x16xf32>,
        %parallel_loop3A_465 = vector.shape_cast %parallel_loop3A_464 : vector<1x16xf32> to vector<16xf32>
        %parallel_loop3A_466 = arith.index_cast %parallel_loop3A_425 : i32 to index
        %parallel_loop3A_467 = arith.index_cast %parallel_loop3A_461 : i32 to index
        %parallel_loop3A_468 = tpu.vector_load %arg9[%parallel_loop3A_466, %parallel_loop3A_467] {strides = array<i32>} : memref<16x1024xf32, #tpu.memory_space<vmem>>, vector<1x16xf32>,
        %parallel_loop3A_469 = vector.shape_cast %parallel_loop3A_468 : vector<1x16xf32> to vector<16xf32>
        %parallel_loop3A_470 = arith.addf %parallel_loop3A_465, %parallel_loop3A_469 : vector<16xf32>
        %parallel_loop3A_471 = arith.index_cast %parallel_loop3A_425 : i32 to index
        %parallel_loop3A_472 = arith.index_cast %parallel_loop3A_461 : i32 to index
        %parallel_loop3A_473 = tpu.vector_load %arg8[%parallel_loop3A_471, %parallel_loop3A_472] {strides = array<i32>} : memref<16x1024xf32, #tpu.memory_space<vmem>>, vector<1x16xf32>,
        %parallel_loop3A_474 = vector.shape_cast %parallel_loop3A_473 : vector<1x16xf32> to vector<16xf32>
        %parallel_loop3A_475 = vector.shape_cast %parallel_loop3A_470 : vector<16xf32> to vector<1x16xf32>
        tpu.vector_store %arg8[%parallel_loop3A_471, %parallel_loop3A_472], %parallel_loop3A_475 {strides = array<i32>} : memref<16x1024xf32, #tpu.memory_space<vmem>>, vector<1x16xf32>,
        %parallel_loop3A_476 = arith.constant 32 : i32
        %parallel_loop3A_477 = arith.addi %parallel_loop3A_443, %parallel_loop3A_476 : i32
        %parallel_loop3A_478 = arith.index_cast %parallel_loop3A_425 : i32 to index
        %parallel_loop3A_479 = arith.index_cast %parallel_loop3A_477 : i32 to index
        %parallel_loop3A_480 = tpu.vector_load %arg6[%parallel_loop3A_478, %parallel_loop3A_479] {strides = array<i32>} : memref<16x1024xf32, #tpu.memory_space<vmem>>, vector<1x16xf32>,
        %parallel_loop3A_481 = vector.shape_cast %parallel_loop3A_480 : vector<1x16xf32> to vector<16xf32>
        %parallel_loop3A_482 = arith.index_cast %parallel_loop3A_425 : i32 to index
        %parallel_loop3A_483 = arith.index_cast %parallel_loop3A_477 : i32 to index
        %parallel_loop3A_484 = tpu.vector_load %arg9[%parallel_loop3A_482, %parallel_loop3A_483] {strides = array<i32>} : memref<16x1024xf32, #tpu.memory_space<vmem>>, vector<1x16xf32>,
        %parallel_loop3A_485 = vector.shape_cast %parallel_loop3A_484 : vector<1x16xf32> to vector<16xf32>
        %parallel_loop3A_486 = arith.addf %parallel_loop3A_481, %parallel_loop3A_485 : vector<16xf32>
        %parallel_loop3A_487 = arith.index_cast %parallel_loop3A_425 : i32 to index
        %parallel_loop3A_488 = arith.index_cast %parallel_loop3A_477 : i32 to index
        %parallel_loop3A_489 = tpu.vector_load %arg8[%parallel_loop3A_487, %parallel_loop3A_488] {strides = array<i32>} : memref<16x1024xf32, #tpu.memory_space<vmem>>, vector<1x16xf32>,
        %parallel_loop3A_490 = vector.shape_cast %parallel_loop3A_489 : vector<1x16xf32> to vector<16xf32>
        %parallel_loop3A_491 = vector.shape_cast %parallel_loop3A_486 : vector<16xf32> to vector<1x16xf32>
        tpu.vector_store %arg8[%parallel_loop3A_487, %parallel_loop3A_488], %parallel_loop3A_491 {strides = array<i32>} : memref<16x1024xf32, #tpu.memory_space<vmem>>, vector<1x16xf32>,
        %parallel_loop3A_492 = arith.constant 48 : i32
        %parallel_loop3A_493 = arith.addi %parallel_loop3A_443, %parallel_loop3A_492 : i32
        %parallel_loop3A_494 = arith.index_cast %parallel_loop3A_425 : i32 to index
        %parallel_loop3A_495 = arith.index_cast %parallel_loop3A_493 : i32 to index
        %parallel_loop3A_496 = tpu.vector_load %arg6[%parallel_loop3A_494, %parallel_loop3A_495] {strides = array<i32>} : memref<16x1024xf32, #tpu.memory_space<vmem>>, vector<1x16xf32>,
        %parallel_loop3A_497 = vector.shape_cast %parallel_loop3A_496 : vector<1x16xf32> to vector<16xf32>
        %parallel_loop3A_498 = arith.index_cast %parallel_loop3A_425 : i32 to index
        %parallel_loop3A_499 = arith.index_cast %parallel_loop3A_493 : i32 to index
        %parallel_loop3A_500 = tpu.vector_load %arg9[%parallel_loop3A_498, %parallel_loop3A_499] {strides = array<i32>} : memref<16x1024xf32, #tpu.memory_space<vmem>>, vector<1x16xf32>,
        %parallel_loop3A_501 = vector.shape_cast %parallel_loop3A_500 : vector<1x16xf32> to vector<16xf32>
        %parallel_loop3A_502 = arith.addf %parallel_loop3A_497, %parallel_loop3A_501 : vector<16xf32>
        %parallel_loop3A_503 = arith.index_cast %parallel_loop3A_425 : i32 to index
        %parallel_loop3A_504 = arith.index_cast %parallel_loop3A_493 : i32 to index
        %parallel_loop3A_505 = tpu.vector_load %arg8[%parallel_loop3A_503, %parallel_loop3A_504] {strides = array<i32>} : memref<16x1024xf32, #tpu.memory_space<vmem>>, vector<1x16xf32>,
        %parallel_loop3A_506 = vector.shape_cast %parallel_loop3A_505 : vector<1x16xf32> to vector<16xf32>
        %parallel_loop3A_507 = vector.shape_cast %parallel_loop3A_502 : vector<16xf32> to vector<1x16xf32>
        tpu.vector_store %arg8[%parallel_loop3A_503, %parallel_loop3A_504], %parallel_loop3A_507 {strides = array<i32>} : memref<16x1024xf32, #tpu.memory_space<vmem>>, vector<1x16xf32>,
        %parallel_loop3A_508 = arith.constant 64 : i32
        %parallel_loop3A_509 = arith.addi %parallel_loop3A_443, %parallel_loop3A_508 : i32
        %parallel_loop3A_510 = arith.index_cast %parallel_loop3A_425 : i32 to index
        %parallel_loop3A_511 = arith.index_cast %parallel_loop3A_509 : i32 to index
        %parallel_loop3A_512 = tpu.vector_load %arg6[%parallel_loop3A_510, %parallel_loop3A_511] {strides = array<i32>} : memref<16x1024xf32, #tpu.memory_space<vmem>>, vector<1x16xf32>,
        %parallel_loop3A_513 = vector.shape_cast %parallel_loop3A_512 : vector<1x16xf32> to vector<16xf32>
        %parallel_loop3A_514 = arith.index_cast %parallel_loop3A_425 : i32 to index
        %parallel_loop3A_515 = arith.index_cast %parallel_loop3A_509 : i32 to index
        %parallel_loop3A_516 = tpu.vector_load %arg9[%parallel_loop3A_514, %parallel_loop3A_515] {strides = array<i32>} : memref<16x1024xf32, #tpu.memory_space<vmem>>, vector<1x16xf32>,
        %parallel_loop3A_517 = vector.shape_cast %parallel_loop3A_516 : vector<1x16xf32> to vector<16xf32>
        %parallel_loop3A_518 = arith.addf %parallel_loop3A_513, %parallel_loop3A_517 : vector<16xf32>
        %parallel_loop3A_519 = arith.index_cast %parallel_loop3A_425 : i32 to index
        %parallel_loop3A_520 = arith.index_cast %parallel_loop3A_509 : i32 to index
        %parallel_loop3A_521 = tpu.vector_load %arg8[%parallel_loop3A_519, %parallel_loop3A_520] {strides = array<i32>} : memref<16x1024xf32, #tpu.memory_space<vmem>>, vector<1x16xf32>,
        %parallel_loop3A_522 = vector.shape_cast %parallel_loop3A_521 : vector<1x16xf32> to vector<16xf32>
        %parallel_loop3A_523 = vector.shape_cast %parallel_loop3A_518 : vector<16xf32> to vector<1x16xf32>
        tpu.vector_store %arg8[%parallel_loop3A_519, %parallel_loop3A_520], %parallel_loop3A_523 {strides = array<i32>} : memref<16x1024xf32, #tpu.memory_space<vmem>>, vector<1x16xf32>,
        %parallel_loop3A_524 = arith.constant 80 : i32
        %parallel_loop3A_525 = arith.addi %parallel_loop3A_443, %parallel_loop3A_524 : i32
        %parallel_loop3A_526 = arith.index_cast %parallel_loop3A_425 : i32 to index
        %parallel_loop3A_527 = arith.index_cast %parallel_loop3A_525 : i32 to index
        %parallel_loop3A_528 = tpu.vector_load %arg6[%parallel_loop3A_526, %parallel_loop3A_527] {strides = array<i32>} : memref<16x1024xf32, #tpu.memory_space<vmem>>, vector<1x16xf32>,
        %parallel_loop3A_529 = vector.shape_cast %parallel_loop3A_528 : vector<1x16xf32> to vector<16xf32>
        %parallel_loop3A_530 = arith.index_cast %parallel_loop3A_425 : i32 to index
        %parallel_loop3A_531 = arith.index_cast %parallel_loop3A_525 : i32 to index
        %parallel_loop3A_532 = tpu.vector_load %arg9[%parallel_loop3A_530, %parallel_loop3A_531] {strides = array<i32>} : memref<16x1024xf32, #tpu.memory_space<vmem>>, vector<1x16xf32>,
        %parallel_loop3A_533 = vector.shape_cast %parallel_loop3A_532 : vector<1x16xf32> to vector<16xf32>
        %parallel_loop3A_534 = arith.addf %parallel_loop3A_529, %parallel_loop3A_533 : vector<16xf32>
        %parallel_loop3A_535 = arith.index_cast %parallel_loop3A_425 : i32 to index
        %parallel_loop3A_536 = arith.index_cast %parallel_loop3A_525 : i32 to index
        %parallel_loop3A_537 = tpu.vector_load %arg8[%parallel_loop3A_535, %parallel_loop3A_536] {strides = array<i32>} : memref<16x1024xf32, #tpu.memory_space<vmem>>, vector<1x16xf32>,
        %parallel_loop3A_538 = vector.shape_cast %parallel_loop3A_537 : vector<1x16xf32> to vector<16xf32>
        %parallel_loop3A_539 = vector.shape_cast %parallel_loop3A_534 : vector<16xf32> to vector<1x16xf32>
        tpu.vector_store %arg8[%parallel_loop3A_535, %parallel_loop3A_536], %parallel_loop3A_539 {strides = array<i32>} : memref<16x1024xf32, #tpu.memory_space<vmem>>, vector<1x16xf32>,
        %parallel_loop3A_540 = arith.constant 96 : i32
        %parallel_loop3A_541 = arith.addi %parallel_loop3A_443, %parallel_loop3A_540 : i32
        %parallel_loop3A_542 = arith.index_cast %parallel_loop3A_425 : i32 to index
        %parallel_loop3A_543 = arith.index_cast %parallel_loop3A_541 : i32 to index
        %parallel_loop3A_544 = tpu.vector_load %arg6[%parallel_loop3A_542, %parallel_loop3A_543] {strides = array<i32>} : memref<16x1024xf32, #tpu.memory_space<vmem>>, vector<1x16xf32>,
        %parallel_loop3A_545 = vector.shape_cast %parallel_loop3A_544 : vector<1x16xf32> to vector<16xf32>
        %parallel_loop3A_546 = arith.index_cast %parallel_loop3A_425 : i32 to index
        %parallel_loop3A_547 = arith.index_cast %parallel_loop3A_541 : i32 to index
        %parallel_loop3A_548 = tpu.vector_load %arg9[%parallel_loop3A_546, %parallel_loop3A_547] {strides = array<i32>} : memref<16x1024xf32, #tpu.memory_space<vmem>>, vector<1x16xf32>,
        %parallel_loop3A_549 = vector.shape_cast %parallel_loop3A_548 : vector<1x16xf32> to vector<16xf32>
        %parallel_loop3A_550 = arith.addf %parallel_loop3A_545, %parallel_loop3A_549 : vector<16xf32>
        %parallel_loop3A_551 = arith.index_cast %parallel_loop3A_425 : i32 to index
        %parallel_loop3A_552 = arith.index_cast %parallel_loop3A_541 : i32 to index
        %parallel_loop3A_553 = tpu.vector_load %arg8[%parallel_loop3A_551, %parallel_loop3A_552] {strides = array<i32>} : memref<16x1024xf32, #tpu.memory_space<vmem>>, vector<1x16xf32>,
        %parallel_loop3A_554 = vector.shape_cast %parallel_loop3A_553 : vector<1x16xf32> to vector<16xf32>
        %parallel_loop3A_555 = vector.shape_cast %parallel_loop3A_550 : vector<16xf32> to vector<1x16xf32>
        tpu.vector_store %arg8[%parallel_loop3A_551, %parallel_loop3A_552], %parallel_loop3A_555 {strides = array<i32>} : memref<16x1024xf32, #tpu.memory_space<vmem>>, vector<1x16xf32>,
        %parallel_loop3A_556 = arith.constant 112 : i32
        %parallel_loop3A_557 = arith.addi %parallel_loop3A_443, %parallel_loop3A_556 : i32
        %parallel_loop3A_558 = arith.index_cast %parallel_loop3A_425 : i32 to index
        %parallel_loop3A_559 = arith.index_cast %parallel_loop3A_557 : i32 to index
        %parallel_loop3A_560 = tpu.vector_load %arg6[%parallel_loop3A_558, %parallel_loop3A_559] {strides = array<i32>} : memref<16x1024xf32, #tpu.memory_space<vmem>>, vector<1x16xf32>,
        %parallel_loop3A_561 = vector.shape_cast %parallel_loop3A_560 : vector<1x16xf32> to vector<16xf32>
        %parallel_loop3A_562 = arith.index_cast %parallel_loop3A_425 : i32 to index
        %parallel_loop3A_563 = arith.index_cast %parallel_loop3A_557 : i32 to index
        %parallel_loop3A_564 = tpu.vector_load %arg9[%parallel_loop3A_562, %parallel_loop3A_563] {strides = array<i32>} : memref<16x1024xf32, #tpu.memory_space<vmem>>, vector<1x16xf32>,
        %parallel_loop3A_565 = vector.shape_cast %parallel_loop3A_564 : vector<1x16xf32> to vector<16xf32>
        %parallel_loop3A_566 = arith.addf %parallel_loop3A_561, %parallel_loop3A_565 : vector<16xf32>
        %parallel_loop3A_567 = arith.index_cast %parallel_loop3A_425 : i32 to index
        %parallel_loop3A_568 = arith.index_cast %parallel_loop3A_557 : i32 to index
        %parallel_loop3A_569 = tpu.vector_load %arg8[%parallel_loop3A_567, %parallel_loop3A_568] {strides = array<i32>} : memref<16x1024xf32, #tpu.memory_space<vmem>>, vector<1x16xf32>,
        %parallel_loop3A_570 = vector.shape_cast %parallel_loop3A_569 : vector<1x16xf32> to vector<16xf32>
        %parallel_loop3A_571 = vector.shape_cast %parallel_loop3A_566 : vector<16xf32> to vector<1x16xf32>
        tpu.vector_store %arg8[%parallel_loop3A_567, %parallel_loop3A_568], %parallel_loop3A_571 {strides = array<i32>} : memref<16x1024xf32, #tpu.memory_space<vmem>>, vector<1x16xf32>,
      } {sc.loop_unroll_factor = 4 : i64, sc.parallel_access}
      %mul3A_123 = arith.constant 16 : i32
      %mul3A_124 = arith.muli %add3A_54, %mul3A_123 : i32
      %add3A_125 = arith.addi %mul3A_2, %mul3A_124 : i32
      %dma_start3A_126 = arith.constant 1 : i32
      %dma_start3A_127 = arith.constant 0 : i32
      %dma_start3A_128 = tpu.memref_slice %arg4[%dma_start3A_126, %add3A_125, %dma_start3A_127] : memref<4x8192x1024xf32, #tpu.memory_space<hbm>> -> memref<1x16x1024xf32, #tpu.memory_space<hbm>>
      %dma_start3A_129 = tpu.memref_squeeze %dma_start3A_128 : memref<1x16x1024xf32, #tpu.memory_space<hbm>> -> memref<16x1024xf32, #tpu.memory_space<hbm>>
      %dma_start3A_130 = arith.constant 0 : i32
      %dma_start3A_131 = tpu.memref_slice %arg4[%dma_start3A_126, %add3A_125, %dma_start3A_130] : memref<4x8192x1024xf32, #tpu.memory_space<hbm>> -> memref<1x16x1024xf32, #tpu.memory_space<hbm>>
      %dma_start3A_132 = tpu.memref_squeeze %dma_start3A_131 : memref<1x16x1024xf32, #tpu.memory_space<hbm>> -> memref<16x1024xf32, #tpu.memory_space<hbm>>
      tpu.enqueue_dma source(%arg8 : memref<16x1024xf32, #tpu.memory_space<vmem>>) target(%dma_start3A_132 : memref<16x1024xf32, #tpu.memory_space<hbm>>) target_semaphore(%arg14 : memref<!tpu.dma_semaphore, #tpu.memory_space<semaphore_mem>>)
      %mul3A_133 = arith.constant 16 : i32
      %mul3A_134 = arith.muli %add3A_54, %mul3A_133 : i32
      %add3A_135 = arith.addi %mul3A_2, %mul3A_134 : i32
      %dma_start3A_136 = arith.constant 3 : i32
      %dma_start3A_137 = arith.constant 0 : i32
      %dma_start3A_138 = tpu.memref_slice %arg2[%dma_start3A_136, %add3A_135, %dma_start3A_137] : memref<4x8192x1024xf32, #tpu.memory_space<hbm>> -> memref<1x16x1024xf32, #tpu.memory_space<hbm>>
      %dma_start3A_139 = tpu.memref_squeeze %dma_start3A_138 : memref<1x16x1024xf32, #tpu.memory_space<hbm>> -> memref<16x1024xf32, #tpu.memory_space<hbm>>
      %dma_start3A_140 = arith.constant 0 : i32
      %dma_start3A_141 = tpu.memref_slice %arg2[%dma_start3A_136, %add3A_135, %dma_start3A_140] : memref<4x8192x1024xf32, #tpu.memory_space<hbm>> -> memref<1x16x1024xf32, #tpu.memory_space<hbm>>
      %dma_start3A_142 = tpu.memref_squeeze %dma_start3A_141 : memref<1x16x1024xf32, #tpu.memory_space<hbm>> -> memref<16x1024xf32, #tpu.memory_space<hbm>>
      tpu.enqueue_dma source(%dma_start3A_142 : memref<16x1024xf32, #tpu.memory_space<hbm>>) target(%arg6 : memref<16x1024xf32, #tpu.memory_space<vmem>>) target_semaphore(%arg12 : memref<!tpu.dma_semaphore, #tpu.memory_space<semaphore_mem>>)
      %mul3A_143 = arith.constant 16 : i32
      %mul3A_144 = arith.muli %add3A_54, %mul3A_143 : i32
      %add3A_145 = arith.addi %mul3A_2, %mul3A_144 : i32
      %dma_wait3A_146 = arith.constant 2 : i32
      %dma_wait3A_147 = arith.constant 0 : i32
      %dma_wait3A_148 = tpu.memref_slice %arg2[%dma_wait3A_146, %add3A_145, %dma_wait3A_147] : memref<4x8192x1024xf32, #tpu.memory_space<hbm>> -> memref<1x16x1024xf32, #tpu.memory_space<hbm>>
      %dma_wait3A_149 = tpu.memref_squeeze %dma_wait3A_148 : memref<1x16x1024xf32, #tpu.memory_space<hbm>> -> memref<16x1024xf32, #tpu.memory_space<hbm>>
      %dma_wait3A_150 = arith.constant 0 : i32
      %dma_wait3A_151 = tpu.memref_slice %arg2[%dma_wait3A_146, %add3A_145, %dma_wait3A_150] : memref<4x8192x1024xf32, #tpu.memory_space<hbm>> -> memref<1x16x1024xf32, #tpu.memory_space<hbm>>
      %dma_wait3A_152 = tpu.memref_squeeze %dma_wait3A_151 : memref<1x16x1024xf32, #tpu.memory_space<hbm>> -> memref<16x1024xf32, #tpu.memory_space<hbm>>
      tpu.wait_dma2 semaphore(%arg11 : memref<!tpu.dma_semaphore, #tpu.memory_space<semaphore_mem>>) src(%dma_wait3A_152 : memref<16x1024xf32, #tpu.memory_space<hbm>>) dst(%arg5 : memref<16x1024xf32, #tpu.memory_space<vmem>>)
      %mul3A_153 = arith.constant 16 : i32
      %mul3A_154 = arith.muli %add3A_54, %mul3A_153 : i32
      %add3A_155 = arith.addi %mul3A_2, %mul3A_154 : i32
      %dma_wait3A_156 = arith.constant 0 : i32
      %dma_wait3A_157 = arith.constant 0 : i32
      %dma_wait3A_158 = tpu.memref_slice %arg4[%dma_wait3A_156, %add3A_155, %dma_wait3A_157] : memref<4x8192x1024xf32, #tpu.memory_space<hbm>> -> memref<1x16x1024xf32, #tpu.memory_space<hbm>>
      %dma_wait3A_159 = tpu.memref_squeeze %dma_wait3A_158 : memref<1x16x1024xf32, #tpu.memory_space<hbm>> -> memref<16x1024xf32, #tpu.memory_space<hbm>>
      %dma_wait3A_160 = arith.constant 0 : i32
      %dma_wait3A_161 = tpu.memref_slice %arg4[%dma_wait3A_156, %add3A_155, %dma_wait3A_160] : memref<4x8192x1024xf32, #tpu.memory_space<hbm>> -> memref<1x16x1024xf32, #tpu.memory_space<hbm>>
      %dma_wait3A_162 = tpu.memref_squeeze %dma_wait3A_161 : memref<1x16x1024xf32, #tpu.memory_space<hbm>> -> memref<16x1024xf32, #tpu.memory_space<hbm>>
      tpu.wait_dma2 semaphore(%arg13 : memref<!tpu.dma_semaphore, #tpu.memory_space<semaphore_mem>>) src(%arg7 : memref<16x1024xf32, #tpu.memory_space<vmem>>) dst(%dma_wait3A_162 : memref<16x1024xf32, #tpu.memory_space<hbm>>)
      %parallel_loop3A_163 = arith.constant 0 : i32
      %parallel_loop3A_164 = arith.constant 128 : i32
      %parallel_loop3A_165 = arith.constant 1 : i32
      scf.for %parallel_loop3A_401 = %parallel_loop3A_163 to %parallel_loop3A_164 step %parallel_loop3A_165  : i32 {
        %parallel_loop3A_402 = arith.constant 8 : i32
        %parallel_loop3A_403 = arith.divsi %parallel_loop3A_401, %parallel_loop3A_402 : i32
        %parallel_loop3A_404 = arith.constant 0 : i32
        %parallel_loop3A_405 = arith.cmpi sgt, %parallel_loop3A_401, %parallel_loop3A_404 : i32
        %parallel_loop3A_406 = arith.extui %parallel_loop3A_405 : i1 to i32
        %parallel_loop3A_407 = arith.constant 0 : i32
        %parallel_loop3A_408 = arith.cmpi slt, %parallel_loop3A_401, %parallel_loop3A_407 : i32
        %parallel_loop3A_409 = arith.extui %parallel_loop3A_408 : i1 to i32
        %parallel_loop3A_410 = arith.subi %parallel_loop3A_406, %parallel_loop3A_409 : i32
        %parallel_loop3A_411 = arith.constant 0 : i32
        %parallel_loop3A_412 = arith.cmpi sgt, %parallel_loop3A_402, %parallel_loop3A_411 : i32
        %parallel_loop3A_413 = arith.extui %parallel_loop3A_412 : i1 to i32
        %parallel_loop3A_414 = arith.constant 0 : i32
        %parallel_loop3A_415 = arith.cmpi slt, %parallel_loop3A_402, %parallel_loop3A_414 : i32
        %parallel_loop3A_416 = arith.extui %parallel_loop3A_415 : i1 to i32
        %parallel_loop3A_417 = arith.subi %parallel_loop3A_413, %parallel_loop3A_416 : i32
        %parallel_loop3A_418 = arith.cmpi ne, %parallel_loop3A_410, %parallel_loop3A_417 : i32
        %parallel_loop3A_419 = arith.remsi %parallel_loop3A_401, %parallel_loop3A_402 : i32
        %parallel_loop3A_420 = arith.constant 0 : i32
        %parallel_loop3A_421 = arith.cmpi ne, %parallel_loop3A_419, %parallel_loop3A_420 : i32
        %parallel_loop3A_422 = arith.andi %parallel_loop3A_418, %parallel_loop3A_421 : i1
        %parallel_loop3A_423 = arith.constant 1 : i32
        %parallel_loop3A_424 = arith.subi %parallel_loop3A_403, %parallel_loop3A_423 : i32
        %parallel_loop3A_425 = arith.select %parallel_loop3A_422, %parallel_loop3A_424, %parallel_loop3A_403 : i32
        %parallel_loop3A_426 = arith.constant 8 : i32
        %parallel_loop3A_427 = arith.constant 0 : i32
        %parallel_loop3A_428 = arith.cmpi eq, %parallel_loop3A_426, %parallel_loop3A_427 : i32
        %parallel_loop3A_429 = arith.constant 1 : i32
        %parallel_loop3A_430 = arith.select %parallel_loop3A_428, %parallel_loop3A_429, %parallel_loop3A_426 : i32
        %parallel_loop3A_431 = arith.remsi %parallel_loop3A_401, %parallel_loop3A_430 : i32
        %parallel_loop3A_432 = arith.constant 0 : i32
        %parallel_loop3A_433 = arith.cmpi ne, %parallel_loop3A_431, %parallel_loop3A_432 : i32
        %parallel_loop3A_434 = arith.constant 0 : i32
        %parallel_loop3A_435 = arith.cmpi slt, %parallel_loop3A_431, %parallel_loop3A_434 : i32
        %parallel_loop3A_436 = arith.constant 0 : i32
        %parallel_loop3A_437 = arith.cmpi slt, %parallel_loop3A_430, %parallel_loop3A_436 : i32
        %parallel_loop3A_438 = arith.xori %parallel_loop3A_435, %parallel_loop3A_437 : i1
        %parallel_loop3A_439 = arith.andi %parallel_loop3A_438, %parallel_loop3A_433 : i1
        %parallel_loop3A_440 = arith.addi %parallel_loop3A_431, %parallel_loop3A_430 : i32
        %parallel_loop3A_441 = arith.select %parallel_loop3A_439, %parallel_loop3A_440, %parallel_loop3A_431 : i32
        %parallel_loop3A_442 = arith.constant 128 : i32
        %parallel_loop3A_443 = arith.muli %parallel_loop3A_441, %parallel_loop3A_442 : i32
        %parallel_loop3A_444 = arith.constant 0 : i32
        %parallel_loop3A_445 = arith.addi %parallel_loop3A_443, %parallel_loop3A_444 : i32
        %parallel_loop3A_446 = arith.index_cast %parallel_loop3A_425 : i32 to index
        %parallel_loop3A_447 = arith.index_cast %parallel_loop3A_445 : i32 to index
        %parallel_loop3A_448 = tpu.vector_load %arg5[%parallel_loop3A_446, %parallel_loop3A_447] {strides = array<i32>} : memref<16x1024xf32, #tpu.memory_space<vmem>>, vector<1x16xf32>,
        %parallel_loop3A_449 = vector.shape_cast %parallel_loop3A_448 : vector<1x16xf32> to vector<16xf32>
        %parallel_loop3A_450 = arith.index_cast %parallel_loop3A_425 : i32 to index
        %parallel_loop3A_451 = arith.index_cast %parallel_loop3A_445 : i32 to index
        %parallel_loop3A_452 = tpu.vector_load %arg9[%parallel_loop3A_450, %parallel_loop3A_451] {strides = array<i32>} : memref<16x1024xf32, #tpu.memory_space<vmem>>, vector<1x16xf32>,
        %parallel_loop3A_453 = vector.shape_cast %parallel_loop3A_452 : vector<1x16xf32> to vector<16xf32>
        %parallel_loop3A_454 = arith.addf %parallel_loop3A_449, %parallel_loop3A_453 : vector<16xf32>
        %parallel_loop3A_455 = arith.index_cast %parallel_loop3A_425 : i32 to index
        %parallel_loop3A_456 = arith.index_cast %parallel_loop3A_445 : i32 to index
        %parallel_loop3A_457 = tpu.vector_load %arg7[%parallel_loop3A_455, %parallel_loop3A_456] {strides = array<i32>} : memref<16x1024xf32, #tpu.memory_space<vmem>>, vector<1x16xf32>,
        %parallel_loop3A_458 = vector.shape_cast %parallel_loop3A_457 : vector<1x16xf32> to vector<16xf32>
        %parallel_loop3A_459 = vector.shape_cast %parallel_loop3A_454 : vector<16xf32> to vector<1x16xf32>
        tpu.vector_store %arg7[%parallel_loop3A_455, %parallel_loop3A_456], %parallel_loop3A_459 {strides = array<i32>} : memref<16x1024xf32, #tpu.memory_space<vmem>>, vector<1x16xf32>,
        %parallel_loop3A_460 = arith.constant 16 : i32
        %parallel_loop3A_461 = arith.addi %parallel_loop3A_443, %parallel_loop3A_460 : i32
        %parallel_loop3A_462 = arith.index_cast %parallel_loop3A_425 : i32 to index
        %parallel_loop3A_463 = arith.index_cast %parallel_loop3A_461 : i32 to index
        %parallel_loop3A_464 = tpu.vector_load %arg5[%parallel_loop3A_462, %parallel_loop3A_463] {strides = array<i32>} : memref<16x1024xf32, #tpu.memory_space<vmem>>, vector<1x16xf32>,
        %parallel_loop3A_465 = vector.shape_cast %parallel_loop3A_464 : vector<1x16xf32> to vector<16xf32>
        %parallel_loop3A_466 = arith.index_cast %parallel_loop3A_425 : i32 to index
        %parallel_loop3A_467 = arith.index_cast %parallel_loop3A_461 : i32 to index
        %parallel_loop3A_468 = tpu.vector_load %arg9[%parallel_loop3A_466, %parallel_loop3A_467] {strides = array<i32>} : memref<16x1024xf32, #tpu.memory_space<vmem>>, vector<1x16xf32>,
        %parallel_loop3A_469 = vector.shape_cast %parallel_loop3A_468 : vector<1x16xf32> to vector<16xf32>
        %parallel_loop3A_470 = arith.addf %parallel_loop3A_465, %parallel_loop3A_469 : vector<16xf32>
        %parallel_loop3A_471 = arith.index_cast %parallel_loop3A_425 : i32 to index
        %parallel_loop3A_472 = arith.index_cast %parallel_loop3A_461 : i32 to index
        %parallel_loop3A_473 = tpu.vector_load %arg7[%parallel_loop3A_471, %parallel_loop3A_472] {strides = array<i32>} : memref<16x1024xf32, #tpu.memory_space<vmem>>, vector<1x16xf32>,
        %parallel_loop3A_474 = vector.shape_cast %parallel_loop3A_473 : vector<1x16xf32> to vector<16xf32>
        %parallel_loop3A_475 = vector.shape_cast %parallel_loop3A_470 : vector<16xf32> to vector<1x16xf32>
        tpu.vector_store %arg7[%parallel_loop3A_471, %parallel_loop3A_472], %parallel_loop3A_475 {strides = array<i32>} : memref<16x1024xf32, #tpu.memory_space<vmem>>, vector<1x16xf32>,
        %parallel_loop3A_476 = arith.constant 32 : i32
        %parallel_loop3A_477 = arith.addi %parallel_loop3A_443, %parallel_loop3A_476 : i32
        %parallel_loop3A_478 = arith.index_cast %parallel_loop3A_425 : i32 to index
        %parallel_loop3A_479 = arith.index_cast %parallel_loop3A_477 : i32 to index
        %parallel_loop3A_480 = tpu.vector_load %arg5[%parallel_loop3A_478, %parallel_loop3A_479] {strides = array<i32>} : memref<16x1024xf32, #tpu.memory_space<vmem>>, vector<1x16xf32>,
        %parallel_loop3A_481 = vector.shape_cast %parallel_loop3A_480 : vector<1x16xf32> to vector<16xf32>
        %parallel_loop3A_482 = arith.index_cast %parallel_loop3A_425 : i32 to index
        %parallel_loop3A_483 = arith.index_cast %parallel_loop3A_477 : i32 to index
        %parallel_loop3A_484 = tpu.vector_load %arg9[%parallel_loop3A_482, %parallel_loop3A_483] {strides = array<i32>} : memref<16x1024xf32, #tpu.memory_space<vmem>>, vector<1x16xf32>,
        %parallel_loop3A_485 = vector.shape_cast %parallel_loop3A_484 : vector<1x16xf32> to vector<16xf32>
        %parallel_loop3A_486 = arith.addf %parallel_loop3A_481, %parallel_loop3A_485 : vector<16xf32>
        %parallel_loop3A_487 = arith.index_cast %parallel_loop3A_425 : i32 to index
        %parallel_loop3A_488 = arith.index_cast %parallel_loop3A_477 : i32 to index
        %parallel_loop3A_489 = tpu.vector_load %arg7[%parallel_loop3A_487, %parallel_loop3A_488] {strides = array<i32>} : memref<16x1024xf32, #tpu.memory_space<vmem>>, vector<1x16xf32>,
        %parallel_loop3A_490 = vector.shape_cast %parallel_loop3A_489 : vector<1x16xf32> to vector<16xf32>
        %parallel_loop3A_491 = vector.shape_cast %parallel_loop3A_486 : vector<16xf32> to vector<1x16xf32>
        tpu.vector_store %arg7[%parallel_loop3A_487, %parallel_loop3A_488], %parallel_loop3A_491 {strides = array<i32>} : memref<16x1024xf32, #tpu.memory_space<vmem>>, vector<1x16xf32>,
        %parallel_loop3A_492 = arith.constant 48 : i32
        %parallel_loop3A_493 = arith.addi %parallel_loop3A_443, %parallel_loop3A_492 : i32
        %parallel_loop3A_494 = arith.index_cast %parallel_loop3A_425 : i32 to index
        %parallel_loop3A_495 = arith.index_cast %parallel_loop3A_493 : i32 to index
        %parallel_loop3A_496 = tpu.vector_load %arg5[%parallel_loop3A_494, %parallel_loop3A_495] {strides = array<i32>} : memref<16x1024xf32, #tpu.memory_space<vmem>>, vector<1x16xf32>,
        %parallel_loop3A_497 = vector.shape_cast %parallel_loop3A_496 : vector<1x16xf32> to vector<16xf32>
        %parallel_loop3A_498 = arith.index_cast %parallel_loop3A_425 : i32 to index
        %parallel_loop3A_499 = arith.index_cast %parallel_loop3A_493 : i32 to index
        %parallel_loop3A_500 = tpu.vector_load %arg9[%parallel_loop3A_498, %parallel_loop3A_499] {strides = array<i32>} : memref<16x1024xf32, #tpu.memory_space<vmem>>, vector<1x16xf32>,
        %parallel_loop3A_501 = vector.shape_cast %parallel_loop3A_500 : vector<1x16xf32> to vector<16xf32>
        %parallel_loop3A_502 = arith.addf %parallel_loop3A_497, %parallel_loop3A_501 : vector<16xf32>
        %parallel_loop3A_503 = arith.index_cast %parallel_loop3A_425 : i32 to index
        %parallel_loop3A_504 = arith.index_cast %parallel_loop3A_493 : i32 to index
        %parallel_loop3A_505 = tpu.vector_load %arg7[%parallel_loop3A_503, %parallel_loop3A_504] {strides = array<i32>} : memref<16x1024xf32, #tpu.memory_space<vmem>>, vector<1x16xf32>,
        %parallel_loop3A_506 = vector.shape_cast %parallel_loop3A_505 : vector<1x16xf32> to vector<16xf32>
        %parallel_loop3A_507 = vector.shape_cast %parallel_loop3A_502 : vector<16xf32> to vector<1x16xf32>
        tpu.vector_store %arg7[%parallel_loop3A_503, %parallel_loop3A_504], %parallel_loop3A_507 {strides = array<i32>} : memref<16x1024xf32, #tpu.memory_space<vmem>>, vector<1x16xf32>,
        %parallel_loop3A_508 = arith.constant 64 : i32
        %parallel_loop3A_509 = arith.addi %parallel_loop3A_443, %parallel_loop3A_508 : i32
        %parallel_loop3A_510 = arith.index_cast %parallel_loop3A_425 : i32 to index
        %parallel_loop3A_511 = arith.index_cast %parallel_loop3A_509 : i32 to index
        %parallel_loop3A_512 = tpu.vector_load %arg5[%parallel_loop3A_510, %parallel_loop3A_511] {strides = array<i32>} : memref<16x1024xf32, #tpu.memory_space<vmem>>, vector<1x16xf32>,
        %parallel_loop3A_513 = vector.shape_cast %parallel_loop3A_512 : vector<1x16xf32> to vector<16xf32>
        %parallel_loop3A_514 = arith.index_cast %parallel_loop3A_425 : i32 to index
        %parallel_loop3A_515 = arith.index_cast %parallel_loop3A_509 : i32 to index
        %parallel_loop3A_516 = tpu.vector_load %arg9[%parallel_loop3A_514, %parallel_loop3A_515] {strides = array<i32>} : memref<16x1024xf32, #tpu.memory_space<vmem>>, vector<1x16xf32>,
        %parallel_loop3A_517 = vector.shape_cast %parallel_loop3A_516 : vector<1x16xf32> to vector<16xf32>
        %parallel_loop3A_518 = arith.addf %parallel_loop3A_513, %parallel_loop3A_517 : vector<16xf32>
        %parallel_loop3A_519 = arith.index_cast %parallel_loop3A_425 : i32 to index
        %parallel_loop3A_520 = arith.index_cast %parallel_loop3A_509 : i32 to index
        %parallel_loop3A_521 = tpu.vector_load %arg7[%parallel_loop3A_519, %parallel_loop3A_520] {strides = array<i32>} : memref<16x1024xf32, #tpu.memory_space<vmem>>, vector<1x16xf32>,
        %parallel_loop3A_522 = vector.shape_cast %parallel_loop3A_521 : vector<1x16xf32> to vector<16xf32>
        %parallel_loop3A_523 = vector.shape_cast %parallel_loop3A_518 : vector<16xf32> to vector<1x16xf32>
        tpu.vector_store %arg7[%parallel_loop3A_519, %parallel_loop3A_520], %parallel_loop3A_523 {strides = array<i32>} : memref<16x1024xf32, #tpu.memory_space<vmem>>, vector<1x16xf32>,
        %parallel_loop3A_524 = arith.constant 80 : i32
        %parallel_loop3A_525 = arith.addi %parallel_loop3A_443, %parallel_loop3A_524 : i32
        %parallel_loop3A_526 = arith.index_cast %parallel_loop3A_425 : i32 to index
        %parallel_loop3A_527 = arith.index_cast %parallel_loop3A_525 : i32 to index
        %parallel_loop3A_528 = tpu.vector_load %arg5[%parallel_loop3A_526, %parallel_loop3A_527] {strides = array<i32>} : memref<16x1024xf32, #tpu.memory_space<vmem>>, vector<1x16xf32>,
        %parallel_loop3A_529 = vector.shape_cast %parallel_loop3A_528 : vector<1x16xf32> to vector<16xf32>
        %parallel_loop3A_530 = arith.index_cast %parallel_loop3A_425 : i32 to index
        %parallel_loop3A_531 = arith.index_cast %parallel_loop3A_525 : i32 to index
        %parallel_loop3A_532 = tpu.vector_load %arg9[%parallel_loop3A_530, %parallel_loop3A_531] {strides = array<i32>} : memref<16x1024xf32, #tpu.memory_space<vmem>>, vector<1x16xf32>,
        %parallel_loop3A_533 = vector.shape_cast %parallel_loop3A_532 : vector<1x16xf32> to vector<16xf32>
        %parallel_loop3A_534 = arith.addf %parallel_loop3A_529, %parallel_loop3A_533 : vector<16xf32>
        %parallel_loop3A_535 = arith.index_cast %parallel_loop3A_425 : i32 to index
        %parallel_loop3A_536 = arith.index_cast %parallel_loop3A_525 : i32 to index
        %parallel_loop3A_537 = tpu.vector_load %arg7[%parallel_loop3A_535, %parallel_loop3A_536] {strides = array<i32>} : memref<16x1024xf32, #tpu.memory_space<vmem>>, vector<1x16xf32>,
        %parallel_loop3A_538 = vector.shape_cast %parallel_loop3A_537 : vector<1x16xf32> to vector<16xf32>
        %parallel_loop3A_539 = vector.shape_cast %parallel_loop3A_534 : vector<16xf32> to vector<1x16xf32>
        tpu.vector_store %arg7[%parallel_loop3A_535, %parallel_loop3A_536], %parallel_loop3A_539 {strides = array<i32>} : memref<16x1024xf32, #tpu.memory_space<vmem>>, vector<1x16xf32>,
        %parallel_loop3A_540 = arith.constant 96 : i32
        %parallel_loop3A_541 = arith.addi %parallel_loop3A_443, %parallel_loop3A_540 : i32
        %parallel_loop3A_542 = arith.index_cast %parallel_loop3A_425 : i32 to index
        %parallel_loop3A_543 = arith.index_cast %parallel_loop3A_541 : i32 to index
        %parallel_loop3A_544 = tpu.vector_load %arg5[%parallel_loop3A_542, %parallel_loop3A_543] {strides = array<i32>} : memref<16x1024xf32, #tpu.memory_space<vmem>>, vector<1x16xf32>,
        %parallel_loop3A_545 = vector.shape_cast %parallel_loop3A_544 : vector<1x16xf32> to vector<16xf32>
        %parallel_loop3A_546 = arith.index_cast %parallel_loop3A_425 : i32 to index
        %parallel_loop3A_547 = arith.index_cast %parallel_loop3A_541 : i32 to index
        %parallel_loop3A_548 = tpu.vector_load %arg9[%parallel_loop3A_546, %parallel_loop3A_547] {strides = array<i32>} : memref<16x1024xf32, #tpu.memory_space<vmem>>, vector<1x16xf32>,
        %parallel_loop3A_549 = vector.shape_cast %parallel_loop3A_548 : vector<1x16xf32> to vector<16xf32>
        %parallel_loop3A_550 = arith.addf %parallel_loop3A_545, %parallel_loop3A_549 : vector<16xf32>
        %parallel_loop3A_551 = arith.index_cast %parallel_loop3A_425 : i32 to index
        %parallel_loop3A_552 = arith.index_cast %parallel_loop3A_541 : i32 to index
        %parallel_loop3A_553 = tpu.vector_load %arg7[%parallel_loop3A_551, %parallel_loop3A_552] {strides = array<i32>} : memref<16x1024xf32, #tpu.memory_space<vmem>>, vector<1x16xf32>,
        %parallel_loop3A_554 = vector.shape_cast %parallel_loop3A_553 : vector<1x16xf32> to vector<16xf32>
        %parallel_loop3A_555 = vector.shape_cast %parallel_loop3A_550 : vector<16xf32> to vector<1x16xf32>
        tpu.vector_store %arg7[%parallel_loop3A_551, %parallel_loop3A_552], %parallel_loop3A_555 {strides = array<i32>} : memref<16x1024xf32, #tpu.memory_space<vmem>>, vector<1x16xf32>,
        %parallel_loop3A_556 = arith.constant 112 : i32
        %parallel_loop3A_557 = arith.addi %parallel_loop3A_443, %parallel_loop3A_556 : i32
        %parallel_loop3A_558 = arith.index_cast %parallel_loop3A_425 : i32 to index
        %parallel_loop3A_559 = arith.index_cast %parallel_loop3A_557 : i32 to index
        %parallel_loop3A_560 = tpu.vector_load %arg5[%parallel_loop3A_558, %parallel_loop3A_559] {strides = array<i32>} : memref<16x1024xf32, #tpu.memory_space<vmem>>, vector<1x16xf32>,
        %parallel_loop3A_561 = vector.shape_cast %parallel_loop3A_560 : vector<1x16xf32> to vector<16xf32>
        %parallel_loop3A_562 = arith.index_cast %parallel_loop3A_425 : i32 to index
        %parallel_loop3A_563 = arith.index_cast %parallel_loop3A_557 : i32 to index
        %parallel_loop3A_564 = tpu.vector_load %arg9[%parallel_loop3A_562, %parallel_loop3A_563] {strides = array<i32>} : memref<16x1024xf32, #tpu.memory_space<vmem>>, vector<1x16xf32>,
        %parallel_loop3A_565 = vector.shape_cast %parallel_loop3A_564 : vector<1x16xf32> to vector<16xf32>
        %parallel_loop3A_566 = arith.addf %parallel_loop3A_561, %parallel_loop3A_565 : vector<16xf32>
        %parallel_loop3A_567 = arith.index_cast %parallel_loop3A_425 : i32 to index
        %parallel_loop3A_568 = arith.index_cast %parallel_loop3A_557 : i32 to index
        %parallel_loop3A_569 = tpu.vector_load %arg7[%parallel_loop3A_567, %parallel_loop3A_568] {strides = array<i32>} : memref<16x1024xf32, #tpu.memory_space<vmem>>, vector<1x16xf32>,
        %parallel_loop3A_570 = vector.shape_cast %parallel_loop3A_569 : vector<1x16xf32> to vector<16xf32>
        %parallel_loop3A_571 = vector.shape_cast %parallel_loop3A_566 : vector<16xf32> to vector<1x16xf32>
        tpu.vector_store %arg7[%parallel_loop3A_567, %parallel_loop3A_568], %parallel_loop3A_571 {strides = array<i32>} : memref<16x1024xf32, #tpu.memory_space<vmem>>, vector<1x16xf32>,
      } {sc.loop_unroll_factor = 4 : i64, sc.parallel_access}
      %mul3A_166 = arith.constant 16 : i32
      %mul3A_167 = arith.muli %add3A_54, %mul3A_166 : i32
      %add3A_168 = arith.addi %mul3A_2, %mul3A_167 : i32
      %dma_start3A_169 = arith.constant 2 : i32
      %dma_start3A_170 = arith.constant 0 : i32
      %dma_start3A_171 = tpu.memref_slice %arg4[%dma_start3A_169, %add3A_168, %dma_start3A_170] : memref<4x8192x1024xf32, #tpu.memory_space<hbm>> -> memref<1x16x1024xf32, #tpu.memory_space<hbm>>
      %dma_start3A_172 = tpu.memref_squeeze %dma_start3A_171 : memref<1x16x1024xf32, #tpu.memory_space<hbm>> -> memref<16x1024xf32, #tpu.memory_space<hbm>>
      %dma_start3A_173 = arith.constant 0 : i32
      %dma_start3A_174 = tpu.memref_slice %arg4[%dma_start3A_169, %add3A_168, %dma_start3A_173] : memref<4x8192x1024xf32, #tpu.memory_space<hbm>> -> memref<1x16x1024xf32, #tpu.memory_space<hbm>>
      %dma_start3A_175 = tpu.memref_squeeze %dma_start3A_174 : memref<1x16x1024xf32, #tpu.memory_space<hbm>> -> memref<16x1024xf32, #tpu.memory_space<hbm>>
      tpu.enqueue_dma source(%arg7 : memref<16x1024xf32, #tpu.memory_space<vmem>>) target(%dma_start3A_175 : memref<16x1024xf32, #tpu.memory_space<hbm>>) target_semaphore(%arg13 : memref<!tpu.dma_semaphore, #tpu.memory_space<semaphore_mem>>)
      %add3A_176 = arith.constant 1 : i32
      %add3A_177 = arith.addi %add3A_54, %add3A_176 : i32
      %mul3A_178 = arith.constant 16 : i32
      %mul3A_179 = arith.muli %add3A_177, %mul3A_178 : i32
      %add3A_180 = arith.addi %mul3A_2, %mul3A_179 : i32
      %dma_start3A_181 = arith.constant 0 : i32
      %dma_start3A_182 = arith.constant 0 : i32
      %dma_start3A_183 = tpu.memref_slice %arg2[%dma_start3A_181, %add3A_180, %dma_start3A_182] : memref<4x8192x1024xf32, #tpu.memory_space<hbm>> -> memref<1x16x1024xf32, #tpu.memory_space<hbm>>
      %dma_start3A_184 = tpu.memref_squeeze %dma_start3A_183 : memref<1x16x1024xf32, #tpu.memory_space<hbm>> -> memref<16x1024xf32, #tpu.memory_space<hbm>>
      %dma_start3A_185 = arith.constant 0 : i32
      %dma_start3A_186 = tpu.memref_slice %arg2[%dma_start3A_181, %add3A_180, %dma_start3A_185] : memref<4x8192x1024xf32, #tpu.memory_space<hbm>> -> memref<1x16x1024xf32, #tpu.memory_space<hbm>>
      %dma_start3A_187 = tpu.memref_squeeze %dma_start3A_186 : memref<1x16x1024xf32, #tpu.memory_space<hbm>> -> memref<16x1024xf32, #tpu.memory_space<hbm>>
      tpu.enqueue_dma source(%dma_start3A_187 : memref<16x1024xf32, #tpu.memory_space<hbm>>) target(%arg5 : memref<16x1024xf32, #tpu.memory_space<vmem>>) target_semaphore(%arg11 : memref<!tpu.dma_semaphore, #tpu.memory_space<semaphore_mem>>)
      %mul3A_188 = arith.constant 16 : i32
      %mul3A_189 = arith.muli %add3A_54, %mul3A_188 : i32
      %add3A_190 = arith.addi %mul3A_2, %mul3A_189 : i32
      %dma_wait3A_191 = arith.constant 3 : i32
      %dma_wait3A_192 = arith.constant 0 : i32
      %dma_wait3A_193 = tpu.memref_slice %arg2[%dma_wait3A_191, %add3A_190, %dma_wait3A_192] : memref<4x8192x1024xf32, #tpu.memory_space<hbm>> -> memref<1x16x1024xf32, #tpu.memory_space<hbm>>
      %dma_wait3A_194 = tpu.memref_squeeze %dma_wait3A_193 : memref<1x16x1024xf32, #tpu.memory_space<hbm>> -> memref<16x1024xf32, #tpu.memory_space<hbm>>
      %dma_wait3A_195 = arith.constant 0 : i32
      %dma_wait3A_196 = tpu.memref_slice %arg2[%dma_wait3A_191, %add3A_190, %dma_wait3A_195] : memref<4x8192x1024xf32, #tpu.memory_space<hbm>> -> memref<1x16x1024xf32, #tpu.memory_space<hbm>>
      %dma_wait3A_197 = tpu.memref_squeeze %dma_wait3A_196 : memref<1x16x1024xf32, #tpu.memory_space<hbm>> -> memref<16x1024xf32, #tpu.memory_space<hbm>>
      tpu.wait_dma2 semaphore(%arg12 : memref<!tpu.dma_semaphore, #tpu.memory_space<semaphore_mem>>) src(%dma_wait3A_197 : memref<16x1024xf32, #tpu.memory_space<hbm>>) dst(%arg6 : memref<16x1024xf32, #tpu.memory_space<vmem>>)
      %mul3A_198 = arith.constant 16 : i32
      %mul3A_199 = arith.muli %add3A_54, %mul3A_198 : i32
      %add3A_200 = arith.addi %mul3A_2, %mul3A_199 : i32
      %dma_wait3A_201 = arith.constant 1 : i32
      %dma_wait3A_202 = arith.constant 0 : i32
      %dma_wait3A_203 = tpu.memref_slice %arg4[%dma_wait3A_201, %add3A_200, %dma_wait3A_202] : memref<4x8192x1024xf32, #tpu.memory_space<hbm>> -> memref<1x16x1024xf32, #tpu.memory_space<hbm>>
      %dma_wait3A_204 = tpu.memref_squeeze %dma_wait3A_203 : memref<1x16x1024xf32, #tpu.memory_space<hbm>> -> memref<16x1024xf32, #tpu.memory_space<hbm>>
      %dma_wait3A_205 = arith.constant 0 : i32
      %dma_wait3A_206 = tpu.memref_slice %arg4[%dma_wait3A_201, %add3A_200, %dma_wait3A_205] : memref<4x8192x1024xf32, #tpu.memory_space<hbm>> -> memref<1x16x1024xf32, #tpu.memory_space<hbm>>
      %dma_wait3A_207 = tpu.memref_squeeze %dma_wait3A_206 : memref<1x16x1024xf32, #tpu.memory_space<hbm>> -> memref<16x1024xf32, #tpu.memory_space<hbm>>
      tpu.wait_dma2 semaphore(%arg14 : memref<!tpu.dma_semaphore, #tpu.memory_space<semaphore_mem>>) src(%arg8 : memref<16x1024xf32, #tpu.memory_space<vmem>>) dst(%dma_wait3A_207 : memref<16x1024xf32, #tpu.memory_space<hbm>>)
      %parallel_loop3A_208 = arith.constant 0 : i32
      %parallel_loop3A_209 = arith.constant 128 : i32
      %parallel_loop3A_210 = arith.constant 1 : i32
      scf.for %parallel_loop3A_401 = %parallel_loop3A_208 to %parallel_loop3A_209 step %parallel_loop3A_210  : i32 {
        %parallel_loop3A_402 = arith.constant 8 : i32
        %parallel_loop3A_403 = arith.divsi %parallel_loop3A_401, %parallel_loop3A_402 : i32
        %parallel_loop3A_404 = arith.constant 0 : i32
        %parallel_loop3A_405 = arith.cmpi sgt, %parallel_loop3A_401, %parallel_loop3A_404 : i32
        %parallel_loop3A_406 = arith.extui %parallel_loop3A_405 : i1 to i32
        %parallel_loop3A_407 = arith.constant 0 : i32
        %parallel_loop3A_408 = arith.cmpi slt, %parallel_loop3A_401, %parallel_loop3A_407 : i32
        %parallel_loop3A_409 = arith.extui %parallel_loop3A_408 : i1 to i32
        %parallel_loop3A_410 = arith.subi %parallel_loop3A_406, %parallel_loop3A_409 : i32
        %parallel_loop3A_411 = arith.constant 0 : i32
        %parallel_loop3A_412 = arith.cmpi sgt, %parallel_loop3A_402, %parallel_loop3A_411 : i32
        %parallel_loop3A_413 = arith.extui %parallel_loop3A_412 : i1 to i32
        %parallel_loop3A_414 = arith.constant 0 : i32
        %parallel_loop3A_415 = arith.cmpi slt, %parallel_loop3A_402, %parallel_loop3A_414 : i32
        %parallel_loop3A_416 = arith.extui %parallel_loop3A_415 : i1 to i32
        %parallel_loop3A_417 = arith.subi %parallel_loop3A_413, %parallel_loop3A_416 : i32
        %parallel_loop3A_418 = arith.cmpi ne, %parallel_loop3A_410, %parallel_loop3A_417 : i32
        %parallel_loop3A_419 = arith.remsi %parallel_loop3A_401, %parallel_loop3A_402 : i32
        %parallel_loop3A_420 = arith.constant 0 : i32
        %parallel_loop3A_421 = arith.cmpi ne, %parallel_loop3A_419, %parallel_loop3A_420 : i32
        %parallel_loop3A_422 = arith.andi %parallel_loop3A_418, %parallel_loop3A_421 : i1
        %parallel_loop3A_423 = arith.constant 1 : i32
        %parallel_loop3A_424 = arith.subi %parallel_loop3A_403, %parallel_loop3A_423 : i32
        %parallel_loop3A_425 = arith.select %parallel_loop3A_422, %parallel_loop3A_424, %parallel_loop3A_403 : i32
        %parallel_loop3A_426 = arith.constant 8 : i32
        %parallel_loop3A_427 = arith.constant 0 : i32
        %parallel_loop3A_428 = arith.cmpi eq, %parallel_loop3A_426, %parallel_loop3A_427 : i32
        %parallel_loop3A_429 = arith.constant 1 : i32
        %parallel_loop3A_430 = arith.select %parallel_loop3A_428, %parallel_loop3A_429, %parallel_loop3A_426 : i32
        %parallel_loop3A_431 = arith.remsi %parallel_loop3A_401, %parallel_loop3A_430 : i32
        %parallel_loop3A_432 = arith.constant 0 : i32
        %parallel_loop3A_433 = arith.cmpi ne, %parallel_loop3A_431, %parallel_loop3A_432 : i32
        %parallel_loop3A_434 = arith.constant 0 : i32
        %parallel_loop3A_435 = arith.cmpi slt, %parallel_loop3A_431, %parallel_loop3A_434 : i32
        %parallel_loop3A_436 = arith.constant 0 : i32
        %parallel_loop3A_437 = arith.cmpi slt, %parallel_loop3A_430, %parallel_loop3A_436 : i32
        %parallel_loop3A_438 = arith.xori %parallel_loop3A_435, %parallel_loop3A_437 : i1
        %parallel_loop3A_439 = arith.andi %parallel_loop3A_438, %parallel_loop3A_433 : i1
        %parallel_loop3A_440 = arith.addi %parallel_loop3A_431, %parallel_loop3A_430 : i32
        %parallel_loop3A_441 = arith.select %parallel_loop3A_439, %parallel_loop3A_440, %parallel_loop3A_431 : i32
        %parallel_loop3A_442 = arith.constant 128 : i32
        %parallel_loop3A_443 = arith.muli %parallel_loop3A_441, %parallel_loop3A_442 : i32
        %parallel_loop3A_444 = arith.constant 0 : i32
        %parallel_loop3A_445 = arith.addi %parallel_loop3A_443, %parallel_loop3A_444 : i32
        %parallel_loop3A_446 = arith.index_cast %parallel_loop3A_425 : i32 to index
        %parallel_loop3A_447 = arith.index_cast %parallel_loop3A_445 : i32 to index
        %parallel_loop3A_448 = tpu.vector_load %arg6[%parallel_loop3A_446, %parallel_loop3A_447] {strides = array<i32>} : memref<16x1024xf32, #tpu.memory_space<vmem>>, vector<1x16xf32>,
        %parallel_loop3A_449 = vector.shape_cast %parallel_loop3A_448 : vector<1x16xf32> to vector<16xf32>
        %parallel_loop3A_450 = arith.index_cast %parallel_loop3A_425 : i32 to index
        %parallel_loop3A_451 = arith.index_cast %parallel_loop3A_445 : i32 to index
        %parallel_loop3A_452 = tpu.vector_load %arg9[%parallel_loop3A_450, %parallel_loop3A_451] {strides = array<i32>} : memref<16x1024xf32, #tpu.memory_space<vmem>>, vector<1x16xf32>,
        %parallel_loop3A_453 = vector.shape_cast %parallel_loop3A_452 : vector<1x16xf32> to vector<16xf32>
        %parallel_loop3A_454 = arith.addf %parallel_loop3A_449, %parallel_loop3A_453 : vector<16xf32>
        %parallel_loop3A_455 = arith.index_cast %parallel_loop3A_425 : i32 to index
        %parallel_loop3A_456 = arith.index_cast %parallel_loop3A_445 : i32 to index
        %parallel_loop3A_457 = tpu.vector_load %arg8[%parallel_loop3A_455, %parallel_loop3A_456] {strides = array<i32>} : memref<16x1024xf32, #tpu.memory_space<vmem>>, vector<1x16xf32>,
        %parallel_loop3A_458 = vector.shape_cast %parallel_loop3A_457 : vector<1x16xf32> to vector<16xf32>
        %parallel_loop3A_459 = vector.shape_cast %parallel_loop3A_454 : vector<16xf32> to vector<1x16xf32>
        tpu.vector_store %arg8[%parallel_loop3A_455, %parallel_loop3A_456], %parallel_loop3A_459 {strides = array<i32>} : memref<16x1024xf32, #tpu.memory_space<vmem>>, vector<1x16xf32>,
        %parallel_loop3A_460 = arith.constant 16 : i32
        %parallel_loop3A_461 = arith.addi %parallel_loop3A_443, %parallel_loop3A_460 : i32
        %parallel_loop3A_462 = arith.index_cast %parallel_loop3A_425 : i32 to index
        %parallel_loop3A_463 = arith.index_cast %parallel_loop3A_461 : i32 to index
        %parallel_loop3A_464 = tpu.vector_load %arg6[%parallel_loop3A_462, %parallel_loop3A_463] {strides = array<i32>} : memref<16x1024xf32, #tpu.memory_space<vmem>>, vector<1x16xf32>,
        %parallel_loop3A_465 = vector.shape_cast %parallel_loop3A_464 : vector<1x16xf32> to vector<16xf32>
        %parallel_loop3A_466 = arith.index_cast %parallel_loop3A_425 : i32 to index
        %parallel_loop3A_467 = arith.index_cast %parallel_loop3A_461 : i32 to index
        %parallel_loop3A_468 = tpu.vector_load %arg9[%parallel_loop3A_466, %parallel_loop3A_467] {strides = array<i32>} : memref<16x1024xf32, #tpu.memory_space<vmem>>, vector<1x16xf32>,
        %parallel_loop3A_469 = vector.shape_cast %parallel_loop3A_468 : vector<1x16xf32> to vector<16xf32>
        %parallel_loop3A_470 = arith.addf %parallel_loop3A_465, %parallel_loop3A_469 : vector<16xf32>
        %parallel_loop3A_471 = arith.index_cast %parallel_loop3A_425 : i32 to index
        %parallel_loop3A_472 = arith.index_cast %parallel_loop3A_461 : i32 to index
        %parallel_loop3A_473 = tpu.vector_load %arg8[%parallel_loop3A_471, %parallel_loop3A_472] {strides = array<i32>} : memref<16x1024xf32, #tpu.memory_space<vmem>>, vector<1x16xf32>,
        %parallel_loop3A_474 = vector.shape_cast %parallel_loop3A_473 : vector<1x16xf32> to vector<16xf32>
        %parallel_loop3A_475 = vector.shape_cast %parallel_loop3A_470 : vector<16xf32> to vector<1x16xf32>
        tpu.vector_store %arg8[%parallel_loop3A_471, %parallel_loop3A_472], %parallel_loop3A_475 {strides = array<i32>} : memref<16x1024xf32, #tpu.memory_space<vmem>>, vector<1x16xf32>,
        %parallel_loop3A_476 = arith.constant 32 : i32
        %parallel_loop3A_477 = arith.addi %parallel_loop3A_443, %parallel_loop3A_476 : i32
        %parallel_loop3A_478 = arith.index_cast %parallel_loop3A_425 : i32 to index
        %parallel_loop3A_479 = arith.index_cast %parallel_loop3A_477 : i32 to index
        %parallel_loop3A_480 = tpu.vector_load %arg6[%parallel_loop3A_478, %parallel_loop3A_479] {strides = array<i32>} : memref<16x1024xf32, #tpu.memory_space<vmem>>, vector<1x16xf32>,
        %parallel_loop3A_481 = vector.shape_cast %parallel_loop3A_480 : vector<1x16xf32> to vector<16xf32>
        %parallel_loop3A_482 = arith.index_cast %parallel_loop3A_425 : i32 to index
        %parallel_loop3A_483 = arith.index_cast %parallel_loop3A_477 : i32 to index
        %parallel_loop3A_484 = tpu.vector_load %arg9[%parallel_loop3A_482, %parallel_loop3A_483] {strides = array<i32>} : memref<16x1024xf32, #tpu.memory_space<vmem>>, vector<1x16xf32>,
        %parallel_loop3A_485 = vector.shape_cast %parallel_loop3A_484 : vector<1x16xf32> to vector<16xf32>
        %parallel_loop3A_486 = arith.addf %parallel_loop3A_481, %parallel_loop3A_485 : vector<16xf32>
        %parallel_loop3A_487 = arith.index_cast %parallel_loop3A_425 : i32 to index
        %parallel_loop3A_488 = arith.index_cast %parallel_loop3A_477 : i32 to index
        %parallel_loop3A_489 = tpu.vector_load %arg8[%parallel_loop3A_487, %parallel_loop3A_488] {strides = array<i32>} : memref<16x1024xf32, #tpu.memory_space<vmem>>, vector<1x16xf32>,
        %parallel_loop3A_490 = vector.shape_cast %parallel_loop3A_489 : vector<1x16xf32> to vector<16xf32>
        %parallel_loop3A_491 = vector.shape_cast %parallel_loop3A_486 : vector<16xf32> to vector<1x16xf32>
        tpu.vector_store %arg8[%parallel_loop3A_487, %parallel_loop3A_488], %parallel_loop3A_491 {strides = array<i32>} : memref<16x1024xf32, #tpu.memory_space<vmem>>, vector<1x16xf32>,
        %parallel_loop3A_492 = arith.constant 48 : i32
        %parallel_loop3A_493 = arith.addi %parallel_loop3A_443, %parallel_loop3A_492 : i32
        %parallel_loop3A_494 = arith.index_cast %parallel_loop3A_425 : i32 to index
        %parallel_loop3A_495 = arith.index_cast %parallel_loop3A_493 : i32 to index
        %parallel_loop3A_496 = tpu.vector_load %arg6[%parallel_loop3A_494, %parallel_loop3A_495] {strides = array<i32>} : memref<16x1024xf32, #tpu.memory_space<vmem>>, vector<1x16xf32>,
        %parallel_loop3A_497 = vector.shape_cast %parallel_loop3A_496 : vector<1x16xf32> to vector<16xf32>
        %parallel_loop3A_498 = arith.index_cast %parallel_loop3A_425 : i32 to index
        %parallel_loop3A_499 = arith.index_cast %parallel_loop3A_493 : i32 to index
        %parallel_loop3A_500 = tpu.vector_load %arg9[%parallel_loop3A_498, %parallel_loop3A_499] {strides = array<i32>} : memref<16x1024xf32, #tpu.memory_space<vmem>>, vector<1x16xf32>,
        %parallel_loop3A_501 = vector.shape_cast %parallel_loop3A_500 : vector<1x16xf32> to vector<16xf32>
        %parallel_loop3A_502 = arith.addf %parallel_loop3A_497, %parallel_loop3A_501 : vector<16xf32>
        %parallel_loop3A_503 = arith.index_cast %parallel_loop3A_425 : i32 to index
        %parallel_loop3A_504 = arith.index_cast %parallel_loop3A_493 : i32 to index
        %parallel_loop3A_505 = tpu.vector_load %arg8[%parallel_loop3A_503, %parallel_loop3A_504] {strides = array<i32>} : memref<16x1024xf32, #tpu.memory_space<vmem>>, vector<1x16xf32>,
        %parallel_loop3A_506 = vector.shape_cast %parallel_loop3A_505 : vector<1x16xf32> to vector<16xf32>
        %parallel_loop3A_507 = vector.shape_cast %parallel_loop3A_502 : vector<16xf32> to vector<1x16xf32>
        tpu.vector_store %arg8[%parallel_loop3A_503, %parallel_loop3A_504], %parallel_loop3A_507 {strides = array<i32>} : memref<16x1024xf32, #tpu.memory_space<vmem>>, vector<1x16xf32>,
        %parallel_loop3A_508 = arith.constant 64 : i32
        %parallel_loop3A_509 = arith.addi %parallel_loop3A_443, %parallel_loop3A_508 : i32
        %parallel_loop3A_510 = arith.index_cast %parallel_loop3A_425 : i32 to index
        %parallel_loop3A_511 = arith.index_cast %parallel_loop3A_509 : i32 to index
        %parallel_loop3A_512 = tpu.vector_load %arg6[%parallel_loop3A_510, %parallel_loop3A_511] {strides = array<i32>} : memref<16x1024xf32, #tpu.memory_space<vmem>>, vector<1x16xf32>,
        %parallel_loop3A_513 = vector.shape_cast %parallel_loop3A_512 : vector<1x16xf32> to vector<16xf32>
        %parallel_loop3A_514 = arith.index_cast %parallel_loop3A_425 : i32 to index
        %parallel_loop3A_515 = arith.index_cast %parallel_loop3A_509 : i32 to index
        %parallel_loop3A_516 = tpu.vector_load %arg9[%parallel_loop3A_514, %parallel_loop3A_515] {strides = array<i32>} : memref<16x1024xf32, #tpu.memory_space<vmem>>, vector<1x16xf32>,
        %parallel_loop3A_517 = vector.shape_cast %parallel_loop3A_516 : vector<1x16xf32> to vector<16xf32>
        %parallel_loop3A_518 = arith.addf %parallel_loop3A_513, %parallel_loop3A_517 : vector<16xf32>
        %parallel_loop3A_519 = arith.index_cast %parallel_loop3A_425 : i32 to index
        %parallel_loop3A_520 = arith.index_cast %parallel_loop3A_509 : i32 to index
        %parallel_loop3A_521 = tpu.vector_load %arg8[%parallel_loop3A_519, %parallel_loop3A_520] {strides = array<i32>} : memref<16x1024xf32, #tpu.memory_space<vmem>>, vector<1x16xf32>,
        %parallel_loop3A_522 = vector.shape_cast %parallel_loop3A_521 : vector<1x16xf32> to vector<16xf32>
        %parallel_loop3A_523 = vector.shape_cast %parallel_loop3A_518 : vector<16xf32> to vector<1x16xf32>
        tpu.vector_store %arg8[%parallel_loop3A_519, %parallel_loop3A_520], %parallel_loop3A_523 {strides = array<i32>} : memref<16x1024xf32, #tpu.memory_space<vmem>>, vector<1x16xf32>,
        %parallel_loop3A_524 = arith.constant 80 : i32
        %parallel_loop3A_525 = arith.addi %parallel_loop3A_443, %parallel_loop3A_524 : i32
        %parallel_loop3A_526 = arith.index_cast %parallel_loop3A_425 : i32 to index
        %parallel_loop3A_527 = arith.index_cast %parallel_loop3A_525 : i32 to index
        %parallel_loop3A_528 = tpu.vector_load %arg6[%parallel_loop3A_526, %parallel_loop3A_527] {strides = array<i32>} : memref<16x1024xf32, #tpu.memory_space<vmem>>, vector<1x16xf32>,
        %parallel_loop3A_529 = vector.shape_cast %parallel_loop3A_528 : vector<1x16xf32> to vector<16xf32>
        %parallel_loop3A_530 = arith.index_cast %parallel_loop3A_425 : i32 to index
        %parallel_loop3A_531 = arith.index_cast %parallel_loop3A_525 : i32 to index
        %parallel_loop3A_532 = tpu.vector_load %arg9[%parallel_loop3A_530, %parallel_loop3A_531] {strides = array<i32>} : memref<16x1024xf32, #tpu.memory_space<vmem>>, vector<1x16xf32>,
        %parallel_loop3A_533 = vector.shape_cast %parallel_loop3A_532 : vector<1x16xf32> to vector<16xf32>
        %parallel_loop3A_534 = arith.addf %parallel_loop3A_529, %parallel_loop3A_533 : vector<16xf32>
        %parallel_loop3A_535 = arith.index_cast %parallel_loop3A_425 : i32 to index
        %parallel_loop3A_536 = arith.index_cast %parallel_loop3A_525 : i32 to index
        %parallel_loop3A_537 = tpu.vector_load %arg8[%parallel_loop3A_535, %parallel_loop3A_536] {strides = array<i32>} : memref<16x1024xf32, #tpu.memory_space<vmem>>, vector<1x16xf32>,
        %parallel_loop3A_538 = vector.shape_cast %parallel_loop3A_537 : vector<1x16xf32> to vector<16xf32>
        %parallel_loop3A_539 = vector.shape_cast %parallel_loop3A_534 : vector<16xf32> to vector<1x16xf32>
        tpu.vector_store %arg8[%parallel_loop3A_535, %parallel_loop3A_536], %parallel_loop3A_539 {strides = array<i32>} : memref<16x1024xf32, #tpu.memory_space<vmem>>, vector<1x16xf32>,
        %parallel_loop3A_540 = arith.constant 96 : i32
        %parallel_loop3A_541 = arith.addi %parallel_loop3A_443, %parallel_loop3A_540 : i32
        %parallel_loop3A_542 = arith.index_cast %parallel_loop3A_425 : i32 to index
        %parallel_loop3A_543 = arith.index_cast %parallel_loop3A_541 : i32 to index
        %parallel_loop3A_544 = tpu.vector_load %arg6[%parallel_loop3A_542, %parallel_loop3A_543] {strides = array<i32>} : memref<16x1024xf32, #tpu.memory_space<vmem>>, vector<1x16xf32>,
        %parallel_loop3A_545 = vector.shape_cast %parallel_loop3A_544 : vector<1x16xf32> to vector<16xf32>
        %parallel_loop3A_546 = arith.index_cast %parallel_loop3A_425 : i32 to index
        %parallel_loop3A_547 = arith.index_cast %parallel_loop3A_541 : i32 to index
        %parallel_loop3A_548 = tpu.vector_load %arg9[%parallel_loop3A_546, %parallel_loop3A_547] {strides = array<i32>} : memref<16x1024xf32, #tpu.memory_space<vmem>>, vector<1x16xf32>,
        %parallel_loop3A_549 = vector.shape_cast %parallel_loop3A_548 : vector<1x16xf32> to vector<16xf32>
        %parallel_loop3A_550 = arith.addf %parallel_loop3A_545, %parallel_loop3A_549 : vector<16xf32>
        %parallel_loop3A_551 = arith.index_cast %parallel_loop3A_425 : i32 to index
        %parallel_loop3A_552 = arith.index_cast %parallel_loop3A_541 : i32 to index
        %parallel_loop3A_553 = tpu.vector_load %arg8[%parallel_loop3A_551, %parallel_loop3A_552] {strides = array<i32>} : memref<16x1024xf32, #tpu.memory_space<vmem>>, vector<1x16xf32>,
        %parallel_loop3A_554 = vector.shape_cast %parallel_loop3A_553 : vector<1x16xf32> to vector<16xf32>
        %parallel_loop3A_555 = vector.shape_cast %parallel_loop3A_550 : vector<16xf32> to vector<1x16xf32>
        tpu.vector_store %arg8[%parallel_loop3A_551, %parallel_loop3A_552], %parallel_loop3A_555 {strides = array<i32>} : memref<16x1024xf32, #tpu.memory_space<vmem>>, vector<1x16xf32>,
        %parallel_loop3A_556 = arith.constant 112 : i32
        %parallel_loop3A_557 = arith.addi %parallel_loop3A_443, %parallel_loop3A_556 : i32
        %parallel_loop3A_558 = arith.index_cast %parallel_loop3A_425 : i32 to index
        %parallel_loop3A_559 = arith.index_cast %parallel_loop3A_557 : i32 to index
        %parallel_loop3A_560 = tpu.vector_load %arg6[%parallel_loop3A_558, %parallel_loop3A_559] {strides = array<i32>} : memref<16x1024xf32, #tpu.memory_space<vmem>>, vector<1x16xf32>,
        %parallel_loop3A_561 = vector.shape_cast %parallel_loop3A_560 : vector<1x16xf32> to vector<16xf32>
        %parallel_loop3A_562 = arith.index_cast %parallel_loop3A_425 : i32 to index
        %parallel_loop3A_563 = arith.index_cast %parallel_loop3A_557 : i32 to index
        %parallel_loop3A_564 = tpu.vector_load %arg9[%parallel_loop3A_562, %parallel_loop3A_563] {strides = array<i32>} : memref<16x1024xf32, #tpu.memory_space<vmem>>, vector<1x16xf32>,
        %parallel_loop3A_565 = vector.shape_cast %parallel_loop3A_564 : vector<1x16xf32> to vector<16xf32>
        %parallel_loop3A_566 = arith.addf %parallel_loop3A_561, %parallel_loop3A_565 : vector<16xf32>
        %parallel_loop3A_567 = arith.index_cast %parallel_loop3A_425 : i32 to index
        %parallel_loop3A_568 = arith.index_cast %parallel_loop3A_557 : i32 to index
        %parallel_loop3A_569 = tpu.vector_load %arg8[%parallel_loop3A_567, %parallel_loop3A_568] {strides = array<i32>} : memref<16x1024xf32, #tpu.memory_space<vmem>>, vector<1x16xf32>,
        %parallel_loop3A_570 = vector.shape_cast %parallel_loop3A_569 : vector<1x16xf32> to vector<16xf32>
        %parallel_loop3A_571 = vector.shape_cast %parallel_loop3A_566 : vector<16xf32> to vector<1x16xf32>
        tpu.vector_store %arg8[%parallel_loop3A_567, %parallel_loop3A_568], %parallel_loop3A_571 {strides = array<i32>} : memref<16x1024xf32, #tpu.memory_space<vmem>>, vector<1x16xf32>,
      } {sc.loop_unroll_factor = 4 : i64, sc.parallel_access}
      %mul3A_211 = arith.constant 16 : i32
      %mul3A_212 = arith.muli %add3A_54, %mul3A_211 : i32
      %add3A_213 = arith.addi %mul3A_2, %mul3A_212 : i32
      %dma_start3A_214 = arith.constant 3 : i32
      %dma_start3A_215 = arith.constant 0 : i32
      %dma_start3A_216 = tpu.memref_slice %arg4[%dma_start3A_214, %add3A_213, %dma_start3A_215] : memref<4x8192x1024xf32, #tpu.memory_space<hbm>> -> memref<1x16x1024xf32, #tpu.memory_space<hbm>>
      %dma_start3A_217 = tpu.memref_squeeze %dma_start3A_216 : memref<1x16x1024xf32, #tpu.memory_space<hbm>> -> memref<16x1024xf32, #tpu.memory_space<hbm>>
      %dma_start3A_218 = arith.constant 0 : i32
      %dma_start3A_219 = tpu.memref_slice %arg4[%dma_start3A_214, %add3A_213, %dma_start3A_218] : memref<4x8192x1024xf32, #tpu.memory_space<hbm>> -> memref<1x16x1024xf32, #tpu.memory_space<hbm>>
      %dma_start3A_220 = tpu.memref_squeeze %dma_start3A_219 : memref<1x16x1024xf32, #tpu.memory_space<hbm>> -> memref<16x1024xf32, #tpu.memory_space<hbm>>
      tpu.enqueue_dma source(%arg8 : memref<16x1024xf32, #tpu.memory_space<vmem>>) target(%dma_start3A_220 : memref<16x1024xf32, #tpu.memory_space<hbm>>) target_semaphore(%arg14 : memref<!tpu.dma_semaphore, #tpu.memory_space<semaphore_mem>>)
      %add3A_221 = arith.constant 1 : i32
      %add3A_222 = arith.addi %add3A_54, %add3A_221 : i32
      %mul3A_223 = arith.constant 16 : i32
      %mul3A_224 = arith.muli %add3A_222, %mul3A_223 : i32
      %add3A_225 = arith.addi %mul3A_2, %mul3A_224 : i32
      %dma_start3A_226 = arith.constant 1 : i32
      %dma_start3A_227 = arith.constant 0 : i32
      %dma_start3A_228 = tpu.memref_slice %arg2[%dma_start3A_226, %add3A_225, %dma_start3A_227] : memref<4x8192x1024xf32, #tpu.memory_space<hbm>> -> memref<1x16x1024xf32, #tpu.memory_space<hbm>>
      %dma_start3A_229 = tpu.memref_squeeze %dma_start3A_228 : memref<1x16x1024xf32, #tpu.memory_space<hbm>> -> memref<16x1024xf32, #tpu.memory_space<hbm>>
      %dma_start3A_230 = arith.constant 0 : i32
      %dma_start3A_231 = tpu.memref_slice %arg2[%dma_start3A_226, %add3A_225, %dma_start3A_230] : memref<4x8192x1024xf32, #tpu.memory_space<hbm>> -> memref<1x16x1024xf32, #tpu.memory_space<hbm>>
      %dma_start3A_232 = tpu.memref_squeeze %dma_start3A_231 : memref<1x16x1024xf32, #tpu.memory_space<hbm>> -> memref<16x1024xf32, #tpu.memory_space<hbm>>
      tpu.enqueue_dma source(%dma_start3A_232 : memref<16x1024xf32, #tpu.memory_space<hbm>>) target(%arg6 : memref<16x1024xf32, #tpu.memory_space<vmem>>) target_semaphore(%arg12 : memref<!tpu.dma_semaphore, #tpu.memory_space<semaphore_mem>>)
      %mul3A_233 = arith.constant 2 : i32
      %mul3A_234 = arith.muli %scan3A_49, %mul3A_233 : i32
      %add3A_235 = arith.constant 1 : i32
      %add3A_236 = arith.addi %mul3A_234, %add3A_235 : i32
      %mul3A_237 = arith.constant 16 : i32
      %mul3A_238 = arith.muli %add3A_236, %mul3A_237 : i32
      %add3A_239 = arith.addi %mul3A_2, %mul3A_238 : i32
      %dma_wait3A_240 = arith.constant 0 : i32
      %dma_wait3A_241 = tpu.memref_slice %arg3[%add3A_239, %dma_wait3A_240] : memref<8192x1024xf32, #tpu.memory_space<hbm>> -> memref<16x1024xf32, #tpu.memory_space<hbm>>
      %dma_wait3A_242 = arith.constant 0 : i32
      %dma_wait3A_243 = tpu.memref_slice %arg3[%add3A_239, %dma_wait3A_242] : memref<8192x1024xf32, #tpu.memory_space<hbm>> -> memref<16x1024xf32, #tpu.memory_space<hbm>>
      tpu.wait_dma2 semaphore(%arg16 : memref<!tpu.dma_semaphore, #tpu.memory_space<semaphore_mem>>) src(%dma_wait3A_243 : memref<16x1024xf32, #tpu.memory_space<hbm>>) dst(%arg10 : memref<16x1024xf32, #tpu.memory_space<vmem>>)
      %lt3A = arith.constant 7 : i32
      %lt3A_244 = arith.cmpi slt, %scan3A_49, %lt3A : i32
      %convert_element_type3A_245 = arith.extui %lt3A_244 : i1 to i32
      %cond3A_246 = arith.constant 0 : i32
      %cond3A_247 = arith.cmpi ne, %convert_element_type3A_245, %cond3A_246 : i32
      scf.if %cond3A_247 {
        %add3A_401 = arith.constant 1 : i32
        %add3A_402 = arith.addi %add3A_236, %add3A_401 : i32
        %mul3A_403 = arith.constant 16 : i32
        %mul3A_404 = arith.muli %add3A_402, %mul3A_403 : i32
        %add3A_405 = arith.addi %mul3A_2, %mul3A_404 : i32
        %dma_start3A_406 = arith.constant 0 : i32
        %dma_start3A_407 = tpu.memref_slice %arg3[%add3A_405, %dma_start3A_406] : memref<8192x1024xf32, #tpu.memory_space<hbm>> -> memref<16x1024xf32, #tpu.memory_space<hbm>>
        %dma_start3A_408 = arith.constant 0 : i32
        %dma_start3A_409 = tpu.memref_slice %arg3[%add3A_405, %dma_start3A_408] : memref<8192x1024xf32, #tpu.memory_space<hbm>> -> memref<16x1024xf32, #tpu.memory_space<hbm>>
        tpu.enqueue_dma source(%dma_start3A_409 : memref<16x1024xf32, #tpu.memory_space<hbm>>) target(%arg9 : memref<16x1024xf32, #tpu.memory_space<vmem>>) target_semaphore(%arg15 : memref<!tpu.dma_semaphore, #tpu.memory_space<semaphore_mem>>)
      } else {
      }
      %mul3A_248 = arith.constant 16 : i32
      %mul3A_249 = arith.muli %add3A_236, %mul3A_248 : i32
      %add3A_250 = arith.addi %mul3A_2, %mul3A_249 : i32
      %dma_wait3A_251 = arith.constant 0 : i32
      %dma_wait3A_252 = arith.constant 0 : i32
      %dma_wait3A_253 = tpu.memref_slice %arg2[%dma_wait3A_251, %add3A_250, %dma_wait3A_252] : memref<4x8192x1024xf32, #tpu.memory_space<hbm>> -> memref<1x16x1024xf32, #tpu.memory_space<hbm>>
      %dma_wait3A_254 = tpu.memref_squeeze %dma_wait3A_253 : memref<1x16x1024xf32, #tpu.memory_space<hbm>> -> memref<16x1024xf32, #tpu.memory_space<hbm>>
      %dma_wait3A_255 = arith.constant 0 : i32
      %dma_wait3A_256 = tpu.memref_slice %arg2[%dma_wait3A_251, %add3A_250, %dma_wait3A_255] : memref<4x8192x1024xf32, #tpu.memory_space<hbm>> -> memref<1x16x1024xf32, #tpu.memory_space<hbm>>
      %dma_wait3A_257 = tpu.memref_squeeze %dma_wait3A_256 : memref<1x16x1024xf32, #tpu.memory_space<hbm>> -> memref<16x1024xf32, #tpu.memory_space<hbm>>
      tpu.wait_dma2 semaphore(%arg11 : memref<!tpu.dma_semaphore, #tpu.memory_space<semaphore_mem>>) src(%dma_wait3A_257 : memref<16x1024xf32, #tpu.memory_space<hbm>>) dst(%arg5 : memref<16x1024xf32, #tpu.memory_space<vmem>>)
      %gt3A_258 = arith.constant 0 : i32
      %gt3A_259 = arith.cmpi sgt, %add3A_236, %gt3A_258 : i32
      %convert_element_type3A_260 = arith.extui %gt3A_259 : i1 to i32
      %cond3A_261 = arith.constant 0 : i32
      %cond3A_262 = arith.cmpi ne, %convert_element_type3A_260, %cond3A_261 : i32
      scf.if %cond3A_262 {
        %sub3A = arith.constant 1 : i32
        %sub3A_401 = arith.subi %add3A_236, %sub3A : i32
        %mul3A_402 = arith.constant 16 : i32
        %mul3A_403 = arith.muli %sub3A_401, %mul3A_402 : i32
        %add3A_404 = arith.addi %mul3A_2, %mul3A_403 : i32
        %dma_wait3A_405 = arith.constant 2 : i32
        %dma_wait3A_406 = arith.constant 0 : i32
        %dma_wait3A_407 = tpu.memref_slice %arg4[%dma_wait3A_405, %add3A_404, %dma_wait3A_406] : memref<4x8192x1024xf32, #tpu.memory_space<hbm>> -> memref<1x16x1024xf32, #tpu.memory_space<hbm>>
        %dma_wait3A_408 = tpu.memref_squeeze %dma_wait3A_407 : memref<1x16x1024xf32, #tpu.memory_space<hbm>> -> memref<16x1024xf32, #tpu.memory_space<hbm>>
        %dma_wait3A_409 = arith.constant 0 : i32
        %dma_wait3A_410 = tpu.memref_slice %arg4[%dma_wait3A_405, %add3A_404, %dma_wait3A_409] : memref<4x8192x1024xf32, #tpu.memory_space<hbm>> -> memref<1x16x1024xf32, #tpu.memory_space<hbm>>
        %dma_wait3A_411 = tpu.memref_squeeze %dma_wait3A_410 : memref<1x16x1024xf32, #tpu.memory_space<hbm>> -> memref<16x1024xf32, #tpu.memory_space<hbm>>
        tpu.wait_dma2 semaphore(%arg13 : memref<!tpu.dma_semaphore, #tpu.memory_space<semaphore_mem>>) src(%arg7 : memref<16x1024xf32, #tpu.memory_space<vmem>>) dst(%dma_wait3A_411 : memref<16x1024xf32, #tpu.memory_space<hbm>>)
      } else {
      }
      %parallel_loop3A_263 = arith.constant 0 : i32
      %parallel_loop3A_264 = arith.constant 128 : i32
      %parallel_loop3A_265 = arith.constant 1 : i32
      scf.for %parallel_loop3A_401 = %parallel_loop3A_263 to %parallel_loop3A_264 step %parallel_loop3A_265  : i32 {
        %parallel_loop3A_402 = arith.constant 8 : i32
        %parallel_loop3A_403 = arith.divsi %parallel_loop3A_401, %parallel_loop3A_402 : i32
        %parallel_loop3A_404 = arith.constant 0 : i32
        %parallel_loop3A_405 = arith.cmpi sgt, %parallel_loop3A_401, %parallel_loop3A_404 : i32
        %parallel_loop3A_406 = arith.extui %parallel_loop3A_405 : i1 to i32
        %parallel_loop3A_407 = arith.constant 0 : i32
        %parallel_loop3A_408 = arith.cmpi slt, %parallel_loop3A_401, %parallel_loop3A_407 : i32
        %parallel_loop3A_409 = arith.extui %parallel_loop3A_408 : i1 to i32
        %parallel_loop3A_410 = arith.subi %parallel_loop3A_406, %parallel_loop3A_409 : i32
        %parallel_loop3A_411 = arith.constant 0 : i32
        %parallel_loop3A_412 = arith.cmpi sgt, %parallel_loop3A_402, %parallel_loop3A_411 : i32
        %parallel_loop3A_413 = arith.extui %parallel_loop3A_412 : i1 to i32
        %parallel_loop3A_414 = arith.constant 0 : i32
        %parallel_loop3A_415 = arith.cmpi slt, %parallel_loop3A_402, %parallel_loop3A_414 : i32
        %parallel_loop3A_416 = arith.extui %parallel_loop3A_415 : i1 to i32
        %parallel_loop3A_417 = arith.subi %parallel_loop3A_413, %parallel_loop3A_416 : i32
        %parallel_loop3A_418 = arith.cmpi ne, %parallel_loop3A_410, %parallel_loop3A_417 : i32
        %parallel_loop3A_419 = arith.remsi %parallel_loop3A_401, %parallel_loop3A_402 : i32
        %parallel_loop3A_420 = arith.constant 0 : i32
        %parallel_loop3A_421 = arith.cmpi ne, %parallel_loop3A_419, %parallel_loop3A_420 : i32
        %parallel_loop3A_422 = arith.andi %parallel_loop3A_418, %parallel_loop3A_421 : i1
        %parallel_loop3A_423 = arith.constant 1 : i32
        %parallel_loop3A_424 = arith.subi %parallel_loop3A_403, %parallel_loop3A_423 : i32
        %parallel_loop3A_425 = arith.select %parallel_loop3A_422, %parallel_loop3A_424, %parallel_loop3A_403 : i32
        %parallel_loop3A_426 = arith.constant 8 : i32
        %parallel_loop3A_427 = arith.constant 0 : i32
        %parallel_loop3A_428 = arith.cmpi eq, %parallel_loop3A_426, %parallel_loop3A_427 : i32
        %parallel_loop3A_429 = arith.constant 1 : i32
        %parallel_loop3A_430 = arith.select %parallel_loop3A_428, %parallel_loop3A_429, %parallel_loop3A_426 : i32
        %parallel_loop3A_431 = arith.remsi %parallel_loop3A_401, %parallel_loop3A_430 : i32
        %parallel_loop3A_432 = arith.constant 0 : i32
        %parallel_loop3A_433 = arith.cmpi ne, %parallel_loop3A_431, %parallel_loop3A_432 : i32
        %parallel_loop3A_434 = arith.constant 0 : i32
        %parallel_loop3A_435 = arith.cmpi slt, %parallel_loop3A_431, %parallel_loop3A_434 : i32
        %parallel_loop3A_436 = arith.constant 0 : i32
        %parallel_loop3A_437 = arith.cmpi slt, %parallel_loop3A_430, %parallel_loop3A_436 : i32
        %parallel_loop3A_438 = arith.xori %parallel_loop3A_435, %parallel_loop3A_437 : i1
        %parallel_loop3A_439 = arith.andi %parallel_loop3A_438, %parallel_loop3A_433 : i1
        %parallel_loop3A_440 = arith.addi %parallel_loop3A_431, %parallel_loop3A_430 : i32
        %parallel_loop3A_441 = arith.select %parallel_loop3A_439, %parallel_loop3A_440, %parallel_loop3A_431 : i32
        %parallel_loop3A_442 = arith.constant 128 : i32
        %parallel_loop3A_443 = arith.muli %parallel_loop3A_441, %parallel_loop3A_442 : i32
        %parallel_loop3A_444 = arith.constant 0 : i32
        %parallel_loop3A_445 = arith.addi %parallel_loop3A_443, %parallel_loop3A_444 : i32
        %parallel_loop3A_446 = arith.index_cast %parallel_loop3A_425 : i32 to index
        %parallel_loop3A_447 = arith.index_cast %parallel_loop3A_445 : i32 to index
        %parallel_loop3A_448 = tpu.vector_load %arg5[%parallel_loop3A_446, %parallel_loop3A_447] {strides = array<i32>} : memref<16x1024xf32, #tpu.memory_space<vmem>>, vector<1x16xf32>,
        %parallel_loop3A_449 = vector.shape_cast %parallel_loop3A_448 : vector<1x16xf32> to vector<16xf32>
        %parallel_loop3A_450 = arith.index_cast %parallel_loop3A_425 : i32 to index
        %parallel_loop3A_451 = arith.index_cast %parallel_loop3A_445 : i32 to index
        %parallel_loop3A_452 = tpu.vector_load %arg10[%parallel_loop3A_450, %parallel_loop3A_451] {strides = array<i32>} : memref<16x1024xf32, #tpu.memory_space<vmem>>, vector<1x16xf32>,
        %parallel_loop3A_453 = vector.shape_cast %parallel_loop3A_452 : vector<1x16xf32> to vector<16xf32>
        %parallel_loop3A_454 = arith.addf %parallel_loop3A_449, %parallel_loop3A_453 : vector<16xf32>
        %parallel_loop3A_455 = arith.index_cast %parallel_loop3A_425 : i32 to index
        %parallel_loop3A_456 = arith.index_cast %parallel_loop3A_445 : i32 to index
        %parallel_loop3A_457 = tpu.vector_load %arg7[%parallel_loop3A_455, %parallel_loop3A_456] {strides = array<i32>} : memref<16x1024xf32, #tpu.memory_space<vmem>>, vector<1x16xf32>,
        %parallel_loop3A_458 = vector.shape_cast %parallel_loop3A_457 : vector<1x16xf32> to vector<16xf32>
        %parallel_loop3A_459 = vector.shape_cast %parallel_loop3A_454 : vector<16xf32> to vector<1x16xf32>
        tpu.vector_store %arg7[%parallel_loop3A_455, %parallel_loop3A_456], %parallel_loop3A_459 {strides = array<i32>} : memref<16x1024xf32, #tpu.memory_space<vmem>>, vector<1x16xf32>,
        %parallel_loop3A_460 = arith.constant 16 : i32
        %parallel_loop3A_461 = arith.addi %parallel_loop3A_443, %parallel_loop3A_460 : i32
        %parallel_loop3A_462 = arith.index_cast %parallel_loop3A_425 : i32 to index
        %parallel_loop3A_463 = arith.index_cast %parallel_loop3A_461 : i32 to index
        %parallel_loop3A_464 = tpu.vector_load %arg5[%parallel_loop3A_462, %parallel_loop3A_463] {strides = array<i32>} : memref<16x1024xf32, #tpu.memory_space<vmem>>, vector<1x16xf32>,
        %parallel_loop3A_465 = vector.shape_cast %parallel_loop3A_464 : vector<1x16xf32> to vector<16xf32>
        %parallel_loop3A_466 = arith.index_cast %parallel_loop3A_425 : i32 to index
        %parallel_loop3A_467 = arith.index_cast %parallel_loop3A_461 : i32 to index
        %parallel_loop3A_468 = tpu.vector_load %arg10[%parallel_loop3A_466, %parallel_loop3A_467] {strides = array<i32>} : memref<16x1024xf32, #tpu.memory_space<vmem>>, vector<1x16xf32>,
        %parallel_loop3A_469 = vector.shape_cast %parallel_loop3A_468 : vector<1x16xf32> to vector<16xf32>
        %parallel_loop3A_470 = arith.addf %parallel_loop3A_465, %parallel_loop3A_469 : vector<16xf32>
        %parallel_loop3A_471 = arith.index_cast %parallel_loop3A_425 : i32 to index
        %parallel_loop3A_472 = arith.index_cast %parallel_loop3A_461 : i32 to index
        %parallel_loop3A_473 = tpu.vector_load %arg7[%parallel_loop3A_471, %parallel_loop3A_472] {strides = array<i32>} : memref<16x1024xf32, #tpu.memory_space<vmem>>, vector<1x16xf32>,
        %parallel_loop3A_474 = vector.shape_cast %parallel_loop3A_473 : vector<1x16xf32> to vector<16xf32>
        %parallel_loop3A_475 = vector.shape_cast %parallel_loop3A_470 : vector<16xf32> to vector<1x16xf32>
        tpu.vector_store %arg7[%parallel_loop3A_471, %parallel_loop3A_472], %parallel_loop3A_475 {strides = array<i32>} : memref<16x1024xf32, #tpu.memory_space<vmem>>, vector<1x16xf32>,
        %parallel_loop3A_476 = arith.constant 32 : i32
        %parallel_loop3A_477 = arith.addi %parallel_loop3A_443, %parallel_loop3A_476 : i32
        %parallel_loop3A_478 = arith.index_cast %parallel_loop3A_425 : i32 to index
        %parallel_loop3A_479 = arith.index_cast %parallel_loop3A_477 : i32 to index
        %parallel_loop3A_480 = tpu.vector_load %arg5[%parallel_loop3A_478, %parallel_loop3A_479] {strides = array<i32>} : memref<16x1024xf32, #tpu.memory_space<vmem>>, vector<1x16xf32>,
        %parallel_loop3A_481 = vector.shape_cast %parallel_loop3A_480 : vector<1x16xf32> to vector<16xf32>
        %parallel_loop3A_482 = arith.index_cast %parallel_loop3A_425 : i32 to index
        %parallel_loop3A_483 = arith.index_cast %parallel_loop3A_477 : i32 to index
        %parallel_loop3A_484 = tpu.vector_load %arg10[%parallel_loop3A_482, %parallel_loop3A_483] {strides = array<i32>} : memref<16x1024xf32, #tpu.memory_space<vmem>>, vector<1x16xf32>,
        %parallel_loop3A_485 = vector.shape_cast %parallel_loop3A_484 : vector<1x16xf32> to vector<16xf32>
        %parallel_loop3A_486 = arith.addf %parallel_loop3A_481, %parallel_loop3A_485 : vector<16xf32>
        %parallel_loop3A_487 = arith.index_cast %parallel_loop3A_425 : i32 to index
        %parallel_loop3A_488 = arith.index_cast %parallel_loop3A_477 : i32 to index
        %parallel_loop3A_489 = tpu.vector_load %arg7[%parallel_loop3A_487, %parallel_loop3A_488] {strides = array<i32>} : memref<16x1024xf32, #tpu.memory_space<vmem>>, vector<1x16xf32>,
        %parallel_loop3A_490 = vector.shape_cast %parallel_loop3A_489 : vector<1x16xf32> to vector<16xf32>
        %parallel_loop3A_491 = vector.shape_cast %parallel_loop3A_486 : vector<16xf32> to vector<1x16xf32>
        tpu.vector_store %arg7[%parallel_loop3A_487, %parallel_loop3A_488], %parallel_loop3A_491 {strides = array<i32>} : memref<16x1024xf32, #tpu.memory_space<vmem>>, vector<1x16xf32>,
        %parallel_loop3A_492 = arith.constant 48 : i32
        %parallel_loop3A_493 = arith.addi %parallel_loop3A_443, %parallel_loop3A_492 : i32
        %parallel_loop3A_494 = arith.index_cast %parallel_loop3A_425 : i32 to index
        %parallel_loop3A_495 = arith.index_cast %parallel_loop3A_493 : i32 to index
        %parallel_loop3A_496 = tpu.vector_load %arg5[%parallel_loop3A_494, %parallel_loop3A_495] {strides = array<i32>} : memref<16x1024xf32, #tpu.memory_space<vmem>>, vector<1x16xf32>,
        %parallel_loop3A_497 = vector.shape_cast %parallel_loop3A_496 : vector<1x16xf32> to vector<16xf32>
        %parallel_loop3A_498 = arith.index_cast %parallel_loop3A_425 : i32 to index
        %parallel_loop3A_499 = arith.index_cast %parallel_loop3A_493 : i32 to index
        %parallel_loop3A_500 = tpu.vector_load %arg10[%parallel_loop3A_498, %parallel_loop3A_499] {strides = array<i32>} : memref<16x1024xf32, #tpu.memory_space<vmem>>, vector<1x16xf32>,
        %parallel_loop3A_501 = vector.shape_cast %parallel_loop3A_500 : vector<1x16xf32> to vector<16xf32>
        %parallel_loop3A_502 = arith.addf %parallel_loop3A_497, %parallel_loop3A_501 : vector<16xf32>
        %parallel_loop3A_503 = arith.index_cast %parallel_loop3A_425 : i32 to index
        %parallel_loop3A_504 = arith.index_cast %parallel_loop3A_493 : i32 to index
        %parallel_loop3A_505 = tpu.vector_load %arg7[%parallel_loop3A_503, %parallel_loop3A_504] {strides = array<i32>} : memref<16x1024xf32, #tpu.memory_space<vmem>>, vector<1x16xf32>,
        %parallel_loop3A_506 = vector.shape_cast %parallel_loop3A_505 : vector<1x16xf32> to vector<16xf32>
        %parallel_loop3A_507 = vector.shape_cast %parallel_loop3A_502 : vector<16xf32> to vector<1x16xf32>
        tpu.vector_store %arg7[%parallel_loop3A_503, %parallel_loop3A_504], %parallel_loop3A_507 {strides = array<i32>} : memref<16x1024xf32, #tpu.memory_space<vmem>>, vector<1x16xf32>,
        %parallel_loop3A_508 = arith.constant 64 : i32
        %parallel_loop3A_509 = arith.addi %parallel_loop3A_443, %parallel_loop3A_508 : i32
        %parallel_loop3A_510 = arith.index_cast %parallel_loop3A_425 : i32 to index
        %parallel_loop3A_511 = arith.index_cast %parallel_loop3A_509 : i32 to index
        %parallel_loop3A_512 = tpu.vector_load %arg5[%parallel_loop3A_510, %parallel_loop3A_511] {strides = array<i32>} : memref<16x1024xf32, #tpu.memory_space<vmem>>, vector<1x16xf32>,
        %parallel_loop3A_513 = vector.shape_cast %parallel_loop3A_512 : vector<1x16xf32> to vector<16xf32>
        %parallel_loop3A_514 = arith.index_cast %parallel_loop3A_425 : i32 to index
        %parallel_loop3A_515 = arith.index_cast %parallel_loop3A_509 : i32 to index
        %parallel_loop3A_516 = tpu.vector_load %arg10[%parallel_loop3A_514, %parallel_loop3A_515] {strides = array<i32>} : memref<16x1024xf32, #tpu.memory_space<vmem>>, vector<1x16xf32>,
        %parallel_loop3A_517 = vector.shape_cast %parallel_loop3A_516 : vector<1x16xf32> to vector<16xf32>
        %parallel_loop3A_518 = arith.addf %parallel_loop3A_513, %parallel_loop3A_517 : vector<16xf32>
        %parallel_loop3A_519 = arith.index_cast %parallel_loop3A_425 : i32 to index
        %parallel_loop3A_520 = arith.index_cast %parallel_loop3A_509 : i32 to index
        %parallel_loop3A_521 = tpu.vector_load %arg7[%parallel_loop3A_519, %parallel_loop3A_520] {strides = array<i32>} : memref<16x1024xf32, #tpu.memory_space<vmem>>, vector<1x16xf32>,
        %parallel_loop3A_522 = vector.shape_cast %parallel_loop3A_521 : vector<1x16xf32> to vector<16xf32>
        %parallel_loop3A_523 = vector.shape_cast %parallel_loop3A_518 : vector<16xf32> to vector<1x16xf32>
        tpu.vector_store %arg7[%parallel_loop3A_519, %parallel_loop3A_520], %parallel_loop3A_523 {strides = array<i32>} : memref<16x1024xf32, #tpu.memory_space<vmem>>, vector<1x16xf32>,
        %parallel_loop3A_524 = arith.constant 80 : i32
        %parallel_loop3A_525 = arith.addi %parallel_loop3A_443, %parallel_loop3A_524 : i32
        %parallel_loop3A_526 = arith.index_cast %parallel_loop3A_425 : i32 to index
        %parallel_loop3A_527 = arith.index_cast %parallel_loop3A_525 : i32 to index
        %parallel_loop3A_528 = tpu.vector_load %arg5[%parallel_loop3A_526, %parallel_loop3A_527] {strides = array<i32>} : memref<16x1024xf32, #tpu.memory_space<vmem>>, vector<1x16xf32>,
        %parallel_loop3A_529 = vector.shape_cast %parallel_loop3A_528 : vector<1x16xf32> to vector<16xf32>
        %parallel_loop3A_530 = arith.index_cast %parallel_loop3A_425 : i32 to index
        %parallel_loop3A_531 = arith.index_cast %parallel_loop3A_525 : i32 to index
        %parallel_loop3A_532 = tpu.vector_load %arg10[%parallel_loop3A_530, %parallel_loop3A_531] {strides = array<i32>} : memref<16x1024xf32, #tpu.memory_space<vmem>>, vector<1x16xf32>,
        %parallel_loop3A_533 = vector.shape_cast %parallel_loop3A_532 : vector<1x16xf32> to vector<16xf32>
        %parallel_loop3A_534 = arith.addf %parallel_loop3A_529, %parallel_loop3A_533 : vector<16xf32>
        %parallel_loop3A_535 = arith.index_cast %parallel_loop3A_425 : i32 to index
        %parallel_loop3A_536 = arith.index_cast %parallel_loop3A_525 : i32 to index
        %parallel_loop3A_537 = tpu.vector_load %arg7[%parallel_loop3A_535, %parallel_loop3A_536] {strides = array<i32>} : memref<16x1024xf32, #tpu.memory_space<vmem>>, vector<1x16xf32>,
        %parallel_loop3A_538 = vector.shape_cast %parallel_loop3A_537 : vector<1x16xf32> to vector<16xf32>
        %parallel_loop3A_539 = vector.shape_cast %parallel_loop3A_534 : vector<16xf32> to vector<1x16xf32>
        tpu.vector_store %arg7[%parallel_loop3A_535, %parallel_loop3A_536], %parallel_loop3A_539 {strides = array<i32>} : memref<16x1024xf32, #tpu.memory_space<vmem>>, vector<1x16xf32>,
        %parallel_loop3A_540 = arith.constant 96 : i32
        %parallel_loop3A_541 = arith.addi %parallel_loop3A_443, %parallel_loop3A_540 : i32
        %parallel_loop3A_542 = arith.index_cast %parallel_loop3A_425 : i32 to index
        %parallel_loop3A_543 = arith.index_cast %parallel_loop3A_541 : i32 to index
        %parallel_loop3A_544 = tpu.vector_load %arg5[%parallel_loop3A_542, %parallel_loop3A_543] {strides = array<i32>} : memref<16x1024xf32, #tpu.memory_space<vmem>>, vector<1x16xf32>,
        %parallel_loop3A_545 = vector.shape_cast %parallel_loop3A_544 : vector<1x16xf32> to vector<16xf32>
        %parallel_loop3A_546 = arith.index_cast %parallel_loop3A_425 : i32 to index
        %parallel_loop3A_547 = arith.index_cast %parallel_loop3A_541 : i32 to index
        %parallel_loop3A_548 = tpu.vector_load %arg10[%parallel_loop3A_546, %parallel_loop3A_547] {strides = array<i32>} : memref<16x1024xf32, #tpu.memory_space<vmem>>, vector<1x16xf32>,
        %parallel_loop3A_549 = vector.shape_cast %parallel_loop3A_548 : vector<1x16xf32> to vector<16xf32>
        %parallel_loop3A_550 = arith.addf %parallel_loop3A_545, %parallel_loop3A_549 : vector<16xf32>
        %parallel_loop3A_551 = arith.index_cast %parallel_loop3A_425 : i32 to index
        %parallel_loop3A_552 = arith.index_cast %parallel_loop3A_541 : i32 to index
        %parallel_loop3A_553 = tpu.vector_load %arg7[%parallel_loop3A_551, %parallel_loop3A_552] {strides = array<i32>} : memref<16x1024xf32, #tpu.memory_space<vmem>>, vector<1x16xf32>,
        %parallel_loop3A_554 = vector.shape_cast %parallel_loop3A_553 : vector<1x16xf32> to vector<16xf32>
        %parallel_loop3A_555 = vector.shape_cast %parallel_loop3A_550 : vector<16xf32> to vector<1x16xf32>
        tpu.vector_store %arg7[%parallel_loop3A_551, %parallel_loop3A_552], %parallel_loop3A_555 {strides = array<i32>} : memref<16x1024xf32, #tpu.memory_space<vmem>>, vector<1x16xf32>,
        %parallel_loop3A_556 = arith.constant 112 : i32
        %parallel_loop3A_557 = arith.addi %parallel_loop3A_443, %parallel_loop3A_556 : i32
        %parallel_loop3A_558 = arith.index_cast %parallel_loop3A_425 : i32 to index
        %parallel_loop3A_559 = arith.index_cast %parallel_loop3A_557 : i32 to index
        %parallel_loop3A_560 = tpu.vector_load %arg5[%parallel_loop3A_558, %parallel_loop3A_559] {strides = array<i32>} : memref<16x1024xf32, #tpu.memory_space<vmem>>, vector<1x16xf32>,
        %parallel_loop3A_561 = vector.shape_cast %parallel_loop3A_560 : vector<1x16xf32> to vector<16xf32>
        %parallel_loop3A_562 = arith.index_cast %parallel_loop3A_425 : i32 to index
        %parallel_loop3A_563 = arith.index_cast %parallel_loop3A_557 : i32 to index
        %parallel_loop3A_564 = tpu.vector_load %arg10[%parallel_loop3A_562, %parallel_loop3A_563] {strides = array<i32>} : memref<16x1024xf32, #tpu.memory_space<vmem>>, vector<1x16xf32>,
        %parallel_loop3A_565 = vector.shape_cast %parallel_loop3A_564 : vector<1x16xf32> to vector<16xf32>
        %parallel_loop3A_566 = arith.addf %parallel_loop3A_561, %parallel_loop3A_565 : vector<16xf32>
        %parallel_loop3A_567 = arith.index_cast %parallel_loop3A_425 : i32 to index
        %parallel_loop3A_568 = arith.index_cast %parallel_loop3A_557 : i32 to index
        %parallel_loop3A_569 = tpu.vector_load %arg7[%parallel_loop3A_567, %parallel_loop3A_568] {strides = array<i32>} : memref<16x1024xf32, #tpu.memory_space<vmem>>, vector<1x16xf32>,
        %parallel_loop3A_570 = vector.shape_cast %parallel_loop3A_569 : vector<1x16xf32> to vector<16xf32>
        %parallel_loop3A_571 = vector.shape_cast %parallel_loop3A_566 : vector<16xf32> to vector<1x16xf32>
        tpu.vector_store %arg7[%parallel_loop3A_567, %parallel_loop3A_568], %parallel_loop3A_571 {strides = array<i32>} : memref<16x1024xf32, #tpu.memory_space<vmem>>, vector<1x16xf32>,
      } {sc.loop_unroll_factor = 4 : i64, sc.parallel_access}
      %mul3A_266 = arith.constant 16 : i32
      %mul3A_267 = arith.muli %add3A_236, %mul3A_266 : i32
      %add3A_268 = arith.addi %mul3A_2, %mul3A_267 : i32
      %dma_start3A_269 = arith.constant 0 : i32
      %dma_start3A_270 = arith.constant 0 : i32
      %dma_start3A_271 = tpu.memref_slice %arg4[%dma_start3A_269, %add3A_268, %dma_start3A_270] : memref<4x8192x1024xf32, #tpu.memory_space<hbm>> -> memref<1x16x1024xf32, #tpu.memory_space<hbm>>
      %dma_start3A_272 = tpu.memref_squeeze %dma_start3A_271 : memref<1x16x1024xf32, #tpu.memory_space<hbm>> -> memref<16x1024xf32, #tpu.memory_space<hbm>>
      %dma_start3A_273 = arith.constant 0 : i32
      %dma_start3A_274 = tpu.memref_slice %arg4[%dma_start3A_269, %add3A_268, %dma_start3A_273] : memref<4x8192x1024xf32, #tpu.memory_space<hbm>> -> memref<1x16x1024xf32, #tpu.memory_space<hbm>>
      %dma_start3A_275 = tpu.memref_squeeze %dma_start3A_274 : memref<1x16x1024xf32, #tpu.memory_space<hbm>> -> memref<16x1024xf32, #tpu.memory_space<hbm>>
      tpu.enqueue_dma source(%arg7 : memref<16x1024xf32, #tpu.memory_space<vmem>>) target(%dma_start3A_275 : memref<16x1024xf32, #tpu.memory_space<hbm>>) target_semaphore(%arg13 : memref<!tpu.dma_semaphore, #tpu.memory_space<semaphore_mem>>)
      %mul3A_276 = arith.constant 16 : i32
      %mul3A_277 = arith.muli %add3A_236, %mul3A_276 : i32
      %add3A_278 = arith.addi %mul3A_2, %mul3A_277 : i32
      %dma_start3A_279 = arith.constant 2 : i32
      %dma_start3A_280 = arith.constant 0 : i32
      %dma_start3A_281 = tpu.memref_slice %arg2[%dma_start3A_279, %add3A_278, %dma_start3A_280] : memref<4x8192x1024xf32, #tpu.memory_space<hbm>> -> memref<1x16x1024xf32, #tpu.memory_space<hbm>>
      %dma_start3A_282 = tpu.memref_squeeze %dma_start3A_281 : memref<1x16x1024xf32, #tpu.memory_space<hbm>> -> memref<16x1024xf32, #tpu.memory_space<hbm>>
      %dma_start3A_283 = arith.constant 0 : i32
      %dma_start3A_284 = tpu.memref_slice %arg2[%dma_start3A_279, %add3A_278, %dma_start3A_283] : memref<4x8192x1024xf32, #tpu.memory_space<hbm>> -> memref<1x16x1024xf32, #tpu.memory_space<hbm>>
      %dma_start3A_285 = tpu.memref_squeeze %dma_start3A_284 : memref<1x16x1024xf32, #tpu.memory_space<hbm>> -> memref<16x1024xf32, #tpu.memory_space<hbm>>
      tpu.enqueue_dma source(%dma_start3A_285 : memref<16x1024xf32, #tpu.memory_space<hbm>>) target(%arg5 : memref<16x1024xf32, #tpu.memory_space<vmem>>) target_semaphore(%arg11 : memref<!tpu.dma_semaphore, #tpu.memory_space<semaphore_mem>>)
      %mul3A_286 = arith.constant 16 : i32
      %mul3A_287 = arith.muli %add3A_236, %mul3A_286 : i32
      %add3A_288 = arith.addi %mul3A_2, %mul3A_287 : i32
      %dma_wait3A_289 = arith.constant 1 : i32
      %dma_wait3A_290 = arith.constant 0 : i32
      %dma_wait3A_291 = tpu.memref_slice %arg2[%dma_wait3A_289, %add3A_288, %dma_wait3A_290] : memref<4x8192x1024xf32, #tpu.memory_space<hbm>> -> memref<1x16x1024xf32, #tpu.memory_space<hbm>>
      %dma_wait3A_292 = tpu.memref_squeeze %dma_wait3A_291 : memref<1x16x1024xf32, #tpu.memory_space<hbm>> -> memref<16x1024xf32, #tpu.memory_space<hbm>>
      %dma_wait3A_293 = arith.constant 0 : i32
      %dma_wait3A_294 = tpu.memref_slice %arg2[%dma_wait3A_289, %add3A_288, %dma_wait3A_293] : memref<4x8192x1024xf32, #tpu.memory_space<hbm>> -> memref<1x16x1024xf32, #tpu.memory_space<hbm>>
      %dma_wait3A_295 = tpu.memref_squeeze %dma_wait3A_294 : memref<1x16x1024xf32, #tpu.memory_space<hbm>> -> memref<16x1024xf32, #tpu.memory_space<hbm>>
      tpu.wait_dma2 semaphore(%arg12 : memref<!tpu.dma_semaphore, #tpu.memory_space<semaphore_mem>>) src(%dma_wait3A_295 : memref<16x1024xf32, #tpu.memory_space<hbm>>) dst(%arg6 : memref<16x1024xf32, #tpu.memory_space<vmem>>)
      %gt3A_296 = arith.constant 0 : i32
      %gt3A_297 = arith.cmpi sgt, %add3A_236, %gt3A_296 : i32
      %convert_element_type3A_298 = arith.extui %gt3A_297 : i1 to i32
      %cond3A_299 = arith.constant 0 : i32
      %cond3A_300 = arith.cmpi ne, %convert_element_type3A_298, %cond3A_299 : i32
      scf.if %cond3A_300 {
        %sub3A = arith.constant 1 : i32
        %sub3A_401 = arith.subi %add3A_236, %sub3A : i32
        %mul3A_402 = arith.constant 16 : i32
        %mul3A_403 = arith.muli %sub3A_401, %mul3A_402 : i32
        %add3A_404 = arith.addi %mul3A_2, %mul3A_403 : i32
        %dma_wait3A_405 = arith.constant 3 : i32
        %dma_wait3A_406 = arith.constant 0 : i32
        %dma_wait3A_407 = tpu.memref_slice %arg4[%dma_wait3A_405, %add3A_404, %dma_wait3A_406] : memref<4x8192x1024xf32, #tpu.memory_space<hbm>> -> memref<1x16x1024xf32, #tpu.memory_space<hbm>>
        %dma_wait3A_408 = tpu.memref_squeeze %dma_wait3A_407 : memref<1x16x1024xf32, #tpu.memory_space<hbm>> -> memref<16x1024xf32, #tpu.memory_space<hbm>>
        %dma_wait3A_409 = arith.constant 0 : i32
        %dma_wait3A_410 = tpu.memref_slice %arg4[%dma_wait3A_405, %add3A_404, %dma_wait3A_409] : memref<4x8192x1024xf32, #tpu.memory_space<hbm>> -> memref<1x16x1024xf32, #tpu.memory_space<hbm>>
        %dma_wait3A_411 = tpu.memref_squeeze %dma_wait3A_410 : memref<1x16x1024xf32, #tpu.memory_space<hbm>> -> memref<16x1024xf32, #tpu.memory_space<hbm>>
        tpu.wait_dma2 semaphore(%arg14 : memref<!tpu.dma_semaphore, #tpu.memory_space<semaphore_mem>>) src(%arg8 : memref<16x1024xf32, #tpu.memory_space<vmem>>) dst(%dma_wait3A_411 : memref<16x1024xf32, #tpu.memory_space<hbm>>)
      } else {
      }
      %parallel_loop3A_301 = arith.constant 0 : i32
      %parallel_loop3A_302 = arith.constant 128 : i32
      %parallel_loop3A_303 = arith.constant 1 : i32
      scf.for %parallel_loop3A_401 = %parallel_loop3A_301 to %parallel_loop3A_302 step %parallel_loop3A_303  : i32 {
        %parallel_loop3A_402 = arith.constant 8 : i32
        %parallel_loop3A_403 = arith.divsi %parallel_loop3A_401, %parallel_loop3A_402 : i32
        %parallel_loop3A_404 = arith.constant 0 : i32
        %parallel_loop3A_405 = arith.cmpi sgt, %parallel_loop3A_401, %parallel_loop3A_404 : i32
        %parallel_loop3A_406 = arith.extui %parallel_loop3A_405 : i1 to i32
        %parallel_loop3A_407 = arith.constant 0 : i32
        %parallel_loop3A_408 = arith.cmpi slt, %parallel_loop3A_401, %parallel_loop3A_407 : i32
        %parallel_loop3A_409 = arith.extui %parallel_loop3A_408 : i1 to i32
        %parallel_loop3A_410 = arith.subi %parallel_loop3A_406, %parallel_loop3A_409 : i32
        %parallel_loop3A_411 = arith.constant 0 : i32
        %parallel_loop3A_412 = arith.cmpi sgt, %parallel_loop3A_402, %parallel_loop3A_411 : i32
        %parallel_loop3A_413 = arith.extui %parallel_loop3A_412 : i1 to i32
        %parallel_loop3A_414 = arith.constant 0 : i32
        %parallel_loop3A_415 = arith.cmpi slt, %parallel_loop3A_402, %parallel_loop3A_414 : i32
        %parallel_loop3A_416 = arith.extui %parallel_loop3A_415 : i1 to i32
        %parallel_loop3A_417 = arith.subi %parallel_loop3A_413, %parallel_loop3A_416 : i32
        %parallel_loop3A_418 = arith.cmpi ne, %parallel_loop3A_410, %parallel_loop3A_417 : i32
        %parallel_loop3A_419 = arith.remsi %parallel_loop3A_401, %parallel_loop3A_402 : i32
        %parallel_loop3A_420 = arith.constant 0 : i32
        %parallel_loop3A_421 = arith.cmpi ne, %parallel_loop3A_419, %parallel_loop3A_420 : i32
        %parallel_loop3A_422 = arith.andi %parallel_loop3A_418, %parallel_loop3A_421 : i1
        %parallel_loop3A_423 = arith.constant 1 : i32
        %parallel_loop3A_424 = arith.subi %parallel_loop3A_403, %parallel_loop3A_423 : i32
        %parallel_loop3A_425 = arith.select %parallel_loop3A_422, %parallel_loop3A_424, %parallel_loop3A_403 : i32
        %parallel_loop3A_426 = arith.constant 8 : i32
        %parallel_loop3A_427 = arith.constant 0 : i32
        %parallel_loop3A_428 = arith.cmpi eq, %parallel_loop3A_426, %parallel_loop3A_427 : i32
        %parallel_loop3A_429 = arith.constant 1 : i32
        %parallel_loop3A_430 = arith.select %parallel_loop3A_428, %parallel_loop3A_429, %parallel_loop3A_426 : i32
        %parallel_loop3A_431 = arith.remsi %parallel_loop3A_401, %parallel_loop3A_430 : i32
        %parallel_loop3A_432 = arith.constant 0 : i32
        %parallel_loop3A_433 = arith.cmpi ne, %parallel_loop3A_431, %parallel_loop3A_432 : i32
        %parallel_loop3A_434 = arith.constant 0 : i32
        %parallel_loop3A_435 = arith.cmpi slt, %parallel_loop3A_431, %parallel_loop3A_434 : i32
        %parallel_loop3A_436 = arith.constant 0 : i32
        %parallel_loop3A_437 = arith.cmpi slt, %parallel_loop3A_430, %parallel_loop3A_436 : i32
        %parallel_loop3A_438 = arith.xori %parallel_loop3A_435, %parallel_loop3A_437 : i1
        %parallel_loop3A_439 = arith.andi %parallel_loop3A_438, %parallel_loop3A_433 : i1
        %parallel_loop3A_440 = arith.addi %parallel_loop3A_431, %parallel_loop3A_430 : i32
        %parallel_loop3A_441 = arith.select %parallel_loop3A_439, %parallel_loop3A_440, %parallel_loop3A_431 : i32
        %parallel_loop3A_442 = arith.constant 128 : i32
        %parallel_loop3A_443 = arith.muli %parallel_loop3A_441, %parallel_loop3A_442 : i32
        %parallel_loop3A_444 = arith.constant 0 : i32
        %parallel_loop3A_445 = arith.addi %parallel_loop3A_443, %parallel_loop3A_444 : i32
        %parallel_loop3A_446 = arith.index_cast %parallel_loop3A_425 : i32 to index
        %parallel_loop3A_447 = arith.index_cast %parallel_loop3A_445 : i32 to index
        %parallel_loop3A_448 = tpu.vector_load %arg6[%parallel_loop3A_446, %parallel_loop3A_447] {strides = array<i32>} : memref<16x1024xf32, #tpu.memory_space<vmem>>, vector<1x16xf32>,
        %parallel_loop3A_449 = vector.shape_cast %parallel_loop3A_448 : vector<1x16xf32> to vector<16xf32>
        %parallel_loop3A_450 = arith.index_cast %parallel_loop3A_425 : i32 to index
        %parallel_loop3A_451 = arith.index_cast %parallel_loop3A_445 : i32 to index
        %parallel_loop3A_452 = tpu.vector_load %arg10[%parallel_loop3A_450, %parallel_loop3A_451] {strides = array<i32>} : memref<16x1024xf32, #tpu.memory_space<vmem>>, vector<1x16xf32>,
        %parallel_loop3A_453 = vector.shape_cast %parallel_loop3A_452 : vector<1x16xf32> to vector<16xf32>
        %parallel_loop3A_454 = arith.addf %parallel_loop3A_449, %parallel_loop3A_453 : vector<16xf32>
        %parallel_loop3A_455 = arith.index_cast %parallel_loop3A_425 : i32 to index
        %parallel_loop3A_456 = arith.index_cast %parallel_loop3A_445 : i32 to index
        %parallel_loop3A_457 = tpu.vector_load %arg8[%parallel_loop3A_455, %parallel_loop3A_456] {strides = array<i32>} : memref<16x1024xf32, #tpu.memory_space<vmem>>, vector<1x16xf32>,
        %parallel_loop3A_458 = vector.shape_cast %parallel_loop3A_457 : vector<1x16xf32> to vector<16xf32>
        %parallel_loop3A_459 = vector.shape_cast %parallel_loop3A_454 : vector<16xf32> to vector<1x16xf32>
        tpu.vector_store %arg8[%parallel_loop3A_455, %parallel_loop3A_456], %parallel_loop3A_459 {strides = array<i32>} : memref<16x1024xf32, #tpu.memory_space<vmem>>, vector<1x16xf32>,
        %parallel_loop3A_460 = arith.constant 16 : i32
        %parallel_loop3A_461 = arith.addi %parallel_loop3A_443, %parallel_loop3A_460 : i32
        %parallel_loop3A_462 = arith.index_cast %parallel_loop3A_425 : i32 to index
        %parallel_loop3A_463 = arith.index_cast %parallel_loop3A_461 : i32 to index
        %parallel_loop3A_464 = tpu.vector_load %arg6[%parallel_loop3A_462, %parallel_loop3A_463] {strides = array<i32>} : memref<16x1024xf32, #tpu.memory_space<vmem>>, vector<1x16xf32>,
        %parallel_loop3A_465 = vector.shape_cast %parallel_loop3A_464 : vector<1x16xf32> to vector<16xf32>
        %parallel_loop3A_466 = arith.index_cast %parallel_loop3A_425 : i32 to index
        %parallel_loop3A_467 = arith.index_cast %parallel_loop3A_461 : i32 to index
        %parallel_loop3A_468 = tpu.vector_load %arg10[%parallel_loop3A_466, %parallel_loop3A_467] {strides = array<i32>} : memref<16x1024xf32, #tpu.memory_space<vmem>>, vector<1x16xf32>,
        %parallel_loop3A_469 = vector.shape_cast %parallel_loop3A_468 : vector<1x16xf32> to vector<16xf32>
        %parallel_loop3A_470 = arith.addf %parallel_loop3A_465, %parallel_loop3A_469 : vector<16xf32>
        %parallel_loop3A_471 = arith.index_cast %parallel_loop3A_425 : i32 to index
        %parallel_loop3A_472 = arith.index_cast %parallel_loop3A_461 : i32 to index
        %parallel_loop3A_473 = tpu.vector_load %arg8[%parallel_loop3A_471, %parallel_loop3A_472] {strides = array<i32>} : memref<16x1024xf32, #tpu.memory_space<vmem>>, vector<1x16xf32>,
        %parallel_loop3A_474 = vector.shape_cast %parallel_loop3A_473 : vector<1x16xf32> to vector<16xf32>
        %parallel_loop3A_475 = vector.shape_cast %parallel_loop3A_470 : vector<16xf32> to vector<1x16xf32>
        tpu.vector_store %arg8[%parallel_loop3A_471, %parallel_loop3A_472], %parallel_loop3A_475 {strides = array<i32>} : memref<16x1024xf32, #tpu.memory_space<vmem>>, vector<1x16xf32>,
        %parallel_loop3A_476 = arith.constant 32 : i32
        %parallel_loop3A_477 = arith.addi %parallel_loop3A_443, %parallel_loop3A_476 : i32
        %parallel_loop3A_478 = arith.index_cast %parallel_loop3A_425 : i32 to index
        %parallel_loop3A_479 = arith.index_cast %parallel_loop3A_477 : i32 to index
        %parallel_loop3A_480 = tpu.vector_load %arg6[%parallel_loop3A_478, %parallel_loop3A_479] {strides = array<i32>} : memref<16x1024xf32, #tpu.memory_space<vmem>>, vector<1x16xf32>,
        %parallel_loop3A_481 = vector.shape_cast %parallel_loop3A_480 : vector<1x16xf32> to vector<16xf32>
        %parallel_loop3A_482 = arith.index_cast %parallel_loop3A_425 : i32 to index
        %parallel_loop3A_483 = arith.index_cast %parallel_loop3A_477 : i32 to index
        %parallel_loop3A_484 = tpu.vector_load %arg10[%parallel_loop3A_482, %parallel_loop3A_483] {strides = array<i32>} : memref<16x1024xf32, #tpu.memory_space<vmem>>, vector<1x16xf32>,
        %parallel_loop3A_485 = vector.shape_cast %parallel_loop3A_484 : vector<1x16xf32> to vector<16xf32>
        %parallel_loop3A_486 = arith.addf %parallel_loop3A_481, %parallel_loop3A_485 : vector<16xf32>
        %parallel_loop3A_487 = arith.index_cast %parallel_loop3A_425 : i32 to index
        %parallel_loop3A_488 = arith.index_cast %parallel_loop3A_477 : i32 to index
        %parallel_loop3A_489 = tpu.vector_load %arg8[%parallel_loop3A_487, %parallel_loop3A_488] {strides = array<i32>} : memref<16x1024xf32, #tpu.memory_space<vmem>>, vector<1x16xf32>,
        %parallel_loop3A_490 = vector.shape_cast %parallel_loop3A_489 : vector<1x16xf32> to vector<16xf32>
        %parallel_loop3A_491 = vector.shape_cast %parallel_loop3A_486 : vector<16xf32> to vector<1x16xf32>
        tpu.vector_store %arg8[%parallel_loop3A_487, %parallel_loop3A_488], %parallel_loop3A_491 {strides = array<i32>} : memref<16x1024xf32, #tpu.memory_space<vmem>>, vector<1x16xf32>,
        %parallel_loop3A_492 = arith.constant 48 : i32
        %parallel_loop3A_493 = arith.addi %parallel_loop3A_443, %parallel_loop3A_492 : i32
        %parallel_loop3A_494 = arith.index_cast %parallel_loop3A_425 : i32 to index
        %parallel_loop3A_495 = arith.index_cast %parallel_loop3A_493 : i32 to index
        %parallel_loop3A_496 = tpu.vector_load %arg6[%parallel_loop3A_494, %parallel_loop3A_495] {strides = array<i32>} : memref<16x1024xf32, #tpu.memory_space<vmem>>, vector<1x16xf32>,
        %parallel_loop3A_497 = vector.shape_cast %parallel_loop3A_496 : vector<1x16xf32> to vector<16xf32>
        %parallel_loop3A_498 = arith.index_cast %parallel_loop3A_425 : i32 to index
        %parallel_loop3A_499 = arith.index_cast %parallel_loop3A_493 : i32 to index
        %parallel_loop3A_500 = tpu.vector_load %arg10[%parallel_loop3A_498, %parallel_loop3A_499] {strides = array<i32>} : memref<16x1024xf32, #tpu.memory_space<vmem>>, vector<1x16xf32>,
        %parallel_loop3A_501 = vector.shape_cast %parallel_loop3A_500 : vector<1x16xf32> to vector<16xf32>
        %parallel_loop3A_502 = arith.addf %parallel_loop3A_497, %parallel_loop3A_501 : vector<16xf32>
        %parallel_loop3A_503 = arith.index_cast %parallel_loop3A_425 : i32 to index
        %parallel_loop3A_504 = arith.index_cast %parallel_loop3A_493 : i32 to index
        %parallel_loop3A_505 = tpu.vector_load %arg8[%parallel_loop3A_503, %parallel_loop3A_504] {strides = array<i32>} : memref<16x1024xf32, #tpu.memory_space<vmem>>, vector<1x16xf32>,
        %parallel_loop3A_506 = vector.shape_cast %parallel_loop3A_505 : vector<1x16xf32> to vector<16xf32>
        %parallel_loop3A_507 = vector.shape_cast %parallel_loop3A_502 : vector<16xf32> to vector<1x16xf32>
        tpu.vector_store %arg8[%parallel_loop3A_503, %parallel_loop3A_504], %parallel_loop3A_507 {strides = array<i32>} : memref<16x1024xf32, #tpu.memory_space<vmem>>, vector<1x16xf32>,
        %parallel_loop3A_508 = arith.constant 64 : i32
        %parallel_loop3A_509 = arith.addi %parallel_loop3A_443, %parallel_loop3A_508 : i32
        %parallel_loop3A_510 = arith.index_cast %parallel_loop3A_425 : i32 to index
        %parallel_loop3A_511 = arith.index_cast %parallel_loop3A_509 : i32 to index
        %parallel_loop3A_512 = tpu.vector_load %arg6[%parallel_loop3A_510, %parallel_loop3A_511] {strides = array<i32>} : memref<16x1024xf32, #tpu.memory_space<vmem>>, vector<1x16xf32>,
        %parallel_loop3A_513 = vector.shape_cast %parallel_loop3A_512 : vector<1x16xf32> to vector<16xf32>
        %parallel_loop3A_514 = arith.index_cast %parallel_loop3A_425 : i32 to index
        %parallel_loop3A_515 = arith.index_cast %parallel_loop3A_509 : i32 to index
        %parallel_loop3A_516 = tpu.vector_load %arg10[%parallel_loop3A_514, %parallel_loop3A_515] {strides = array<i32>} : memref<16x1024xf32, #tpu.memory_space<vmem>>, vector<1x16xf32>,
        %parallel_loop3A_517 = vector.shape_cast %parallel_loop3A_516 : vector<1x16xf32> to vector<16xf32>
        %parallel_loop3A_518 = arith.addf %parallel_loop3A_513, %parallel_loop3A_517 : vector<16xf32>
        %parallel_loop3A_519 = arith.index_cast %parallel_loop3A_425 : i32 to index
        %parallel_loop3A_520 = arith.index_cast %parallel_loop3A_509 : i32 to index
        %parallel_loop3A_521 = tpu.vector_load %arg8[%parallel_loop3A_519, %parallel_loop3A_520] {strides = array<i32>} : memref<16x1024xf32, #tpu.memory_space<vmem>>, vector<1x16xf32>,
        %parallel_loop3A_522 = vector.shape_cast %parallel_loop3A_521 : vector<1x16xf32> to vector<16xf32>
        %parallel_loop3A_523 = vector.shape_cast %parallel_loop3A_518 : vector<16xf32> to vector<1x16xf32>
        tpu.vector_store %arg8[%parallel_loop3A_519, %parallel_loop3A_520], %parallel_loop3A_523 {strides = array<i32>} : memref<16x1024xf32, #tpu.memory_space<vmem>>, vector<1x16xf32>,
        %parallel_loop3A_524 = arith.constant 80 : i32
        %parallel_loop3A_525 = arith.addi %parallel_loop3A_443, %parallel_loop3A_524 : i32
        %parallel_loop3A_526 = arith.index_cast %parallel_loop3A_425 : i32 to index
        %parallel_loop3A_527 = arith.index_cast %parallel_loop3A_525 : i32 to index
        %parallel_loop3A_528 = tpu.vector_load %arg6[%parallel_loop3A_526, %parallel_loop3A_527] {strides = array<i32>} : memref<16x1024xf32, #tpu.memory_space<vmem>>, vector<1x16xf32>,
        %parallel_loop3A_529 = vector.shape_cast %parallel_loop3A_528 : vector<1x16xf32> to vector<16xf32>
        %parallel_loop3A_530 = arith.index_cast %parallel_loop3A_425 : i32 to index
        %parallel_loop3A_531 = arith.index_cast %parallel_loop3A_525 : i32 to index
        %parallel_loop3A_532 = tpu.vector_load %arg10[%parallel_loop3A_530, %parallel_loop3A_531] {strides = array<i32>} : memref<16x1024xf32, #tpu.memory_space<vmem>>, vector<1x16xf32>,
        %parallel_loop3A_533 = vector.shape_cast %parallel_loop3A_532 : vector<1x16xf32> to vector<16xf32>
        %parallel_loop3A_534 = arith.addf %parallel_loop3A_529, %parallel_loop3A_533 : vector<16xf32>
        %parallel_loop3A_535 = arith.index_cast %parallel_loop3A_425 : i32 to index
        %parallel_loop3A_536 = arith.index_cast %parallel_loop3A_525 : i32 to index
        %parallel_loop3A_537 = tpu.vector_load %arg8[%parallel_loop3A_535, %parallel_loop3A_536] {strides = array<i32>} : memref<16x1024xf32, #tpu.memory_space<vmem>>, vector<1x16xf32>,
        %parallel_loop3A_538 = vector.shape_cast %parallel_loop3A_537 : vector<1x16xf32> to vector<16xf32>
        %parallel_loop3A_539 = vector.shape_cast %parallel_loop3A_534 : vector<16xf32> to vector<1x16xf32>
        tpu.vector_store %arg8[%parallel_loop3A_535, %parallel_loop3A_536], %parallel_loop3A_539 {strides = array<i32>} : memref<16x1024xf32, #tpu.memory_space<vmem>>, vector<1x16xf32>,
        %parallel_loop3A_540 = arith.constant 96 : i32
        %parallel_loop3A_541 = arith.addi %parallel_loop3A_443, %parallel_loop3A_540 : i32
        %parallel_loop3A_542 = arith.index_cast %parallel_loop3A_425 : i32 to index
        %parallel_loop3A_543 = arith.index_cast %parallel_loop3A_541 : i32 to index
        %parallel_loop3A_544 = tpu.vector_load %arg6[%parallel_loop3A_542, %parallel_loop3A_543] {strides = array<i32>} : memref<16x1024xf32, #tpu.memory_space<vmem>>, vector<1x16xf32>,
        %parallel_loop3A_545 = vector.shape_cast %parallel_loop3A_544 : vector<1x16xf32> to vector<16xf32>
        %parallel_loop3A_546 = arith.index_cast %parallel_loop3A_425 : i32 to index
        %parallel_loop3A_547 = arith.index_cast %parallel_loop3A_541 : i32 to index
        %parallel_loop3A_548 = tpu.vector_load %arg10[%parallel_loop3A_546, %parallel_loop3A_547] {strides = array<i32>} : memref<16x1024xf32, #tpu.memory_space<vmem>>, vector<1x16xf32>,
        %parallel_loop3A_549 = vector.shape_cast %parallel_loop3A_548 : vector<1x16xf32> to vector<16xf32>
        %parallel_loop3A_550 = arith.addf %parallel_loop3A_545, %parallel_loop3A_549 : vector<16xf32>
        %parallel_loop3A_551 = arith.index_cast %parallel_loop3A_425 : i32 to index
        %parallel_loop3A_552 = arith.index_cast %parallel_loop3A_541 : i32 to index
        %parallel_loop3A_553 = tpu.vector_load %arg8[%parallel_loop3A_551, %parallel_loop3A_552] {strides = array<i32>} : memref<16x1024xf32, #tpu.memory_space<vmem>>, vector<1x16xf32>,
        %parallel_loop3A_554 = vector.shape_cast %parallel_loop3A_553 : vector<1x16xf32> to vector<16xf32>
        %parallel_loop3A_555 = vector.shape_cast %parallel_loop3A_550 : vector<16xf32> to vector<1x16xf32>
        tpu.vector_store %arg8[%parallel_loop3A_551, %parallel_loop3A_552], %parallel_loop3A_555 {strides = array<i32>} : memref<16x1024xf32, #tpu.memory_space<vmem>>, vector<1x16xf32>,
        %parallel_loop3A_556 = arith.constant 112 : i32
        %parallel_loop3A_557 = arith.addi %parallel_loop3A_443, %parallel_loop3A_556 : i32
        %parallel_loop3A_558 = arith.index_cast %parallel_loop3A_425 : i32 to index
        %parallel_loop3A_559 = arith.index_cast %parallel_loop3A_557 : i32 to index
        %parallel_loop3A_560 = tpu.vector_load %arg6[%parallel_loop3A_558, %parallel_loop3A_559] {strides = array<i32>} : memref<16x1024xf32, #tpu.memory_space<vmem>>, vector<1x16xf32>,
        %parallel_loop3A_561 = vector.shape_cast %parallel_loop3A_560 : vector<1x16xf32> to vector<16xf32>
        %parallel_loop3A_562 = arith.index_cast %parallel_loop3A_425 : i32 to index
        %parallel_loop3A_563 = arith.index_cast %parallel_loop3A_557 : i32 to index
        %parallel_loop3A_564 = tpu.vector_load %arg10[%parallel_loop3A_562, %parallel_loop3A_563] {strides = array<i32>} : memref<16x1024xf32, #tpu.memory_space<vmem>>, vector<1x16xf32>,
        %parallel_loop3A_565 = vector.shape_cast %parallel_loop3A_564 : vector<1x16xf32> to vector<16xf32>
        %parallel_loop3A_566 = arith.addf %parallel_loop3A_561, %parallel_loop3A_565 : vector<16xf32>
        %parallel_loop3A_567 = arith.index_cast %parallel_loop3A_425 : i32 to index
        %parallel_loop3A_568 = arith.index_cast %parallel_loop3A_557 : i32 to index
        %parallel_loop3A_569 = tpu.vector_load %arg8[%parallel_loop3A_567, %parallel_loop3A_568] {strides = array<i32>} : memref<16x1024xf32, #tpu.memory_space<vmem>>, vector<1x16xf32>,
        %parallel_loop3A_570 = vector.shape_cast %parallel_loop3A_569 : vector<1x16xf32> to vector<16xf32>
        %parallel_loop3A_571 = vector.shape_cast %parallel_loop3A_566 : vector<16xf32> to vector<1x16xf32>
        tpu.vector_store %arg8[%parallel_loop3A_567, %parallel_loop3A_568], %parallel_loop3A_571 {strides = array<i32>} : memref<16x1024xf32, #tpu.memory_space<vmem>>, vector<1x16xf32>,
      } {sc.loop_unroll_factor = 4 : i64, sc.parallel_access}
      %mul3A_304 = arith.constant 16 : i32
      %mul3A_305 = arith.muli %add3A_236, %mul3A_304 : i32
      %add3A_306 = arith.addi %mul3A_2, %mul3A_305 : i32
      %dma_start3A_307 = arith.constant 1 : i32
      %dma_start3A_308 = arith.constant 0 : i32
      %dma_start3A_309 = tpu.memref_slice %arg4[%dma_start3A_307, %add3A_306, %dma_start3A_308] : memref<4x8192x1024xf32, #tpu.memory_space<hbm>> -> memref<1x16x1024xf32, #tpu.memory_space<hbm>>
      %dma_start3A_310 = tpu.memref_squeeze %dma_start3A_309 : memref<1x16x1024xf32, #tpu.memory_space<hbm>> -> memref<16x1024xf32, #tpu.memory_space<hbm>>
      %dma_start3A_311 = arith.constant 0 : i32
      %dma_start3A_312 = tpu.memref_slice %arg4[%dma_start3A_307, %add3A_306, %dma_start3A_311] : memref<4x8192x1024xf32, #tpu.memory_space<hbm>> -> memref<1x16x1024xf32, #tpu.memory_space<hbm>>
      %dma_start3A_313 = tpu.memref_squeeze %dma_start3A_312 : memref<1x16x1024xf32, #tpu.memory_space<hbm>> -> memref<16x1024xf32, #tpu.memory_space<hbm>>
      tpu.enqueue_dma source(%arg8 : memref<16x1024xf32, #tpu.memory_space<vmem>>) target(%dma_start3A_313 : memref<16x1024xf32, #tpu.memory_space<hbm>>) target_semaphore(%arg14 : memref<!tpu.dma_semaphore, #tpu.memory_space<semaphore_mem>>)
      %mul3A_314 = arith.constant 16 : i32
      %mul3A_315 = arith.muli %add3A_236, %mul3A_314 : i32
      %add3A_316 = arith.addi %mul3A_2, %mul3A_315 : i32
      %dma_start3A_317 = arith.constant 3 : i32
      %dma_start3A_318 = arith.constant 0 : i32
      %dma_start3A_319 = tpu.memref_slice %arg2[%dma_start3A_317, %add3A_316, %dma_start3A_318] : memref<4x8192x1024xf32, #tpu.memory_space<hbm>> -> memref<1x16x1024xf32, #tpu.memory_space<hbm>>
      %dma_start3A_320 = tpu.memref_squeeze %dma_start3A_319 : memref<1x16x1024xf32, #tpu.memory_space<hbm>> -> memref<16x1024xf32, #tpu.memory_space<hbm>>
      %dma_start3A_321 = arith.constant 0 : i32
      %dma_start3A_322 = tpu.memref_slice %arg2[%dma_start3A_317, %add3A_316, %dma_start3A_321] : memref<4x8192x1024xf32, #tpu.memory_space<hbm>> -> memref<1x16x1024xf32, #tpu.memory_space<hbm>>
      %dma_start3A_323 = tpu.memref_squeeze %dma_start3A_322 : memref<1x16x1024xf32, #tpu.memory_space<hbm>> -> memref<16x1024xf32, #tpu.memory_space<hbm>>
      tpu.enqueue_dma source(%dma_start3A_323 : memref<16x1024xf32, #tpu.memory_space<hbm>>) target(%arg6 : memref<16x1024xf32, #tpu.memory_space<vmem>>) target_semaphore(%arg12 : memref<!tpu.dma_semaphore, #tpu.memory_space<semaphore_mem>>)
      %mul3A_324 = arith.constant 16 : i32
      %mul3A_325 = arith.muli %add3A_236, %mul3A_324 : i32
      %add3A_326 = arith.addi %mul3A_2, %mul3A_325 : i32
      %dma_wait3A_327 = arith.constant 2 : i32
      %dma_wait3A_328 = arith.constant 0 : i32
      %dma_wait3A_329 = tpu.memref_slice %arg2[%dma_wait3A_327, %add3A_326, %dma_wait3A_328] : memref<4x8192x1024xf32, #tpu.memory_space<hbm>> -> memref<1x16x1024xf32, #tpu.memory_space<hbm>>
      %dma_wait3A_330 = tpu.memref_squeeze %dma_wait3A_329 : memref<1x16x1024xf32, #tpu.memory_space<hbm>> -> memref<16x1024xf32, #tpu.memory_space<hbm>>
      %dma_wait3A_331 = arith.constant 0 : i32
      %dma_wait3A_332 = tpu.memref_slice %arg2[%dma_wait3A_327, %add3A_326, %dma_wait3A_331] : memref<4x8192x1024xf32, #tpu.memory_space<hbm>> -> memref<1x16x1024xf32, #tpu.memory_space<hbm>>
      %dma_wait3A_333 = tpu.memref_squeeze %dma_wait3A_332 : memref<1x16x1024xf32, #tpu.memory_space<hbm>> -> memref<16x1024xf32, #tpu.memory_space<hbm>>
      tpu.wait_dma2 semaphore(%arg11 : memref<!tpu.dma_semaphore, #tpu.memory_space<semaphore_mem>>) src(%dma_wait3A_333 : memref<16x1024xf32, #tpu.memory_space<hbm>>) dst(%arg5 : memref<16x1024xf32, #tpu.memory_space<vmem>>)
      %mul3A_334 = arith.constant 16 : i32
      %mul3A_335 = arith.muli %add3A_236, %mul3A_334 : i32
      %add3A_336 = arith.addi %mul3A_2, %mul3A_335 : i32
      %dma_wait3A_337 = arith.constant 0 : i32
      %dma_wait3A_338 = arith.constant 0 : i32
      %dma_wait3A_339 = tpu.memref_slice %arg4[%dma_wait3A_337, %add3A_336, %dma_wait3A_338] : memref<4x8192x1024xf32, #tpu.memory_space<hbm>> -> memref<1x16x1024xf32, #tpu.memory_space<hbm>>
      %dma_wait3A_340 = tpu.memref_squeeze %dma_wait3A_339 : memref<1x16x1024xf32, #tpu.memory_space<hbm>> -> memref<16x1024xf32, #tpu.memory_space<hbm>>
      %dma_wait3A_341 = arith.constant 0 : i32
      %dma_wait3A_342 = tpu.memref_slice %arg4[%dma_wait3A_337, %add3A_336, %dma_wait3A_341] : memref<4x8192x1024xf32, #tpu.memory_space<hbm>> -> memref<1x16x1024xf32, #tpu.memory_space<hbm>>
      %dma_wait3A_343 = tpu.memref_squeeze %dma_wait3A_342 : memref<1x16x1024xf32, #tpu.memory_space<hbm>> -> memref<16x1024xf32, #tpu.memory_space<hbm>>
      tpu.wait_dma2 semaphore(%arg13 : memref<!tpu.dma_semaphore, #tpu.memory_space<semaphore_mem>>) src(%arg7 : memref<16x1024xf32, #tpu.memory_space<vmem>>) dst(%dma_wait3A_343 : memref<16x1024xf32, #tpu.memory_space<hbm>>)
      %parallel_loop3A_344 = arith.constant 0 : i32
      %parallel_loop3A_345 = arith.constant 128 : i32
      %parallel_loop3A_346 = arith.constant 1 : i32
      scf.for %parallel_loop3A_401 = %parallel_loop3A_344 to %parallel_loop3A_345 step %parallel_loop3A_346  : i32 {
        %parallel_loop3A_402 = arith.constant 8 : i32
        %parallel_loop3A_403 = arith.divsi %parallel_loop3A_401, %parallel_loop3A_402 : i32
        %parallel_loop3A_404 = arith.constant 0 : i32
        %parallel_loop3A_405 = arith.cmpi sgt, %parallel_loop3A_401, %parallel_loop3A_404 : i32
        %parallel_loop3A_406 = arith.extui %parallel_loop3A_405 : i1 to i32
        %parallel_loop3A_407 = arith.constant 0 : i32
        %parallel_loop3A_408 = arith.cmpi slt, %parallel_loop3A_401, %parallel_loop3A_407 : i32
        %parallel_loop3A_409 = arith.extui %parallel_loop3A_408 : i1 to i32
        %parallel_loop3A_410 = arith.subi %parallel_loop3A_406, %parallel_loop3A_409 : i32
        %parallel_loop3A_411 = arith.constant 0 : i32
        %parallel_loop3A_412 = arith.cmpi sgt, %parallel_loop3A_402, %parallel_loop3A_411 : i32
        %parallel_loop3A_413 = arith.extui %parallel_loop3A_412 : i1 to i32
        %parallel_loop3A_414 = arith.constant 0 : i32
        %parallel_loop3A_415 = arith.cmpi slt, %parallel_loop3A_402, %parallel_loop3A_414 : i32
        %parallel_loop3A_416 = arith.extui %parallel_loop3A_415 : i1 to i32
        %parallel_loop3A_417 = arith.subi %parallel_loop3A_413, %parallel_loop3A_416 : i32
        %parallel_loop3A_418 = arith.cmpi ne, %parallel_loop3A_410, %parallel_loop3A_417 : i32
        %parallel_loop3A_419 = arith.remsi %parallel_loop3A_401, %parallel_loop3A_402 : i32
        %parallel_loop3A_420 = arith.constant 0 : i32
        %parallel_loop3A_421 = arith.cmpi ne, %parallel_loop3A_419, %parallel_loop3A_420 : i32
        %parallel_loop3A_422 = arith.andi %parallel_loop3A_418, %parallel_loop3A_421 : i1
        %parallel_loop3A_423 = arith.constant 1 : i32
        %parallel_loop3A_424 = arith.subi %parallel_loop3A_403, %parallel_loop3A_423 : i32
        %parallel_loop3A_425 = arith.select %parallel_loop3A_422, %parallel_loop3A_424, %parallel_loop3A_403 : i32
        %parallel_loop3A_426 = arith.constant 8 : i32
        %parallel_loop3A_427 = arith.constant 0 : i32
        %parallel_loop3A_428 = arith.cmpi eq, %parallel_loop3A_426, %parallel_loop3A_427 : i32
        %parallel_loop3A_429 = arith.constant 1 : i32
        %parallel_loop3A_430 = arith.select %parallel_loop3A_428, %parallel_loop3A_429, %parallel_loop3A_426 : i32
        %parallel_loop3A_431 = arith.remsi %parallel_loop3A_401, %parallel_loop3A_430 : i32
        %parallel_loop3A_432 = arith.constant 0 : i32
        %parallel_loop3A_433 = arith.cmpi ne, %parallel_loop3A_431, %parallel_loop3A_432 : i32
        %parallel_loop3A_434 = arith.constant 0 : i32
        %parallel_loop3A_435 = arith.cmpi slt, %parallel_loop3A_431, %parallel_loop3A_434 : i32
        %parallel_loop3A_436 = arith.constant 0 : i32
        %parallel_loop3A_437 = arith.cmpi slt, %parallel_loop3A_430, %parallel_loop3A_436 : i32
        %parallel_loop3A_438 = arith.xori %parallel_loop3A_435, %parallel_loop3A_437 : i1
        %parallel_loop3A_439 = arith.andi %parallel_loop3A_438, %parallel_loop3A_433 : i1
        %parallel_loop3A_440 = arith.addi %parallel_loop3A_431, %parallel_loop3A_430 : i32
        %parallel_loop3A_441 = arith.select %parallel_loop3A_439, %parallel_loop3A_440, %parallel_loop3A_431 : i32
        %parallel_loop3A_442 = arith.constant 128 : i32
        %parallel_loop3A_443 = arith.muli %parallel_loop3A_441, %parallel_loop3A_442 : i32
        %parallel_loop3A_444 = arith.constant 0 : i32
        %parallel_loop3A_445 = arith.addi %parallel_loop3A_443, %parallel_loop3A_444 : i32
        %parallel_loop3A_446 = arith.index_cast %parallel_loop3A_425 : i32 to index
        %parallel_loop3A_447 = arith.index_cast %parallel_loop3A_445 : i32 to index
        %parallel_loop3A_448 = tpu.vector_load %arg5[%parallel_loop3A_446, %parallel_loop3A_447] {strides = array<i32>} : memref<16x1024xf32, #tpu.memory_space<vmem>>, vector<1x16xf32>,
        %parallel_loop3A_449 = vector.shape_cast %parallel_loop3A_448 : vector<1x16xf32> to vector<16xf32>
        %parallel_loop3A_450 = arith.index_cast %parallel_loop3A_425 : i32 to index
        %parallel_loop3A_451 = arith.index_cast %parallel_loop3A_445 : i32 to index
        %parallel_loop3A_452 = tpu.vector_load %arg10[%parallel_loop3A_450, %parallel_loop3A_451] {strides = array<i32>} : memref<16x1024xf32, #tpu.memory_space<vmem>>, vector<1x16xf32>,
        %parallel_loop3A_453 = vector.shape_cast %parallel_loop3A_452 : vector<1x16xf32> to vector<16xf32>
        %parallel_loop3A_454 = arith.addf %parallel_loop3A_449, %parallel_loop3A_453 : vector<16xf32>
        %parallel_loop3A_455 = arith.index_cast %parallel_loop3A_425 : i32 to index
        %parallel_loop3A_456 = arith.index_cast %parallel_loop3A_445 : i32 to index
        %parallel_loop3A_457 = tpu.vector_load %arg7[%parallel_loop3A_455, %parallel_loop3A_456] {strides = array<i32>} : memref<16x1024xf32, #tpu.memory_space<vmem>>, vector<1x16xf32>,
        %parallel_loop3A_458 = vector.shape_cast %parallel_loop3A_457 : vector<1x16xf32> to vector<16xf32>
        %parallel_loop3A_459 = vector.shape_cast %parallel_loop3A_454 : vector<16xf32> to vector<1x16xf32>
        tpu.vector_store %arg7[%parallel_loop3A_455, %parallel_loop3A_456], %parallel_loop3A_459 {strides = array<i32>} : memref<16x1024xf32, #tpu.memory_space<vmem>>, vector<1x16xf32>,
        %parallel_loop3A_460 = arith.constant 16 : i32
        %parallel_loop3A_461 = arith.addi %parallel_loop3A_443, %parallel_loop3A_460 : i32
        %parallel_loop3A_462 = arith.index_cast %parallel_loop3A_425 : i32 to index
        %parallel_loop3A_463 = arith.index_cast %parallel_loop3A_461 : i32 to index
        %parallel_loop3A_464 = tpu.vector_load %arg5[%parallel_loop3A_462, %parallel_loop3A_463] {strides = array<i32>} : memref<16x1024xf32, #tpu.memory_space<vmem>>, vector<1x16xf32>,
        %parallel_loop3A_465 = vector.shape_cast %parallel_loop3A_464 : vector<1x16xf32> to vector<16xf32>
        %parallel_loop3A_466 = arith.index_cast %parallel_loop3A_425 : i32 to index
        %parallel_loop3A_467 = arith.index_cast %parallel_loop3A_461 : i32 to index
        %parallel_loop3A_468 = tpu.vector_load %arg10[%parallel_loop3A_466, %parallel_loop3A_467] {strides = array<i32>} : memref<16x1024xf32, #tpu.memory_space<vmem>>, vector<1x16xf32>,
        %parallel_loop3A_469 = vector.shape_cast %parallel_loop3A_468 : vector<1x16xf32> to vector<16xf32>
        %parallel_loop3A_470 = arith.addf %parallel_loop3A_465, %parallel_loop3A_469 : vector<16xf32>
        %parallel_loop3A_471 = arith.index_cast %parallel_loop3A_425 : i32 to index
        %parallel_loop3A_472 = arith.index_cast %parallel_loop3A_461 : i32 to index
        %parallel_loop3A_473 = tpu.vector_load %arg7[%parallel_loop3A_471, %parallel_loop3A_472] {strides = array<i32>} : memref<16x1024xf32, #tpu.memory_space<vmem>>, vector<1x16xf32>,
        %parallel_loop3A_474 = vector.shape_cast %parallel_loop3A_473 : vector<1x16xf32> to vector<16xf32>
        %parallel_loop3A_475 = vector.shape_cast %parallel_loop3A_470 : vector<16xf32> to vector<1x16xf32>
        tpu.vector_store %arg7[%parallel_loop3A_471, %parallel_loop3A_472], %parallel_loop3A_475 {strides = array<i32>} : memref<16x1024xf32, #tpu.memory_space<vmem>>, vector<1x16xf32>,
        %parallel_loop3A_476 = arith.constant 32 : i32
        %parallel_loop3A_477 = arith.addi %parallel_loop3A_443, %parallel_loop3A_476 : i32
        %parallel_loop3A_478 = arith.index_cast %parallel_loop3A_425 : i32 to index
        %parallel_loop3A_479 = arith.index_cast %parallel_loop3A_477 : i32 to index
        %parallel_loop3A_480 = tpu.vector_load %arg5[%parallel_loop3A_478, %parallel_loop3A_479] {strides = array<i32>} : memref<16x1024xf32, #tpu.memory_space<vmem>>, vector<1x16xf32>,
        %parallel_loop3A_481 = vector.shape_cast %parallel_loop3A_480 : vector<1x16xf32> to vector<16xf32>
        %parallel_loop3A_482 = arith.index_cast %parallel_loop3A_425 : i32 to index
        %parallel_loop3A_483 = arith.index_cast %parallel_loop3A_477 : i32 to index
        %parallel_loop3A_484 = tpu.vector_load %arg10[%parallel_loop3A_482, %parallel_loop3A_483] {strides = array<i32>} : memref<16x1024xf32, #tpu.memory_space<vmem>>, vector<1x16xf32>,
        %parallel_loop3A_485 = vector.shape_cast %parallel_loop3A_484 : vector<1x16xf32> to vector<16xf32>
        %parallel_loop3A_486 = arith.addf %parallel_loop3A_481, %parallel_loop3A_485 : vector<16xf32>
        %parallel_loop3A_487 = arith.index_cast %parallel_loop3A_425 : i32 to index
        %parallel_loop3A_488 = arith.index_cast %parallel_loop3A_477 : i32 to index
        %parallel_loop3A_489 = tpu.vector_load %arg7[%parallel_loop3A_487, %parallel_loop3A_488] {strides = array<i32>} : memref<16x1024xf32, #tpu.memory_space<vmem>>, vector<1x16xf32>,
        %parallel_loop3A_490 = vector.shape_cast %parallel_loop3A_489 : vector<1x16xf32> to vector<16xf32>
        %parallel_loop3A_491 = vector.shape_cast %parallel_loop3A_486 : vector<16xf32> to vector<1x16xf32>
        tpu.vector_store %arg7[%parallel_loop3A_487, %parallel_loop3A_488], %parallel_loop3A_491 {strides = array<i32>} : memref<16x1024xf32, #tpu.memory_space<vmem>>, vector<1x16xf32>,
        %parallel_loop3A_492 = arith.constant 48 : i32
        %parallel_loop3A_493 = arith.addi %parallel_loop3A_443, %parallel_loop3A_492 : i32
        %parallel_loop3A_494 = arith.index_cast %parallel_loop3A_425 : i32 to index
        %parallel_loop3A_495 = arith.index_cast %parallel_loop3A_493 : i32 to index
        %parallel_loop3A_496 = tpu.vector_load %arg5[%parallel_loop3A_494, %parallel_loop3A_495] {strides = array<i32>} : memref<16x1024xf32, #tpu.memory_space<vmem>>, vector<1x16xf32>,
        %parallel_loop3A_497 = vector.shape_cast %parallel_loop3A_496 : vector<1x16xf32> to vector<16xf32>
        %parallel_loop3A_498 = arith.index_cast %parallel_loop3A_425 : i32 to index
        %parallel_loop3A_499 = arith.index_cast %parallel_loop3A_493 : i32 to index
        %parallel_loop3A_500 = tpu.vector_load %arg10[%parallel_loop3A_498, %parallel_loop3A_499] {strides = array<i32>} : memref<16x1024xf32, #tpu.memory_space<vmem>>, vector<1x16xf32>,
        %parallel_loop3A_501 = vector.shape_cast %parallel_loop3A_500 : vector<1x16xf32> to vector<16xf32>
        %parallel_loop3A_502 = arith.addf %parallel_loop3A_497, %parallel_loop3A_501 : vector<16xf32>
        %parallel_loop3A_503 = arith.index_cast %parallel_loop3A_425 : i32 to index
        %parallel_loop3A_504 = arith.index_cast %parallel_loop3A_493 : i32 to index
        %parallel_loop3A_505 = tpu.vector_load %arg7[%parallel_loop3A_503, %parallel_loop3A_504] {strides = array<i32>} : memref<16x1024xf32, #tpu.memory_space<vmem>>, vector<1x16xf32>,
        %parallel_loop3A_506 = vector.shape_cast %parallel_loop3A_505 : vector<1x16xf32> to vector<16xf32>
        %parallel_loop3A_507 = vector.shape_cast %parallel_loop3A_502 : vector<16xf32> to vector<1x16xf32>
        tpu.vector_store %arg7[%parallel_loop3A_503, %parallel_loop3A_504], %parallel_loop3A_507 {strides = array<i32>} : memref<16x1024xf32, #tpu.memory_space<vmem>>, vector<1x16xf32>,
        %parallel_loop3A_508 = arith.constant 64 : i32
        %parallel_loop3A_509 = arith.addi %parallel_loop3A_443, %parallel_loop3A_508 : i32
        %parallel_loop3A_510 = arith.index_cast %parallel_loop3A_425 : i32 to index
        %parallel_loop3A_511 = arith.index_cast %parallel_loop3A_509 : i32 to index
        %parallel_loop3A_512 = tpu.vector_load %arg5[%parallel_loop3A_510, %parallel_loop3A_511] {strides = array<i32>} : memref<16x1024xf32, #tpu.memory_space<vmem>>, vector<1x16xf32>,
        %parallel_loop3A_513 = vector.shape_cast %parallel_loop3A_512 : vector<1x16xf32> to vector<16xf32>
        %parallel_loop3A_514 = arith.index_cast %parallel_loop3A_425 : i32 to index
        %parallel_loop3A_515 = arith.index_cast %parallel_loop3A_509 : i32 to index
        %parallel_loop3A_516 = tpu.vector_load %arg10[%parallel_loop3A_514, %parallel_loop3A_515] {strides = array<i32>} : memref<16x1024xf32, #tpu.memory_space<vmem>>, vector<1x16xf32>,
        %parallel_loop3A_517 = vector.shape_cast %parallel_loop3A_516 : vector<1x16xf32> to vector<16xf32>
        %parallel_loop3A_518 = arith.addf %parallel_loop3A_513, %parallel_loop3A_517 : vector<16xf32>
        %parallel_loop3A_519 = arith.index_cast %parallel_loop3A_425 : i32 to index
        %parallel_loop3A_520 = arith.index_cast %parallel_loop3A_509 : i32 to index
        %parallel_loop3A_521 = tpu.vector_load %arg7[%parallel_loop3A_519, %parallel_loop3A_520] {strides = array<i32>} : memref<16x1024xf32, #tpu.memory_space<vmem>>, vector<1x16xf32>,
        %parallel_loop3A_522 = vector.shape_cast %parallel_loop3A_521 : vector<1x16xf32> to vector<16xf32>
        %parallel_loop3A_523 = vector.shape_cast %parallel_loop3A_518 : vector<16xf32> to vector<1x16xf32>
        tpu.vector_store %arg7[%parallel_loop3A_519, %parallel_loop3A_520], %parallel_loop3A_523 {strides = array<i32>} : memref<16x1024xf32, #tpu.memory_space<vmem>>, vector<1x16xf32>,
        %parallel_loop3A_524 = arith.constant 80 : i32
        %parallel_loop3A_525 = arith.addi %parallel_loop3A_443, %parallel_loop3A_524 : i32
        %parallel_loop3A_526 = arith.index_cast %parallel_loop3A_425 : i32 to index
        %parallel_loop3A_527 = arith.index_cast %parallel_loop3A_525 : i32 to index
        %parallel_loop3A_528 = tpu.vector_load %arg5[%parallel_loop3A_526, %parallel_loop3A_527] {strides = array<i32>} : memref<16x1024xf32, #tpu.memory_space<vmem>>, vector<1x16xf32>,
        %parallel_loop3A_529 = vector.shape_cast %parallel_loop3A_528 : vector<1x16xf32> to vector<16xf32>
        %parallel_loop3A_530 = arith.index_cast %parallel_loop3A_425 : i32 to index
        %parallel_loop3A_531 = arith.index_cast %parallel_loop3A_525 : i32 to index
        %parallel_loop3A_532 = tpu.vector_load %arg10[%parallel_loop3A_530, %parallel_loop3A_531] {strides = array<i32>} : memref<16x1024xf32, #tpu.memory_space<vmem>>, vector<1x16xf32>,
        %parallel_loop3A_533 = vector.shape_cast %parallel_loop3A_532 : vector<1x16xf32> to vector<16xf32>
        %parallel_loop3A_534 = arith.addf %parallel_loop3A_529, %parallel_loop3A_533 : vector<16xf32>
        %parallel_loop3A_535 = arith.index_cast %parallel_loop3A_425 : i32 to index
        %parallel_loop3A_536 = arith.index_cast %parallel_loop3A_525 : i32 to index
        %parallel_loop3A_537 = tpu.vector_load %arg7[%parallel_loop3A_535, %parallel_loop3A_536] {strides = array<i32>} : memref<16x1024xf32, #tpu.memory_space<vmem>>, vector<1x16xf32>,
        %parallel_loop3A_538 = vector.shape_cast %parallel_loop3A_537 : vector<1x16xf32> to vector<16xf32>
        %parallel_loop3A_539 = vector.shape_cast %parallel_loop3A_534 : vector<16xf32> to vector<1x16xf32>
        tpu.vector_store %arg7[%parallel_loop3A_535, %parallel_loop3A_536], %parallel_loop3A_539 {strides = array<i32>} : memref<16x1024xf32, #tpu.memory_space<vmem>>, vector<1x16xf32>,
        %parallel_loop3A_540 = arith.constant 96 : i32
        %parallel_loop3A_541 = arith.addi %parallel_loop3A_443, %parallel_loop3A_540 : i32
        %parallel_loop3A_542 = arith.index_cast %parallel_loop3A_425 : i32 to index
        %parallel_loop3A_543 = arith.index_cast %parallel_loop3A_541 : i32 to index
        %parallel_loop3A_544 = tpu.vector_load %arg5[%parallel_loop3A_542, %parallel_loop3A_543] {strides = array<i32>} : memref<16x1024xf32, #tpu.memory_space<vmem>>, vector<1x16xf32>,
        %parallel_loop3A_545 = vector.shape_cast %parallel_loop3A_544 : vector<1x16xf32> to vector<16xf32>
        %parallel_loop3A_546 = arith.index_cast %parallel_loop3A_425 : i32 to index
        %parallel_loop3A_547 = arith.index_cast %parallel_loop3A_541 : i32 to index
        %parallel_loop3A_548 = tpu.vector_load %arg10[%parallel_loop3A_546, %parallel_loop3A_547] {strides = array<i32>} : memref<16x1024xf32, #tpu.memory_space<vmem>>, vector<1x16xf32>,
        %parallel_loop3A_549 = vector.shape_cast %parallel_loop3A_548 : vector<1x16xf32> to vector<16xf32>
        %parallel_loop3A_550 = arith.addf %parallel_loop3A_545, %parallel_loop3A_549 : vector<16xf32>
        %parallel_loop3A_551 = arith.index_cast %parallel_loop3A_425 : i32 to index
        %parallel_loop3A_552 = arith.index_cast %parallel_loop3A_541 : i32 to index
        %parallel_loop3A_553 = tpu.vector_load %arg7[%parallel_loop3A_551, %parallel_loop3A_552] {strides = array<i32>} : memref<16x1024xf32, #tpu.memory_space<vmem>>, vector<1x16xf32>,
        %parallel_loop3A_554 = vector.shape_cast %parallel_loop3A_553 : vector<1x16xf32> to vector<16xf32>
        %parallel_loop3A_555 = vector.shape_cast %parallel_loop3A_550 : vector<16xf32> to vector<1x16xf32>
        tpu.vector_store %arg7[%parallel_loop3A_551, %parallel_loop3A_552], %parallel_loop3A_555 {strides = array<i32>} : memref<16x1024xf32, #tpu.memory_space<vmem>>, vector<1x16xf32>,
        %parallel_loop3A_556 = arith.constant 112 : i32
        %parallel_loop3A_557 = arith.addi %parallel_loop3A_443, %parallel_loop3A_556 : i32
        %parallel_loop3A_558 = arith.index_cast %parallel_loop3A_425 : i32 to index
        %parallel_loop3A_559 = arith.index_cast %parallel_loop3A_557 : i32 to index
        %parallel_loop3A_560 = tpu.vector_load %arg5[%parallel_loop3A_558, %parallel_loop3A_559] {strides = array<i32>} : memref<16x1024xf32, #tpu.memory_space<vmem>>, vector<1x16xf32>,
        %parallel_loop3A_561 = vector.shape_cast %parallel_loop3A_560 : vector<1x16xf32> to vector<16xf32>
        %parallel_loop3A_562 = arith.index_cast %parallel_loop3A_425 : i32 to index
        %parallel_loop3A_563 = arith.index_cast %parallel_loop3A_557 : i32 to index
        %parallel_loop3A_564 = tpu.vector_load %arg10[%parallel_loop3A_562, %parallel_loop3A_563] {strides = array<i32>} : memref<16x1024xf32, #tpu.memory_space<vmem>>, vector<1x16xf32>,
        %parallel_loop3A_565 = vector.shape_cast %parallel_loop3A_564 : vector<1x16xf32> to vector<16xf32>
        %parallel_loop3A_566 = arith.addf %parallel_loop3A_561, %parallel_loop3A_565 : vector<16xf32>
        %parallel_loop3A_567 = arith.index_cast %parallel_loop3A_425 : i32 to index
        %parallel_loop3A_568 = arith.index_cast %parallel_loop3A_557 : i32 to index
        %parallel_loop3A_569 = tpu.vector_load %arg7[%parallel_loop3A_567, %parallel_loop3A_568] {strides = array<i32>} : memref<16x1024xf32, #tpu.memory_space<vmem>>, vector<1x16xf32>,
        %parallel_loop3A_570 = vector.shape_cast %parallel_loop3A_569 : vector<1x16xf32> to vector<16xf32>
        %parallel_loop3A_571 = vector.shape_cast %parallel_loop3A_566 : vector<16xf32> to vector<1x16xf32>
        tpu.vector_store %arg7[%parallel_loop3A_567, %parallel_loop3A_568], %parallel_loop3A_571 {strides = array<i32>} : memref<16x1024xf32, #tpu.memory_space<vmem>>, vector<1x16xf32>,
      } {sc.loop_unroll_factor = 4 : i64, sc.parallel_access}
      %mul3A_347 = arith.constant 16 : i32
      %mul3A_348 = arith.muli %add3A_236, %mul3A_347 : i32
      %add3A_349 = arith.addi %mul3A_2, %mul3A_348 : i32
      %dma_start3A_350 = arith.constant 2 : i32
      %dma_start3A_351 = arith.constant 0 : i32
      %dma_start3A_352 = tpu.memref_slice %arg4[%dma_start3A_350, %add3A_349, %dma_start3A_351] : memref<4x8192x1024xf32, #tpu.memory_space<hbm>> -> memref<1x16x1024xf32, #tpu.memory_space<hbm>>
      %dma_start3A_353 = tpu.memref_squeeze %dma_start3A_352 : memref<1x16x1024xf32, #tpu.memory_space<hbm>> -> memref<16x1024xf32, #tpu.memory_space<hbm>>
      %dma_start3A_354 = arith.constant 0 : i32
      %dma_start3A_355 = tpu.memref_slice %arg4[%dma_start3A_350, %add3A_349, %dma_start3A_354] : memref<4x8192x1024xf32, #tpu.memory_space<hbm>> -> memref<1x16x1024xf32, #tpu.memory_space<hbm>>
      %dma_start3A_356 = tpu.memref_squeeze %dma_start3A_355 : memref<1x16x1024xf32, #tpu.memory_space<hbm>> -> memref<16x1024xf32, #tpu.memory_space<hbm>>
      tpu.enqueue_dma source(%arg7 : memref<16x1024xf32, #tpu.memory_space<vmem>>) target(%dma_start3A_356 : memref<16x1024xf32, #tpu.memory_space<hbm>>) target_semaphore(%arg13 : memref<!tpu.dma_semaphore, #tpu.memory_space<semaphore_mem>>)
      %lt3A_357 = arith.constant 7 : i32
      %lt3A_358 = arith.cmpi slt, %scan3A_49, %lt3A_357 : i32
      %convert_element_type3A_359 = arith.extui %lt3A_358 : i1 to i32
      %cond3A_360 = arith.constant 0 : i32
      %cond3A_361 = arith.cmpi ne, %convert_element_type3A_359, %cond3A_360 : i32
      scf.if %cond3A_361 {
        %add3A_401 = arith.constant 1 : i32
        %add3A_402 = arith.addi %add3A_236, %add3A_401 : i32
        %mul3A_403 = arith.constant 16 : i32
        %mul3A_404 = arith.muli %add3A_402, %mul3A_403 : i32
        %add3A_405 = arith.addi %mul3A_2, %mul3A_404 : i32
        %dma_start3A_406 = arith.constant 0 : i32
        %dma_start3A_407 = arith.constant 0 : i32
        %dma_start3A_408 = tpu.memref_slice %arg2[%dma_start3A_406, %add3A_405, %dma_start3A_407] : memref<4x8192x1024xf32, #tpu.memory_space<hbm>> -> memref<1x16x1024xf32, #tpu.memory_space<hbm>>
        %dma_start3A_409 = tpu.memref_squeeze %dma_start3A_408 : memref<1x16x1024xf32, #tpu.memory_space<hbm>> -> memref<16x1024xf32, #tpu.memory_space<hbm>>
        %dma_start3A_410 = arith.constant 0 : i32
        %dma_start3A_411 = tpu.memref_slice %arg2[%dma_start3A_406, %add3A_405, %dma_start3A_410] : memref<4x8192x1024xf32, #tpu.memory_space<hbm>> -> memref<1x16x1024xf32, #tpu.memory_space<hbm>>
        %dma_start3A_412 = tpu.memref_squeeze %dma_start3A_411 : memref<1x16x1024xf32, #tpu.memory_space<hbm>> -> memref<16x1024xf32, #tpu.memory_space<hbm>>
        tpu.enqueue_dma source(%dma_start3A_412 : memref<16x1024xf32, #tpu.memory_space<hbm>>) target(%arg5 : memref<16x1024xf32, #tpu.memory_space<vmem>>) target_semaphore(%arg11 : memref<!tpu.dma_semaphore, #tpu.memory_space<semaphore_mem>>)
      } else {
      }
      %mul3A_362 = arith.constant 16 : i32
      %mul3A_363 = arith.muli %add3A_236, %mul3A_362 : i32
      %add3A_364 = arith.addi %mul3A_2, %mul3A_363 : i32
      %dma_wait3A_365 = arith.constant 3 : i32
      %dma_wait3A_366 = arith.constant 0 : i32
      %dma_wait3A_367 = tpu.memref_slice %arg2[%dma_wait3A_365, %add3A_364, %dma_wait3A_366] : memref<4x8192x1024xf32, #tpu.memory_space<hbm>> -> memref<1x16x1024xf32, #tpu.memory_space<hbm>>
      %dma_wait3A_368 = tpu.memref_squeeze %dma_wait3A_367 : memref<1x16x1024xf32, #tpu.memory_space<hbm>> -> memref<16x1024xf32, #tpu.memory_space<hbm>>
      %dma_wait3A_369 = arith.constant 0 : i32
      %dma_wait3A_370 = tpu.memref_slice %arg2[%dma_wait3A_365, %add3A_364, %dma_wait3A_369] : memref<4x8192x1024xf32, #tpu.memory_space<hbm>> -> memref<1x16x1024xf32, #tpu.memory_space<hbm>>
      %dma_wait3A_371 = tpu.memref_squeeze %dma_wait3A_370 : memref<1x16x1024xf32, #tpu.memory_space<hbm>> -> memref<16x1024xf32, #tpu.memory_space<hbm>>
      tpu.wait_dma2 semaphore(%arg12 : memref<!tpu.dma_semaphore, #tpu.memory_space<semaphore_mem>>) src(%dma_wait3A_371 : memref<16x1024xf32, #tpu.memory_space<hbm>>) dst(%arg6 : memref<16x1024xf32, #tpu.memory_space<vmem>>)
      %mul3A_372 = arith.constant 16 : i32
      %mul3A_373 = arith.muli %add3A_236, %mul3A_372 : i32
      %add3A_374 = arith.addi %mul3A_2, %mul3A_373 : i32
      %dma_wait3A_375 = arith.constant 1 : i32
      %dma_wait3A_376 = arith.constant 0 : i32
      %dma_wait3A_377 = tpu.memref_slice %arg4[%dma_wait3A_375, %add3A_374, %dma_wait3A_376] : memref<4x8192x1024xf32, #tpu.memory_space<hbm>> -> memref<1x16x1024xf32, #tpu.memory_space<hbm>>
      %dma_wait3A_378 = tpu.memref_squeeze %dma_wait3A_377 : memref<1x16x1024xf32, #tpu.memory_space<hbm>> -> memref<16x1024xf32, #tpu.memory_space<hbm>>
      %dma_wait3A_379 = arith.constant 0 : i32
      %dma_wait3A_380 = tpu.memref_slice %arg4[%dma_wait3A_375, %add3A_374, %dma_wait3A_379] : memref<4x8192x1024xf32, #tpu.memory_space<hbm>> -> memref<1x16x1024xf32, #tpu.memory_space<hbm>>
      %dma_wait3A_381 = tpu.memref_squeeze %dma_wait3A_380 : memref<1x16x1024xf32, #tpu.memory_space<hbm>> -> memref<16x1024xf32, #tpu.memory_space<hbm>>
      tpu.wait_dma2 semaphore(%arg14 : memref<!tpu.dma_semaphore, #tpu.memory_space<semaphore_mem>>) src(%arg8 : memref<16x1024xf32, #tpu.memory_space<vmem>>) dst(%dma_wait3A_381 : memref<16x1024xf32, #tpu.memory_space<hbm>>)
      %parallel_loop3A_382 = arith.constant 0 : i32
      %parallel_loop3A_383 = arith.constant 128 : i32
      %parallel_loop3A_384 = arith.constant 1 : i32
      scf.for %parallel_loop3A_401 = %parallel_loop3A_382 to %parallel_loop3A_383 step %parallel_loop3A_384  : i32 {
        %parallel_loop3A_402 = arith.constant 8 : i32
        %parallel_loop3A_403 = arith.divsi %parallel_loop3A_401, %parallel_loop3A_402 : i32
        %parallel_loop3A_404 = arith.constant 0 : i32
        %parallel_loop3A_405 = arith.cmpi sgt, %parallel_loop3A_401, %parallel_loop3A_404 : i32
        %parallel_loop3A_406 = arith.extui %parallel_loop3A_405 : i1 to i32
        %parallel_loop3A_407 = arith.constant 0 : i32
        %parallel_loop3A_408 = arith.cmpi slt, %parallel_loop3A_401, %parallel_loop3A_407 : i32
        %parallel_loop3A_409 = arith.extui %parallel_loop3A_408 : i1 to i32
        %parallel_loop3A_410 = arith.subi %parallel_loop3A_406, %parallel_loop3A_409 : i32
        %parallel_loop3A_411 = arith.constant 0 : i32
        %parallel_loop3A_412 = arith.cmpi sgt, %parallel_loop3A_402, %parallel_loop3A_411 : i32
        %parallel_loop3A_413 = arith.extui %parallel_loop3A_412 : i1 to i32
        %parallel_loop3A_414 = arith.constant 0 : i32
        %parallel_loop3A_415 = arith.cmpi slt, %parallel_loop3A_402, %parallel_loop3A_414 : i32
        %parallel_loop3A_416 = arith.extui %parallel_loop3A_415 : i1 to i32
        %parallel_loop3A_417 = arith.subi %parallel_loop3A_413, %parallel_loop3A_416 : i32
        %parallel_loop3A_418 = arith.cmpi ne, %parallel_loop3A_410, %parallel_loop3A_417 : i32
        %parallel_loop3A_419 = arith.remsi %parallel_loop3A_401, %parallel_loop3A_402 : i32
        %parallel_loop3A_420 = arith.constant 0 : i32
        %parallel_loop3A_421 = arith.cmpi ne, %parallel_loop3A_419, %parallel_loop3A_420 : i32
        %parallel_loop3A_422 = arith.andi %parallel_loop3A_418, %parallel_loop3A_421 : i1
        %parallel_loop3A_423 = arith.constant 1 : i32
        %parallel_loop3A_424 = arith.subi %parallel_loop3A_403, %parallel_loop3A_423 : i32
        %parallel_loop3A_425 = arith.select %parallel_loop3A_422, %parallel_loop3A_424, %parallel_loop3A_403 : i32
        %parallel_loop3A_426 = arith.constant 8 : i32
        %parallel_loop3A_427 = arith.constant 0 : i32
        %parallel_loop3A_428 = arith.cmpi eq, %parallel_loop3A_426, %parallel_loop3A_427 : i32
        %parallel_loop3A_429 = arith.constant 1 : i32
        %parallel_loop3A_430 = arith.select %parallel_loop3A_428, %parallel_loop3A_429, %parallel_loop3A_426 : i32
        %parallel_loop3A_431 = arith.remsi %parallel_loop3A_401, %parallel_loop3A_430 : i32
        %parallel_loop3A_432 = arith.constant 0 : i32
        %parallel_loop3A_433 = arith.cmpi ne, %parallel_loop3A_431, %parallel_loop3A_432 : i32
        %parallel_loop3A_434 = arith.constant 0 : i32
        %parallel_loop3A_435 = arith.cmpi slt, %parallel_loop3A_431, %parallel_loop3A_434 : i32
        %parallel_loop3A_436 = arith.constant 0 : i32
        %parallel_loop3A_437 = arith.cmpi slt, %parallel_loop3A_430, %parallel_loop3A_436 : i32
        %parallel_loop3A_438 = arith.xori %parallel_loop3A_435, %parallel_loop3A_437 : i1
        %parallel_loop3A_439 = arith.andi %parallel_loop3A_438, %parallel_loop3A_433 : i1
        %parallel_loop3A_440 = arith.addi %parallel_loop3A_431, %parallel_loop3A_430 : i32
        %parallel_loop3A_441 = arith.select %parallel_loop3A_439, %parallel_loop3A_440, %parallel_loop3A_431 : i32
        %parallel_loop3A_442 = arith.constant 128 : i32
        %parallel_loop3A_443 = arith.muli %parallel_loop3A_441, %parallel_loop3A_442 : i32
        %parallel_loop3A_444 = arith.constant 0 : i32
        %parallel_loop3A_445 = arith.addi %parallel_loop3A_443, %parallel_loop3A_444 : i32
        %parallel_loop3A_446 = arith.index_cast %parallel_loop3A_425 : i32 to index
        %parallel_loop3A_447 = arith.index_cast %parallel_loop3A_445 : i32 to index
        %parallel_loop3A_448 = tpu.vector_load %arg6[%parallel_loop3A_446, %parallel_loop3A_447] {strides = array<i32>} : memref<16x1024xf32, #tpu.memory_space<vmem>>, vector<1x16xf32>,
        %parallel_loop3A_449 = vector.shape_cast %parallel_loop3A_448 : vector<1x16xf32> to vector<16xf32>
        %parallel_loop3A_450 = arith.index_cast %parallel_loop3A_425 : i32 to index
        %parallel_loop3A_451 = arith.index_cast %parallel_loop3A_445 : i32 to index
        %parallel_loop3A_452 = tpu.vector_load %arg10[%parallel_loop3A_450, %parallel_loop3A_451] {strides = array<i32>} : memref<16x1024xf32, #tpu.memory_space<vmem>>, vector<1x16xf32>,
        %parallel_loop3A_453 = vector.shape_cast %parallel_loop3A_452 : vector<1x16xf32> to vector<16xf32>
        %parallel_loop3A_454 = arith.addf %parallel_loop3A_449, %parallel_loop3A_453 : vector<16xf32>
        %parallel_loop3A_455 = arith.index_cast %parallel_loop3A_425 : i32 to index
        %parallel_loop3A_456 = arith.index_cast %parallel_loop3A_445 : i32 to index
        %parallel_loop3A_457 = tpu.vector_load %arg8[%parallel_loop3A_455, %parallel_loop3A_456] {strides = array<i32>} : memref<16x1024xf32, #tpu.memory_space<vmem>>, vector<1x16xf32>,
        %parallel_loop3A_458 = vector.shape_cast %parallel_loop3A_457 : vector<1x16xf32> to vector<16xf32>
        %parallel_loop3A_459 = vector.shape_cast %parallel_loop3A_454 : vector<16xf32> to vector<1x16xf32>
        tpu.vector_store %arg8[%parallel_loop3A_455, %parallel_loop3A_456], %parallel_loop3A_459 {strides = array<i32>} : memref<16x1024xf32, #tpu.memory_space<vmem>>, vector<1x16xf32>,
        %parallel_loop3A_460 = arith.constant 16 : i32
        %parallel_loop3A_461 = arith.addi %parallel_loop3A_443, %parallel_loop3A_460 : i32
        %parallel_loop3A_462 = arith.index_cast %parallel_loop3A_425 : i32 to index
        %parallel_loop3A_463 = arith.index_cast %parallel_loop3A_461 : i32 to index
        %parallel_loop3A_464 = tpu.vector_load %arg6[%parallel_loop3A_462, %parallel_loop3A_463] {strides = array<i32>} : memref<16x1024xf32, #tpu.memory_space<vmem>>, vector<1x16xf32>,
        %parallel_loop3A_465 = vector.shape_cast %parallel_loop3A_464 : vector<1x16xf32> to vector<16xf32>
        %parallel_loop3A_466 = arith.index_cast %parallel_loop3A_425 : i32 to index
        %parallel_loop3A_467 = arith.index_cast %parallel_loop3A_461 : i32 to index
        %parallel_loop3A_468 = tpu.vector_load %arg10[%parallel_loop3A_466, %parallel_loop3A_467] {strides = array<i32>} : memref<16x1024xf32, #tpu.memory_space<vmem>>, vector<1x16xf32>,
        %parallel_loop3A_469 = vector.shape_cast %parallel_loop3A_468 : vector<1x16xf32> to vector<16xf32>
        %parallel_loop3A_470 = arith.addf %parallel_loop3A_465, %parallel_loop3A_469 : vector<16xf32>
        %parallel_loop3A_471 = arith.index_cast %parallel_loop3A_425 : i32 to index
        %parallel_loop3A_472 = arith.index_cast %parallel_loop3A_461 : i32 to index
        %parallel_loop3A_473 = tpu.vector_load %arg8[%parallel_loop3A_471, %parallel_loop3A_472] {strides = array<i32>} : memref<16x1024xf32, #tpu.memory_space<vmem>>, vector<1x16xf32>,
        %parallel_loop3A_474 = vector.shape_cast %parallel_loop3A_473 : vector<1x16xf32> to vector<16xf32>
        %parallel_loop3A_475 = vector.shape_cast %parallel_loop3A_470 : vector<16xf32> to vector<1x16xf32>
        tpu.vector_store %arg8[%parallel_loop3A_471, %parallel_loop3A_472], %parallel_loop3A_475 {strides = array<i32>} : memref<16x1024xf32, #tpu.memory_space<vmem>>, vector<1x16xf32>,
        %parallel_loop3A_476 = arith.constant 32 : i32
        %parallel_loop3A_477 = arith.addi %parallel_loop3A_443, %parallel_loop3A_476 : i32
        %parallel_loop3A_478 = arith.index_cast %parallel_loop3A_425 : i32 to index
        %parallel_loop3A_479 = arith.index_cast %parallel_loop3A_477 : i32 to index
        %parallel_loop3A_480 = tpu.vector_load %arg6[%parallel_loop3A_478, %parallel_loop3A_479] {strides = array<i32>} : memref<16x1024xf32, #tpu.memory_space<vmem>>, vector<1x16xf32>,
        %parallel_loop3A_481 = vector.shape_cast %parallel_loop3A_480 : vector<1x16xf32> to vector<16xf32>
        %parallel_loop3A_482 = arith.index_cast %parallel_loop3A_425 : i32 to index
        %parallel_loop3A_483 = arith.index_cast %parallel_loop3A_477 : i32 to index
        %parallel_loop3A_484 = tpu.vector_load %arg10[%parallel_loop3A_482, %parallel_loop3A_483] {strides = array<i32>} : memref<16x1024xf32, #tpu.memory_space<vmem>>, vector<1x16xf32>,
        %parallel_loop3A_485 = vector.shape_cast %parallel_loop3A_484 : vector<1x16xf32> to vector<16xf32>
        %parallel_loop3A_486 = arith.addf %parallel_loop3A_481, %parallel_loop3A_485 : vector<16xf32>
        %parallel_loop3A_487 = arith.index_cast %parallel_loop3A_425 : i32 to index
        %parallel_loop3A_488 = arith.index_cast %parallel_loop3A_477 : i32 to index
        %parallel_loop3A_489 = tpu.vector_load %arg8[%parallel_loop3A_487, %parallel_loop3A_488] {strides = array<i32>} : memref<16x1024xf32, #tpu.memory_space<vmem>>, vector<1x16xf32>,
        %parallel_loop3A_490 = vector.shape_cast %parallel_loop3A_489 : vector<1x16xf32> to vector<16xf32>
        %parallel_loop3A_491 = vector.shape_cast %parallel_loop3A_486 : vector<16xf32> to vector<1x16xf32>
        tpu.vector_store %arg8[%parallel_loop3A_487, %parallel_loop3A_488], %parallel_loop3A_491 {strides = array<i32>} : memref<16x1024xf32, #tpu.memory_space<vmem>>, vector<1x16xf32>,
        %parallel_loop3A_492 = arith.constant 48 : i32
        %parallel_loop3A_493 = arith.addi %parallel_loop3A_443, %parallel_loop3A_492 : i32
        %parallel_loop3A_494 = arith.index_cast %parallel_loop3A_425 : i32 to index
        %parallel_loop3A_495 = arith.index_cast %parallel_loop3A_493 : i32 to index
        %parallel_loop3A_496 = tpu.vector_load %arg6[%parallel_loop3A_494, %parallel_loop3A_495] {strides = array<i32>} : memref<16x1024xf32, #tpu.memory_space<vmem>>, vector<1x16xf32>,
        %parallel_loop3A_497 = vector.shape_cast %parallel_loop3A_496 : vector<1x16xf32> to vector<16xf32>
        %parallel_loop3A_498 = arith.index_cast %parallel_loop3A_425 : i32 to index
        %parallel_loop3A_499 = arith.index_cast %parallel_loop3A_493 : i32 to index
        %parallel_loop3A_500 = tpu.vector_load %arg10[%parallel_loop3A_498, %parallel_loop3A_499] {strides = array<i32>} : memref<16x1024xf32, #tpu.memory_space<vmem>>, vector<1x16xf32>,
        %parallel_loop3A_501 = vector.shape_cast %parallel_loop3A_500 : vector<1x16xf32> to vector<16xf32>
        %parallel_loop3A_502 = arith.addf %parallel_loop3A_497, %parallel_loop3A_501 : vector<16xf32>
        %parallel_loop3A_503 = arith.index_cast %parallel_loop3A_425 : i32 to index
        %parallel_loop3A_504 = arith.index_cast %parallel_loop3A_493 : i32 to index
        %parallel_loop3A_505 = tpu.vector_load %arg8[%parallel_loop3A_503, %parallel_loop3A_504] {strides = array<i32>} : memref<16x1024xf32, #tpu.memory_space<vmem>>, vector<1x16xf32>,
        %parallel_loop3A_506 = vector.shape_cast %parallel_loop3A_505 : vector<1x16xf32> to vector<16xf32>
        %parallel_loop3A_507 = vector.shape_cast %parallel_loop3A_502 : vector<16xf32> to vector<1x16xf32>
        tpu.vector_store %arg8[%parallel_loop3A_503, %parallel_loop3A_504], %parallel_loop3A_507 {strides = array<i32>} : memref<16x1024xf32, #tpu.memory_space<vmem>>, vector<1x16xf32>,
        %parallel_loop3A_508 = arith.constant 64 : i32
        %parallel_loop3A_509 = arith.addi %parallel_loop3A_443, %parallel_loop3A_508 : i32
        %parallel_loop3A_510 = arith.index_cast %parallel_loop3A_425 : i32 to index
        %parallel_loop3A_511 = arith.index_cast %parallel_loop3A_509 : i32 to index
        %parallel_loop3A_512 = tpu.vector_load %arg6[%parallel_loop3A_510, %parallel_loop3A_511] {strides = array<i32>} : memref<16x1024xf32, #tpu.memory_space<vmem>>, vector<1x16xf32>,
        %parallel_loop3A_513 = vector.shape_cast %parallel_loop3A_512 : vector<1x16xf32> to vector<16xf32>
        %parallel_loop3A_514 = arith.index_cast %parallel_loop3A_425 : i32 to index
        %parallel_loop3A_515 = arith.index_cast %parallel_loop3A_509 : i32 to index
        %parallel_loop3A_516 = tpu.vector_load %arg10[%parallel_loop3A_514, %parallel_loop3A_515] {strides = array<i32>} : memref<16x1024xf32, #tpu.memory_space<vmem>>, vector<1x16xf32>,
        %parallel_loop3A_517 = vector.shape_cast %parallel_loop3A_516 : vector<1x16xf32> to vector<16xf32>
        %parallel_loop3A_518 = arith.addf %parallel_loop3A_513, %parallel_loop3A_517 : vector<16xf32>
        %parallel_loop3A_519 = arith.index_cast %parallel_loop3A_425 : i32 to index
        %parallel_loop3A_520 = arith.index_cast %parallel_loop3A_509 : i32 to index
        %parallel_loop3A_521 = tpu.vector_load %arg8[%parallel_loop3A_519, %parallel_loop3A_520] {strides = array<i32>} : memref<16x1024xf32, #tpu.memory_space<vmem>>, vector<1x16xf32>,
        %parallel_loop3A_522 = vector.shape_cast %parallel_loop3A_521 : vector<1x16xf32> to vector<16xf32>
        %parallel_loop3A_523 = vector.shape_cast %parallel_loop3A_518 : vector<16xf32> to vector<1x16xf32>
        tpu.vector_store %arg8[%parallel_loop3A_519, %parallel_loop3A_520], %parallel_loop3A_523 {strides = array<i32>} : memref<16x1024xf32, #tpu.memory_space<vmem>>, vector<1x16xf32>,
        %parallel_loop3A_524 = arith.constant 80 : i32
        %parallel_loop3A_525 = arith.addi %parallel_loop3A_443, %parallel_loop3A_524 : i32
        %parallel_loop3A_526 = arith.index_cast %parallel_loop3A_425 : i32 to index
        %parallel_loop3A_527 = arith.index_cast %parallel_loop3A_525 : i32 to index
        %parallel_loop3A_528 = tpu.vector_load %arg6[%parallel_loop3A_526, %parallel_loop3A_527] {strides = array<i32>} : memref<16x1024xf32, #tpu.memory_space<vmem>>, vector<1x16xf32>,
        %parallel_loop3A_529 = vector.shape_cast %parallel_loop3A_528 : vector<1x16xf32> to vector<16xf32>
        %parallel_loop3A_530 = arith.index_cast %parallel_loop3A_425 : i32 to index
        %parallel_loop3A_531 = arith.index_cast %parallel_loop3A_525 : i32 to index
        %parallel_loop3A_532 = tpu.vector_load %arg10[%parallel_loop3A_530, %parallel_loop3A_531] {strides = array<i32>} : memref<16x1024xf32, #tpu.memory_space<vmem>>, vector<1x16xf32>,
        %parallel_loop3A_533 = vector.shape_cast %parallel_loop3A_532 : vector<1x16xf32> to vector<16xf32>
        %parallel_loop3A_534 = arith.addf %parallel_loop3A_529, %parallel_loop3A_533 : vector<16xf32>
        %parallel_loop3A_535 = arith.index_cast %parallel_loop3A_425 : i32 to index
        %parallel_loop3A_536 = arith.index_cast %parallel_loop3A_525 : i32 to index
        %parallel_loop3A_537 = tpu.vector_load %arg8[%parallel_loop3A_535, %parallel_loop3A_536] {strides = array<i32>} : memref<16x1024xf32, #tpu.memory_space<vmem>>, vector<1x16xf32>,
        %parallel_loop3A_538 = vector.shape_cast %parallel_loop3A_537 : vector<1x16xf32> to vector<16xf32>
        %parallel_loop3A_539 = vector.shape_cast %parallel_loop3A_534 : vector<16xf32> to vector<1x16xf32>
        tpu.vector_store %arg8[%parallel_loop3A_535, %parallel_loop3A_536], %parallel_loop3A_539 {strides = array<i32>} : memref<16x1024xf32, #tpu.memory_space<vmem>>, vector<1x16xf32>,
        %parallel_loop3A_540 = arith.constant 96 : i32
        %parallel_loop3A_541 = arith.addi %parallel_loop3A_443, %parallel_loop3A_540 : i32
        %parallel_loop3A_542 = arith.index_cast %parallel_loop3A_425 : i32 to index
        %parallel_loop3A_543 = arith.index_cast %parallel_loop3A_541 : i32 to index
        %parallel_loop3A_544 = tpu.vector_load %arg6[%parallel_loop3A_542, %parallel_loop3A_543] {strides = array<i32>} : memref<16x1024xf32, #tpu.memory_space<vmem>>, vector<1x16xf32>,
        %parallel_loop3A_545 = vector.shape_cast %parallel_loop3A_544 : vector<1x16xf32> to vector<16xf32>
        %parallel_loop3A_546 = arith.index_cast %parallel_loop3A_425 : i32 to index
        %parallel_loop3A_547 = arith.index_cast %parallel_loop3A_541 : i32 to index
        %parallel_loop3A_548 = tpu.vector_load %arg10[%parallel_loop3A_546, %parallel_loop3A_547] {strides = array<i32>} : memref<16x1024xf32, #tpu.memory_space<vmem>>, vector<1x16xf32>,
        %parallel_loop3A_549 = vector.shape_cast %parallel_loop3A_548 : vector<1x16xf32> to vector<16xf32>
        %parallel_loop3A_550 = arith.addf %parallel_loop3A_545, %parallel_loop3A_549 : vector<16xf32>
        %parallel_loop3A_551 = arith.index_cast %parallel_loop3A_425 : i32 to index
        %parallel_loop3A_552 = arith.index_cast %parallel_loop3A_541 : i32 to index
        %parallel_loop3A_553 = tpu.vector_load %arg8[%parallel_loop3A_551, %parallel_loop3A_552] {strides = array<i32>} : memref<16x1024xf32, #tpu.memory_space<vmem>>, vector<1x16xf32>,
        %parallel_loop3A_554 = vector.shape_cast %parallel_loop3A_553 : vector<1x16xf32> to vector<16xf32>
        %parallel_loop3A_555 = vector.shape_cast %parallel_loop3A_550 : vector<16xf32> to vector<1x16xf32>
        tpu.vector_store %arg8[%parallel_loop3A_551, %parallel_loop3A_552], %parallel_loop3A_555 {strides = array<i32>} : memref<16x1024xf32, #tpu.memory_space<vmem>>, vector<1x16xf32>,
        %parallel_loop3A_556 = arith.constant 112 : i32
        %parallel_loop3A_557 = arith.addi %parallel_loop3A_443, %parallel_loop3A_556 : i32
        %parallel_loop3A_558 = arith.index_cast %parallel_loop3A_425 : i32 to index
        %parallel_loop3A_559 = arith.index_cast %parallel_loop3A_557 : i32 to index
        %parallel_loop3A_560 = tpu.vector_load %arg6[%parallel_loop3A_558, %parallel_loop3A_559] {strides = array<i32>} : memref<16x1024xf32, #tpu.memory_space<vmem>>, vector<1x16xf32>,
        %parallel_loop3A_561 = vector.shape_cast %parallel_loop3A_560 : vector<1x16xf32> to vector<16xf32>
        %parallel_loop3A_562 = arith.index_cast %parallel_loop3A_425 : i32 to index
        %parallel_loop3A_563 = arith.index_cast %parallel_loop3A_557 : i32 to index
        %parallel_loop3A_564 = tpu.vector_load %arg10[%parallel_loop3A_562, %parallel_loop3A_563] {strides = array<i32>} : memref<16x1024xf32, #tpu.memory_space<vmem>>, vector<1x16xf32>,
        %parallel_loop3A_565 = vector.shape_cast %parallel_loop3A_564 : vector<1x16xf32> to vector<16xf32>
        %parallel_loop3A_566 = arith.addf %parallel_loop3A_561, %parallel_loop3A_565 : vector<16xf32>
        %parallel_loop3A_567 = arith.index_cast %parallel_loop3A_425 : i32 to index
        %parallel_loop3A_568 = arith.index_cast %parallel_loop3A_557 : i32 to index
        %parallel_loop3A_569 = tpu.vector_load %arg8[%parallel_loop3A_567, %parallel_loop3A_568] {strides = array<i32>} : memref<16x1024xf32, #tpu.memory_space<vmem>>, vector<1x16xf32>,
        %parallel_loop3A_570 = vector.shape_cast %parallel_loop3A_569 : vector<1x16xf32> to vector<16xf32>
        %parallel_loop3A_571 = vector.shape_cast %parallel_loop3A_566 : vector<16xf32> to vector<1x16xf32>
        tpu.vector_store %arg8[%parallel_loop3A_567, %parallel_loop3A_568], %parallel_loop3A_571 {strides = array<i32>} : memref<16x1024xf32, #tpu.memory_space<vmem>>, vector<1x16xf32>,
      } {sc.loop_unroll_factor = 4 : i64, sc.parallel_access}
      %mul3A_385 = arith.constant 16 : i32
      %mul3A_386 = arith.muli %add3A_236, %mul3A_385 : i32
      %add3A_387 = arith.addi %mul3A_2, %mul3A_386 : i32
      %dma_start3A_388 = arith.constant 3 : i32
      %dma_start3A_389 = arith.constant 0 : i32
      %dma_start3A_390 = tpu.memref_slice %arg4[%dma_start3A_388, %add3A_387, %dma_start3A_389] : memref<4x8192x1024xf32, #tpu.memory_space<hbm>> -> memref<1x16x1024xf32, #tpu.memory_space<hbm>>
      %dma_start3A_391 = tpu.memref_squeeze %dma_start3A_390 : memref<1x16x1024xf32, #tpu.memory_space<hbm>> -> memref<16x1024xf32, #tpu.memory_space<hbm>>
      %dma_start3A_392 = arith.constant 0 : i32
      %dma_start3A_393 = tpu.memref_slice %arg4[%dma_start3A_388, %add3A_387, %dma_start3A_392] : memref<4x8192x1024xf32, #tpu.memory_space<hbm>> -> memref<1x16x1024xf32, #tpu.memory_space<hbm>>
      %dma_start3A_394 = tpu.memref_squeeze %dma_start3A_393 : memref<1x16x1024xf32, #tpu.memory_space<hbm>> -> memref<16x1024xf32, #tpu.memory_space<hbm>>
      tpu.enqueue_dma source(%arg8 : memref<16x1024xf32, #tpu.memory_space<vmem>>) target(%dma_start3A_394 : memref<16x1024xf32, #tpu.memory_space<hbm>>) target_semaphore(%arg14 : memref<!tpu.dma_semaphore, #tpu.memory_space<semaphore_mem>>)
      %lt3A_395 = arith.constant 7 : i32
      %lt3A_396 = arith.cmpi slt, %scan3A_49, %lt3A_395 : i32
      %convert_element_type3A_397 = arith.extui %lt3A_396 : i1 to i32
      %cond3A_398 = arith.constant 0 : i32
      %cond3A_399 = arith.cmpi ne, %convert_element_type3A_397, %cond3A_398 : i32
      scf.if %cond3A_399 {
        %add3A_401 = arith.constant 1 : i32
        %add3A_402 = arith.addi %add3A_236, %add3A_401 : i32
        %mul3A_403 = arith.constant 16 : i32
        %mul3A_404 = arith.muli %add3A_402, %mul3A_403 : i32
        %add3A_405 = arith.addi %mul3A_2, %mul3A_404 : i32
        %dma_start3A_406 = arith.constant 1 : i32
        %dma_start3A_407 = arith.constant 0 : i32
        %dma_start3A_408 = tpu.memref_slice %arg2[%dma_start3A_406, %add3A_405, %dma_start3A_407] : memref<4x8192x1024xf32, #tpu.memory_space<hbm>> -> memref<1x16x1024xf32, #tpu.memory_space<hbm>>
        %dma_start3A_409 = tpu.memref_squeeze %dma_start3A_408 : memref<1x16x1024xf32, #tpu.memory_space<hbm>> -> memref<16x1024xf32, #tpu.memory_space<hbm>>
        %dma_start3A_410 = arith.constant 0 : i32
        %dma_start3A_411 = tpu.memref_slice %arg2[%dma_start3A_406, %add3A_405, %dma_start3A_410] : memref<4x8192x1024xf32, #tpu.memory_space<hbm>> -> memref<1x16x1024xf32, #tpu.memory_space<hbm>>
        %dma_start3A_412 = tpu.memref_squeeze %dma_start3A_411 : memref<1x16x1024xf32, #tpu.memory_space<hbm>> -> memref<16x1024xf32, #tpu.memory_space<hbm>>
        tpu.enqueue_dma source(%dma_start3A_412 : memref<16x1024xf32, #tpu.memory_space<hbm>>) target(%arg6 : memref<16x1024xf32, #tpu.memory_space<vmem>>) target_semaphore(%arg12 : memref<!tpu.dma_semaphore, #tpu.memory_space<semaphore_mem>>)
      } else {
      }
      %scan3A_400 = arith.constant 0 : i32
      scf.yield %scan3A_400 : i32
    }
    %scan3A_31 = arith.constant 8 : i32
    %add3A_32 = arith.constant 240 : i32
    %add3A_33 = arith.addi %mul3A_2, %add3A_32 : i32
    %dma_wait3A = arith.constant 2 : i32
    %dma_wait3A_34 = arith.constant 0 : i32
    %dma_wait3A_35 = tpu.memref_slice %arg4[%dma_wait3A, %add3A_33, %dma_wait3A_34] : memref<4x8192x1024xf32, #tpu.memory_space<hbm>> -> memref<1x16x1024xf32, #tpu.memory_space<hbm>>
    %dma_wait3A_36 = tpu.memref_squeeze %dma_wait3A_35 : memref<1x16x1024xf32, #tpu.memory_space<hbm>> -> memref<16x1024xf32, #tpu.memory_space<hbm>>
    %dma_wait3A_37 = arith.constant 0 : i32
    %dma_wait3A_38 = tpu.memref_slice %arg4[%dma_wait3A, %add3A_33, %dma_wait3A_37] : memref<4x8192x1024xf32, #tpu.memory_space<hbm>> -> memref<1x16x1024xf32, #tpu.memory_space<hbm>>
    %dma_wait3A_39 = tpu.memref_squeeze %dma_wait3A_38 : memref<1x16x1024xf32, #tpu.memory_space<hbm>> -> memref<16x1024xf32, #tpu.memory_space<hbm>>
    tpu.wait_dma2 semaphore(%arg13 : memref<!tpu.dma_semaphore, #tpu.memory_space<semaphore_mem>>) src(%arg7 : memref<16x1024xf32, #tpu.memory_space<vmem>>) dst(%dma_wait3A_39 : memref<16x1024xf32, #tpu.memory_space<hbm>>)
    %add3A_40 = arith.constant 240 : i32
    %add3A_41 = arith.addi %mul3A_2, %add3A_40 : i32
    %dma_wait3A_42 = arith.constant 3 : i32
    %dma_wait3A_43 = arith.constant 0 : i32
    %dma_wait3A_44 = tpu.memref_slice %arg4[%dma_wait3A_42, %add3A_41, %dma_wait3A_43] : memref<4x8192x1024xf32, #tpu.memory_space<hbm>> -> memref<1x16x1024xf32, #tpu.memory_space<hbm>>
    %dma_wait3A_45 = tpu.memref_squeeze %dma_wait3A_44 : memref<1x16x1024xf32, #tpu.memory_space<hbm>> -> memref<16x1024xf32, #tpu.memory_space<hbm>>
    %dma_wait3A_46 = arith.constant 0 : i32
    %dma_wait3A_47 = tpu.memref_slice %arg4[%dma_wait3A_42, %add3A_41, %dma_wait3A_46] : memref<4x8192x1024xf32, #tpu.memory_space<hbm>> -> memref<1x16x1024xf32, #tpu.memory_space<hbm>>
    %dma_wait3A_48 = tpu.memref_squeeze %dma_wait3A_47 : memref<1x16x1024xf32, #tpu.memory_space<hbm>> -> memref<16x1024xf32, #tpu.memory_space<hbm>>
    tpu.wait_dma2 semaphore(%arg14 : memref<!tpu.dma_semaphore, #tpu.memory_space<semaphore_mem>>) src(%arg8 : memref<16x1024xf32, #tpu.memory_space<vmem>>) dst(%dma_wait3A_48 : memref<16x1024xf32, #tpu.memory_space<hbm>>)
    return
  }
}

</mosaic_0001>

<sc_bundles>
// kernel: kernel.3.cloned.1.call-start
scs
__scs_entry_jumppad:
0x0: {  	(pc) =	sbr.rel $0x88, $3  }
0x1: {  	(tag) =	ssettag $0x0;
	lr =	simm.s32 $0x1  }
0x2: {  	[smem:$0x3F9F] =	sst lr;
	_ =	strace $0xD0000000  }
0x3: {  	_ = 	snop  }
0x4: {  	_ = 	snop  }
0x5: {  	_ = 	snop  }
0x6: {  	_ = 	snop  }
0x7: {  	_ = 	snop  }
__scs_overlays_trampoline_lowered:
0x8: {  	[smem:$0x3FAE] =	sst s0  }
0x9: {  	[smem:$0x3FAF] =	sst s1  }
0xa: {  	[smem:$0x3FB0] =	sst s2  }
0xb: {  	[smem:$0x3FB1] =	sst s3  }
0xc: {  	[smem:$0x3FB2] =	sst s4  }
0xd: {  	[smem:$0x3FB3] =	sst s5  }
0xe: {  	[smem:$0x3FB4] =	sst s6  }
0xf: {  	[smem:$0x3FB5] =	sst s7  }
0x10: {  	[smem:$0x3FB6] =	sst s8  }
0x11: {  	[smem:$0x3FB7] =	sst s9;
	s0 =	simm.s32 @!p0 $0x0  }
0x12: {  	s1 =	sld [smem:$0x3F9D];
	s0 =	simm.s32 @p0 $0x1  }
0x13: {  	[smem:$0x3FB8] =	sst s0;
	s0 =	simm.s32 @!p1 $0x0  }
0x14: {  	s2 =	sld [smem:$0x3F9C];
	s0 =	simm.s32 @p1 $0x1  }
0x15: {  	[smem:$0x3FB9] =	sst s0;
	s0 =	simm.s32 @!p2 $0x0  }
0x16: {  	s3 =	sld [smem:$0x3FDB];
	s0 =	simm.s32 @p2 $0x1  }
0x17: {  	s4 =	simm.s32 $0x1BF5;
	[smem:$0x3FBB] =	sst s0  }
0x18: {  	s0 =	sld [smem:$0x3F9E];
	_ =	swait.ge [sflag:s4], $0x0  }
0x19: {  	s7 =	sld [smem:$0x3F9F]  }
0x1a: {  	s8 =	sadd.s32 $0xFFFFE003, lr  }
0x1b: {  	s9 =	sadd.s32 $0xFFFFFEF7, lr;
	s5 =	simm.s32 $0xFFFFFFFF;
	p2 =	slt.u32 s8, $0xFFFFF086  }
0x1c: {  	p1 =	slt.u32 s9, $0xF7A;
	s5 =	simm.s32 @!p2 $0x0  }
0x1d: {  	s5 =	simm.s32 @p1 $0x1;
	p0 =	seq.s32 s7, s2  }
0x1e: {  	s7 =	smul.u32 @!p0 $0xF7A, s2;
	p2 =	seq.s32 @!p0 s5, $0x0  }
0x1f: {  	s9 =	smul.u32 $0xF7A, s1;
	s8 =	simm.s32 @!p0 $0x1BF5;
	p2 =	por !p2, p0  }
0x20: {  	[sflag:s8] =	ssyncset.s32 @!p0 $0xFFFFF086;
	s6 =	sadd.s32 @!p0 s3, s7;
	s7 =	simm.s32 @!p0 $0x108  }
0x21: {  	s3 =	sadd.s32 s3, s9;
	s6 =	sadd.s32 @!p0 $0x88, s6;
	s7 =	simm.s32 @p2 $0x1082  }
0x22: {  	[simem:s7], [sflag:s8] =	dma.local @!p0 [hbm:s6], $0xF7A  }
0x23: {  	s9 =	sor.u32 $0xD0000000, s2;
	s6 =	simm.s32 $0x108;
	_ =	swait.ge @!p0 [sflag:s8], $0x0  }
0x24: {  	s3 =	sadd.s32 $0x88, s3;
	s6 =	simm.s32 @!p1 $0x1082;
	[sflag:s4] =	ssyncset.s32 $0xFFFFF086  }
0x25: {  	[simem:s6], [sflag:s4] =	dma.local [hbm:s3], $0xF7A  }
0x26: {  	[smem:$0x3F9F] =	sst s1;
	(tag) =	ssettag s2;
	_ =	strace s9  }
0x27: {  	s1 =	sld [smem:$0x3FAF]  }
0x28: {  	s2 =	sld [smem:$0x3FB0]  }
0x29: {  	s4 =	sld [smem:$0x3FB2]  }
0x2a: {  	p0 =	seq.s32 s5, $0x0;
	s5 =	sld [smem:$0x3FB3]  }
0x2b: {  	s6 =	sld [smem:$0x3FB4]  }
0x2c: {  	s7 =	sld [smem:$0x3FB5]  }
0x2d: {  	s3 =	simm.s32 $0x108;
	s8 =	sld [smem:$0x3FB6]  }
0x2e: {  	s3 =	simm.s32 @!p0 $0x1082;
	s9 =	sld [smem:$0x3FB7]  }
0x2f: {  	lr =	sadd.s32 s0, s3;
	s0 =	sld [smem:$0x3FAE]  }
0x30: {  	s3 =	sld [smem:$0x3FB1]  }
0x31: {  	[smem:$0x3FBA] =	sst s10  }
0x32: {  	s10 =	sld [smem:$0x3FB8];
	_ =	sdelay $0x3  }
0x33: {  	p0 =	seq.s32 s10, $0x1;
	s10 =	sld [smem:$0x3FBA];
	_ =	sdelay $0x3  }
0x34: {  	[smem:$0x3FBA] =	sst s10  }
0x35: {  	s10 =	sld [smem:$0x3FB9];
	_ =	sdelay $0x3  }
0x36: {  	p1 =	seq.s32 s10, $0x1;
	s10 =	sld [smem:$0x3FBA];
	_ =	sdelay $0x3  }
0x37: {  	[smem:$0x3FBA] =	sst s10  }
0x38: {  	s10 =	sld [smem:$0x3FBB]  }
0x39: {  	_ = 	snop;
	(pc) =	sbr.ind lr, $3  }
0x3a: {  	_ = 	snop  }
0x3b: {  	_ = 	snop  }
0x3c: {  	p2 =	seq.s32 s10, $0x1;
	s10 =	sld [smem:$0x3FBA]  }
0x3d: {  	_ =	shalt  }
0x3e: {  	_ =	shalt  }
0x3f: {  	_ =	shalt  }
0x40: {  	_ =	shalt  }
0x41: {  	_ =	shalt  }
0x42: {  	_ =	shalt  }
0x43: {  	_ =	shalt  }
0x44: {  	_ =	shalt  }
0x45: {  	_ =	shalt  }
0x46: {  	_ =	shalt  }
0x47: {  	_ =	shalt  }
0x48: {  	_ =	shalt  }
0x49: {  	_ =	shalt  }
0x4a: {  	_ =	shalt  }
0x4b: {  	_ =	shalt  }
0x4c: {  	_ =	shalt  }
0x4d: {  	_ =	shalt  }
0x4e: {  	_ =	shalt  }
0x4f: {  	_ =	shalt  }
0x50: {  	_ =	shalt  }
0x51: {  	_ =	shalt  }
0x52: {  	_ =	shalt  }
0x53: {  	_ =	shalt  }
0x54: {  	_ =	shalt  }
0x55: {  	_ =	shalt  }
0x56: {  	_ =	shalt  }
0x57: {  	_ =	shalt  }
0x58: {  	_ =	shalt  }
0x59: {  	_ =	shalt  }
0x5a: {  	_ =	shalt  }
0x5b: {  	_ =	shalt  }
0x5c: {  	_ =	shalt  }
0x5d: {  	_ =	shalt  }
0x5e: {  	_ =	shalt  }
0x5f: {  	_ =	shalt  }
0x60: {  	_ =	shalt  }
0x61: {  	_ =	shalt  }
0x62: {  	_ =	shalt  }
0x63: {  	_ =	shalt  }
0x64: {  	_ =	shalt  }
0x65: {  	_ =	shalt  }
0x66: {  	_ =	shalt  }
0x67: {  	_ =	shalt  }
0x68: {  	_ =	shalt  }
0x69: {  	_ =	shalt  }
0x6a: {  	_ =	shalt  }
0x6b: {  	_ =	shalt  }
0x6c: {  	_ =	shalt  }
0x6d: {  	_ =	shalt  }
0x6e: {  	_ =	shalt  }
0x6f: {  	_ =	shalt  }
0x70: {  	_ =	shalt  }
0x71: {  	_ =	shalt  }
0x72: {  	_ =	shalt  }
0x73: {  	_ =	shalt  }
0x74: {  	_ =	shalt  }
0x75: {  	_ =	shalt  }
0x76: {  	_ =	shalt  }
0x77: {  	_ =	shalt  }
0x78: {  	_ =	shalt  }
0x79: {  	_ =	shalt  }
0x7a: {  	_ =	shalt  }
0x7b: {  	_ =	shalt  }
0x7c: {  	_ =	shalt  }
0x7d: {  	_ =	shalt  }
0x7e: {  	_ =	shalt  }
0x7f: {  	_ =	shalt  }
0x80: {  	_ =	shalt  }
0x81: {  	_ =	shalt  }
0x82: {  	_ =	shalt  }
0x83: {  	_ =	shalt  }
0x84: {  	_ =	shalt  }
0x85: {  	_ =	shalt  }
0x86: {  	_ =	shalt  }
0x87: {  	_ =	shalt  }
.Lfunc_end0:
.L_simem_size_0:
called_computation_lowered:
.L_overlay_start_0:
0x88: {  	s2 =	sld [smem:$0x3FD9]  }
0x89: {  	s3 =	sld [smem:$0x3FFE];
	_ =	sdelay $0x1  }
0x8a: {  	s1 =	srdreg.scid  }
0x8b: {  	s0 =	sand.u32 $0x1, s1  }
0x8c: {  	s18 =	sshll.u32 s0, $0xA;
	s2 =	sadd.s32 s3, s2  }
0x8d: {  	s2 =	sadd.s32 s2, s18  }
0x8e: {  	[smem:$0x3FC6] =	sst s2  }
0x8f: {  	_ = 	snop  }
0x90: {  	s2 =	sld [smem:$0x3FC9]  }
0x91: {  	s19 =	sld [smem:$0x3FC8]  }
0x92: {  	s4 =	sld [smem:$0x3FD0];
	(tm) =	ssettm $0x1  }
0x93: {  	s5 =	sld [smem:$0x3FFB];
	_ =	sdelay $0x3  }
0x94: {  	_ =	strace s5  }
0x95: {  	s5 =	sld [smem:$0x3FFC];
	_ =	sdelay $0x3  }
0x96: {  	_ =	strace s5  }
0x97: {  	s5 =	sld [smem:$0x3FFD];
	_ =	sdelay $0x3  }
0x98: {  	_ =	strace s5  }
0x99: {  	_ =	strace $0x8FFFFFFF  }
0x9a: {  	s20 =	sld [smem:$0x3FDB];
	_ =	sdelay $0x1  }
0x9b: {  	s6 =	simm.s32 $_scs_section_size  }
0x9c: {  	s7 =	simm.s32 $_size__tile_overlayer_lowered;
	s8 =	simm.s32 $_tile_overlayer_lowered  }
0x9d: {  	s23 =	simm.s32 $0x1BFF;
	s22 =	sshll.u32 s8, $0x1;
	s5 =	sadd.s32 s6, s20  }
0x9e: {  	s9 =	simm.s32 $0x0;
	s21 =	sshll.u32 s7, $0x1;
	s7 =	sadd.s32 s22, s5  }
0x9f: {  	[timem:s9], [sflag:s23] =	dma.local [hbm:s7], s21  }
0xa0: {  	_ =	swait.ge [sflag:s23], s21  }
0xa1: {  	s6 =	ssub.s32 $0x0, s21;
	[sflag:s23] =	ssyncset.done $0x0  }
0xa2: {  	[sflag:s23] =	ssyncadd.s32 s6;
	_ =	sdelay $0x1  }
0xa3: {  	s24 =	simm.s32 $0x1B8B  }
0xa4: {  	_ =	swait.ge [sflag:s24], $0x1  }
0xa5: {  	[sflag:s24] =	ssyncset.done $0x0  }
0xa6: {  	s25 =	simm.s32 $0x1B8E;
	[sflag:s24] =	ssyncadd.s32 $0xFFFFFFFF  }
0xa7: {  	s26 =	simm.s32 $execute0_lowered;
	[smem:$0x3FD2] =	sst s25  }
0xa8: {  	s6 =	sshll.u32 s26, $0x1;
	_ =	strace $0x80000046;
	[dreg:$0x1] =	wrdreg $0xFFFFFFFF  }
0xa9: {  	s28 =	simm.s32 $_size_execute0_lowered;
	s5 =	sadd.s32 s5, s6;
	[dreg:$0x0] =	wrdreg $0x0  }
0xaa: {  	s6 =	sshll.u32 s28, $0x1;
	[dreg:$0x2] =	wrdreg s5  }
0xab: {  	[dreg:$0x3] =	wrdreg s6  }
0xac: {  	[dreg:$0x4] =	wrdreg $0xC0  }
0xad: {  	_ =	task [dreg:s9], $0x5FFFF  }
0xae: {  	[dreg:$0x1] =	wrdreg $0xFFFFFFFF  }
0xaf: {  	[dreg:$0x0] =	wrdreg $0x60  }
0xb0: {  	[dreg:$0x2] =	wrdreg s2  }
0xb1: {  	[dreg:$0x3] =	wrdreg s19  }
0xb2: {  	[dreg:$0x4] =	wrdreg s4  }
0xb3: {  	[dreg:$0x5] =	wrdreg $0x9  }
0xb4: {  	_ =	task.clear_ibuf [dreg:s9], $0x6FFFF;
	_ =	strace $0x90000046  }
0xb5: {  	s29 =	simm.s32 $0x9;
	_ =	strace $0x80000048  }
0xb6: {  	_ =	swait.ge [sflag:s29], $0x1  }
0xb7: {  	[sflag:s29] =	ssyncadd.s32 $0xFFFFFFFF  }
0xb8: {  	_ =	strace $0x90000048  }
0xb9: {  	_ =	sfence  }
0xba: {  	s30 =	sld [smem:$0x0];
	_ =	sdelay $0x2  }
0xbb: {  	s31 =	sshll.u32 s1, $0xD;
	s1 =	sshrl.u32 s1, $0x2  }
0xbc: {  	s3 =	sand.u32 $0x4000, s31;
	s1 =	sadd.s32 s1, s30  }
0xbd: {  	s0 =	sor.u32 s3, s0;
	s1 =	sshll.u32 s1, $0x11  }
0xbe: {  	s0 =	sor.u32 s1, s0  }
0xbf: {  	s0 =	sadd.s32 $0x8F2B, s0  }
0xc0: {  	[sflag:s0] =	ssyncadd.remote.s32 $0x1  }
0xc1: {  	_ =	sfence.sel $0xFFFF  }
0xc2: {  	[dreg:$0x0] =	wrdreg $0xFFFFFFFF;
	(pc) =	sbr.abs _section_cstart, $3  }
0xc3: {  	[dreg:$0x1] =	wrdreg $0xFFFFFFFF  }
0xc4: {  	_ =	task.clear_ibuf [dreg:s9], $0x2FFFF;
	_ =	strace $0x9FFFFFFF  }
0xc5: {  	(tm) =	ssettm $0x7FFFFFFF  }
tec
execute0_lowered:
.L_overlay_start_1:
0x0: {  	(tag) =	ssettag $0x1  }
0x1: {  	s1 =	rddreg [dreg:$0x0]  }
0x2: {  	s2 =	rddreg [dreg:$0x1]  }
0x3: {  	s3 =	rddreg [dreg:$0x2];
	s4 =	simm.s32 $0x0;
	s0 =	srdreg.scid  }
0x4: {  	s7 =	stileid.u32;
	s16 =	simm.s32 $0x4000;
	s17 =	simm.s32 $0x5  }
0x5: {  	s18 =	simm.s32 $0x14000;
	s19 =	simm.s32 $0x1;
	s20 =	simm.s32 $0x8000  }
0x6: {  	s21 =	simm.s32 $0x2;
	s22 =	simm.s32 $0xC000;
	s0 =	sand.u32 $0x1, s0  }
0x7: {  	s23 =	simm.s32 $0x3;
	s24 =	simm.s32 $0x4;
	s5 =	ssub.s32 $0x2, s0  }
0x8: {  	s7 =	sshll.u32 s7, $0x10;
	s0 =	sshll.u32 s0, $0xF;
	s6 =	sshrl.u32 s5, $0x1  }
0x9: {  	[smem:$0x7FF] =	sst s4;
	s5 =	ssub.s32 s5, s6;
	s6 =	sor.u32 s0, s7  }
0xa: {  	s28 =	sadd.s32 $0x100000, s1;
	_ =	strace $0x80000047;
	s7 =	sadd.s32 s2, s6  }
.Ltmp0:
0xb: {  	s29 =	sadd.s32 s1, s6;
	[dreg:$0x4] =	wrdreg s7;
	(pc) =	sbr.rel .LBB2_1-.Ltmp0, $4  }
0xc: {  	s25 =	simm.s32 $0x6;
	s30 =	sadd.s32 s6, s28;
	[dreg:$0x5] =	wrdreg s29  }
0xd: {  	s5 =	smax.u32 s5, $0x1;
	s31 =	sor.u32 $0x1000, s6;
	[dreg:$0x6] =	wrdreg s30  }
0xe: {  	s10 =	sadd.s32 $0x100000, s3;
	[dreg:$0x7] =	wrdreg s5;
	s12 =	sadd.s32 s2, s31  }
0xf: {  	s13 =	sadd.s32 s1, s31;
	s14 =	sadd.s32 s28, s31;
	s5 =	simm.s32 $0x0  }
.LBB2_20:
0x10: {  	_ =	swait.ge [sflag:s23], $0x4000  }
0x11: {  	[sflag:s23] =	ssyncset.done $0x0  }
0x12: {  	[sflag:s23] =	ssyncadd.s32 $0xFFFFC000  }
0x13: {  	_ =	swait.ge [sflag:s24], $0x4000  }
0x14: {  	s5 =	rddreg [dreg:$0x8]  }
0x15: {  	s0 =	rddreg [dreg:$0x7];
	s5 =	sadd.s32 $0x1, s5  }
0x16: {  	p0 =	sne.s32 s5, s0  }
.Ltmp1:
0x17: {  	_ = 	snop;
	(pc) =	sbr.rel @!p0 .LBB2_21-.Ltmp1, $3  }
0x18: {  	_ =	sdelay $0x1  }
0x19: {  	[sflag:s24] =	ssyncset.done $0x0  }
0x1a: {  	[sflag:s24] =	ssyncadd.s32 $0xFFFFC000  }
.LBB2_1:
0x1b: {  	[dreg:$0x8] =	wrdreg s5  }
0x1c: {  	s0 =	rddreg [dreg:$0x4];
	s29 =	simm.s32 $0x10000  }
0x1d: {  	[tilespmem:s29], [sflag:$0x5] =	stream.linear.gather [hbm4b:s0+s4], $0x4000, $0x38;
	[tilespmem:$0x18000] =	vst v63  }
0x1e: {  	s30 =	rddreg [dreg:$0x5]  }
0x1f: {  	[tilespmem:s4], [sflag:$0x1] =	stream.linear.gather [hbm4b:s30+s4], $0x4000, $0x38;
	[tilespmem:$0x18000] =	vst v63  }
0x20: {  	s31 =	rddreg [dreg:$0x6];
	s28 =	simm.s32 $0x0  }
0x21: {  	[tilespmem:s16], [sflag:$0x2] =	stream.linear.gather [hbm4b:s31+s4], $0x4000, $0x38;
	[tilespmem:$0x18000] =	vst v63  }
.LBB2_2:
0x22: {  	s29 =	sshll.u32 s28, $0xC  }
0x23: {  	_ =	swait.ge [sflag:s17], $0x4000;
	s30 =	sadd.s32 s6, s29  }
0x24: {  	[sflag:s17] =	ssyncset.done $0x0;
	s31 =	sor.u32 $0x800, s30  }
0x25: {  	[sflag:s17] =	ssyncadd.s32 $0xFFFFC000;
	s0 =	sadd.s32 s2, s31  }
0x26: {  	[tilespmem:s18], [sflag:$0x6] =	stream.linear.gather [hbm4b:s0+s4], $0x4000, $0x38;
	[tilespmem:$0x18000] =	vst v63  }
0x27: {  	p0 =	seq.s32 s28, $0x0;
	_ =	swait.ge [sflag:s19], $0x4000  }
0x28: {  	s5 =	simm.s32 $0x0;
	s7 =	simm.s32 $0x0;
	[sflag:s19] =	ssyncset.done $0x0  }
0x29: {  	s15 =	simm.s32 $0x0;
	s0 =	simm.s32 @!p0 $0x3;
	[sflag:s19] =	ssyncadd.s32 $0xFFFFC000  }
0x2a: {  	s8 =	sand.u32 $0x1000, s5;
	s7 =	sand.u32 $0x2000, s7;
	_ =	swait.ge @!p0 [sflag:s0], $0x4000  }
0x2b: {  	s26 =	sand.u32 $0x380, s15;
	s7 =	sor.u32 s8, s7;
	[sflag:s0] =	ssyncset.done @!p0 $0x0  }
0x2c: {  	[sflag:s0] =	ssyncadd.s32 @!p0 $0xFFFFC000;
	s0 =	sor.u32 s26, s7  }
0x2d: {  	v0 =	vld [tilespmem:s0+$0x0]  }
0x2e: {  	v1 =	vld [tilespmem:s0+$0x10000]  }
0x2f: {  	v2 =	vld [tilespmem:s0+$0x10]  }
0x30: {  	v3 =	vld [tilespmem:s0+$0x10010]  }
0x31: {  	v4 =	vld [tilespmem:s0+$0x20]  }
0x32: {  	v5 =	vld [tilespmem:s0+$0x10020]  }
0x33: {  	v6 =	vld [tilespmem:s0+$0x10030]  }
0x34: {  	v7 =	vld [tilespmem:s0+$0xC70]  }
0x35: {  	v8 =	vld [tilespmem:s0+$0x10C70]  }
0x36: {  	v9 =	vld [tilespmem:s0+$0x10060]  }
0x37: {  	v10 =	vld [tilespmem:s0+$0x400]  }
0x38: {  	v11 =	vld [tilespmem:s0+$0x10400]  }
0x39: {  	v12 =	vld [tilespmem:s0+$0x410]  }
0x3a: {  	v13 =	vld [tilespmem:s0+$0x10410]  }
0x3b: {  	v14 =	vld [tilespmem:s0+$0x420]  }
0x3c: {  	v48 =	vld [tilespmem:s0+$0x430]  }
0x3d: {  	v15 =	vld [tilespmem:s0+$0x70]  }
0x3e: {  	v50 =	vld [tilespmem:s0+$0x440]  }
0x3f: {  	v51 =	vld [tilespmem:s0+$0x10440]  }
0x40: {  	v16 =	vld [tilespmem:s0+$0x10070]  }
0x41: {  	v52 =	vld [tilespmem:s0+$0x450]  }
0x42: {  	v17 =	vld [tilespmem:s0+$0x10450]  }
0x43: {  	v18 =	vld [tilespmem:s0+$0x800]  }
0x44: {  	v19 =	vld [tilespmem:s0+$0x10800]  }
0x45: {  	v20 =	vld [tilespmem:s0+$0x810]  }
0x46: {  	v21 =	vld [tilespmem:s0+$0x10810]  }
0x47: {  	v22 =	vld [tilespmem:s0+$0x820]  }
0x48: {  	v53 =	vld [tilespmem:s0+$0x10820]  }
0x49: {  	v54 =	vld [tilespmem:s0+$0x830]  }
0x4a: {  	v23 =	vld [tilespmem:s0+$0x460]  }
0x4b: {  	v56 =	vld [tilespmem:s0+$0x840]  }
0x4c: {  	v57 =	vld [tilespmem:s0+$0x10840];
	v0 =	vadd.f32 v1, v0  }
0x4d: {  	v1 =	vld [tilespmem:s0+$0x30];
	v10 =	vadd.f32 v11, v10  }
0x4e: {  	[tilespmem:s0+$0x8000] =	vst v0;
	v0 =	vadd.f32 v3, v2;
	v2 =	vld [tilespmem:s0+$0x40]  }
0x4f: {  	v49 =	vadd.f32 v13, v12;
	v3 =	vld [tilespmem:s0+$0x10040];
	[tilespmem:s0+$0x8400] =	vst v10  }
0x50: {  	v18 =	vadd.f32 v19, v18;
	[tilespmem:s0+$0x8010] =	vst v0;
	v0 =	vadd.f32 v5, v4;
	v4 =	vld [tilespmem:s0+$0x50]  }
0x51: {  	v55 =	vadd.f32 v21, v20;
	[tilespmem:s0+$0x8410] =	vst v49;
	v5 =	vld [tilespmem:s0+$0x10050]  }
0x52: {  	[tilespmem:s0+$0x8800] =	vst v18;
	v1 =	vadd.f32 v6, v1;
	v6 =	vld [tilespmem:s0+$0x10420]  }
0x53: {  	v58 =	vld [tilespmem:s0+$0x10460];
	[tilespmem:s0+$0x8810] =	vst v55  }
0x54: {  	[tilespmem:s0+$0x8020] =	vst v0;
	v0 =	vld [tilespmem:s0+$0x60];
	v2 =	vadd.f32 v3, v2  }
0x55: {  	v59 =	vld [tilespmem:s0+$0x850];
	v7 =	vadd.f32 v8, v7;
	[tilespmem:s0+$0x8030] =	vst v1  }
0x56: {  	v1 =	vld [tilespmem:s0+$0x10430];
	[tilespmem:s0+$0x8040] =	vst v2;
	v2 =	vadd.f32 v5, v4  }
0x57: {  	v60 =	vld [tilespmem:s0+$0x10870];
	[tilespmem:s0+$0x8C70] =	vst v7;
	v6 =	vadd.f32 v6, v14  }
0x58: {  	v61 =	vld [tilespmem:s0+$0xC00];
	v14 =	vadd.f32 v53, v22;
	[tilespmem:s0+$0x8050] =	vst v2  }
0x59: {  	v0 =	vadd.f32 v9, v0;
	[tilespmem:s0+$0x8420] =	vst v6;
	v6 =	vld [tilespmem:s0+$0x10830]  }
0x5a: {  	v3 =	vld [tilespmem:s0+$0x470];
	v2 =	vadd.f32 v16, v15;
	[tilespmem:s0+$0x8820] =	vst v14  }
0x5b: {  	v5 =	vld [tilespmem:s0+$0x10470];
	v1 =	vadd.f32 v1, v48;
	[tilespmem:s0+$0x8060] =	vst v0  }
0x5c: {  	v7 =	vld [tilespmem:s0+$0x860];
	v0 =	vadd.f32 v51, v50;
	[tilespmem:s0+$0x8070] =	vst v2  }
0x5d: {  	v4 =	vld [tilespmem:s0+$0x10860];
	v2 =	vadd.f32 v17, v52;
	[tilespmem:s0+$0x8430] =	vst v1  }
0x5e: {  	v62 =	vld [tilespmem:s0+$0x10C00];
	[tilespmem:s0+$0x8440] =	vst v0;
	v6 =	vadd.f32 v6, v54  }
0x5f: {  	v1 =	vld [tilespmem:s0+$0x10850];
	v0 =	vadd.f32 v58, v23;
	[tilespmem:s0+$0x8450] =	vst v2  }
0x60: {  	v2 =	vadd.f32 v5, v3;
	[tilespmem:s0+$0x8830] =	vst v6;
	v6 =	vld [tilespmem:s0+$0x870]  }
0x61: {  	v63 =	vld [tilespmem:s0+$0x10C10];
	[tilespmem:s0+$0x8460] =	vst v0;
	v0 =	vadd.f32 v57, v56  }
0x62: {  	v5 =	vld [tilespmem:s0+$0xC10];
	[tilespmem:s0+$0x8470] =	vst v2;
	v2 =	vadd.f32 v4, v7  }
0x63: {  	v3 =	vld [tilespmem:s0+$0xC20];
	v7 =	vadd.f32 v62, v61;
	[tilespmem:s0+$0x8840] =	vst v0  }
0x64: {  	v4 =	vld [tilespmem:s0+$0x10C20];
	v1 =	vadd.f32 v1, v59;
	[tilespmem:s0+$0x8860] =	vst v2  }
0x65: {  	v0 =	vld [tilespmem:s0+$0xC30];
	[tilespmem:s0+$0x8C00] =	vst v7;
	v2 =	vadd.f32 v60, v6  }
0x66: {  	[tilespmem:s0+$0x8850] =	vst v1;
	v1 =	vld [tilespmem:s0+$0x10C30]  }
0x67: {  	s7 =	simm.s32 $0x0;
	v5 =	vadd.f32 v63, v5;
	[tilespmem:s0+$0x8870] =	vst v2;
	v2 =	vld [tilespmem:s0+$0xC40]  }
.LBB2_3:
0x68: {  	s7 =	sadd.s32 $0x4, s7;
	v6 =	vld [tilespmem:s0+$0x10C40]  }
0x69: {  	s5 =	sadd.s32 $0x1000, s5;
	s8 =	sshll.u32 s7, $0x7;
	p1 =	slt.u32 s7, $0x7C;
	[tilespmem:s0+$0x8C10] =	vst v5;
	v3 =	vadd.f32 v4, v3;
	v4 =	vld [tilespmem:s0+$0xC50]  }
0x6a: {  	s15 =	sand.u32 $0x1000, s5;
	s9 =	sshll.u32 s7, $0x4;
	s8 =	sand.u32 $0x2000, s8;
	v5 =	vld [tilespmem:s0+$0x10C50]  }
0x6b: {  	s9 =	sand.u32 $0x380, s9;
	s8 =	sor.u32 s15, s8;
	[tilespmem:s0+$0x8C20] =	vst v3;
	v0 =	vadd.f32 v1, v0;
	v1 =	vld [tilespmem:s0+$0xC60]  }
0x6c: {  	s8 =	sor.u32 s9, s8;
	v3 =	vld [tilespmem:s0+$0x10C60]  }
0x6d: {  	v7 =	vld [tilespmem:s8+$0xC70];
	[tilespmem:s0+$0x8C30] =	vst v0;
	v0 =	vadd.f32 v6, v2  }
0x6e: {  	v2 =	vld [tilespmem:s8+$0x10C70]  }
0x6f: {  	v6 =	vld [tilespmem:s8+$0x0];
	[tilespmem:s0+$0x8C40] =	vst v0;
	v0 =	vadd.f32 v5, v4  }
0x70: {  	v4 =	vld [tilespmem:s8+$0x10000]  }
0x71: {  	v5 =	vld [tilespmem:s8+$0x10];
	[tilespmem:s0+$0x8C50] =	vst v0;
	v0 =	vadd.f32 v3, v1  }
0x72: {  	v1 =	vld [tilespmem:s8+$0x10010]  }
0x73: {  	v3 =	vld [tilespmem:s8+$0x20];
	v2 =	vadd.f32 v2, v7;
	[tilespmem:s0+$0x8C60] =	vst v0;
	s0 =	smov.u32 s8  }
0x74: {  	v0 =	vld [tilespmem:s0+$0x10020]  }
0x75: {  	v4 =	vadd.f32 v4, v6;
	v6 =	vld [tilespmem:s0+$0x30];
	[tilespmem:s0+$0x8C70] =	vst v2  }
0x76: {  	v2 =	vld [tilespmem:s0+$0x10030]  }
0x77: {  	[tilespmem:s0+$0x8000] =	vst v4;
	v1 =	vadd.f32 v1, v5;
	v4 =	vld [tilespmem:s0+$0x40]  }
0x78: {  	v5 =	vld [tilespmem:s0+$0x10040]  }
0x79: {  	[tilespmem:s0+$0x8010] =	vst v1;
	v0 =	vadd.f32 v0, v3;
	v1 =	vld [tilespmem:s0+$0x50]  }
0x7a: {  	v3 =	vld [tilespmem:s0+$0x10050]  }
0x7b: {  	[tilespmem:s0+$0x8020] =	vst v0;
	v0 =	vadd.f32 v2, v6;
	v2 =	vld [tilespmem:s0+$0x60]  }
0x7c: {  	v6 =	vld [tilespmem:s0+$0x10060]  }
0x7d: {  	[tilespmem:s0+$0x8030] =	vst v0;
	v0 =	vadd.f32 v5, v4;
	v4 =	vld [tilespmem:s0+$0x70]  }
0x7e: {  	v5 =	vld [tilespmem:s0+$0x10070]  }
0x7f: {  	[tilespmem:s0+$0x8040] =	vst v0;
	v0 =	vadd.f32 v3, v1;
	v1 =	vld [tilespmem:s0+$0x400]  }
0x80: {  	v3 =	vld [tilespmem:s0+$0x10400]  }
0x81: {  	[tilespmem:s0+$0x8050] =	vst v0;
	v0 =	vadd.f32 v6, v2;
	v2 =	vld [tilespmem:s0+$0x410]  }
0x82: {  	v6 =	vld [tilespmem:s0+$0x10410]  }
0x83: {  	[tilespmem:s0+$0x8060] =	vst v0;
	v0 =	vadd.f32 v5, v4;
	v4 =	vld [tilespmem:s0+$0x420]  }
0x84: {  	v5 =	vld [tilespmem:s0+$0x10420]  }
0x85: {  	[tilespmem:s0+$0x8070] =	vst v0;
	v0 =	vadd.f32 v3, v1;
	v1 =	vld [tilespmem:s0+$0x430]  }
0x86: {  	v3 =	vld [tilespmem:s0+$0x10430]  }
0x87: {  	[tilespmem:s0+$0x8400] =	vst v0;
	v0 =	vadd.f32 v6, v2;
	v2 =	vld [tilespmem:s0+$0x440]  }
0x88: {  	v6 =	vld [tilespmem:s0+$0x10440]  }
0x89: {  	[tilespmem:s0+$0x8410] =	vst v0;
	v0 =	vadd.f32 v5, v4;
	v4 =	vld [tilespmem:s0+$0x450]  }
0x8a: {  	v5 =	vld [tilespmem:s0+$0x10450]  }
0x8b: {  	[tilespmem:s0+$0x8420] =	vst v0;
	v0 =	vadd.f32 v3, v1;
	v1 =	vld [tilespmem:s0+$0x460]  }
0x8c: {  	v3 =	vld [tilespmem:s0+$0x10460]  }
0x8d: {  	[tilespmem:s0+$0x8430] =	vst v0;
	v0 =	vadd.f32 v6, v2;
	v2 =	vld [tilespmem:s0+$0x470]  }
0x8e: {  	v6 =	vld [tilespmem:s0+$0x10470]  }
0x8f: {  	[tilespmem:s0+$0x8440] =	vst v0;
	v0 =	vadd.f32 v5, v4;
	v4 =	vld [tilespmem:s0+$0x800]  }
0x90: {  	v5 =	vld [tilespmem:s0+$0x10800]  }
0x91: {  	[tilespmem:s0+$0x8450] =	vst v0;
	v0 =	vadd.f32 v3, v1;
	v1 =	vld [tilespmem:s0+$0x810]  }
0x92: {  	v3 =	vld [tilespmem:s0+$0x10810]  }
0x93: {  	[tilespmem:s0+$0x8460] =	vst v0;
	v0 =	vadd.f32 v6, v2;
	v2 =	vld [tilespmem:s0+$0x820]  }
0x94: {  	v6 =	vld [tilespmem:s0+$0x10820]  }
0x95: {  	[tilespmem:s0+$0x8470] =	vst v0;
	v0 =	vadd.f32 v5, v4;
	v4 =	vld [tilespmem:s0+$0x830]  }
0x96: {  	v5 =	vld [tilespmem:s0+$0x10830]  }
0x97: {  	[tilespmem:s0+$0x8800] =	vst v0;
	v0 =	vadd.f32 v3, v1;
	v1 =	vld [tilespmem:s0+$0x840]  }
0x98: {  	v3 =	vld [tilespmem:s0+$0x10840]  }
0x99: {  	[tilespmem:s0+$0x8810] =	vst v0;
	v0 =	vadd.f32 v6, v2;
	v2 =	vld [tilespmem:s0+$0x850]  }
0x9a: {  	v6 =	vld [tilespmem:s0+$0x10850]  }
0x9b: {  	[tilespmem:s0+$0x8820] =	vst v0;
	v0 =	vadd.f32 v5, v4;
	v4 =	vld [tilespmem:s0+$0x860]  }
0x9c: {  	v5 =	vld [tilespmem:s0+$0x10860]  }
0x9d: {  	[tilespmem:s0+$0x8830] =	vst v0;
	v0 =	vadd.f32 v3, v1;
	v1 =	vld [tilespmem:s0+$0x870]  }
0x9e: {  	v3 =	vld [tilespmem:s0+$0x10870]  }
0x9f: {  	[tilespmem:s0+$0x8840] =	vst v0;
	v0 =	vadd.f32 v6, v2;
	v2 =	vld [tilespmem:s0+$0xC00]  }
0xa0: {  	v6 =	vld [tilespmem:s0+$0x10C00]  }
0xa1: {  	[tilespmem:s0+$0x8850] =	vst v0;
	v0 =	vadd.f32 v5, v4;
	v5 =	vld [tilespmem:s0+$0xC10]  }
0xa2: {  	v7 =	vld [tilespmem:s0+$0x10C10]  }
.Ltmp2:
0xa3: {  	[tilespmem:s0+$0x8860] =	vst v0;
	v0 =	vadd.f32 v3, v1;
	v3 =	vld [tilespmem:s0+$0xC20];
	(pc) =	sbr.rel @p1 .LBB2_3-.Ltmp2, $4  }
0xa4: {  	v4 =	vld [tilespmem:s0+$0x10C20]  }
0xa5: {  	[tilespmem:s0+$0x8870] =	vst v0;
	v2 =	vadd.f32 v6, v2;
	v0 =	vld [tilespmem:s0+$0xC30]  }
0xa6: {  	v1 =	vld [tilespmem:s0+$0x10C30]  }
0xa7: {  	[tilespmem:s0+$0x8C00] =	vst v2;
	v5 =	vadd.f32 v7, v5;
	v2 =	vld [tilespmem:s0+$0xC40]  }
0xa8: {  	v6 =	vld [tilespmem:s0+$0x10C40]  }
0xa9: {  	v7 =	vld [tilespmem:s0+$0x10C60]  }
0xaa: {  	v3 =	vadd.f32 v4, v3;
	v4 =	vld [tilespmem:s0+$0xC50]  }
0xab: {  	[tilespmem:s0+$0x8C10] =	vst v5;
	v5 =	vld [tilespmem:s0+$0x10C50]  }
0xac: {  	[tilespmem:s0+$0x8C20] =	vst v3;
	v3 =	vld [tilespmem:s0+$0xC60];
	_ =	sdelay $0x1  }
0xad: {  	v0 =	vadd.f32 v1, v0  }
0xae: {  	v1 =	vadd.f32 v6, v2  }
0xaf: {  	[tilespmem:s0+$0x8C30] =	vst v0;
	v0 =	vadd.f32 v5, v4  }
0xb0: {  	[tilespmem:s0+$0x8C40] =	vst v1;
	v1 =	vadd.f32 v7, v3  }
0xb1: {  	[tilespmem:s0+$0x8C50] =	vst v0  }
0xb2: {  	s15 =	sadd.s32 s3, s30;
	[tilespmem:s0+$0x8C60] =	vst v1;
	s0 =	sor.u32 $0x200000, s30  }
0xb3: {  	[hbm4b:s15+s4] =	stream.linear.scatter [tilespmem:s20], [sflag:$0x3], $0x4000, $0x38;
	[tilespmem:$0x18000] =	vst v63  }
0xb4: {  	s5 =	sadd.s32 s1, s0  }
0xb5: {  	[tilespmem:s4], [sflag:$0x1] =	stream.linear.gather [hbm4b:s5+s4], $0x4000, $0x38;
	[tilespmem:$0x18000] =	vst v63  }
0xb6: {  	_ =	swait.ge [sflag:s21], $0x4000  }
0xb7: {  	s7 =	simm.s32 $0x0;
	s8 =	simm.s32 $0x0;
	[sflag:s21] =	ssyncset.done $0x0  }
0xb8: {  	s9 =	sand.u32 $0x1000, s7;
	s5 =	simm.s32 @!p0 $0x4;
	[sflag:s21] =	ssyncadd.s32 $0xFFFFC000  }
0xb9: {  	s8 =	sand.u32 $0x2000, s8;
	s15 =	simm.s32 $0x0;
	_ =	swait.ge @!p0 [sflag:s5], $0x4000  }
0xba: {  	s8 =	sor.u32 s9, s8;
	s26 =	sand.u32 $0x380, s15;
	[sflag:s5] =	ssyncset.done @!p0 $0x0  }
0xbb: {  	[sflag:s5] =	ssyncadd.s32 @!p0 $0xFFFFC000;
	s5 =	sor.u32 s26, s8  }
0xbc: {  	v0 =	vld [tilespmem:s5+$0x4000]  }
0xbd: {  	v1 =	vld [tilespmem:s5+$0x10000]  }
0xbe: {  	v2 =	vld [tilespmem:s5+$0x4010]  }
0xbf: {  	v3 =	vld [tilespmem:s5+$0x10010]  }
0xc0: {  	v4 =	vld [tilespmem:s5+$0x4020]  }
0xc1: {  	v5 =	vld [tilespmem:s5+$0x10020]  }
0xc2: {  	v6 =	vld [tilespmem:s5+$0x10030]  }
0xc3: {  	v7 =	vld [tilespmem:s5+$0x4C70]  }
0xc4: {  	v8 =	vld [tilespmem:s5+$0x10C70]  }
0xc5: {  	v9 =	vld [tilespmem:s5+$0x10060]  }
0xc6: {  	v10 =	vld [tilespmem:s5+$0x4400]  }
0xc7: {  	v11 =	vld [tilespmem:s5+$0x10400]  }
0xc8: {  	v12 =	vld [tilespmem:s5+$0x4410]  }
0xc9: {  	v13 =	vld [tilespmem:s5+$0x10410]  }
0xca: {  	v14 =	vld [tilespmem:s5+$0x4420]  }
0xcb: {  	v48 =	vld [tilespmem:s5+$0x4430]  }
0xcc: {  	v15 =	vld [tilespmem:s5+$0x4070]  }
0xcd: {  	v50 =	vld [tilespmem:s5+$0x4440]  }
0xce: {  	v51 =	vld [tilespmem:s5+$0x10440]  }
0xcf: {  	v16 =	vld [tilespmem:s5+$0x10070]  }
0xd0: {  	v52 =	vld [tilespmem:s5+$0x4450]  }
0xd1: {  	v17 =	vld [tilespmem:s5+$0x10450]  }
0xd2: {  	v18 =	vld [tilespmem:s5+$0x4800]  }
0xd3: {  	v19 =	vld [tilespmem:s5+$0x10800]  }
0xd4: {  	v20 =	vld [tilespmem:s5+$0x4810]  }
0xd5: {  	v21 =	vld [tilespmem:s5+$0x10810]  }
0xd6: {  	v22 =	vld [tilespmem:s5+$0x4820]  }
0xd7: {  	v53 =	vld [tilespmem:s5+$0x10820]  }
0xd8: {  	v54 =	vld [tilespmem:s5+$0x4830]  }
0xd9: {  	v23 =	vld [tilespmem:s5+$0x4460]  }
0xda: {  	v56 =	vld [tilespmem:s5+$0x4840]  }
0xdb: {  	v57 =	vld [tilespmem:s5+$0x10840];
	v0 =	vadd.f32 v1, v0  }
0xdc: {  	v1 =	vld [tilespmem:s5+$0x4030];
	v10 =	vadd.f32 v11, v10  }
0xdd: {  	[tilespmem:s5+$0xC000] =	vst v0;
	v0 =	vadd.f32 v3, v2;
	v2 =	vld [tilespmem:s5+$0x4040]  }
0xde: {  	v49 =	vadd.f32 v13, v12;
	v3 =	vld [tilespmem:s5+$0x10040];
	[tilespmem:s5+$0xC400] =	vst v10  }
0xdf: {  	v18 =	vadd.f32 v19, v18;
	[tilespmem:s5+$0xC010] =	vst v0;
	v0 =	vadd.f32 v5, v4;
	v4 =	vld [tilespmem:s5+$0x4050]  }
0xe0: {  	v55 =	vadd.f32 v21, v20;
	[tilespmem:s5+$0xC410] =	vst v49;
	v5 =	vld [tilespmem:s5+$0x10050]  }
0xe1: {  	[tilespmem:s5+$0xC800] =	vst v18;
	v1 =	vadd.f32 v6, v1;
	v6 =	vld [tilespmem:s5+$0x10420]  }
0xe2: {  	v58 =	vld [tilespmem:s5+$0x10460];
	[tilespmem:s5+$0xC810] =	vst v55  }
0xe3: {  	[tilespmem:s5+$0xC020] =	vst v0;
	v0 =	vld [tilespmem:s5+$0x4060];
	v2 =	vadd.f32 v3, v2  }
0xe4: {  	v59 =	vld [tilespmem:s5+$0x4850];
	v7 =	vadd.f32 v8, v7;
	[tilespmem:s5+$0xC030] =	vst v1  }
0xe5: {  	v1 =	vld [tilespmem:s5+$0x10430];
	[tilespmem:s5+$0xC040] =	vst v2;
	v2 =	vadd.f32 v5, v4  }
0xe6: {  	v60 =	vld [tilespmem:s5+$0x10870];
	[tilespmem:s5+$0xCC70] =	vst v7;
	v6 =	vadd.f32 v6, v14  }
0xe7: {  	v61 =	vld [tilespmem:s5+$0x4C00];
	v14 =	vadd.f32 v53, v22;
	[tilespmem:s5+$0xC050] =	vst v2  }
0xe8: {  	v0 =	vadd.f32 v9, v0;
	[tilespmem:s5+$0xC420] =	vst v6;
	v6 =	vld [tilespmem:s5+$0x10830]  }
0xe9: {  	v3 =	vld [tilespmem:s5+$0x4470];
	v2 =	vadd.f32 v16, v15;
	[tilespmem:s5+$0xC820] =	vst v14  }
0xea: {  	v5 =	vld [tilespmem:s5+$0x10470];
	v1 =	vadd.f32 v1, v48;
	[tilespmem:s5+$0xC060] =	vst v0  }
0xeb: {  	v7 =	vld [tilespmem:s5+$0x4860];
	v0 =	vadd.f32 v51, v50;
	[tilespmem:s5+$0xC070] =	vst v2  }
0xec: {  	v4 =	vld [tilespmem:s5+$0x10860];
	v2 =	vadd.f32 v17, v52;
	[tilespmem:s5+$0xC430] =	vst v1  }
0xed: {  	v62 =	vld [tilespmem:s5+$0x10C00];
	[tilespmem:s5+$0xC440] =	vst v0;
	v6 =	vadd.f32 v6, v54  }
0xee: {  	v1 =	vld [tilespmem:s5+$0x10850];
	v0 =	vadd.f32 v58, v23;
	[tilespmem:s5+$0xC450] =	vst v2  }
0xef: {  	v2 =	vadd.f32 v5, v3;
	[tilespmem:s5+$0xC830] =	vst v6;
	v6 =	vld [tilespmem:s5+$0x4870]  }
0xf0: {  	v63 =	vld [tilespmem:s5+$0x10C10];
	[tilespmem:s5+$0xC460] =	vst v0;
	v0 =	vadd.f32 v57, v56  }
0xf1: {  	v5 =	vld [tilespmem:s5+$0x4C10];
	[tilespmem:s5+$0xC470] =	vst v2;
	v2 =	vadd.f32 v4, v7  }
0xf2: {  	v3 =	vld [tilespmem:s5+$0x4C20];
	v7 =	vadd.f32 v62, v61;
	[tilespmem:s5+$0xC840] =	vst v0  }
0xf3: {  	v4 =	vld [tilespmem:s5+$0x10C20];
	v1 =	vadd.f32 v1, v59;
	[tilespmem:s5+$0xC860] =	vst v2  }
0xf4: {  	v0 =	vld [tilespmem:s5+$0x4C30];
	[tilespmem:s5+$0xCC00] =	vst v7;
	v2 =	vadd.f32 v60, v6  }
0xf5: {  	[tilespmem:s5+$0xC850] =	vst v1;
	v1 =	vld [tilespmem:s5+$0x10C30]  }
0xf6: {  	s15 =	simm.s32 $0x0;
	v5 =	vadd.f32 v63, v5;
	[tilespmem:s5+$0xC870] =	vst v2;
	v2 =	vld [tilespmem:s5+$0x4C40]  }
.LBB2_5:
0xf7: {  	s15 =	sadd.s32 $0x4, s15;
	v6 =	vld [tilespmem:s5+$0x10C40]  }
0xf8: {  	s7 =	sadd.s32 $0x1000, s7;
	s8 =	sshll.u32 s15, $0x7;
	p0 =	slt.u32 s15, $0x7C;
	[tilespmem:s5+$0xCC10] =	vst v5;
	v3 =	vadd.f32 v4, v3;
	v4 =	vld [tilespmem:s5+$0x4C50]  }
0xf9: {  	s9 =	sand.u32 $0x1000, s7;
	s11 =	sshll.u32 s15, $0x4;
	s8 =	sand.u32 $0x2000, s8;
	v5 =	vld [tilespmem:s5+$0x10C50]  }
0xfa: {  	s8 =	sor.u32 s9, s8;
	s9 =	sand.u32 $0x380, s11;
	[tilespmem:s5+$0xCC20] =	vst v3;
	v0 =	vadd.f32 v1, v0;
	v1 =	vld [tilespmem:s5+$0x4C60]  }
0xfb: {  	s8 =	sor.u32 s9, s8;
	v3 =	vld [tilespmem:s5+$0x10C60]  }
0xfc: {  	v7 =	vld [tilespmem:s8+$0x4C70];
	[tilespmem:s5+$0xCC30] =	vst v0;
	v0 =	vadd.f32 v6, v2  }
0xfd: {  	v2 =	vld [tilespmem:s8+$0x10C70]  }
0xfe: {  	v6 =	vld [tilespmem:s8+$0x4000];
	[tilespmem:s5+$0xCC40] =	vst v0;
	v0 =	vadd.f32 v5, v4  }
0xff: {  	v4 =	vld [tilespmem:s8+$0x10000]  }
0x100: {  	v5 =	vld [tilespmem:s8+$0x4010];
	[tilespmem:s5+$0xCC50] =	vst v0;
	v0 =	vadd.f32 v3, v1  }
0x101: {  	v1 =	vld [tilespmem:s8+$0x10010]  }
0x102: {  	v3 =	vld [tilespmem:s8+$0x4020];
	v2 =	vadd.f32 v2, v7;
	[tilespmem:s5+$0xCC60] =	vst v0;
	s5 =	smov.u32 s8  }
0x103: {  	v0 =	vld [tilespmem:s5+$0x10020]  }
0x104: {  	v4 =	vadd.f32 v4, v6;
	v6 =	vld [tilespmem:s5+$0x4030];
	[tilespmem:s5+$0xCC70] =	vst v2  }
0x105: {  	v2 =	vld [tilespmem:s5+$0x10030]  }
0x106: {  	[tilespmem:s5+$0xC000] =	vst v4;
	v1 =	vadd.f32 v1, v5;
	v4 =	vld [tilespmem:s5+$0x4040]  }
0x107: {  	v5 =	vld [tilespmem:s5+$0x10040]  }
0x108: {  	[tilespmem:s5+$0xC010] =	vst v1;
	v0 =	vadd.f32 v0, v3;
	v1 =	vld [tilespmem:s5+$0x4050]  }
0x109: {  	v3 =	vld [tilespmem:s5+$0x10050]  }
0x10a: {  	[tilespmem:s5+$0xC020] =	vst v0;
	v0 =	vadd.f32 v2, v6;
	v2 =	vld [tilespmem:s5+$0x4060]  }
0x10b: {  	v6 =	vld [tilespmem:s5+$0x10060]  }
0x10c: {  	[tilespmem:s5+$0xC030] =	vst v0;
	v0 =	vadd.f32 v5, v4;
	v4 =	vld [tilespmem:s5+$0x4070]  }
0x10d: {  	v5 =	vld [tilespmem:s5+$0x10070]  }
0x10e: {  	[tilespmem:s5+$0xC040] =	vst v0;
	v0 =	vadd.f32 v3, v1;
	v1 =	vld [tilespmem:s5+$0x4400]  }
0x10f: {  	v3 =	vld [tilespmem:s5+$0x10400]  }
0x110: {  	[tilespmem:s5+$0xC050] =	vst v0;
	v0 =	vadd.f32 v6, v2;
	v2 =	vld [tilespmem:s5+$0x4410]  }
0x111: {  	v6 =	vld [tilespmem:s5+$0x10410]  }
0x112: {  	[tilespmem:s5+$0xC060] =	vst v0;
	v0 =	vadd.f32 v5, v4;
	v4 =	vld [tilespmem:s5+$0x4420]  }
0x113: {  	v5 =	vld [tilespmem:s5+$0x10420]  }
0x114: {  	[tilespmem:s5+$0xC070] =	vst v0;
	v0 =	vadd.f32 v3, v1;
	v1 =	vld [tilespmem:s5+$0x4430]  }
0x115: {  	v3 =	vld [tilespmem:s5+$0x10430]  }
0x116: {  	[tilespmem:s5+$0xC400] =	vst v0;
	v0 =	vadd.f32 v6, v2;
	v2 =	vld [tilespmem:s5+$0x4440]  }
0x117: {  	v6 =	vld [tilespmem:s5+$0x10440]  }
0x118: {  	[tilespmem:s5+$0xC410] =	vst v0;
	v0 =	vadd.f32 v5, v4;
	v4 =	vld [tilespmem:s5+$0x4450]  }
0x119: {  	v5 =	vld [tilespmem:s5+$0x10450]  }
0x11a: {  	[tilespmem:s5+$0xC420] =	vst v0;
	v0 =	vadd.f32 v3, v1;
	v1 =	vld [tilespmem:s5+$0x4460]  }
0x11b: {  	v3 =	vld [tilespmem:s5+$0x10460]  }
0x11c: {  	[tilespmem:s5+$0xC430] =	vst v0;
	v0 =	vadd.f32 v6, v2;
	v2 =	vld [tilespmem:s5+$0x4470]  }
0x11d: {  	v6 =	vld [tilespmem:s5+$0x10470]  }
0x11e: {  	[tilespmem:s5+$0xC440] =	vst v0;
	v0 =	vadd.f32 v5, v4;
	v4 =	vld [tilespmem:s5+$0x4800]  }
0x11f: {  	v5 =	vld [tilespmem:s5+$0x10800]  }
0x120: {  	[tilespmem:s5+$0xC450] =	vst v0;
	v0 =	vadd.f32 v3, v1;
	v1 =	vld [tilespmem:s5+$0x4810]  }
0x121: {  	v3 =	vld [tilespmem:s5+$0x10810]  }
0x122: {  	[tilespmem:s5+$0xC460] =	vst v0;
	v0 =	vadd.f32 v6, v2;
	v2 =	vld [tilespmem:s5+$0x4820]  }
0x123: {  	v6 =	vld [tilespmem:s5+$0x10820]  }
0x124: {  	[tilespmem:s5+$0xC470] =	vst v0;
	v0 =	vadd.f32 v5, v4;
	v4 =	vld [tilespmem:s5+$0x4830]  }
0x125: {  	v5 =	vld [tilespmem:s5+$0x10830]  }
0x126: {  	[tilespmem:s5+$0xC800] =	vst v0;
	v0 =	vadd.f32 v3, v1;
	v1 =	vld [tilespmem:s5+$0x4840]  }
0x127: {  	v3 =	vld [tilespmem:s5+$0x10840]  }
0x128: {  	[tilespmem:s5+$0xC810] =	vst v0;
	v0 =	vadd.f32 v6, v2;
	v2 =	vld [tilespmem:s5+$0x4850]  }
0x129: {  	v6 =	vld [tilespmem:s5+$0x10850]  }
0x12a: {  	[tilespmem:s5+$0xC820] =	vst v0;
	v0 =	vadd.f32 v5, v4;
	v4 =	vld [tilespmem:s5+$0x4860]  }
0x12b: {  	v5 =	vld [tilespmem:s5+$0x10860]  }
0x12c: {  	[tilespmem:s5+$0xC830] =	vst v0;
	v0 =	vadd.f32 v3, v1;
	v1 =	vld [tilespmem:s5+$0x4870]  }
0x12d: {  	v3 =	vld [tilespmem:s5+$0x10870]  }
0x12e: {  	[tilespmem:s5+$0xC840] =	vst v0;
	v0 =	vadd.f32 v6, v2;
	v2 =	vld [tilespmem:s5+$0x4C00]  }
0x12f: {  	v6 =	vld [tilespmem:s5+$0x10C00]  }
0x130: {  	[tilespmem:s5+$0xC850] =	vst v0;
	v0 =	vadd.f32 v5, v4;
	v5 =	vld [tilespmem:s5+$0x4C10]  }
0x131: {  	v7 =	vld [tilespmem:s5+$0x10C10]  }
.Ltmp3:
0x132: {  	[tilespmem:s5+$0xC860] =	vst v0;
	v0 =	vadd.f32 v3, v1;
	v3 =	vld [tilespmem:s5+$0x4C20];
	(pc) =	sbr.rel @p0 .LBB2_5-.Ltmp3, $4  }
0x133: {  	v4 =	vld [tilespmem:s5+$0x10C20]  }
0x134: {  	[tilespmem:s5+$0xC870] =	vst v0;
	v2 =	vadd.f32 v6, v2;
	v0 =	vld [tilespmem:s5+$0x4C30]  }
0x135: {  	v1 =	vld [tilespmem:s5+$0x10C30]  }
0x136: {  	[tilespmem:s5+$0xCC00] =	vst v2;
	v5 =	vadd.f32 v7, v5;
	v2 =	vld [tilespmem:s5+$0x4C40]  }
0x137: {  	v6 =	vld [tilespmem:s5+$0x10C40]  }
0x138: {  	v7 =	vld [tilespmem:s5+$0x10C60]  }
0x139: {  	v3 =	vadd.f32 v4, v3;
	v4 =	vld [tilespmem:s5+$0x4C50]  }
0x13a: {  	[tilespmem:s5+$0xCC10] =	vst v5;
	v5 =	vld [tilespmem:s5+$0x10C50]  }
0x13b: {  	[tilespmem:s5+$0xCC20] =	vst v3;
	v3 =	vld [tilespmem:s5+$0x4C60];
	_ =	sdelay $0x1  }
0x13c: {  	v0 =	vadd.f32 v1, v0  }
0x13d: {  	v1 =	vadd.f32 v6, v2  }
0x13e: {  	[tilespmem:s5+$0xCC30] =	vst v0;
	v0 =	vadd.f32 v5, v4  }
0x13f: {  	[tilespmem:s5+$0xCC40] =	vst v1;
	v1 =	vadd.f32 v7, v3  }
0x140: {  	[tilespmem:s5+$0xCC50] =	vst v0  }
0x141: {  	s9 =	sadd.s32 s30, s10;
	s15 =	simm.s32 $0x0;
	[tilespmem:s5+$0xCC60] =	vst v1;
	s5 =	sor.u32 $0x300000, s30  }
0x142: {  	[hbm4b:s9+s15] =	stream.linear.scatter [tilespmem:s22], [sflag:$0x4], $0x4000, $0x38;
	[tilespmem:$0x18000] =	vst v63  }
0x143: {  	s7 =	sadd.s32 s1, s5  }
0x144: {  	[tilespmem:s16], [sflag:$0x2] =	stream.linear.gather [hbm4b:s7+s15], $0x4000, $0x38;
	[tilespmem:$0x18000] =	vst v63  }
0x145: {  	_ =	swait.ge [sflag:s19], $0x4000  }
0x146: {  	[sflag:s19] =	ssyncset.done $0x0  }
0x147: {  	s11 =	simm.s32 $0x0;
	s8 =	sand.u32 $0x1000, s15;
	[sflag:s19] =	ssyncadd.s32 $0xFFFFC000  }
0x148: {  	s9 =	simm.s32 $0x0;
	s7 =	sand.u32 $0x2000, s11;
	_ =	swait.ge [sflag:s23], $0x4000  }
0x149: {  	s26 =	sand.u32 $0x380, s9;
	s7 =	sor.u32 s8, s7;
	[sflag:s23] =	ssyncset.done $0x0  }
0x14a: {  	s7 =	sor.u32 s26, s7;
	[sflag:s23] =	ssyncadd.s32 $0xFFFFC000  }
0x14b: {  	v0 =	vld [tilespmem:s7+$0x0]  }
0x14c: {  	v1 =	vld [tilespmem:s7+$0x10000]  }
0x14d: {  	v2 =	vld [tilespmem:s7+$0x10]  }
0x14e: {  	v3 =	vld [tilespmem:s7+$0x10010]  }
0x14f: {  	v4 =	vld [tilespmem:s7+$0x20]  }
0x150: {  	v5 =	vld [tilespmem:s7+$0x10020]  }
0x151: {  	v6 =	vld [tilespmem:s7+$0x10030]  }
0x152: {  	v7 =	vld [tilespmem:s7+$0xC70]  }
0x153: {  	v8 =	vld [tilespmem:s7+$0x10C70]  }
0x154: {  	v9 =	vld [tilespmem:s7+$0x10060]  }
0x155: {  	v10 =	vld [tilespmem:s7+$0x400]  }
0x156: {  	v11 =	vld [tilespmem:s7+$0x10400]  }
0x157: {  	v12 =	vld [tilespmem:s7+$0x410]  }
0x158: {  	v13 =	vld [tilespmem:s7+$0x10410]  }
0x159: {  	v14 =	vld [tilespmem:s7+$0x420]  }
0x15a: {  	v48 =	vld [tilespmem:s7+$0x430]  }
0x15b: {  	v15 =	vld [tilespmem:s7+$0x70]  }
0x15c: {  	v50 =	vld [tilespmem:s7+$0x440]  }
0x15d: {  	v51 =	vld [tilespmem:s7+$0x10440]  }
0x15e: {  	v16 =	vld [tilespmem:s7+$0x10070]  }
0x15f: {  	v52 =	vld [tilespmem:s7+$0x450]  }
0x160: {  	v17 =	vld [tilespmem:s7+$0x10450]  }
0x161: {  	v18 =	vld [tilespmem:s7+$0x800]  }
0x162: {  	v19 =	vld [tilespmem:s7+$0x10800]  }
0x163: {  	v20 =	vld [tilespmem:s7+$0x810]  }
0x164: {  	v21 =	vld [tilespmem:s7+$0x10810]  }
0x165: {  	v22 =	vld [tilespmem:s7+$0x820]  }
0x166: {  	v53 =	vld [tilespmem:s7+$0x10820]  }
0x167: {  	v54 =	vld [tilespmem:s7+$0x830]  }
0x168: {  	v23 =	vld [tilespmem:s7+$0x460]  }
0x169: {  	v56 =	vld [tilespmem:s7+$0x840]  }
0x16a: {  	v57 =	vld [tilespmem:s7+$0x10840];
	v0 =	vadd.f32 v1, v0  }
0x16b: {  	v1 =	vld [tilespmem:s7+$0x30];
	v10 =	vadd.f32 v11, v10  }
0x16c: {  	[tilespmem:s7+$0x8000] =	vst v0;
	v0 =	vadd.f32 v3, v2;
	v2 =	vld [tilespmem:s7+$0x40]  }
0x16d: {  	v49 =	vadd.f32 v13, v12;
	v3 =	vld [tilespmem:s7+$0x10040];
	[tilespmem:s7+$0x8400] =	vst v10  }
0x16e: {  	v18 =	vadd.f32 v19, v18;
	[tilespmem:s7+$0x8010] =	vst v0;
	v0 =	vadd.f32 v5, v4;
	v4 =	vld [tilespmem:s7+$0x50]  }
0x16f: {  	v55 =	vadd.f32 v21, v20;
	[tilespmem:s7+$0x8410] =	vst v49;
	v5 =	vld [tilespmem:s7+$0x10050]  }
0x170: {  	[tilespmem:s7+$0x8800] =	vst v18;
	v1 =	vadd.f32 v6, v1;
	v6 =	vld [tilespmem:s7+$0x10420]  }
0x171: {  	v58 =	vld [tilespmem:s7+$0x10460];
	[tilespmem:s7+$0x8810] =	vst v55  }
0x172: {  	[tilespmem:s7+$0x8020] =	vst v0;
	v0 =	vld [tilespmem:s7+$0x60];
	v2 =	vadd.f32 v3, v2  }
0x173: {  	v59 =	vld [tilespmem:s7+$0x850];
	v7 =	vadd.f32 v8, v7;
	[tilespmem:s7+$0x8030] =	vst v1  }
0x174: {  	v1 =	vld [tilespmem:s7+$0x10430];
	[tilespmem:s7+$0x8040] =	vst v2;
	v2 =	vadd.f32 v5, v4  }
0x175: {  	v60 =	vld [tilespmem:s7+$0x10870];
	[tilespmem:s7+$0x8C70] =	vst v7;
	v6 =	vadd.f32 v6, v14  }
0x176: {  	v61 =	vld [tilespmem:s7+$0xC00];
	v14 =	vadd.f32 v53, v22;
	[tilespmem:s7+$0x8050] =	vst v2  }
0x177: {  	v0 =	vadd.f32 v9, v0;
	[tilespmem:s7+$0x8420] =	vst v6;
	v6 =	vld [tilespmem:s7+$0x10830]  }
0x178: {  	v3 =	vld [tilespmem:s7+$0x470];
	v2 =	vadd.f32 v16, v15;
	[tilespmem:s7+$0x8820] =	vst v14  }
0x179: {  	v5 =	vld [tilespmem:s7+$0x10470];
	v1 =	vadd.f32 v1, v48;
	[tilespmem:s7+$0x8060] =	vst v0  }
0x17a: {  	v7 =	vld [tilespmem:s7+$0x860];
	v0 =	vadd.f32 v51, v50;
	[tilespmem:s7+$0x8070] =	vst v2  }
0x17b: {  	v4 =	vld [tilespmem:s7+$0x10860];
	v2 =	vadd.f32 v17, v52;
	[tilespmem:s7+$0x8430] =	vst v1  }
0x17c: {  	v62 =	vld [tilespmem:s7+$0x10C00];
	[tilespmem:s7+$0x8440] =	vst v0;
	v6 =	vadd.f32 v6, v54  }
0x17d: {  	v1 =	vld [tilespmem:s7+$0x10850];
	v0 =	vadd.f32 v58, v23;
	[tilespmem:s7+$0x8450] =	vst v2  }
0x17e: {  	v2 =	vadd.f32 v5, v3;
	[tilespmem:s7+$0x8830] =	vst v6;
	v6 =	vld [tilespmem:s7+$0x870]  }
0x17f: {  	v63 =	vld [tilespmem:s7+$0x10C10];
	[tilespmem:s7+$0x8460] =	vst v0;
	v0 =	vadd.f32 v57, v56  }
0x180: {  	v5 =	vld [tilespmem:s7+$0xC10];
	[tilespmem:s7+$0x8470] =	vst v2;
	v2 =	vadd.f32 v4, v7  }
0x181: {  	v3 =	vld [tilespmem:s7+$0xC20];
	v7 =	vadd.f32 v62, v61;
	[tilespmem:s7+$0x8840] =	vst v0  }
0x182: {  	v4 =	vld [tilespmem:s7+$0x10C20];
	v1 =	vadd.f32 v1, v59;
	[tilespmem:s7+$0x8860] =	vst v2  }
0x183: {  	v0 =	vld [tilespmem:s7+$0xC30];
	[tilespmem:s7+$0x8C00] =	vst v7;
	v2 =	vadd.f32 v60, v6  }
0x184: {  	[tilespmem:s7+$0x8850] =	vst v1;
	v1 =	vld [tilespmem:s7+$0x10C30]  }
0x185: {  	s8 =	simm.s32 $0x0;
	v5 =	vadd.f32 v63, v5;
	[tilespmem:s7+$0x8870] =	vst v2;
	v2 =	vld [tilespmem:s7+$0xC40]  }
.LBB2_7:
0x186: {  	s8 =	sadd.s32 $0x4, s8;
	v6 =	vld [tilespmem:s7+$0x10C40]  }
0x187: {  	s15 =	sadd.s32 $0x1000, s15;
	s9 =	sshll.u32 s8, $0x7;
	p0 =	slt.u32 s8, $0x7C;
	[tilespmem:s7+$0x8C10] =	vst v5;
	v3 =	vadd.f32 v4, v3;
	v4 =	vld [tilespmem:s7+$0xC50]  }
0x188: {  	s11 =	sand.u32 $0x1000, s15;
	s26 =	sshll.u32 s8, $0x4;
	s9 =	sand.u32 $0x2000, s9;
	v5 =	vld [tilespmem:s7+$0x10C50]  }
0x189: {  	s9 =	sor.u32 s11, s9;
	s11 =	sand.u32 $0x380, s26;
	[tilespmem:s7+$0x8C20] =	vst v3;
	v0 =	vadd.f32 v1, v0;
	v1 =	vld [tilespmem:s7+$0xC60]  }
0x18a: {  	s9 =	sor.u32 s11, s9;
	v3 =	vld [tilespmem:s7+$0x10C60]  }
0x18b: {  	v7 =	vld [tilespmem:s9+$0xC70];
	[tilespmem:s7+$0x8C30] =	vst v0;
	v0 =	vadd.f32 v6, v2  }
0x18c: {  	v2 =	vld [tilespmem:s9+$0x10C70]  }
0x18d: {  	v6 =	vld [tilespmem:s9+$0x0];
	[tilespmem:s7+$0x8C40] =	vst v0;
	v0 =	vadd.f32 v5, v4  }
0x18e: {  	v4 =	vld [tilespmem:s9+$0x10000]  }
0x18f: {  	v5 =	vld [tilespmem:s9+$0x10];
	[tilespmem:s7+$0x8C50] =	vst v0;
	v0 =	vadd.f32 v3, v1  }
0x190: {  	v1 =	vld [tilespmem:s9+$0x10010]  }
0x191: {  	v3 =	vld [tilespmem:s9+$0x20];
	v2 =	vadd.f32 v2, v7;
	[tilespmem:s7+$0x8C60] =	vst v0;
	s7 =	smov.u32 s9  }
0x192: {  	v0 =	vld [tilespmem:s7+$0x10020]  }
0x193: {  	v4 =	vadd.f32 v4, v6;
	v6 =	vld [tilespmem:s7+$0x30];
	[tilespmem:s7+$0x8C70] =	vst v2  }
0x194: {  	v2 =	vld [tilespmem:s7+$0x10030]  }
0x195: {  	[tilespmem:s7+$0x8000] =	vst v4;
	v1 =	vadd.f32 v1, v5;
	v4 =	vld [tilespmem:s7+$0x40]  }
0x196: {  	v5 =	vld [tilespmem:s7+$0x10040]  }
0x197: {  	[tilespmem:s7+$0x8010] =	vst v1;
	v0 =	vadd.f32 v0, v3;
	v1 =	vld [tilespmem:s7+$0x50]  }
0x198: {  	v3 =	vld [tilespmem:s7+$0x10050]  }
0x199: {  	[tilespmem:s7+$0x8020] =	vst v0;
	v0 =	vadd.f32 v2, v6;
	v2 =	vld [tilespmem:s7+$0x60]  }
0x19a: {  	v6 =	vld [tilespmem:s7+$0x10060]  }
0x19b: {  	[tilespmem:s7+$0x8030] =	vst v0;
	v0 =	vadd.f32 v5, v4;
	v4 =	vld [tilespmem:s7+$0x70]  }
0x19c: {  	v5 =	vld [tilespmem:s7+$0x10070]  }
0x19d: {  	[tilespmem:s7+$0x8040] =	vst v0;
	v0 =	vadd.f32 v3, v1;
	v1 =	vld [tilespmem:s7+$0x400]  }
0x19e: {  	v3 =	vld [tilespmem:s7+$0x10400]  }
0x19f: {  	[tilespmem:s7+$0x8050] =	vst v0;
	v0 =	vadd.f32 v6, v2;
	v2 =	vld [tilespmem:s7+$0x410]  }
0x1a0: {  	v6 =	vld [tilespmem:s7+$0x10410]  }
0x1a1: {  	[tilespmem:s7+$0x8060] =	vst v0;
	v0 =	vadd.f32 v5, v4;
	v4 =	vld [tilespmem:s7+$0x420]  }
0x1a2: {  	v5 =	vld [tilespmem:s7+$0x10420]  }
0x1a3: {  	[tilespmem:s7+$0x8070] =	vst v0;
	v0 =	vadd.f32 v3, v1;
	v1 =	vld [tilespmem:s7+$0x430]  }
0x1a4: {  	v3 =	vld [tilespmem:s7+$0x10430]  }
0x1a5: {  	[tilespmem:s7+$0x8400] =	vst v0;
	v0 =	vadd.f32 v6, v2;
	v2 =	vld [tilespmem:s7+$0x440]  }
0x1a6: {  	v6 =	vld [tilespmem:s7+$0x10440]  }
0x1a7: {  	[tilespmem:s7+$0x8410] =	vst v0;
	v0 =	vadd.f32 v5, v4;
	v4 =	vld [tilespmem:s7+$0x450]  }
0x1a8: {  	v5 =	vld [tilespmem:s7+$0x10450]  }
0x1a9: {  	[tilespmem:s7+$0x8420] =	vst v0;
	v0 =	vadd.f32 v3, v1;
	v1 =	vld [tilespmem:s7+$0x460]  }
0x1aa: {  	v3 =	vld [tilespmem:s7+$0x10460]  }
0x1ab: {  	[tilespmem:s7+$0x8430] =	vst v0;
	v0 =	vadd.f32 v6, v2;
	v2 =	vld [tilespmem:s7+$0x470]  }
0x1ac: {  	v6 =	vld [tilespmem:s7+$0x10470]  }
0x1ad: {  	[tilespmem:s7+$0x8440] =	vst v0;
	v0 =	vadd.f32 v5, v4;
	v4 =	vld [tilespmem:s7+$0x800]  }
0x1ae: {  	v5 =	vld [tilespmem:s7+$0x10800]  }
0x1af: {  	[tilespmem:s7+$0x8450] =	vst v0;
	v0 =	vadd.f32 v3, v1;
	v1 =	vld [tilespmem:s7+$0x810]  }
0x1b0: {  	v3 =	vld [tilespmem:s7+$0x10810]  }
0x1b1: {  	[tilespmem:s7+$0x8460] =	vst v0;
	v0 =	vadd.f32 v6, v2;
	v2 =	vld [tilespmem:s7+$0x820]  }
0x1b2: {  	v6 =	vld [tilespmem:s7+$0x10820]  }
0x1b3: {  	[tilespmem:s7+$0x8470] =	vst v0;
	v0 =	vadd.f32 v5, v4;
	v4 =	vld [tilespmem:s7+$0x830]  }
0x1b4: {  	v5 =	vld [tilespmem:s7+$0x10830]  }
0x1b5: {  	[tilespmem:s7+$0x8800] =	vst v0;
	v0 =	vadd.f32 v3, v1;
	v1 =	vld [tilespmem:s7+$0x840]  }
0x1b6: {  	v3 =	vld [tilespmem:s7+$0x10840]  }
0x1b7: {  	[tilespmem:s7+$0x8810] =	vst v0;
	v0 =	vadd.f32 v6, v2;
	v2 =	vld [tilespmem:s7+$0x850]  }
0x1b8: {  	v6 =	vld [tilespmem:s7+$0x10850]  }
0x1b9: {  	[tilespmem:s7+$0x8820] =	vst v0;
	v0 =	vadd.f32 v5, v4;
	v4 =	vld [tilespmem:s7+$0x860]  }
0x1ba: {  	v5 =	vld [tilespmem:s7+$0x10860]  }
0x1bb: {  	[tilespmem:s7+$0x8830] =	vst v0;
	v0 =	vadd.f32 v3, v1;
	v1 =	vld [tilespmem:s7+$0x870]  }
0x1bc: {  	v3 =	vld [tilespmem:s7+$0x10870]  }
0x1bd: {  	[tilespmem:s7+$0x8840] =	vst v0;
	v0 =	vadd.f32 v6, v2;
	v2 =	vld [tilespmem:s7+$0xC00]  }
0x1be: {  	v6 =	vld [tilespmem:s7+$0x10C00]  }
0x1bf: {  	[tilespmem:s7+$0x8850] =	vst v0;
	v0 =	vadd.f32 v5, v4;
	v5 =	vld [tilespmem:s7+$0xC10]  }
0x1c0: {  	v7 =	vld [tilespmem:s7+$0x10C10]  }
.Ltmp4:
0x1c1: {  	[tilespmem:s7+$0x8860] =	vst v0;
	v0 =	vadd.f32 v3, v1;
	v3 =	vld [tilespmem:s7+$0xC20];
	(pc) =	sbr.rel @p0 .LBB2_7-.Ltmp4, $4  }
0x1c2: {  	v4 =	vld [tilespmem:s7+$0x10C20]  }
0x1c3: {  	[tilespmem:s7+$0x8870] =	vst v0;
	v2 =	vadd.f32 v6, v2;
	v0 =	vld [tilespmem:s7+$0xC30]  }
0x1c4: {  	v1 =	vld [tilespmem:s7+$0x10C30]  }
0x1c5: {  	[tilespmem:s7+$0x8C00] =	vst v2;
	v5 =	vadd.f32 v7, v5;
	v2 =	vld [tilespmem:s7+$0xC40]  }
0x1c6: {  	v6 =	vld [tilespmem:s7+$0x10C40]  }
0x1c7: {  	v7 =	vld [tilespmem:s7+$0x10C60]  }
0x1c8: {  	v3 =	vadd.f32 v4, v3;
	v4 =	vld [tilespmem:s7+$0xC50]  }
0x1c9: {  	[tilespmem:s7+$0x8C10] =	vst v5;
	v5 =	vld [tilespmem:s7+$0x10C50]  }
0x1ca: {  	[tilespmem:s7+$0x8C20] =	vst v3;
	v3 =	vld [tilespmem:s7+$0xC60];
	_ =	sdelay $0x1  }
0x1cb: {  	v0 =	vadd.f32 v1, v0  }
0x1cc: {  	v1 =	vadd.f32 v6, v2  }
0x1cd: {  	[tilespmem:s7+$0x8C30] =	vst v0;
	v0 =	vadd.f32 v5, v4  }
0x1ce: {  	[tilespmem:s7+$0x8C40] =	vst v1;
	v1 =	vadd.f32 v7, v3  }
0x1cf: {  	[tilespmem:s7+$0x8C50] =	vst v0  }
0x1d0: {  	s9 =	sadd.s32 s3, s0;
	s0 =	simm.s32 $0x0;
	[tilespmem:s7+$0x8C60] =	vst v1  }
0x1d1: {  	[hbm4b:s9+s0] =	stream.linear.scatter [tilespmem:s20], [sflag:$0x3], $0x4000, $0x38;
	[tilespmem:$0x18000] =	vst v63  }
0x1d2: {  	s11 =	sadd.s32 s1, s31  }
0x1d3: {  	[tilespmem:s0], [sflag:$0x1] =	stream.linear.gather [hbm4b:s11+s0], $0x4000, $0x38;
	[tilespmem:$0x18000] =	vst v63  }
0x1d4: {  	_ =	swait.ge [sflag:s21], $0x4000  }
0x1d5: {  	[sflag:s21] =	ssyncset.done $0x0  }
0x1d6: {  	s15 =	simm.s32 $0x0;
	s8 =	sand.u32 $0x1000, s0;
	[sflag:s21] =	ssyncadd.s32 $0xFFFFC000  }
0x1d7: {  	s7 =	sand.u32 $0x2000, s15;
	s9 =	simm.s32 $0x0;
	_ =	swait.ge [sflag:s24], $0x4000  }
0x1d8: {  	s7 =	sor.u32 s8, s7;
	s26 =	sand.u32 $0x380, s9;
	[sflag:s24] =	ssyncset.done $0x0  }
0x1d9: {  	s7 =	sor.u32 s26, s7;
	[sflag:s24] =	ssyncadd.s32 $0xFFFFC000  }
0x1da: {  	v0 =	vld [tilespmem:s7+$0x4000]  }
0x1db: {  	v1 =	vld [tilespmem:s7+$0x10000]  }
0x1dc: {  	v2 =	vld [tilespmem:s7+$0x4010]  }
0x1dd: {  	v3 =	vld [tilespmem:s7+$0x10010]  }
0x1de: {  	v4 =	vld [tilespmem:s7+$0x4020]  }
0x1df: {  	v5 =	vld [tilespmem:s7+$0x10020]  }
0x1e0: {  	v6 =	vld [tilespmem:s7+$0x10030]  }
0x1e1: {  	v7 =	vld [tilespmem:s7+$0x4C70]  }
0x1e2: {  	v8 =	vld [tilespmem:s7+$0x10C70]  }
0x1e3: {  	v9 =	vld [tilespmem:s7+$0x10060]  }
0x1e4: {  	v10 =	vld [tilespmem:s7+$0x4400]  }
0x1e5: {  	v11 =	vld [tilespmem:s7+$0x10400]  }
0x1e6: {  	v12 =	vld [tilespmem:s7+$0x4410]  }
0x1e7: {  	v13 =	vld [tilespmem:s7+$0x10410]  }
0x1e8: {  	v14 =	vld [tilespmem:s7+$0x4420]  }
0x1e9: {  	v48 =	vld [tilespmem:s7+$0x4430]  }
0x1ea: {  	v15 =	vld [tilespmem:s7+$0x4070]  }
0x1eb: {  	v50 =	vld [tilespmem:s7+$0x4440]  }
0x1ec: {  	v51 =	vld [tilespmem:s7+$0x10440]  }
0x1ed: {  	v16 =	vld [tilespmem:s7+$0x10070]  }
0x1ee: {  	v52 =	vld [tilespmem:s7+$0x4450]  }
0x1ef: {  	v17 =	vld [tilespmem:s7+$0x10450]  }
0x1f0: {  	v18 =	vld [tilespmem:s7+$0x4800]  }
0x1f1: {  	v19 =	vld [tilespmem:s7+$0x10800]  }
0x1f2: {  	v20 =	vld [tilespmem:s7+$0x4810]  }
0x1f3: {  	v21 =	vld [tilespmem:s7+$0x10810]  }
0x1f4: {  	v22 =	vld [tilespmem:s7+$0x4820]  }
0x1f5: {  	v53 =	vld [tilespmem:s7+$0x10820]  }
0x1f6: {  	v54 =	vld [tilespmem:s7+$0x4830]  }
0x1f7: {  	v23 =	vld [tilespmem:s7+$0x4460]  }
0x1f8: {  	v56 =	vld [tilespmem:s7+$0x4840]  }
0x1f9: {  	v57 =	vld [tilespmem:s7+$0x10840];
	v0 =	vadd.f32 v1, v0  }
0x1fa: {  	v1 =	vld [tilespmem:s7+$0x4030];
	v10 =	vadd.f32 v11, v10  }
0x1fb: {  	[tilespmem:s7+$0xC000] =	vst v0;
	v0 =	vadd.f32 v3, v2;
	v2 =	vld [tilespmem:s7+$0x4040]  }
0x1fc: {  	v49 =	vadd.f32 v13, v12;
	v3 =	vld [tilespmem:s7+$0x10040];
	[tilespmem:s7+$0xC400] =	vst v10  }
0x1fd: {  	v18 =	vadd.f32 v19, v18;
	[tilespmem:s7+$0xC010] =	vst v0;
	v0 =	vadd.f32 v5, v4;
	v4 =	vld [tilespmem:s7+$0x4050]  }
0x1fe: {  	v55 =	vadd.f32 v21, v20;
	[tilespmem:s7+$0xC410] =	vst v49;
	v5 =	vld [tilespmem:s7+$0x10050]  }
0x1ff: {  	[tilespmem:s7+$0xC800] =	vst v18;
	v1 =	vadd.f32 v6, v1;
	v6 =	vld [tilespmem:s7+$0x10420]  }
0x200: {  	v58 =	vld [tilespmem:s7+$0x10460];
	[tilespmem:s7+$0xC810] =	vst v55  }
0x201: {  	[tilespmem:s7+$0xC020] =	vst v0;
	v0 =	vld [tilespmem:s7+$0x4060];
	v2 =	vadd.f32 v3, v2  }
0x202: {  	v59 =	vld [tilespmem:s7+$0x4850];
	v7 =	vadd.f32 v8, v7;
	[tilespmem:s7+$0xC030] =	vst v1  }
0x203: {  	v1 =	vld [tilespmem:s7+$0x10430];
	[tilespmem:s7+$0xC040] =	vst v2;
	v2 =	vadd.f32 v5, v4  }
0x204: {  	v60 =	vld [tilespmem:s7+$0x10870];
	[tilespmem:s7+$0xCC70] =	vst v7;
	v6 =	vadd.f32 v6, v14  }
0x205: {  	v61 =	vld [tilespmem:s7+$0x4C00];
	v14 =	vadd.f32 v53, v22;
	[tilespmem:s7+$0xC050] =	vst v2  }
0x206: {  	v0 =	vadd.f32 v9, v0;
	[tilespmem:s7+$0xC420] =	vst v6;
	v6 =	vld [tilespmem:s7+$0x10830]  }
0x207: {  	v3 =	vld [tilespmem:s7+$0x4470];
	v2 =	vadd.f32 v16, v15;
	[tilespmem:s7+$0xC820] =	vst v14  }
0x208: {  	v5 =	vld [tilespmem:s7+$0x10470];
	v1 =	vadd.f32 v1, v48;
	[tilespmem:s7+$0xC060] =	vst v0  }
0x209: {  	v7 =	vld [tilespmem:s7+$0x4860];
	v0 =	vadd.f32 v51, v50;
	[tilespmem:s7+$0xC070] =	vst v2  }
0x20a: {  	v4 =	vld [tilespmem:s7+$0x10860];
	v2 =	vadd.f32 v17, v52;
	[tilespmem:s7+$0xC430] =	vst v1  }
0x20b: {  	v62 =	vld [tilespmem:s7+$0x10C00];
	[tilespmem:s7+$0xC440] =	vst v0;
	v6 =	vadd.f32 v6, v54  }
0x20c: {  	v1 =	vld [tilespmem:s7+$0x10850];
	v0 =	vadd.f32 v58, v23;
	[tilespmem:s7+$0xC450] =	vst v2  }
0x20d: {  	v2 =	vadd.f32 v5, v3;
	[tilespmem:s7+$0xC830] =	vst v6;
	v6 =	vld [tilespmem:s7+$0x4870]  }
0x20e: {  	v63 =	vld [tilespmem:s7+$0x10C10];
	[tilespmem:s7+$0xC460] =	vst v0;
	v0 =	vadd.f32 v57, v56  }
0x20f: {  	v5 =	vld [tilespmem:s7+$0x4C10];
	[tilespmem:s7+$0xC470] =	vst v2;
	v2 =	vadd.f32 v4, v7  }
0x210: {  	v3 =	vld [tilespmem:s7+$0x4C20];
	v7 =	vadd.f32 v62, v61;
	[tilespmem:s7+$0xC840] =	vst v0  }
0x211: {  	v4 =	vld [tilespmem:s7+$0x10C20];
	v1 =	vadd.f32 v1, v59;
	[tilespmem:s7+$0xC860] =	vst v2  }
0x212: {  	v0 =	vld [tilespmem:s7+$0x4C30];
	[tilespmem:s7+$0xCC00] =	vst v7;
	v2 =	vadd.f32 v60, v6  }
0x213: {  	[tilespmem:s7+$0xC850] =	vst v1;
	v1 =	vld [tilespmem:s7+$0x10C30]  }
0x214: {  	s8 =	simm.s32 $0x0;
	v5 =	vadd.f32 v63, v5;
	[tilespmem:s7+$0xC870] =	vst v2;
	v2 =	vld [tilespmem:s7+$0x4C40]  }
.LBB2_9:
0x215: {  	s8 =	sadd.s32 $0x4, s8;
	v6 =	vld [tilespmem:s7+$0x10C40]  }
0x216: {  	s0 =	sadd.s32 $0x1000, s0;
	s9 =	sshll.u32 s8, $0x7;
	p0 =	slt.u32 s8, $0x7C;
	[tilespmem:s7+$0xCC10] =	vst v5;
	v3 =	vadd.f32 v4, v3;
	v4 =	vld [tilespmem:s7+$0x4C50]  }
0x217: {  	s11 =	sand.u32 $0x1000, s0;
	s15 =	sshll.u32 s8, $0x4;
	s9 =	sand.u32 $0x2000, s9;
	v5 =	vld [tilespmem:s7+$0x10C50]  }
0x218: {  	s9 =	sor.u32 s11, s9;
	s11 =	sand.u32 $0x380, s15;
	[tilespmem:s7+$0xCC20] =	vst v3;
	v0 =	vadd.f32 v1, v0;
	v1 =	vld [tilespmem:s7+$0x4C60]  }
0x219: {  	s9 =	sor.u32 s11, s9;
	v3 =	vld [tilespmem:s7+$0x10C60]  }
0x21a: {  	v7 =	vld [tilespmem:s9+$0x4C70];
	[tilespmem:s7+$0xCC30] =	vst v0;
	v0 =	vadd.f32 v6, v2  }
0x21b: {  	v2 =	vld [tilespmem:s9+$0x10C70]  }
0x21c: {  	v6 =	vld [tilespmem:s9+$0x4000];
	[tilespmem:s7+$0xCC40] =	vst v0;
	v0 =	vadd.f32 v5, v4  }
0x21d: {  	v4 =	vld [tilespmem:s9+$0x10000]  }
0x21e: {  	v5 =	vld [tilespmem:s9+$0x4010];
	[tilespmem:s7+$0xCC50] =	vst v0;
	v0 =	vadd.f32 v3, v1  }
0x21f: {  	v1 =	vld [tilespmem:s9+$0x10010]  }
0x220: {  	v3 =	vld [tilespmem:s9+$0x4020];
	v2 =	vadd.f32 v2, v7;
	[tilespmem:s7+$0xCC60] =	vst v0;
	s7 =	smov.u32 s9  }
0x221: {  	v0 =	vld [tilespmem:s7+$0x10020]  }
0x222: {  	v4 =	vadd.f32 v4, v6;
	v6 =	vld [tilespmem:s7+$0x4030];
	[tilespmem:s7+$0xCC70] =	vst v2  }
0x223: {  	v2 =	vld [tilespmem:s7+$0x10030]  }
0x224: {  	[tilespmem:s7+$0xC000] =	vst v4;
	v1 =	vadd.f32 v1, v5;
	v4 =	vld [tilespmem:s7+$0x4040]  }
0x225: {  	v5 =	vld [tilespmem:s7+$0x10040]  }
0x226: {  	[tilespmem:s7+$0xC010] =	vst v1;
	v0 =	vadd.f32 v0, v3;
	v1 =	vld [tilespmem:s7+$0x4050]  }
0x227: {  	v3 =	vld [tilespmem:s7+$0x10050]  }
0x228: {  	[tilespmem:s7+$0xC020] =	vst v0;
	v0 =	vadd.f32 v2, v6;
	v2 =	vld [tilespmem:s7+$0x4060]  }
0x229: {  	v6 =	vld [tilespmem:s7+$0x10060]  }
0x22a: {  	[tilespmem:s7+$0xC030] =	vst v0;
	v0 =	vadd.f32 v5, v4;
	v4 =	vld [tilespmem:s7+$0x4070]  }
0x22b: {  	v5 =	vld [tilespmem:s7+$0x10070]  }
0x22c: {  	[tilespmem:s7+$0xC040] =	vst v0;
	v0 =	vadd.f32 v3, v1;
	v1 =	vld [tilespmem:s7+$0x4400]  }
0x22d: {  	v3 =	vld [tilespmem:s7+$0x10400]  }
0x22e: {  	[tilespmem:s7+$0xC050] =	vst v0;
	v0 =	vadd.f32 v6, v2;
	v2 =	vld [tilespmem:s7+$0x4410]  }
0x22f: {  	v6 =	vld [tilespmem:s7+$0x10410]  }
0x230: {  	[tilespmem:s7+$0xC060] =	vst v0;
	v0 =	vadd.f32 v5, v4;
	v4 =	vld [tilespmem:s7+$0x4420]  }
0x231: {  	v5 =	vld [tilespmem:s7+$0x10420]  }
0x232: {  	[tilespmem:s7+$0xC070] =	vst v0;
	v0 =	vadd.f32 v3, v1;
	v1 =	vld [tilespmem:s7+$0x4430]  }
0x233: {  	v3 =	vld [tilespmem:s7+$0x10430]  }
0x234: {  	[tilespmem:s7+$0xC400] =	vst v0;
	v0 =	vadd.f32 v6, v2;
	v2 =	vld [tilespmem:s7+$0x4440]  }
0x235: {  	v6 =	vld [tilespmem:s7+$0x10440]  }
0x236: {  	[tilespmem:s7+$0xC410] =	vst v0;
	v0 =	vadd.f32 v5, v4;
	v4 =	vld [tilespmem:s7+$0x4450]  }
0x237: {  	v5 =	vld [tilespmem:s7+$0x10450]  }
0x238: {  	[tilespmem:s7+$0xC420] =	vst v0;
	v0 =	vadd.f32 v3, v1;
	v1 =	vld [tilespmem:s7+$0x4460]  }
0x239: {  	v3 =	vld [tilespmem:s7+$0x10460]  }
0x23a: {  	[tilespmem:s7+$0xC430] =	vst v0;
	v0 =	vadd.f32 v6, v2;
	v2 =	vld [tilespmem:s7+$0x4470]  }
0x23b: {  	v6 =	vld [tilespmem:s7+$0x10470]  }
0x23c: {  	[tilespmem:s7+$0xC440] =	vst v0;
	v0 =	vadd.f32 v5, v4;
	v4 =	vld [tilespmem:s7+$0x4800]  }
0x23d: {  	v5 =	vld [tilespmem:s7+$0x10800]  }
0x23e: {  	[tilespmem:s7+$0xC450] =	vst v0;
	v0 =	vadd.f32 v3, v1;
	v1 =	vld [tilespmem:s7+$0x4810]  }
0x23f: {  	v3 =	vld [tilespmem:s7+$0x10810]  }
0x240: {  	[tilespmem:s7+$0xC460] =	vst v0;
	v0 =	vadd.f32 v6, v2;
	v2 =	vld [tilespmem:s7+$0x4820]  }
0x241: {  	v6 =	vld [tilespmem:s7+$0x10820]  }
0x242: {  	[tilespmem:s7+$0xC470] =	vst v0;
	v0 =	vadd.f32 v5, v4;
	v4 =	vld [tilespmem:s7+$0x4830]  }
0x243: {  	v5 =	vld [tilespmem:s7+$0x10830]  }
0x244: {  	[tilespmem:s7+$0xC800] =	vst v0;
	v0 =	vadd.f32 v3, v1;
	v1 =	vld [tilespmem:s7+$0x4840]  }
0x245: {  	v3 =	vld [tilespmem:s7+$0x10840]  }
0x246: {  	[tilespmem:s7+$0xC810] =	vst v0;
	v0 =	vadd.f32 v6, v2;
	v2 =	vld [tilespmem:s7+$0x4850]  }
0x247: {  	v6 =	vld [tilespmem:s7+$0x10850]  }
0x248: {  	[tilespmem:s7+$0xC820] =	vst v0;
	v0 =	vadd.f32 v5, v4;
	v4 =	vld [tilespmem:s7+$0x4860]  }
0x249: {  	v5 =	vld [tilespmem:s7+$0x10860]  }
0x24a: {  	[tilespmem:s7+$0xC830] =	vst v0;
	v0 =	vadd.f32 v3, v1;
	v1 =	vld [tilespmem:s7+$0x4870]  }
0x24b: {  	v3 =	vld [tilespmem:s7+$0x10870]  }
0x24c: {  	[tilespmem:s7+$0xC840] =	vst v0;
	v0 =	vadd.f32 v6, v2;
	v2 =	vld [tilespmem:s7+$0x4C00]  }
0x24d: {  	v6 =	vld [tilespmem:s7+$0x10C00]  }
0x24e: {  	[tilespmem:s7+$0xC850] =	vst v0;
	v0 =	vadd.f32 v5, v4;
	v5 =	vld [tilespmem:s7+$0x4C10]  }
0x24f: {  	v7 =	vld [tilespmem:s7+$0x10C10]  }
.Ltmp5:
0x250: {  	[tilespmem:s7+$0xC860] =	vst v0;
	v0 =	vadd.f32 v3, v1;
	v3 =	vld [tilespmem:s7+$0x4C20];
	(pc) =	sbr.rel @p0 .LBB2_9-.Ltmp5, $4  }
0x251: {  	v4 =	vld [tilespmem:s7+$0x10C20]  }
0x252: {  	[tilespmem:s7+$0xC870] =	vst v0;
	v2 =	vadd.f32 v6, v2;
	v0 =	vld [tilespmem:s7+$0x4C30]  }
0x253: {  	v1 =	vld [tilespmem:s7+$0x10C30]  }
0x254: {  	[tilespmem:s7+$0xCC00] =	vst v2;
	v5 =	vadd.f32 v7, v5;
	v2 =	vld [tilespmem:s7+$0x4C40]  }
0x255: {  	v6 =	vld [tilespmem:s7+$0x10C40]  }
0x256: {  	v7 =	vld [tilespmem:s7+$0x10C60]  }
0x257: {  	v3 =	vadd.f32 v4, v3;
	v4 =	vld [tilespmem:s7+$0x4C50]  }
0x258: {  	[tilespmem:s7+$0xCC10] =	vst v5;
	v5 =	vld [tilespmem:s7+$0x10C50]  }
0x259: {  	[tilespmem:s7+$0xCC20] =	vst v3;
	v3 =	vld [tilespmem:s7+$0x4C60];
	_ =	sdelay $0x1  }
0x25a: {  	v0 =	vadd.f32 v1, v0  }
0x25b: {  	v1 =	vadd.f32 v6, v2  }
0x25c: {  	[tilespmem:s7+$0xCC30] =	vst v0;
	v0 =	vadd.f32 v5, v4  }
0x25d: {  	[tilespmem:s7+$0xCC40] =	vst v1;
	v1 =	vadd.f32 v7, v3  }
0x25e: {  	[tilespmem:s7+$0xCC50] =	vst v0  }
0x25f: {  	s0 =	sadd.s32 s3, s5;
	[tilespmem:s7+$0xCC60] =	vst v1  }
0x260: {  	[hbm4b:s0+s4] =	stream.linear.scatter [tilespmem:s22], [sflag:$0x4], $0x4000, $0x38;
	[tilespmem:$0x18000] =	vst v63  }
0x261: {  	s0 =	sor.u32 $0x100800, s30  }
0x262: {  	s9 =	sadd.s32 s1, s0  }
0x263: {  	[tilespmem:s16], [sflag:$0x2] =	stream.linear.gather [hbm4b:s9+s4], $0x4000, $0x38;
	[tilespmem:$0x18000] =	vst v63  }
0x264: {  	p0 =	seq.s32 s28, $0x7;
	_ =	swait.ge [sflag:s25], $0x4000  }
0x265: {  	s5 =	sadd.s32 @!p0 s12, s29;
	[sflag:s25] =	ssyncset.done $0x0  }
0x266: {  	s8 =	simm.s32 @!p0 $0x10000;
	s7 =	simm.s32 @!p0 $0x0;
	[sflag:s25] =	ssyncadd.s32 $0xFFFFC000  }
0x267: {  	[tilespmem:s8], [sflag:$0x5] =	stream.linear.gather @!p0 [hbm4b:s5+s7], $0x4000, $0x38;
	[tilespmem:$0x18000] =	vst v63  }
0x268: {  	_ =	swait.ge [sflag:s19], $0x4000  }
0x269: {  	s11 =	simm.s32 $0x0;
	[sflag:s19] =	ssyncset.done $0x0  }
0x26a: {  	s9 =	simm.s32 $0x0;
	s7 =	simm.s32 $0x0;
	[sflag:s19] =	ssyncadd.s32 $0xFFFFC000  }
0x26b: {  	s5 =	sand.u32 $0x2000, s11;
	s15 =	sand.u32 $0x1000, s7;
	_ =	swait.ge [sflag:s23], $0x4000  }
0x26c: {  	s26 =	sand.u32 $0x380, s9;
	s5 =	sor.u32 s15, s5;
	[sflag:s23] =	ssyncset.done $0x0  }
0x26d: {  	s5 =	sor.u32 s26, s5;
	[sflag:s23] =	ssyncadd.s32 $0xFFFFC000  }
0x26e: {  	v0 =	vld [tilespmem:s5+$0x0]  }
0x26f: {  	v1 =	vld [tilespmem:s5+$0x14000]  }
0x270: {  	v2 =	vld [tilespmem:s5+$0x10]  }
0x271: {  	v3 =	vld [tilespmem:s5+$0x14010]  }
0x272: {  	v4 =	vld [tilespmem:s5+$0x20]  }
0x273: {  	v5 =	vld [tilespmem:s5+$0x14020]  }
0x274: {  	v6 =	vld [tilespmem:s5+$0x14030]  }
0x275: {  	v7 =	vld [tilespmem:s5+$0xC70]  }
0x276: {  	v8 =	vld [tilespmem:s5+$0x14C70]  }
0x277: {  	v9 =	vld [tilespmem:s5+$0x14060]  }
0x278: {  	v10 =	vld [tilespmem:s5+$0x400]  }
0x279: {  	v11 =	vld [tilespmem:s5+$0x14400]  }
0x27a: {  	v12 =	vld [tilespmem:s5+$0x410]  }
0x27b: {  	v13 =	vld [tilespmem:s5+$0x14410]  }
0x27c: {  	v14 =	vld [tilespmem:s5+$0x420]  }
0x27d: {  	v48 =	vld [tilespmem:s5+$0x430]  }
0x27e: {  	v15 =	vld [tilespmem:s5+$0x70]  }
0x27f: {  	v50 =	vld [tilespmem:s5+$0x440]  }
0x280: {  	v51 =	vld [tilespmem:s5+$0x14440]  }
0x281: {  	v16 =	vld [tilespmem:s5+$0x14070]  }
0x282: {  	v52 =	vld [tilespmem:s5+$0x450]  }
0x283: {  	v17 =	vld [tilespmem:s5+$0x14450]  }
0x284: {  	v18 =	vld [tilespmem:s5+$0x800]  }
0x285: {  	v19 =	vld [tilespmem:s5+$0x14800]  }
0x286: {  	v20 =	vld [tilespmem:s5+$0x810]  }
0x287: {  	v21 =	vld [tilespmem:s5+$0x14810]  }
0x288: {  	v22 =	vld [tilespmem:s5+$0x820]  }
0x289: {  	v53 =	vld [tilespmem:s5+$0x14820]  }
0x28a: {  	v54 =	vld [tilespmem:s5+$0x830]  }
0x28b: {  	v23 =	vld [tilespmem:s5+$0x460]  }
0x28c: {  	v56 =	vld [tilespmem:s5+$0x840]  }
0x28d: {  	v57 =	vld [tilespmem:s5+$0x14840];
	v0 =	vadd.f32 v1, v0  }
0x28e: {  	v1 =	vld [tilespmem:s5+$0x30];
	v10 =	vadd.f32 v11, v10  }
0x28f: {  	[tilespmem:s5+$0x8000] =	vst v0;
	v0 =	vadd.f32 v3, v2;
	v2 =	vld [tilespmem:s5+$0x40]  }
0x290: {  	v49 =	vadd.f32 v13, v12;
	v3 =	vld [tilespmem:s5+$0x14040];
	[tilespmem:s5+$0x8400] =	vst v10  }
0x291: {  	v18 =	vadd.f32 v19, v18;
	[tilespmem:s5+$0x8010] =	vst v0;
	v0 =	vadd.f32 v5, v4;
	v4 =	vld [tilespmem:s5+$0x50]  }
0x292: {  	v55 =	vadd.f32 v21, v20;
	[tilespmem:s5+$0x8410] =	vst v49;
	v5 =	vld [tilespmem:s5+$0x14050]  }
0x293: {  	[tilespmem:s5+$0x8800] =	vst v18;
	v1 =	vadd.f32 v6, v1;
	v6 =	vld [tilespmem:s5+$0x14420]  }
0x294: {  	v58 =	vld [tilespmem:s5+$0x14460];
	[tilespmem:s5+$0x8810] =	vst v55  }
0x295: {  	[tilespmem:s5+$0x8020] =	vst v0;
	v0 =	vld [tilespmem:s5+$0x60];
	v2 =	vadd.f32 v3, v2  }
0x296: {  	v59 =	vld [tilespmem:s5+$0x850];
	v7 =	vadd.f32 v8, v7;
	[tilespmem:s5+$0x8030] =	vst v1  }
0x297: {  	v1 =	vld [tilespmem:s5+$0x14430];
	[tilespmem:s5+$0x8040] =	vst v2;
	v2 =	vadd.f32 v5, v4  }
0x298: {  	v60 =	vld [tilespmem:s5+$0x14870];
	[tilespmem:s5+$0x8C70] =	vst v7;
	v6 =	vadd.f32 v6, v14  }
0x299: {  	v61 =	vld [tilespmem:s5+$0xC00];
	v14 =	vadd.f32 v53, v22;
	[tilespmem:s5+$0x8050] =	vst v2  }
0x29a: {  	v0 =	vadd.f32 v9, v0;
	[tilespmem:s5+$0x8420] =	vst v6;
	v6 =	vld [tilespmem:s5+$0x14830]  }
0x29b: {  	v3 =	vld [tilespmem:s5+$0x470];
	v2 =	vadd.f32 v16, v15;
	[tilespmem:s5+$0x8820] =	vst v14  }
0x29c: {  	v5 =	vld [tilespmem:s5+$0x14470];
	v1 =	vadd.f32 v1, v48;
	[tilespmem:s5+$0x8060] =	vst v0  }
0x29d: {  	v7 =	vld [tilespmem:s5+$0x860];
	v0 =	vadd.f32 v51, v50;
	[tilespmem:s5+$0x8070] =	vst v2  }
0x29e: {  	v4 =	vld [tilespmem:s5+$0x14860];
	v2 =	vadd.f32 v17, v52;
	[tilespmem:s5+$0x8430] =	vst v1  }
0x29f: {  	v62 =	vld [tilespmem:s5+$0x14C00];
	[tilespmem:s5+$0x8440] =	vst v0;
	v6 =	vadd.f32 v6, v54  }
0x2a0: {  	v1 =	vld [tilespmem:s5+$0x14850];
	v0 =	vadd.f32 v58, v23;
	[tilespmem:s5+$0x8450] =	vst v2  }
0x2a1: {  	v2 =	vadd.f32 v5, v3;
	[tilespmem:s5+$0x8830] =	vst v6;
	v6 =	vld [tilespmem:s5+$0x870]  }
0x2a2: {  	v63 =	vld [tilespmem:s5+$0x14C10];
	[tilespmem:s5+$0x8460] =	vst v0;
	v0 =	vadd.f32 v57, v56  }
0x2a3: {  	v5 =	vld [tilespmem:s5+$0xC10];
	[tilespmem:s5+$0x8470] =	vst v2;
	v2 =	vadd.f32 v4, v7  }
0x2a4: {  	v3 =	vld [tilespmem:s5+$0xC20];
	v7 =	vadd.f32 v62, v61;
	[tilespmem:s5+$0x8840] =	vst v0  }
0x2a5: {  	v4 =	vld [tilespmem:s5+$0x14C20];
	v1 =	vadd.f32 v1, v59;
	[tilespmem:s5+$0x8860] =	vst v2  }
0x2a6: {  	v0 =	vld [tilespmem:s5+$0xC30];
	[tilespmem:s5+$0x8C00] =	vst v7;
	v2 =	vadd.f32 v60, v6  }
0x2a7: {  	[tilespmem:s5+$0x8850] =	vst v1;
	v1 =	vld [tilespmem:s5+$0x14C30]  }
0x2a8: {  	s8 =	simm.s32 $0x0;
	v5 =	vadd.f32 v63, v5;
	[tilespmem:s5+$0x8870] =	vst v2;
	v2 =	vld [tilespmem:s5+$0xC40]  }
.LBB2_11:
0x2a9: {  	s8 =	sadd.s32 $0x4, s8;
	v6 =	vld [tilespmem:s5+$0x14C40]  }
0x2aa: {  	s7 =	sadd.s32 $0x1000, s7;
	s9 =	sshll.u32 s8, $0x7;
	p1 =	slt.u32 s8, $0x7C;
	[tilespmem:s5+$0x8C10] =	vst v5;
	v3 =	vadd.f32 v4, v3;
	v4 =	vld [tilespmem:s5+$0xC50]  }
0x2ab: {  	s11 =	sand.u32 $0x1000, s7;
	s15 =	sshll.u32 s8, $0x4;
	s9 =	sand.u32 $0x2000, s9;
	v5 =	vld [tilespmem:s5+$0x14C50]  }
0x2ac: {  	s9 =	sor.u32 s11, s9;
	s11 =	sand.u32 $0x380, s15;
	[tilespmem:s5+$0x8C20] =	vst v3;
	v0 =	vadd.f32 v1, v0;
	v1 =	vld [tilespmem:s5+$0xC60]  }
0x2ad: {  	s9 =	sor.u32 s11, s9;
	v3 =	vld [tilespmem:s5+$0x14C60]  }
0x2ae: {  	v7 =	vld [tilespmem:s9+$0xC70];
	[tilespmem:s5+$0x8C30] =	vst v0;
	v0 =	vadd.f32 v6, v2  }
0x2af: {  	v2 =	vld [tilespmem:s9+$0x14C70]  }
0x2b0: {  	v6 =	vld [tilespmem:s9+$0x0];
	[tilespmem:s5+$0x8C40] =	vst v0;
	v0 =	vadd.f32 v5, v4  }
0x2b1: {  	v4 =	vld [tilespmem:s9+$0x14000]  }
0x2b2: {  	v5 =	vld [tilespmem:s9+$0x10];
	[tilespmem:s5+$0x8C50] =	vst v0;
	v0 =	vadd.f32 v3, v1  }
0x2b3: {  	v1 =	vld [tilespmem:s9+$0x14010]  }
0x2b4: {  	v3 =	vld [tilespmem:s9+$0x20];
	v2 =	vadd.f32 v2, v7;
	[tilespmem:s5+$0x8C60] =	vst v0;
	s5 =	smov.u32 s9  }
0x2b5: {  	v0 =	vld [tilespmem:s5+$0x14020]  }
0x2b6: {  	v4 =	vadd.f32 v4, v6;
	v6 =	vld [tilespmem:s5+$0x30];
	[tilespmem:s5+$0x8C70] =	vst v2  }
0x2b7: {  	v2 =	vld [tilespmem:s5+$0x14030]  }
0x2b8: {  	[tilespmem:s5+$0x8000] =	vst v4;
	v1 =	vadd.f32 v1, v5;
	v4 =	vld [tilespmem:s5+$0x40]  }
0x2b9: {  	v5 =	vld [tilespmem:s5+$0x14040]  }
0x2ba: {  	[tilespmem:s5+$0x8010] =	vst v1;
	v0 =	vadd.f32 v0, v3;
	v1 =	vld [tilespmem:s5+$0x50]  }
0x2bb: {  	v3 =	vld [tilespmem:s5+$0x14050]  }
0x2bc: {  	[tilespmem:s5+$0x8020] =	vst v0;
	v0 =	vadd.f32 v2, v6;
	v2 =	vld [tilespmem:s5+$0x60]  }
0x2bd: {  	v6 =	vld [tilespmem:s5+$0x14060]  }
0x2be: {  	[tilespmem:s5+$0x8030] =	vst v0;
	v0 =	vadd.f32 v5, v4;
	v4 =	vld [tilespmem:s5+$0x70]  }
0x2bf: {  	v5 =	vld [tilespmem:s5+$0x14070]  }
0x2c0: {  	[tilespmem:s5+$0x8040] =	vst v0;
	v0 =	vadd.f32 v3, v1;
	v1 =	vld [tilespmem:s5+$0x400]  }
0x2c1: {  	v3 =	vld [tilespmem:s5+$0x14400]  }
0x2c2: {  	[tilespmem:s5+$0x8050] =	vst v0;
	v0 =	vadd.f32 v6, v2;
	v2 =	vld [tilespmem:s5+$0x410]  }
0x2c3: {  	v6 =	vld [tilespmem:s5+$0x14410]  }
0x2c4: {  	[tilespmem:s5+$0x8060] =	vst v0;
	v0 =	vadd.f32 v5, v4;
	v4 =	vld [tilespmem:s5+$0x420]  }
0x2c5: {  	v5 =	vld [tilespmem:s5+$0x14420]  }
0x2c6: {  	[tilespmem:s5+$0x8070] =	vst v0;
	v0 =	vadd.f32 v3, v1;
	v1 =	vld [tilespmem:s5+$0x430]  }
0x2c7: {  	v3 =	vld [tilespmem:s5+$0x14430]  }
0x2c8: {  	[tilespmem:s5+$0x8400] =	vst v0;
	v0 =	vadd.f32 v6, v2;
	v2 =	vld [tilespmem:s5+$0x440]  }
0x2c9: {  	v6 =	vld [tilespmem:s5+$0x14440]  }
0x2ca: {  	[tilespmem:s5+$0x8410] =	vst v0;
	v0 =	vadd.f32 v5, v4;
	v4 =	vld [tilespmem:s5+$0x450]  }
0x2cb: {  	v5 =	vld [tilespmem:s5+$0x14450]  }
0x2cc: {  	[tilespmem:s5+$0x8420] =	vst v0;
	v0 =	vadd.f32 v3, v1;
	v1 =	vld [tilespmem:s5+$0x460]  }
0x2cd: {  	v3 =	vld [tilespmem:s5+$0x14460]  }
0x2ce: {  	[tilespmem:s5+$0x8430] =	vst v0;
	v0 =	vadd.f32 v6, v2;
	v2 =	vld [tilespmem:s5+$0x470]  }
0x2cf: {  	v6 =	vld [tilespmem:s5+$0x14470]  }
0x2d0: {  	[tilespmem:s5+$0x8440] =	vst v0;
	v0 =	vadd.f32 v5, v4;
	v4 =	vld [tilespmem:s5+$0x800]  }
0x2d1: {  	v5 =	vld [tilespmem:s5+$0x14800]  }
0x2d2: {  	[tilespmem:s5+$0x8450] =	vst v0;
	v0 =	vadd.f32 v3, v1;
	v1 =	vld [tilespmem:s5+$0x810]  }
0x2d3: {  	v3 =	vld [tilespmem:s5+$0x14810]  }
0x2d4: {  	[tilespmem:s5+$0x8460] =	vst v0;
	v0 =	vadd.f32 v6, v2;
	v2 =	vld [tilespmem:s5+$0x820]  }
0x2d5: {  	v6 =	vld [tilespmem:s5+$0x14820]  }
0x2d6: {  	[tilespmem:s5+$0x8470] =	vst v0;
	v0 =	vadd.f32 v5, v4;
	v4 =	vld [tilespmem:s5+$0x830]  }
0x2d7: {  	v5 =	vld [tilespmem:s5+$0x14830]  }
0x2d8: {  	[tilespmem:s5+$0x8800] =	vst v0;
	v0 =	vadd.f32 v3, v1;
	v1 =	vld [tilespmem:s5+$0x840]  }
0x2d9: {  	v3 =	vld [tilespmem:s5+$0x14840]  }
0x2da: {  	[tilespmem:s5+$0x8810] =	vst v0;
	v0 =	vadd.f32 v6, v2;
	v2 =	vld [tilespmem:s5+$0x850]  }
0x2db: {  	v6 =	vld [tilespmem:s5+$0x14850]  }
0x2dc: {  	[tilespmem:s5+$0x8820] =	vst v0;
	v0 =	vadd.f32 v5, v4;
	v4 =	vld [tilespmem:s5+$0x860]  }
0x2dd: {  	v5 =	vld [tilespmem:s5+$0x14860]  }
0x2de: {  	[tilespmem:s5+$0x8830] =	vst v0;
	v0 =	vadd.f32 v3, v1;
	v1 =	vld [tilespmem:s5+$0x870]  }
0x2df: {  	v3 =	vld [tilespmem:s5+$0x14870]  }
0x2e0: {  	[tilespmem:s5+$0x8840] =	vst v0;
	v0 =	vadd.f32 v6, v2;
	v2 =	vld [tilespmem:s5+$0xC00]  }
0x2e1: {  	v6 =	vld [tilespmem:s5+$0x14C00]  }
0x2e2: {  	[tilespmem:s5+$0x8850] =	vst v0;
	v0 =	vadd.f32 v5, v4;
	v5 =	vld [tilespmem:s5+$0xC10]  }
0x2e3: {  	v7 =	vld [tilespmem:s5+$0x14C10]  }
.Ltmp6:
0x2e4: {  	[tilespmem:s5+$0x8860] =	vst v0;
	v0 =	vadd.f32 v3, v1;
	v3 =	vld [tilespmem:s5+$0xC20];
	(pc) =	sbr.rel @p1 .LBB2_11-.Ltmp6, $4  }
0x2e5: {  	v4 =	vld [tilespmem:s5+$0x14C20]  }
0x2e6: {  	[tilespmem:s5+$0x8870] =	vst v0;
	v2 =	vadd.f32 v6, v2;
	v0 =	vld [tilespmem:s5+$0xC30]  }
0x2e7: {  	v1 =	vld [tilespmem:s5+$0x14C30]  }
0x2e8: {  	[tilespmem:s5+$0x8C00] =	vst v2;
	v5 =	vadd.f32 v7, v5;
	v2 =	vld [tilespmem:s5+$0xC40]  }
0x2e9: {  	v6 =	vld [tilespmem:s5+$0x14C40]  }
0x2ea: {  	v7 =	vld [tilespmem:s5+$0x14C60]  }
0x2eb: {  	v3 =	vadd.f32 v4, v3;
	v4 =	vld [tilespmem:s5+$0xC50]  }
0x2ec: {  	[tilespmem:s5+$0x8C10] =	vst v5;
	v5 =	vld [tilespmem:s5+$0x14C50]  }
0x2ed: {  	[tilespmem:s5+$0x8C20] =	vst v3;
	v3 =	vld [tilespmem:s5+$0xC60];
	_ =	sdelay $0x1  }
0x2ee: {  	v0 =	vadd.f32 v1, v0  }
0x2ef: {  	v1 =	vadd.f32 v6, v2  }
0x2f0: {  	[tilespmem:s5+$0x8C30] =	vst v0;
	v0 =	vadd.f32 v5, v4  }
0x2f1: {  	[tilespmem:s5+$0x8C40] =	vst v1;
	v1 =	vadd.f32 v7, v3  }
0x2f2: {  	[tilespmem:s5+$0x8C50] =	vst v0  }
0x2f3: {  	s7 =	sadd.s32 s3, s31;
	s31 =	sor.u32 $0x200800, s30;
	[tilespmem:s5+$0x8C60] =	vst v1;
	s5 =	simm.s32 $0x0  }
0x2f4: {  	[hbm4b:s7+s5] =	stream.linear.scatter [tilespmem:s20], [sflag:$0x3], $0x4000, $0x38;
	[tilespmem:$0x18000] =	vst v63  }
0x2f5: {  	s11 =	sadd.s32 s1, s31  }
0x2f6: {  	[tilespmem:s5], [sflag:$0x1] =	stream.linear.gather [hbm4b:s11+s5], $0x4000, $0x38;
	[tilespmem:$0x18000] =	vst v63  }
0x2f7: {  	_ =	swait.ge [sflag:s21], $0x4000  }
0x2f8: {  	[sflag:s21] =	ssyncset.done $0x0  }
0x2f9: {  	s15 =	simm.s32 $0x0;
	s9 =	simm.s32 $0x0;
	[sflag:s21] =	ssyncadd.s32 $0xFFFFC000  }
0x2fa: {  	s8 =	sand.u32 $0x1000, s5;
	s7 =	sand.u32 $0x2000, s15;
	_ =	swait.ge [sflag:s24], $0x4000  }
0x2fb: {  	s26 =	sand.u32 $0x380, s9;
	s7 =	sor.u32 s8, s7;
	[sflag:s24] =	ssyncset.done $0x0  }
0x2fc: {  	s7 =	sor.u32 s26, s7;
	[sflag:s24] =	ssyncadd.s32 $0xFFFFC000  }
0x2fd: {  	v0 =	vld [tilespmem:s7+$0x4000]  }
0x2fe: {  	v1 =	vld [tilespmem:s7+$0x14000]  }
0x2ff: {  	v2 =	vld [tilespmem:s7+$0x4010]  }
0x300: {  	v3 =	vld [tilespmem:s7+$0x14010]  }
0x301: {  	v4 =	vld [tilespmem:s7+$0x4020]  }
0x302: {  	v5 =	vld [tilespmem:s7+$0x14020]  }
0x303: {  	v6 =	vld [tilespmem:s7+$0x14030]  }
0x304: {  	v7 =	vld [tilespmem:s7+$0x4C70]  }
0x305: {  	v8 =	vld [tilespmem:s7+$0x14C70]  }
0x306: {  	v9 =	vld [tilespmem:s7+$0x14060]  }
0x307: {  	v10 =	vld [tilespmem:s7+$0x4400]  }
0x308: {  	v11 =	vld [tilespmem:s7+$0x14400]  }
0x309: {  	v12 =	vld [tilespmem:s7+$0x4410]  }
0x30a: {  	v13 =	vld [tilespmem:s7+$0x14410]  }
0x30b: {  	v14 =	vld [tilespmem:s7+$0x4420]  }
0x30c: {  	v48 =	vld [tilespmem:s7+$0x4430]  }
0x30d: {  	v15 =	vld [tilespmem:s7+$0x4070]  }
0x30e: {  	v50 =	vld [tilespmem:s7+$0x4440]  }
0x30f: {  	v51 =	vld [tilespmem:s7+$0x14440]  }
0x310: {  	v16 =	vld [tilespmem:s7+$0x14070]  }
0x311: {  	v52 =	vld [tilespmem:s7+$0x4450]  }
0x312: {  	v17 =	vld [tilespmem:s7+$0x14450]  }
0x313: {  	v18 =	vld [tilespmem:s7+$0x4800]  }
0x314: {  	v19 =	vld [tilespmem:s7+$0x14800]  }
0x315: {  	v20 =	vld [tilespmem:s7+$0x4810]  }
0x316: {  	v21 =	vld [tilespmem:s7+$0x14810]  }
0x317: {  	v22 =	vld [tilespmem:s7+$0x4820]  }
0x318: {  	v53 =	vld [tilespmem:s7+$0x14820]  }
0x319: {  	v54 =	vld [tilespmem:s7+$0x4830]  }
0x31a: {  	v23 =	vld [tilespmem:s7+$0x4460]  }
0x31b: {  	v56 =	vld [tilespmem:s7+$0x4840]  }
0x31c: {  	v57 =	vld [tilespmem:s7+$0x14840];
	v0 =	vadd.f32 v1, v0  }
0x31d: {  	v1 =	vld [tilespmem:s7+$0x4030];
	v10 =	vadd.f32 v11, v10  }
0x31e: {  	[tilespmem:s7+$0xC000] =	vst v0;
	v0 =	vadd.f32 v3, v2;
	v2 =	vld [tilespmem:s7+$0x4040]  }
0x31f: {  	v49 =	vadd.f32 v13, v12;
	v3 =	vld [tilespmem:s7+$0x14040];
	[tilespmem:s7+$0xC400] =	vst v10  }
0x320: {  	v18 =	vadd.f32 v19, v18;
	[tilespmem:s7+$0xC010] =	vst v0;
	v0 =	vadd.f32 v5, v4;
	v4 =	vld [tilespmem:s7+$0x4050]  }
0x321: {  	v55 =	vadd.f32 v21, v20;
	[tilespmem:s7+$0xC410] =	vst v49;
	v5 =	vld [tilespmem:s7+$0x14050]  }
0x322: {  	[tilespmem:s7+$0xC800] =	vst v18;
	v1 =	vadd.f32 v6, v1;
	v6 =	vld [tilespmem:s7+$0x14420]  }
0x323: {  	v58 =	vld [tilespmem:s7+$0x14460];
	[tilespmem:s7+$0xC810] =	vst v55  }
0x324: {  	[tilespmem:s7+$0xC020] =	vst v0;
	v0 =	vld [tilespmem:s7+$0x4060];
	v2 =	vadd.f32 v3, v2  }
0x325: {  	v59 =	vld [tilespmem:s7+$0x4850];
	v7 =	vadd.f32 v8, v7;
	[tilespmem:s7+$0xC030] =	vst v1  }
0x326: {  	v1 =	vld [tilespmem:s7+$0x14430];
	[tilespmem:s7+$0xC040] =	vst v2;
	v2 =	vadd.f32 v5, v4  }
0x327: {  	v60 =	vld [tilespmem:s7+$0x14870];
	[tilespmem:s7+$0xCC70] =	vst v7;
	v6 =	vadd.f32 v6, v14  }
0x328: {  	v61 =	vld [tilespmem:s7+$0x4C00];
	v14 =	vadd.f32 v53, v22;
	[tilespmem:s7+$0xC050] =	vst v2  }
0x329: {  	v0 =	vadd.f32 v9, v0;
	[tilespmem:s7+$0xC420] =	vst v6;
	v6 =	vld [tilespmem:s7+$0x14830]  }
0x32a: {  	v3 =	vld [tilespmem:s7+$0x4470];
	v2 =	vadd.f32 v16, v15;
	[tilespmem:s7+$0xC820] =	vst v14  }
0x32b: {  	v5 =	vld [tilespmem:s7+$0x14470];
	v1 =	vadd.f32 v1, v48;
	[tilespmem:s7+$0xC060] =	vst v0  }
0x32c: {  	v7 =	vld [tilespmem:s7+$0x4860];
	v0 =	vadd.f32 v51, v50;
	[tilespmem:s7+$0xC070] =	vst v2  }
0x32d: {  	v4 =	vld [tilespmem:s7+$0x14860];
	v2 =	vadd.f32 v17, v52;
	[tilespmem:s7+$0xC430] =	vst v1  }
0x32e: {  	v62 =	vld [tilespmem:s7+$0x14C00];
	[tilespmem:s7+$0xC440] =	vst v0;
	v6 =	vadd.f32 v6, v54  }
0x32f: {  	v1 =	vld [tilespmem:s7+$0x14850];
	v0 =	vadd.f32 v58, v23;
	[tilespmem:s7+$0xC450] =	vst v2  }
0x330: {  	v2 =	vadd.f32 v5, v3;
	[tilespmem:s7+$0xC830] =	vst v6;
	v6 =	vld [tilespmem:s7+$0x4870]  }
0x331: {  	v63 =	vld [tilespmem:s7+$0x14C10];
	[tilespmem:s7+$0xC460] =	vst v0;
	v0 =	vadd.f32 v57, v56  }
0x332: {  	v5 =	vld [tilespmem:s7+$0x4C10];
	[tilespmem:s7+$0xC470] =	vst v2;
	v2 =	vadd.f32 v4, v7  }
0x333: {  	v3 =	vld [tilespmem:s7+$0x4C20];
	v7 =	vadd.f32 v62, v61;
	[tilespmem:s7+$0xC840] =	vst v0  }
0x334: {  	v4 =	vld [tilespmem:s7+$0x14C20];
	v1 =	vadd.f32 v1, v59;
	[tilespmem:s7+$0xC860] =	vst v2  }
0x335: {  	v0 =	vld [tilespmem:s7+$0x4C30];
	[tilespmem:s7+$0xCC00] =	vst v7;
	v2 =	vadd.f32 v60, v6  }
0x336: {  	[tilespmem:s7+$0xC850] =	vst v1;
	v1 =	vld [tilespmem:s7+$0x14C30]  }
0x337: {  	s8 =	simm.s32 $0x0;
	v5 =	vadd.f32 v63, v5;
	[tilespmem:s7+$0xC870] =	vst v2;
	v2 =	vld [tilespmem:s7+$0x4C40]  }
.LBB2_13:
0x338: {  	s8 =	sadd.s32 $0x4, s8;
	v6 =	vld [tilespmem:s7+$0x14C40]  }
0x339: {  	s5 =	sadd.s32 $0x1000, s5;
	s9 =	sshll.u32 s8, $0x7;
	p1 =	slt.u32 s8, $0x7C;
	[tilespmem:s7+$0xCC10] =	vst v5;
	v3 =	vadd.f32 v4, v3;
	v4 =	vld [tilespmem:s7+$0x4C50]  }
0x33a: {  	s11 =	sand.u32 $0x1000, s5;
	s15 =	sshll.u32 s8, $0x4;
	s9 =	sand.u32 $0x2000, s9;
	v5 =	vld [tilespmem:s7+$0x14C50]  }
0x33b: {  	s9 =	sor.u32 s11, s9;
	s11 =	sand.u32 $0x380, s15;
	[tilespmem:s7+$0xCC20] =	vst v3;
	v0 =	vadd.f32 v1, v0;
	v1 =	vld [tilespmem:s7+$0x4C60]  }
0x33c: {  	s9 =	sor.u32 s11, s9;
	v3 =	vld [tilespmem:s7+$0x14C60]  }
0x33d: {  	v7 =	vld [tilespmem:s9+$0x4C70];
	[tilespmem:s7+$0xCC30] =	vst v0;
	v0 =	vadd.f32 v6, v2  }
0x33e: {  	v2 =	vld [tilespmem:s9+$0x14C70]  }
0x33f: {  	v6 =	vld [tilespmem:s9+$0x4000];
	[tilespmem:s7+$0xCC40] =	vst v0;
	v0 =	vadd.f32 v5, v4  }
0x340: {  	v4 =	vld [tilespmem:s9+$0x14000]  }
0x341: {  	v5 =	vld [tilespmem:s9+$0x4010];
	[tilespmem:s7+$0xCC50] =	vst v0;
	v0 =	vadd.f32 v3, v1  }
0x342: {  	v1 =	vld [tilespmem:s9+$0x14010]  }
0x343: {  	v3 =	vld [tilespmem:s9+$0x4020];
	v2 =	vadd.f32 v2, v7;
	[tilespmem:s7+$0xCC60] =	vst v0;
	s7 =	smov.u32 s9  }
0x344: {  	v0 =	vld [tilespmem:s7+$0x14020]  }
0x345: {  	v4 =	vadd.f32 v4, v6;
	v6 =	vld [tilespmem:s7+$0x4030];
	[tilespmem:s7+$0xCC70] =	vst v2  }
0x346: {  	v2 =	vld [tilespmem:s7+$0x14030]  }
0x347: {  	[tilespmem:s7+$0xC000] =	vst v4;
	v1 =	vadd.f32 v1, v5;
	v4 =	vld [tilespmem:s7+$0x4040]  }
0x348: {  	v5 =	vld [tilespmem:s7+$0x14040]  }
0x349: {  	[tilespmem:s7+$0xC010] =	vst v1;
	v0 =	vadd.f32 v0, v3;
	v1 =	vld [tilespmem:s7+$0x4050]  }
0x34a: {  	v3 =	vld [tilespmem:s7+$0x14050]  }
0x34b: {  	[tilespmem:s7+$0xC020] =	vst v0;
	v0 =	vadd.f32 v2, v6;
	v2 =	vld [tilespmem:s7+$0x4060]  }
0x34c: {  	v6 =	vld [tilespmem:s7+$0x14060]  }
0x34d: {  	[tilespmem:s7+$0xC030] =	vst v0;
	v0 =	vadd.f32 v5, v4;
	v4 =	vld [tilespmem:s7+$0x4070]  }
0x34e: {  	v5 =	vld [tilespmem:s7+$0x14070]  }
0x34f: {  	[tilespmem:s7+$0xC040] =	vst v0;
	v0 =	vadd.f32 v3, v1;
	v1 =	vld [tilespmem:s7+$0x4400]  }
0x350: {  	v3 =	vld [tilespmem:s7+$0x14400]  }
0x351: {  	[tilespmem:s7+$0xC050] =	vst v0;
	v0 =	vadd.f32 v6, v2;
	v2 =	vld [tilespmem:s7+$0x4410]  }
0x352: {  	v6 =	vld [tilespmem:s7+$0x14410]  }
0x353: {  	[tilespmem:s7+$0xC060] =	vst v0;
	v0 =	vadd.f32 v5, v4;
	v4 =	vld [tilespmem:s7+$0x4420]  }
0x354: {  	v5 =	vld [tilespmem:s7+$0x14420]  }
0x355: {  	[tilespmem:s7+$0xC070] =	vst v0;
	v0 =	vadd.f32 v3, v1;
	v1 =	vld [tilespmem:s7+$0x4430]  }
0x356: {  	v3 =	vld [tilespmem:s7+$0x14430]  }
0x357: {  	[tilespmem:s7+$0xC400] =	vst v0;
	v0 =	vadd.f32 v6, v2;
	v2 =	vld [tilespmem:s7+$0x4440]  }
0x358: {  	v6 =	vld [tilespmem:s7+$0x14440]  }
0x359: {  	[tilespmem:s7+$0xC410] =	vst v0;
	v0 =	vadd.f32 v5, v4;
	v4 =	vld [tilespmem:s7+$0x4450]  }
0x35a: {  	v5 =	vld [tilespmem:s7+$0x14450]  }
0x35b: {  	[tilespmem:s7+$0xC420] =	vst v0;
	v0 =	vadd.f32 v3, v1;
	v1 =	vld [tilespmem:s7+$0x4460]  }
0x35c: {  	v3 =	vld [tilespmem:s7+$0x14460]  }
0x35d: {  	[tilespmem:s7+$0xC430] =	vst v0;
	v0 =	vadd.f32 v6, v2;
	v2 =	vld [tilespmem:s7+$0x4470]  }
0x35e: {  	v6 =	vld [tilespmem:s7+$0x14470]  }
0x35f: {  	[tilespmem:s7+$0xC440] =	vst v0;
	v0 =	vadd.f32 v5, v4;
	v4 =	vld [tilespmem:s7+$0x4800]  }
0x360: {  	v5 =	vld [tilespmem:s7+$0x14800]  }
0x361: {  	[tilespmem:s7+$0xC450] =	vst v0;
	v0 =	vadd.f32 v3, v1;
	v1 =	vld [tilespmem:s7+$0x4810]  }
0x362: {  	v3 =	vld [tilespmem:s7+$0x14810]  }
0x363: {  	[tilespmem:s7+$0xC460] =	vst v0;
	v0 =	vadd.f32 v6, v2;
	v2 =	vld [tilespmem:s7+$0x4820]  }
0x364: {  	v6 =	vld [tilespmem:s7+$0x14820]  }
0x365: {  	[tilespmem:s7+$0xC470] =	vst v0;
	v0 =	vadd.f32 v5, v4;
	v4 =	vld [tilespmem:s7+$0x4830]  }
0x366: {  	v5 =	vld [tilespmem:s7+$0x14830]  }
0x367: {  	[tilespmem:s7+$0xC800] =	vst v0;
	v0 =	vadd.f32 v3, v1;
	v1 =	vld [tilespmem:s7+$0x4840]  }
0x368: {  	v3 =	vld [tilespmem:s7+$0x14840]  }
0x369: {  	[tilespmem:s7+$0xC810] =	vst v0;
	v0 =	vadd.f32 v6, v2;
	v2 =	vld [tilespmem:s7+$0x4850]  }
0x36a: {  	v6 =	vld [tilespmem:s7+$0x14850]  }
0x36b: {  	[tilespmem:s7+$0xC820] =	vst v0;
	v0 =	vadd.f32 v5, v4;
	v4 =	vld [tilespmem:s7+$0x4860]  }
0x36c: {  	v5 =	vld [tilespmem:s7+$0x14860]  }
0x36d: {  	[tilespmem:s7+$0xC830] =	vst v0;
	v0 =	vadd.f32 v3, v1;
	v1 =	vld [tilespmem:s7+$0x4870]  }
0x36e: {  	v3 =	vld [tilespmem:s7+$0x14870]  }
0x36f: {  	[tilespmem:s7+$0xC840] =	vst v0;
	v0 =	vadd.f32 v6, v2;
	v2 =	vld [tilespmem:s7+$0x4C00]  }
0x370: {  	v6 =	vld [tilespmem:s7+$0x14C00]  }
0x371: {  	[tilespmem:s7+$0xC850] =	vst v0;
	v0 =	vadd.f32 v5, v4;
	v5 =	vld [tilespmem:s7+$0x4C10]  }
0x372: {  	v7 =	vld [tilespmem:s7+$0x14C10]  }
.Ltmp7:
0x373: {  	[tilespmem:s7+$0xC860] =	vst v0;
	v0 =	vadd.f32 v3, v1;
	v3 =	vld [tilespmem:s7+$0x4C20];
	(pc) =	sbr.rel @p1 .LBB2_13-.Ltmp7, $4  }
0x374: {  	v4 =	vld [tilespmem:s7+$0x14C20]  }
0x375: {  	[tilespmem:s7+$0xC870] =	vst v0;
	v2 =	vadd.f32 v6, v2;
	v0 =	vld [tilespmem:s7+$0x4C30]  }
0x376: {  	v1 =	vld [tilespmem:s7+$0x14C30]  }
0x377: {  	[tilespmem:s7+$0xCC00] =	vst v2;
	v5 =	vadd.f32 v7, v5;
	v2 =	vld [tilespmem:s7+$0x4C40]  }
0x378: {  	v6 =	vld [tilespmem:s7+$0x14C40]  }
0x379: {  	v7 =	vld [tilespmem:s7+$0x14C60]  }
0x37a: {  	v3 =	vadd.f32 v4, v3;
	v4 =	vld [tilespmem:s7+$0x4C50]  }
0x37b: {  	[tilespmem:s7+$0xCC10] =	vst v5;
	v5 =	vld [tilespmem:s7+$0x14C50]  }
0x37c: {  	[tilespmem:s7+$0xCC20] =	vst v3;
	v3 =	vld [tilespmem:s7+$0x4C60];
	_ =	sdelay $0x1  }
0x37d: {  	v0 =	vadd.f32 v1, v0  }
0x37e: {  	v1 =	vadd.f32 v6, v2  }
0x37f: {  	[tilespmem:s7+$0xCC30] =	vst v0;
	v0 =	vadd.f32 v5, v4  }
0x380: {  	[tilespmem:s7+$0xCC40] =	vst v1;
	v1 =	vadd.f32 v7, v3  }
0x381: {  	[tilespmem:s7+$0xCC50] =	vst v0  }
0x382: {  	s0 =	sadd.s32 s3, s0;
	s5 =	simm.s32 $0x0;
	[tilespmem:s7+$0xCC60] =	vst v1  }
0x383: {  	[hbm4b:s0+s5] =	stream.linear.scatter [tilespmem:s22], [sflag:$0x4], $0x4000, $0x38;
	[tilespmem:$0x18000] =	vst v63  }
0x384: {  	s0 =	sor.u32 $0x300800, s30  }
0x385: {  	s15 =	sadd.s32 s1, s0  }
0x386: {  	[tilespmem:s16], [sflag:$0x2] =	stream.linear.gather [hbm4b:s15+s5], $0x4000, $0x38;
	[tilespmem:$0x18000] =	vst v63  }
0x387: {  	_ =	swait.ge [sflag:s19], $0x4000  }
0x388: {  	[sflag:s19] =	ssyncset.done $0x0  }
0x389: {  	s26 =	simm.s32 $0x0;
	s9 =	simm.s32 $0x0;
	[sflag:s19] =	ssyncadd.s32 $0xFFFFC000  }
0x38a: {  	s8 =	sand.u32 $0x1000, s5;
	s7 =	sand.u32 $0x2000, s26;
	_ =	swait.ge [sflag:s23], $0x4000  }
0x38b: {  	s7 =	sor.u32 s8, s7;
	s30 =	sand.u32 $0x380, s9;
	[sflag:s23] =	ssyncset.done $0x0  }
0x38c: {  	s7 =	sor.u32 s30, s7;
	[sflag:s23] =	ssyncadd.s32 $0xFFFFC000  }
0x38d: {  	v0 =	vld [tilespmem:s7+$0x0]  }
0x38e: {  	v1 =	vld [tilespmem:s7+$0x14000]  }
0x38f: {  	v2 =	vld [tilespmem:s7+$0x10]  }
0x390: {  	v3 =	vld [tilespmem:s7+$0x14010]  }
0x391: {  	v4 =	vld [tilespmem:s7+$0x20]  }
0x392: {  	v5 =	vld [tilespmem:s7+$0x14020]  }
0x393: {  	v6 =	vld [tilespmem:s7+$0x14030]  }
0x394: {  	v7 =	vld [tilespmem:s7+$0xC70]  }
0x395: {  	v8 =	vld [tilespmem:s7+$0x14C70]  }
0x396: {  	v9 =	vld [tilespmem:s7+$0x14060]  }
0x397: {  	v10 =	vld [tilespmem:s7+$0x400]  }
0x398: {  	v11 =	vld [tilespmem:s7+$0x14400]  }
0x399: {  	v12 =	vld [tilespmem:s7+$0x410]  }
0x39a: {  	v13 =	vld [tilespmem:s7+$0x14410]  }
0x39b: {  	v14 =	vld [tilespmem:s7+$0x420]  }
0x39c: {  	v48 =	vld [tilespmem:s7+$0x430]  }
0x39d: {  	v15 =	vld [tilespmem:s7+$0x70]  }
0x39e: {  	v50 =	vld [tilespmem:s7+$0x440]  }
0x39f: {  	v51 =	vld [tilespmem:s7+$0x14440]  }
0x3a0: {  	v16 =	vld [tilespmem:s7+$0x14070]  }
0x3a1: {  	v52 =	vld [tilespmem:s7+$0x450]  }
0x3a2: {  	v17 =	vld [tilespmem:s7+$0x14450]  }
0x3a3: {  	v18 =	vld [tilespmem:s7+$0x800]  }
0x3a4: {  	v19 =	vld [tilespmem:s7+$0x14800]  }
0x3a5: {  	v20 =	vld [tilespmem:s7+$0x810]  }
0x3a6: {  	v21 =	vld [tilespmem:s7+$0x14810]  }
0x3a7: {  	v22 =	vld [tilespmem:s7+$0x820]  }
0x3a8: {  	v53 =	vld [tilespmem:s7+$0x14820]  }
0x3a9: {  	v54 =	vld [tilespmem:s7+$0x830]  }
0x3aa: {  	v23 =	vld [tilespmem:s7+$0x460]  }
0x3ab: {  	v56 =	vld [tilespmem:s7+$0x840]  }
0x3ac: {  	v57 =	vld [tilespmem:s7+$0x14840];
	v0 =	vadd.f32 v1, v0  }
0x3ad: {  	v1 =	vld [tilespmem:s7+$0x30];
	v10 =	vadd.f32 v11, v10  }
0x3ae: {  	[tilespmem:s7+$0x8000] =	vst v0;
	v0 =	vadd.f32 v3, v2;
	v2 =	vld [tilespmem:s7+$0x40]  }
0x3af: {  	v49 =	vadd.f32 v13, v12;
	v3 =	vld [tilespmem:s7+$0x14040];
	[tilespmem:s7+$0x8400] =	vst v10  }
0x3b0: {  	v18 =	vadd.f32 v19, v18;
	[tilespmem:s7+$0x8010] =	vst v0;
	v0 =	vadd.f32 v5, v4;
	v4 =	vld [tilespmem:s7+$0x50]  }
0x3b1: {  	v55 =	vadd.f32 v21, v20;
	[tilespmem:s7+$0x8410] =	vst v49;
	v5 =	vld [tilespmem:s7+$0x14050]  }
0x3b2: {  	[tilespmem:s7+$0x8800] =	vst v18;
	v1 =	vadd.f32 v6, v1;
	v6 =	vld [tilespmem:s7+$0x14420]  }
0x3b3: {  	v58 =	vld [tilespmem:s7+$0x14460];
	[tilespmem:s7+$0x8810] =	vst v55  }
0x3b4: {  	[tilespmem:s7+$0x8020] =	vst v0;
	v0 =	vld [tilespmem:s7+$0x60];
	v2 =	vadd.f32 v3, v2  }
0x3b5: {  	v59 =	vld [tilespmem:s7+$0x850];
	v7 =	vadd.f32 v8, v7;
	[tilespmem:s7+$0x8030] =	vst v1  }
0x3b6: {  	v1 =	vld [tilespmem:s7+$0x14430];
	[tilespmem:s7+$0x8040] =	vst v2;
	v2 =	vadd.f32 v5, v4  }
0x3b7: {  	v60 =	vld [tilespmem:s7+$0x14870];
	[tilespmem:s7+$0x8C70] =	vst v7;
	v6 =	vadd.f32 v6, v14  }
0x3b8: {  	v61 =	vld [tilespmem:s7+$0xC00];
	v14 =	vadd.f32 v53, v22;
	[tilespmem:s7+$0x8050] =	vst v2  }
0x3b9: {  	v0 =	vadd.f32 v9, v0;
	[tilespmem:s7+$0x8420] =	vst v6;
	v6 =	vld [tilespmem:s7+$0x14830]  }
0x3ba: {  	v3 =	vld [tilespmem:s7+$0x470];
	v2 =	vadd.f32 v16, v15;
	[tilespmem:s7+$0x8820] =	vst v14  }
0x3bb: {  	v5 =	vld [tilespmem:s7+$0x14470];
	v1 =	vadd.f32 v1, v48;
	[tilespmem:s7+$0x8060] =	vst v0  }
0x3bc: {  	v7 =	vld [tilespmem:s7+$0x860];
	v0 =	vadd.f32 v51, v50;
	[tilespmem:s7+$0x8070] =	vst v2  }
0x3bd: {  	v4 =	vld [tilespmem:s7+$0x14860];
	v2 =	vadd.f32 v17, v52;
	[tilespmem:s7+$0x8430] =	vst v1  }
0x3be: {  	v62 =	vld [tilespmem:s7+$0x14C00];
	[tilespmem:s7+$0x8440] =	vst v0;
	v6 =	vadd.f32 v6, v54  }
0x3bf: {  	v1 =	vld [tilespmem:s7+$0x14850];
	v0 =	vadd.f32 v58, v23;
	[tilespmem:s7+$0x8450] =	vst v2  }
0x3c0: {  	v2 =	vadd.f32 v5, v3;
	[tilespmem:s7+$0x8830] =	vst v6;
	v6 =	vld [tilespmem:s7+$0x870]  }
0x3c1: {  	v63 =	vld [tilespmem:s7+$0x14C10];
	[tilespmem:s7+$0x8460] =	vst v0;
	v0 =	vadd.f32 v57, v56  }
0x3c2: {  	v5 =	vld [tilespmem:s7+$0xC10];
	[tilespmem:s7+$0x8470] =	vst v2;
	v2 =	vadd.f32 v4, v7  }
0x3c3: {  	v3 =	vld [tilespmem:s7+$0xC20];
	v7 =	vadd.f32 v62, v61;
	[tilespmem:s7+$0x8840] =	vst v0  }
0x3c4: {  	v4 =	vld [tilespmem:s7+$0x14C20];
	v1 =	vadd.f32 v1, v59;
	[tilespmem:s7+$0x8860] =	vst v2  }
0x3c5: {  	v0 =	vld [tilespmem:s7+$0xC30];
	[tilespmem:s7+$0x8C00] =	vst v7;
	v2 =	vadd.f32 v60, v6  }
0x3c6: {  	[tilespmem:s7+$0x8850] =	vst v1;
	v1 =	vld [tilespmem:s7+$0x14C30]  }
0x3c7: {  	s8 =	simm.s32 $0x0;
	v5 =	vadd.f32 v63, v5;
	[tilespmem:s7+$0x8870] =	vst v2;
	v2 =	vld [tilespmem:s7+$0xC40]  }
.LBB2_15:
0x3c8: {  	s8 =	sadd.s32 $0x4, s8;
	v6 =	vld [tilespmem:s7+$0x14C40]  }
0x3c9: {  	s5 =	sadd.s32 $0x1000, s5;
	s9 =	sshll.u32 s8, $0x7;
	p1 =	slt.u32 s8, $0x7C;
	[tilespmem:s7+$0x8C10] =	vst v5;
	v3 =	vadd.f32 v4, v3;
	v4 =	vld [tilespmem:s7+$0xC50]  }
0x3ca: {  	s11 =	sand.u32 $0x1000, s5;
	s15 =	sshll.u32 s8, $0x4;
	s9 =	sand.u32 $0x2000, s9;
	v5 =	vld [tilespmem:s7+$0x14C50]  }
0x3cb: {  	s9 =	sor.u32 s11, s9;
	s11 =	sand.u32 $0x380, s15;
	[tilespmem:s7+$0x8C20] =	vst v3;
	v0 =	vadd.f32 v1, v0;
	v1 =	vld [tilespmem:s7+$0xC60]  }
0x3cc: {  	s9 =	sor.u32 s11, s9;
	v3 =	vld [tilespmem:s7+$0x14C60]  }
0x3cd: {  	v7 =	vld [tilespmem:s9+$0xC70];
	[tilespmem:s7+$0x8C30] =	vst v0;
	v0 =	vadd.f32 v6, v2  }
0x3ce: {  	v2 =	vld [tilespmem:s9+$0x14C70]  }
0x3cf: {  	v6 =	vld [tilespmem:s9+$0x0];
	[tilespmem:s7+$0x8C40] =	vst v0;
	v0 =	vadd.f32 v5, v4  }
0x3d0: {  	v4 =	vld [tilespmem:s9+$0x14000]  }
0x3d1: {  	v5 =	vld [tilespmem:s9+$0x10];
	[tilespmem:s7+$0x8C50] =	vst v0;
	v0 =	vadd.f32 v3, v1  }
0x3d2: {  	v1 =	vld [tilespmem:s9+$0x14010]  }
0x3d3: {  	v3 =	vld [tilespmem:s9+$0x20];
	v2 =	vadd.f32 v2, v7;
	[tilespmem:s7+$0x8C60] =	vst v0;
	s7 =	smov.u32 s9  }
0x3d4: {  	v0 =	vld [tilespmem:s7+$0x14020]  }
0x3d5: {  	v4 =	vadd.f32 v4, v6;
	v6 =	vld [tilespmem:s7+$0x30];
	[tilespmem:s7+$0x8C70] =	vst v2  }
0x3d6: {  	v2 =	vld [tilespmem:s7+$0x14030]  }
0x3d7: {  	[tilespmem:s7+$0x8000] =	vst v4;
	v1 =	vadd.f32 v1, v5;
	v4 =	vld [tilespmem:s7+$0x40]  }
0x3d8: {  	v5 =	vld [tilespmem:s7+$0x14040]  }
0x3d9: {  	[tilespmem:s7+$0x8010] =	vst v1;
	v0 =	vadd.f32 v0, v3;
	v1 =	vld [tilespmem:s7+$0x50]  }
0x3da: {  	v3 =	vld [tilespmem:s7+$0x14050]  }
0x3db: {  	[tilespmem:s7+$0x8020] =	vst v0;
	v0 =	vadd.f32 v2, v6;
	v2 =	vld [tilespmem:s7+$0x60]  }
0x3dc: {  	v6 =	vld [tilespmem:s7+$0x14060]  }
0x3dd: {  	[tilespmem:s7+$0x8030] =	vst v0;
	v0 =	vadd.f32 v5, v4;
	v4 =	vld [tilespmem:s7+$0x70]  }
0x3de: {  	v5 =	vld [tilespmem:s7+$0x14070]  }
0x3df: {  	[tilespmem:s7+$0x8040] =	vst v0;
	v0 =	vadd.f32 v3, v1;
	v1 =	vld [tilespmem:s7+$0x400]  }
0x3e0: {  	v3 =	vld [tilespmem:s7+$0x14400]  }
0x3e1: {  	[tilespmem:s7+$0x8050] =	vst v0;
	v0 =	vadd.f32 v6, v2;
	v2 =	vld [tilespmem:s7+$0x410]  }
0x3e2: {  	v6 =	vld [tilespmem:s7+$0x14410]  }
0x3e3: {  	[tilespmem:s7+$0x8060] =	vst v0;
	v0 =	vadd.f32 v5, v4;
	v4 =	vld [tilespmem:s7+$0x420]  }
0x3e4: {  	v5 =	vld [tilespmem:s7+$0x14420]  }
0x3e5: {  	[tilespmem:s7+$0x8070] =	vst v0;
	v0 =	vadd.f32 v3, v1;
	v1 =	vld [tilespmem:s7+$0x430]  }
0x3e6: {  	v3 =	vld [tilespmem:s7+$0x14430]  }
0x3e7: {  	[tilespmem:s7+$0x8400] =	vst v0;
	v0 =	vadd.f32 v6, v2;
	v2 =	vld [tilespmem:s7+$0x440]  }
0x3e8: {  	v6 =	vld [tilespmem:s7+$0x14440]  }
0x3e9: {  	[tilespmem:s7+$0x8410] =	vst v0;
	v0 =	vadd.f32 v5, v4;
	v4 =	vld [tilespmem:s7+$0x450]  }
0x3ea: {  	v5 =	vld [tilespmem:s7+$0x14450]  }
0x3eb: {  	[tilespmem:s7+$0x8420] =	vst v0;
	v0 =	vadd.f32 v3, v1;
	v1 =	vld [tilespmem:s7+$0x460]  }
0x3ec: {  	v3 =	vld [tilespmem:s7+$0x14460]  }
0x3ed: {  	[tilespmem:s7+$0x8430] =	vst v0;
	v0 =	vadd.f32 v6, v2;
	v2 =	vld [tilespmem:s7+$0x470]  }
0x3ee: {  	v6 =	vld [tilespmem:s7+$0x14470]  }
0x3ef: {  	[tilespmem:s7+$0x8440] =	vst v0;
	v0 =	vadd.f32 v5, v4;
	v4 =	vld [tilespmem:s7+$0x800]  }
0x3f0: {  	v5 =	vld [tilespmem:s7+$0x14800]  }
0x3f1: {  	[tilespmem:s7+$0x8450] =	vst v0;
	v0 =	vadd.f32 v3, v1;
	v1 =	vld [tilespmem:s7+$0x810]  }
0x3f2: {  	v3 =	vld [tilespmem:s7+$0x14810]  }
0x3f3: {  	[tilespmem:s7+$0x8460] =	vst v0;
	v0 =	vadd.f32 v6, v2;
	v2 =	vld [tilespmem:s7+$0x820]  }
0x3f4: {  	v6 =	vld [tilespmem:s7+$0x14820]  }
0x3f5: {  	[tilespmem:s7+$0x8470] =	vst v0;
	v0 =	vadd.f32 v5, v4;
	v4 =	vld [tilespmem:s7+$0x830]  }
0x3f6: {  	v5 =	vld [tilespmem:s7+$0x14830]  }
0x3f7: {  	[tilespmem:s7+$0x8800] =	vst v0;
	v0 =	vadd.f32 v3, v1;
	v1 =	vld [tilespmem:s7+$0x840]  }
0x3f8: {  	v3 =	vld [tilespmem:s7+$0x14840]  }
0x3f9: {  	[tilespmem:s7+$0x8810] =	vst v0;
	v0 =	vadd.f32 v6, v2;
	v2 =	vld [tilespmem:s7+$0x850]  }
0x3fa: {  	v6 =	vld [tilespmem:s7+$0x14850]  }
0x3fb: {  	[tilespmem:s7+$0x8820] =	vst v0;
	v0 =	vadd.f32 v5, v4;
	v4 =	vld [tilespmem:s7+$0x860]  }
0x3fc: {  	v5 =	vld [tilespmem:s7+$0x14860]  }
0x3fd: {  	[tilespmem:s7+$0x8830] =	vst v0;
	v0 =	vadd.f32 v3, v1;
	v1 =	vld [tilespmem:s7+$0x870]  }
0x3fe: {  	v3 =	vld [tilespmem:s7+$0x14870]  }
0x3ff: {  	[tilespmem:s7+$0x8840] =	vst v0;
	v0 =	vadd.f32 v6, v2;
	v2 =	vld [tilespmem:s7+$0xC00]  }
0x400: {  	v6 =	vld [tilespmem:s7+$0x14C00]  }
0x401: {  	[tilespmem:s7+$0x8850] =	vst v0;
	v0 =	vadd.f32 v5, v4;
	v5 =	vld [tilespmem:s7+$0xC10]  }
0x402: {  	v7 =	vld [tilespmem:s7+$0x14C10]  }
.Ltmp8:
0x403: {  	[tilespmem:s7+$0x8860] =	vst v0;
	v0 =	vadd.f32 v3, v1;
	v3 =	vld [tilespmem:s7+$0xC20];
	(pc) =	sbr.rel @p1 .LBB2_15-.Ltmp8, $4  }
0x404: {  	v4 =	vld [tilespmem:s7+$0x14C20]  }
0x405: {  	[tilespmem:s7+$0x8870] =	vst v0;
	v2 =	vadd.f32 v6, v2;
	v0 =	vld [tilespmem:s7+$0xC30]  }
0x406: {  	v1 =	vld [tilespmem:s7+$0x14C30]  }
0x407: {  	[tilespmem:s7+$0x8C00] =	vst v2;
	v5 =	vadd.f32 v7, v5;
	v2 =	vld [tilespmem:s7+$0xC40]  }
0x408: {  	v6 =	vld [tilespmem:s7+$0x14C40]  }
0x409: {  	v7 =	vld [tilespmem:s7+$0x14C60]  }
0x40a: {  	v3 =	vadd.f32 v4, v3;
	v4 =	vld [tilespmem:s7+$0xC50]  }
0x40b: {  	[tilespmem:s7+$0x8C10] =	vst v5;
	v5 =	vld [tilespmem:s7+$0x14C50]  }
0x40c: {  	[tilespmem:s7+$0x8C20] =	vst v3;
	v3 =	vld [tilespmem:s7+$0xC60];
	_ =	sdelay $0x1  }
0x40d: {  	v0 =	vadd.f32 v1, v0  }
0x40e: {  	v1 =	vadd.f32 v6, v2  }
0x40f: {  	[tilespmem:s7+$0x8C30] =	vst v0;
	v0 =	vadd.f32 v5, v4  }
0x410: {  	[tilespmem:s7+$0x8C40] =	vst v1;
	v1 =	vadd.f32 v7, v3  }
0x411: {  	[tilespmem:s7+$0x8C50] =	vst v0  }
0x412: {  	s5 =	sadd.s32 s3, s31;
	[tilespmem:s7+$0x8C60] =	vst v1  }
0x413: {  	[hbm4b:s5+s4] =	stream.linear.scatter [tilespmem:s20], [sflag:$0x3], $0x4000, $0x38;
	[tilespmem:$0x18000] =	vst v63  }
0x414: {  	s7 =	simm.s32 @!p0 $0x0;
	s5 =	sadd.s32 @!p0 s13, s29  }
0x415: {  	[tilespmem:s7], [sflag:$0x1] =	stream.linear.gather @!p0 [hbm4b:s5+s7], $0x4000, $0x38;
	[tilespmem:$0x18000] =	vst v63  }
0x416: {  	_ =	swait.ge [sflag:s21], $0x4000  }
0x417: {  	s30 =	simm.s32 $0x0;
	[sflag:s21] =	ssyncset.done $0x0  }
0x418: {  	s9 =	simm.s32 $0x0;
	s7 =	simm.s32 $0x0;
	[sflag:s21] =	ssyncadd.s32 $0xFFFFC000  }
0x419: {  	s5 =	sand.u32 $0x2000, s30;
	s8 =	sand.u32 $0x1000, s7;
	_ =	swait.ge [sflag:s24], $0x4000  }
0x41a: {  	s31 =	sand.u32 $0x380, s9;
	s5 =	sor.u32 s8, s5;
	[sflag:s24] =	ssyncset.done $0x0  }
0x41b: {  	s5 =	sor.u32 s31, s5;
	[sflag:s24] =	ssyncadd.s32 $0xFFFFC000  }
0x41c: {  	v0 =	vld [tilespmem:s5+$0x4000]  }
0x41d: {  	v1 =	vld [tilespmem:s5+$0x14000]  }
0x41e: {  	v2 =	vld [tilespmem:s5+$0x4010]  }
0x41f: {  	v3 =	vld [tilespmem:s5+$0x14010]  }
0x420: {  	v4 =	vld [tilespmem:s5+$0x4020]  }
0x421: {  	v5 =	vld [tilespmem:s5+$0x14020]  }
0x422: {  	v6 =	vld [tilespmem:s5+$0x14030]  }
0x423: {  	v7 =	vld [tilespmem:s5+$0x4C70]  }
0x424: {  	v8 =	vld [tilespmem:s5+$0x14C70]  }
0x425: {  	v9 =	vld [tilespmem:s5+$0x14060]  }
0x426: {  	v10 =	vld [tilespmem:s5+$0x4400]  }
0x427: {  	v11 =	vld [tilespmem:s5+$0x14400]  }
0x428: {  	v12 =	vld [tilespmem:s5+$0x4410]  }
0x429: {  	v13 =	vld [tilespmem:s5+$0x14410]  }
0x42a: {  	v14 =	vld [tilespmem:s5+$0x4420]  }
0x42b: {  	v48 =	vld [tilespmem:s5+$0x4430]  }
0x42c: {  	v15 =	vld [tilespmem:s5+$0x4070]  }
0x42d: {  	v50 =	vld [tilespmem:s5+$0x4440]  }
0x42e: {  	v51 =	vld [tilespmem:s5+$0x14440]  }
0x42f: {  	v16 =	vld [tilespmem:s5+$0x14070]  }
0x430: {  	v52 =	vld [tilespmem:s5+$0x4450]  }
0x431: {  	v17 =	vld [tilespmem:s5+$0x14450]  }
0x432: {  	v18 =	vld [tilespmem:s5+$0x4800]  }
0x433: {  	v19 =	vld [tilespmem:s5+$0x14800]  }
0x434: {  	v20 =	vld [tilespmem:s5+$0x4810]  }
0x435: {  	v21 =	vld [tilespmem:s5+$0x14810]  }
0x436: {  	v22 =	vld [tilespmem:s5+$0x4820]  }
0x437: {  	v53 =	vld [tilespmem:s5+$0x14820]  }
0x438: {  	v54 =	vld [tilespmem:s5+$0x4830]  }
0x439: {  	v23 =	vld [tilespmem:s5+$0x4460]  }
0x43a: {  	v56 =	vld [tilespmem:s5+$0x4840]  }
0x43b: {  	v57 =	vld [tilespmem:s5+$0x14840];
	v0 =	vadd.f32 v1, v0  }
0x43c: {  	v1 =	vld [tilespmem:s5+$0x4030];
	v10 =	vadd.f32 v11, v10  }
0x43d: {  	[tilespmem:s5+$0xC000] =	vst v0;
	v0 =	vadd.f32 v3, v2;
	v2 =	vld [tilespmem:s5+$0x4040]  }
0x43e: {  	v49 =	vadd.f32 v13, v12;
	v3 =	vld [tilespmem:s5+$0x14040];
	[tilespmem:s5+$0xC400] =	vst v10  }
0x43f: {  	v18 =	vadd.f32 v19, v18;
	[tilespmem:s5+$0xC010] =	vst v0;
	v0 =	vadd.f32 v5, v4;
	v4 =	vld [tilespmem:s5+$0x4050]  }
0x440: {  	v55 =	vadd.f32 v21, v20;
	[tilespmem:s5+$0xC410] =	vst v49;
	v5 =	vld [tilespmem:s5+$0x14050]  }
0x441: {  	[tilespmem:s5+$0xC800] =	vst v18;
	v1 =	vadd.f32 v6, v1;
	v6 =	vld [tilespmem:s5+$0x14420]  }
0x442: {  	v58 =	vld [tilespmem:s5+$0x14460];
	[tilespmem:s5+$0xC810] =	vst v55  }
0x443: {  	[tilespmem:s5+$0xC020] =	vst v0;
	v0 =	vld [tilespmem:s5+$0x4060];
	v2 =	vadd.f32 v3, v2  }
0x444: {  	v59 =	vld [tilespmem:s5+$0x4850];
	v7 =	vadd.f32 v8, v7;
	[tilespmem:s5+$0xC030] =	vst v1  }
0x445: {  	v1 =	vld [tilespmem:s5+$0x14430];
	[tilespmem:s5+$0xC040] =	vst v2;
	v2 =	vadd.f32 v5, v4  }
0x446: {  	v60 =	vld [tilespmem:s5+$0x14870];
	[tilespmem:s5+$0xCC70] =	vst v7;
	v6 =	vadd.f32 v6, v14  }
0x447: {  	v61 =	vld [tilespmem:s5+$0x4C00];
	v14 =	vadd.f32 v53, v22;
	[tilespmem:s5+$0xC050] =	vst v2  }
0x448: {  	v0 =	vadd.f32 v9, v0;
	[tilespmem:s5+$0xC420] =	vst v6;
	v6 =	vld [tilespmem:s5+$0x14830]  }
0x449: {  	v3 =	vld [tilespmem:s5+$0x4470];
	v2 =	vadd.f32 v16, v15;
	[tilespmem:s5+$0xC820] =	vst v14  }
0x44a: {  	v5 =	vld [tilespmem:s5+$0x14470];
	v1 =	vadd.f32 v1, v48;
	[tilespmem:s5+$0xC060] =	vst v0  }
0x44b: {  	v7 =	vld [tilespmem:s5+$0x4860];
	v0 =	vadd.f32 v51, v50;
	[tilespmem:s5+$0xC070] =	vst v2  }
0x44c: {  	v4 =	vld [tilespmem:s5+$0x14860];
	v2 =	vadd.f32 v17, v52;
	[tilespmem:s5+$0xC430] =	vst v1  }
0x44d: {  	v62 =	vld [tilespmem:s5+$0x14C00];
	[tilespmem:s5+$0xC440] =	vst v0;
	v6 =	vadd.f32 v6, v54  }
0x44e: {  	v1 =	vld [tilespmem:s5+$0x14850];
	v0 =	vadd.f32 v58, v23;
	[tilespmem:s5+$0xC450] =	vst v2  }
0x44f: {  	v2 =	vadd.f32 v5, v3;
	[tilespmem:s5+$0xC830] =	vst v6;
	v6 =	vld [tilespmem:s5+$0x4870]  }
0x450: {  	v63 =	vld [tilespmem:s5+$0x14C10];
	[tilespmem:s5+$0xC460] =	vst v0;
	v0 =	vadd.f32 v57, v56  }
0x451: {  	v5 =	vld [tilespmem:s5+$0x4C10];
	[tilespmem:s5+$0xC470] =	vst v2;
	v2 =	vadd.f32 v4, v7  }
0x452: {  	v3 =	vld [tilespmem:s5+$0x4C20];
	v7 =	vadd.f32 v62, v61;
	[tilespmem:s5+$0xC840] =	vst v0  }
0x453: {  	v4 =	vld [tilespmem:s5+$0x14C20];
	v1 =	vadd.f32 v1, v59;
	[tilespmem:s5+$0xC860] =	vst v2  }
0x454: {  	v0 =	vld [tilespmem:s5+$0x4C30];
	[tilespmem:s5+$0xCC00] =	vst v7;
	v2 =	vadd.f32 v60, v6  }
0x455: {  	[tilespmem:s5+$0xC850] =	vst v1;
	v1 =	vld [tilespmem:s5+$0x14C30]  }
0x456: {  	s8 =	simm.s32 $0x0;
	v5 =	vadd.f32 v63, v5;
	[tilespmem:s5+$0xC870] =	vst v2;
	v2 =	vld [tilespmem:s5+$0x4C40]  }
.LBB2_17:
0x457: {  	s8 =	sadd.s32 $0x4, s8;
	v6 =	vld [tilespmem:s5+$0x14C40]  }
0x458: {  	s7 =	sadd.s32 $0x1000, s7;
	s9 =	sshll.u32 s8, $0x7;
	p1 =	slt.u32 s8, $0x7C;
	[tilespmem:s5+$0xCC10] =	vst v5;
	v3 =	vadd.f32 v4, v3;
	v4 =	vld [tilespmem:s5+$0x4C50]  }
0x459: {  	s11 =	sand.u32 $0x1000, s7;
	s15 =	sshll.u32 s8, $0x4;
	s9 =	sand.u32 $0x2000, s9;
	v5 =	vld [tilespmem:s5+$0x14C50]  }
0x45a: {  	s9 =	sor.u32 s11, s9;
	s11 =	sand.u32 $0x380, s15;
	[tilespmem:s5+$0xCC20] =	vst v3;
	v0 =	vadd.f32 v1, v0;
	v1 =	vld [tilespmem:s5+$0x4C60]  }
0x45b: {  	s9 =	sor.u32 s11, s9;
	v3 =	vld [tilespmem:s5+$0x14C60]  }
0x45c: {  	v7 =	vld [tilespmem:s9+$0x4C70];
	[tilespmem:s5+$0xCC30] =	vst v0;
	v0 =	vadd.f32 v6, v2  }
0x45d: {  	v2 =	vld [tilespmem:s9+$0x14C70]  }
0x45e: {  	v6 =	vld [tilespmem:s9+$0x4000];
	[tilespmem:s5+$0xCC40] =	vst v0;
	v0 =	vadd.f32 v5, v4  }
0x45f: {  	v4 =	vld [tilespmem:s9+$0x14000]  }
0x460: {  	v5 =	vld [tilespmem:s9+$0x4010];
	[tilespmem:s5+$0xCC50] =	vst v0;
	v0 =	vadd.f32 v3, v1  }
0x461: {  	v1 =	vld [tilespmem:s9+$0x14010]  }
0x462: {  	v3 =	vld [tilespmem:s9+$0x4020];
	v2 =	vadd.f32 v2, v7;
	[tilespmem:s5+$0xCC60] =	vst v0;
	s5 =	smov.u32 s9  }
0x463: {  	v0 =	vld [tilespmem:s5+$0x14020]  }
0x464: {  	v4 =	vadd.f32 v4, v6;
	v6 =	vld [tilespmem:s5+$0x4030];
	[tilespmem:s5+$0xCC70] =	vst v2  }
0x465: {  	v2 =	vld [tilespmem:s5+$0x14030]  }
0x466: {  	[tilespmem:s5+$0xC000] =	vst v4;
	v1 =	vadd.f32 v1, v5;
	v4 =	vld [tilespmem:s5+$0x4040]  }
0x467: {  	v5 =	vld [tilespmem:s5+$0x14040]  }
0x468: {  	[tilespmem:s5+$0xC010] =	vst v1;
	v0 =	vadd.f32 v0, v3;
	v1 =	vld [tilespmem:s5+$0x4050]  }
0x469: {  	v3 =	vld [tilespmem:s5+$0x14050]  }
0x46a: {  	[tilespmem:s5+$0xC020] =	vst v0;
	v0 =	vadd.f32 v2, v6;
	v2 =	vld [tilespmem:s5+$0x4060]  }
0x46b: {  	v6 =	vld [tilespmem:s5+$0x14060]  }
0x46c: {  	[tilespmem:s5+$0xC030] =	vst v0;
	v0 =	vadd.f32 v5, v4;
	v4 =	vld [tilespmem:s5+$0x4070]  }
0x46d: {  	v5 =	vld [tilespmem:s5+$0x14070]  }
0x46e: {  	[tilespmem:s5+$0xC040] =	vst v0;
	v0 =	vadd.f32 v3, v1;
	v1 =	vld [tilespmem:s5+$0x4400]  }
0x46f: {  	v3 =	vld [tilespmem:s5+$0x14400]  }
0x470: {  	[tilespmem:s5+$0xC050] =	vst v0;
	v0 =	vadd.f32 v6, v2;
	v2 =	vld [tilespmem:s5+$0x4410]  }
0x471: {  	v6 =	vld [tilespmem:s5+$0x14410]  }
0x472: {  	[tilespmem:s5+$0xC060] =	vst v0;
	v0 =	vadd.f32 v5, v4;
	v4 =	vld [tilespmem:s5+$0x4420]  }
0x473: {  	v5 =	vld [tilespmem:s5+$0x14420]  }
0x474: {  	[tilespmem:s5+$0xC070] =	vst v0;
	v0 =	vadd.f32 v3, v1;
	v1 =	vld [tilespmem:s5+$0x4430]  }
0x475: {  	v3 =	vld [tilespmem:s5+$0x14430]  }
0x476: {  	[tilespmem:s5+$0xC400] =	vst v0;
	v0 =	vadd.f32 v6, v2;
	v2 =	vld [tilespmem:s5+$0x4440]  }
0x477: {  	v6 =	vld [tilespmem:s5+$0x14440]  }
0x478: {  	[tilespmem:s5+$0xC410] =	vst v0;
	v0 =	vadd.f32 v5, v4;
	v4 =	vld [tilespmem:s5+$0x4450]  }
0x479: {  	v5 =	vld [tilespmem:s5+$0x14450]  }
0x47a: {  	[tilespmem:s5+$0xC420] =	vst v0;
	v0 =	vadd.f32 v3, v1;
	v1 =	vld [tilespmem:s5+$0x4460]  }
0x47b: {  	v3 =	vld [tilespmem:s5+$0x14460]  }
0x47c: {  	[tilespmem:s5+$0xC430] =	vst v0;
	v0 =	vadd.f32 v6, v2;
	v2 =	vld [tilespmem:s5+$0x4470]  }
0x47d: {  	v6 =	vld [tilespmem:s5+$0x14470]  }
0x47e: {  	[tilespmem:s5+$0xC440] =	vst v0;
	v0 =	vadd.f32 v5, v4;
	v4 =	vld [tilespmem:s5+$0x4800]  }
0x47f: {  	v5 =	vld [tilespmem:s5+$0x14800]  }
0x480: {  	[tilespmem:s5+$0xC450] =	vst v0;
	v0 =	vadd.f32 v3, v1;
	v1 =	vld [tilespmem:s5+$0x4810]  }
0x481: {  	v3 =	vld [tilespmem:s5+$0x14810]  }
0x482: {  	[tilespmem:s5+$0xC460] =	vst v0;
	v0 =	vadd.f32 v6, v2;
	v2 =	vld [tilespmem:s5+$0x4820]  }
0x483: {  	v6 =	vld [tilespmem:s5+$0x14820]  }
0x484: {  	[tilespmem:s5+$0xC470] =	vst v0;
	v0 =	vadd.f32 v5, v4;
	v4 =	vld [tilespmem:s5+$0x4830]  }
0x485: {  	v5 =	vld [tilespmem:s5+$0x14830]  }
0x486: {  	[tilespmem:s5+$0xC800] =	vst v0;
	v0 =	vadd.f32 v3, v1;
	v1 =	vld [tilespmem:s5+$0x4840]  }
0x487: {  	v3 =	vld [tilespmem:s5+$0x14840]  }
0x488: {  	[tilespmem:s5+$0xC810] =	vst v0;
	v0 =	vadd.f32 v6, v2;
	v2 =	vld [tilespmem:s5+$0x4850]  }
0x489: {  	v6 =	vld [tilespmem:s5+$0x14850]  }
0x48a: {  	[tilespmem:s5+$0xC820] =	vst v0;
	v0 =	vadd.f32 v5, v4;
	v4 =	vld [tilespmem:s5+$0x4860]  }
0x48b: {  	v5 =	vld [tilespmem:s5+$0x14860]  }
0x48c: {  	[tilespmem:s5+$0xC830] =	vst v0;
	v0 =	vadd.f32 v3, v1;
	v1 =	vld [tilespmem:s5+$0x4870]  }
0x48d: {  	v3 =	vld [tilespmem:s5+$0x14870]  }
0x48e: {  	[tilespmem:s5+$0xC840] =	vst v0;
	v0 =	vadd.f32 v6, v2;
	v2 =	vld [tilespmem:s5+$0x4C00]  }
0x48f: {  	v6 =	vld [tilespmem:s5+$0x14C00]  }
0x490: {  	[tilespmem:s5+$0xC850] =	vst v0;
	v0 =	vadd.f32 v5, v4;
	v5 =	vld [tilespmem:s5+$0x4C10]  }
0x491: {  	v7 =	vld [tilespmem:s5+$0x14C10]  }
.Ltmp9:
0x492: {  	[tilespmem:s5+$0xC860] =	vst v0;
	v0 =	vadd.f32 v3, v1;
	v3 =	vld [tilespmem:s5+$0x4C20];
	(pc) =	sbr.rel @p1 .LBB2_17-.Ltmp9, $4  }
0x493: {  	v4 =	vld [tilespmem:s5+$0x14C20]  }
0x494: {  	[tilespmem:s5+$0xC870] =	vst v0;
	v2 =	vadd.f32 v6, v2;
	v0 =	vld [tilespmem:s5+$0x4C30]  }
0x495: {  	v1 =	vld [tilespmem:s5+$0x14C30]  }
0x496: {  	[tilespmem:s5+$0xCC00] =	vst v2;
	v5 =	vadd.f32 v7, v5;
	v2 =	vld [tilespmem:s5+$0x4C40]  }
0x497: {  	v6 =	vld [tilespmem:s5+$0x14C40]  }
0x498: {  	v58 =	vld [tilespmem:s5+$0x4C50]  }
0x499: {  	v59 =	vld [tilespmem:s5+$0x14C50]  }
0x49a: {  	v60 =	vld [tilespmem:s5+$0x4C60]  }
0x49b: {  	v7 =	vld [tilespmem:s5+$0x14C60]  }
0x49c: {  	v3 =	vadd.f32 v4, v3  }
0x49d: {  	[tilespmem:s5+$0xCC10] =	vst v5;
	v0 =	vadd.f32 v1, v0  }
0x49e: {  	[tilespmem:s5+$0xCC20] =	vst v3;
	v61 =	vadd.f32 v6, v2  }
.Ltmp10:
0x49f: {  	[tilespmem:s5+$0xCC30] =	vst v0;
	v62 =	vadd.f32 v59, v58;
	(pc) =	sbr.rel @p0 .LBB2_20-.Ltmp10, $4  }
0x4a0: {  	v63 =	vadd.f32 v7, v60;
	[tilespmem:s5+$0xCC40] =	vst v61  }
0x4a1: {  	[tilespmem:s5+$0xCC50] =	vst v62  }
0x4a2: {  	s0 =	sadd.s32 s3, s0;
	[tilespmem:s5+$0xCC60] =	vst v63  }
0x4a3: {  	[hbm4b:s0+s4] =	stream.linear.scatter [tilespmem:s22], [sflag:$0x4], $0x4000, $0x38;
	[tilespmem:$0x18000] =	vst v63  }
.Ltmp11:
0x4a4: {  	(pc) =	sbr.rel .LBB2_2-.Ltmp11, $3  }
0x4a5: {  	_ =	sdelay $0x1  }
0x4a6: {  	s0 =	sadd.s32 s14, s29;
	s28 =	sadd.s32 $0x1, s28  }
0x4a7: {  	[tilespmem:s16], [sflag:$0x2] =	stream.linear.gather [hbm4b:s0+s4], $0x4000, $0x38;
	[tilespmem:$0x18000] =	vst v63  }
.LBB2_21:
0x4a8: {  	_ =	sfence.sel $0x180000  }
0x4a9: {  	[bflag:$0x0] =	sbarrier.arrive $0xFFFF  }
0x4aa: {  	_ =	strace $0x90000047  }
0x4ab: {  	s0 =	stileid.u32;
	[bflag:$0x2] =	sbarrier.arrive $0xFFFF  }
0x4ac: {  	p0 =	sne.s32 s0, $0x0;
	s0 =	rddreg [dreg:$0x3]  }
0x4ad: {  	s0 =	sadd.s32 @!p0 $0x100000, s0  }
0x4ae: {  	[sflag:s0] =	ssyncadd.tile.s32 @!p0 $0x1;
	_ =	shalt  }
.Lfunc_end2:
_tile_overlayer_lowered:
.L_overlay_start_2:
0x4af: {  	(tag) =	ssettag $0x2  }
0x4b0: {  	s0 =	rddreg [dreg:$0x0];
	s2 =	stileid.u32  }
0x4b1: {  	s1 =	rddreg [dreg:$0x1];
	p0 =	sne.s32 s2, $0x0  }
0x4b2: {  	s3 =	rddreg [dreg:$0x2];
	[bflag:$0x3] =	sbarrier.arrive $0xFFFF;
	s2 =	simm.s32 @!p0 $0x1C07  }
0x4b3: {  	[timem:s3], [sflag:s2] =	dma.local @!p0 [hbm:s0], s1  }
0x4b4: {  	s0 =	simm.s32 @!p0 $0x7  }
0x4b5: {  	_ =	swait.ge @!p0 [sflag:s0], s1  }
0x4b6: {  	s1 =	ssub.s32 @!p0 $0x0, s1;
	[sflag:s0] =	ssyncset.done @!p0 $0x0  }
0x4b7: {  	[sflag:s0] =	ssyncadd.s32 @!p0 s1  }
0x4b8: {  	[bflag:$0x3] =	sbarrier.arrive $0xFFFF  }
0x4b9: {  	_ =	shalt  }

</sc_bundles>
